<compile_context>
chip_gen: v7x
topology: tpu7x:2x2x1
jax: 0.10.2.dev20260603
libtpu: 0.0.44.dev20260713+nightly
codegen_flags: <defaults>
</compile_context>

<pallas_src>
import functools

import jax
import jax.numpy as jnp
import numpy as np
from jax import lax
from jax.experimental import pallas as pl
from jax.experimental.pallas import tpu as pltpu
from jax.experimental.pallas import tpu_sc as plsc

N = 10000
NP = 10240
D = 256
H = 128
E = 80000
EP = 81920

NC = 2
NS = 16
CHUNK = 128
EPT = EP // NS
NCHUNK = EPT // CHUNK
RPT = NP // NS
NROW = EP // CHUNK

_mesh = plsc.VectorSubcoreMesh(core_axis_name="c", subcore_axis_name="s")

_PERMS = np.array([[i ^ (1 << k) for i in range(16)] for k in range(4)],
                  dtype=np.int32)


@functools.partial(
    pl.kernel,
    out_type=jax.ShapeDtypeStruct((2 * NP, H), jnp.float32),
    mesh=_mesh,
    scratch_types=[
        pltpu.VMEM((NCHUNK, CHUNK), jnp.int32),
        pltpu.VMEM((NCHUNK, CHUNK), jnp.int32),
        pltpu.VMEM((CHUNK, H), jnp.float32),
        pltpu.VMEM((CHUNK, H), jnp.float32),
        pltpu.VMEM_SHARED((NP, H), jnp.float32),
        pltpu.SemaphoreType.DMA,
        pltpu.SemaphoreType.DMA,
    ],
)
def _sc_conv1(x2_hbm, src2_hbm, dst_hbm, zeros_hbm,
              agg_hbm,
              src_v, dst_v, rows0_v, rows1_v, agg_sh, sem0, sem1):
    c = lax.axis_index("c")
    s = lax.axis_index("s")

    pltpu.sync_copy(zeros_hbm.at[pl.ds(s * RPT, RPT)],
                    agg_sh.at[pl.ds(s * RPT, RPT)])
    pltpu.sync_copy(src2_hbm.at[pl.ds((c * NS + s) * NCHUNK, NCHUNK)], src_v)
    pltpu.sync_copy(dst_hbm.at[pl.ds(s * NCHUNK, NCHUNK)], dst_v)
    plsc.subcore_barrier()

    pltpu.async_copy(x2_hbm.at[src_v.at[0]], rows0_v, sem0)
    pltpu.async_copy(x2_hbm.at[src_v.at[1]], rows1_v, sem1)

    def step(jj, carry):
        j = jj * 2
        pltpu.make_async_copy(x2_hbm.at[src_v.at[j]], rows0_v, sem0).wait()
        pltpu.sync_copy(rows0_v, agg_sh.at[dst_v.at[j]], add=True)

        @pl.when(jj + 1 < NCHUNK // 2)
        def _():
            pltpu.async_copy(x2_hbm.at[src_v.at[j + 2]], rows0_v, sem0)

        pltpu.make_async_copy(x2_hbm.at[src_v.at[j + 1]], rows1_v, sem1).wait()
        pltpu.sync_copy(rows1_v, agg_sh.at[dst_v.at[j + 1]], add=True)

        @pl.when(jj + 1 < NCHUNK // 2)
        def _():
            pltpu.async_copy(x2_hbm.at[src_v.at[j + 3]], rows1_v, sem1)

        return carry

    lax.fori_loop(0, NCHUNK // 2, step, 0)
    plsc.subcore_barrier()

    pltpu.sync_copy(agg_sh.at[pl.ds(s * RPT, RPT)],
                    agg_hbm.at[pl.ds(c * NP + s * RPT, RPT)])


def _sc_conv(x2, src2, dst, zeros, dep):
    src2 = src2 + (dep * 0.0).astype(jnp.int32)
    return _sc_conv1(x2, src2, dst, zeros)


@functools.partial(
    pl.kernel,
    out_type=jax.ShapeDtypeStruct((2 * NP, H), jnp.float32),
    mesh=_mesh,
    scratch_types=[
        pltpu.VMEM((NCHUNK, CHUNK), jnp.int32),
        pltpu.VMEM((CHUNK, H), jnp.float32),
        pltpu.VMEM_SHARED((NP, H), jnp.float32),
    ],
)
def _sc_deg1(dst_hbm, zeros_hbm, ones_hbm,
             deg_hbm,
             dst_v, ones_v, deg_sh):
    c = lax.axis_index("c")
    s = lax.axis_index("s")

    pltpu.sync_copy(zeros_hbm.at[pl.ds(s * RPT, RPT)],
                    deg_sh.at[pl.ds(s * RPT, RPT)])
    pltpu.sync_copy(ones_hbm, ones_v)
    pltpu.sync_copy(dst_hbm.at[pl.ds(s * NCHUNK, NCHUNK)], dst_v)
    plsc.subcore_barrier()

    def step(j, carry):
        pltpu.sync_copy(ones_v, deg_sh.at[dst_v.at[j]], add=True)
        return carry

    lax.fori_loop(0, NCHUNK, step, 0)
    plsc.subcore_barrier()

    pltpu.sync_copy(deg_sh.at[pl.ds(s * RPT, RPT)],
                    deg_hbm.at[pl.ds(c * NP + s * RPT, RPT)])


DCH = 64
DNCH = EPT // DCH


@functools.partial(
    pl.kernel,
    out_type=jax.ShapeDtypeStruct((2 * 2 * EP,), jnp.float32),
    mesh=_mesh,
    scratch_types=[
        pltpu.VMEM((DNCH, DCH), jnp.int32),
        pltpu.VMEM((DNCH, DCH), jnp.int32),
        pltpu.VMEM((DCH, D), jnp.float32),
        pltpu.VMEM((DCH, D), jnp.float32),
        pltpu.VMEM((DCH, D), jnp.float32),
        pltpu.VMEM((DCH, D), jnp.float32),
        pltpu.VMEM((4, 16), jnp.int32),
        pltpu.VMEM((EPT,), jnp.float32),
        pltpu.SemaphoreType.DMA,
        pltpu.SemaphoreType.DMA,
        pltpu.SemaphoreType.DMA,
        pltpu.SemaphoreType.DMA,
    ],
)
def _sc_dots(h_hbm, u_hbm, v_hbm, perm_hbm, out_hbm,
             u_v, v_v, hu0_v, hv0_v, hu1_v, hv1_v, perm_v, sc_v,
             su0, sv0, su1, sv1):
    c = lax.axis_index("c")
    s = lax.axis_index("s")
    pltpu.sync_copy(perm_hbm, perm_v)
    lane = lax.iota(jnp.int32, 16)

    def compute(j, hu_v, hv_v):
        def edge(e, tot):
            a0 = hu_v[e, pl.ds(0, 16)] * hv_v[e, pl.ds(0, 16)]
            a1 = hu_v[e, pl.ds(16, 16)] * hv_v[e, pl.ds(16, 16)]
            a2 = hu_v[e, pl.ds(32, 16)] * hv_v[e, pl.ds(32, 16)]
            a3 = hu_v[e, pl.ds(48, 16)] * hv_v[e, pl.ds(48, 16)]
            for q in range(4, 16, 4):
                a0 += hu_v[e, pl.ds(q * 16, 16)] * hv_v[e, pl.ds(q * 16, 16)]
                a1 += hu_v[e, pl.ds((q + 1) * 16, 16)] * hv_v[e, pl.ds((q + 1) * 16, 16)]
                a2 += hu_v[e, pl.ds((q + 2) * 16, 16)] * hv_v[e, pl.ds((q + 2) * 16, 16)]
                a3 += hu_v[e, pl.ds((q + 3) * 16, 16)] * hv_v[e, pl.ds((q + 3) * 16, 16)]
            a = (a0 + a1) + (a2 + a3)
            for kk in range(4):
                a = a + a.at[perm_v[kk]].get(mode="promise_in_bounds",
                                             unique_indices=True)
            tot = jnp.where(lane == lax.rem(e, 16), a, tot)

            @pl.when(lax.rem(e, 16) == 15)
            def _():
                sc_v[pl.ds(j * DCH + e - 15, 16)] = tot

            return tot

        lax.fori_loop(0, DCH, edge, jnp.zeros((16,), jnp.float32))

    for t in range(2):
        base = ((t * 2 + c) * NS + s) * DNCH
        pltpu.sync_copy(u_hbm.at[pl.ds(base, DNCH)], u_v)
        pltpu.sync_copy(v_hbm.at[pl.ds(base, DNCH)], v_v)

        pltpu.async_copy(h_hbm.at[u_v.at[0]], hu0_v, su0)
        pltpu.async_copy(h_hbm.at[v_v.at[0]], hv0_v, sv0)
        pltpu.async_copy(h_hbm.at[u_v.at[1]], hu1_v, su1)
        pltpu.async_copy(h_hbm.at[v_v.at[1]], hv1_v, sv1)

        def chunk2(jj, carry):
            j = jj * 2
            pltpu.make_async_copy(h_hbm.at[u_v.at[j]], hu0_v, su0).wait()
            pltpu.make_async_copy(h_hbm.at[v_v.at[j]], hv0_v, sv0).wait()
            compute(j, hu0_v, hv0_v)

            @pl.when(jj + 1 < DNCH // 2)
            def _():
                pltpu.async_copy(h_hbm.at[u_v.at[j + 2]], hu0_v, su0)
                pltpu.async_copy(h_hbm.at[v_v.at[j + 2]], hv0_v, sv0)

            pltpu.make_async_copy(h_hbm.at[u_v.at[j + 1]], hu1_v, su1).wait()
            pltpu.make_async_copy(h_hbm.at[v_v.at[j + 1]], hv1_v, sv1).wait()
            compute(j + 1, hu1_v, hv1_v)

            @pl.when(jj + 1 < DNCH // 2)
            def _():
                pltpu.async_copy(h_hbm.at[u_v.at[j + 3]], hu1_v, su1)
                pltpu.async_copy(h_hbm.at[v_v.at[j + 3]], hv1_v, sv1)

            return carry

        lax.fori_loop(0, DNCH // 2, chunk2, 0)
        pltpu.sync_copy(sc_v, out_hbm.at[pl.ds(((t * 2 + c) * NS + s) * EPT, EPT)])


RB = 2048


def _tc_layer_body(relu, a0_ref, d0_ref, a1_ref, d1_ref, w0_ref, w1_ref, o_ref):
    d0 = jnp.maximum(d0_ref[...][:, 0:1], 1.0)
    d1 = jnp.maximum(d1_ref[...][:, 0:1], 1.0)
    x0 = jnp.concatenate([a0_ref[0], a0_ref[1]], axis=1) / d0
    x1 = jnp.concatenate([a1_ref[0], a1_ref[1]], axis=1) / d1
    out = (jnp.dot(x0, w0_ref[...], preferred_element_type=jnp.float32,
                   precision=lax.Precision.HIGHEST)
           + jnp.dot(x1, w1_ref[...], preferred_element_type=jnp.float32,
                     precision=lax.Precision.HIGHEST))
    if relu:
        out = jnp.maximum(out, 0.0)
    o_ref[...] = out


def _tc_layer1(a0, d0, a1, d1, w0, w1):
    nrb = NP // RB
    a3 = lambda: pl.BlockSpec((2, RB, H), lambda i, c: (0, i, 0))
    dsp = lambda: pl.BlockSpec((RB, 16), lambda i, c: (i, 0))
    return pl.pallas_call(
        functools.partial(_tc_layer_body, True),
        grid=(nrb, 2),
        in_specs=[a3(), dsp(), a3(), dsp(),
                  pl.BlockSpec((D, H), lambda i, c: (0, c)),
                  pl.BlockSpec((D, H), lambda i, c: (0, c))],
        out_specs=pl.BlockSpec((RB, H), lambda i, c: (c * nrb + i, 0)),
        out_shape=jax.ShapeDtypeStruct((2 * NP, H), jnp.float32),
    )(a0.reshape(2, NP, H), d0, a1.reshape(2, NP, H), d1, w0, w1)


def _tc_layer2(a0, d0, a1, d1, w0, w1):
    nrb = NP // RB
    a3 = lambda: pl.BlockSpec((2, RB, H), lambda i: (0, i, 0))
    dsp = lambda: pl.BlockSpec((RB, 16), lambda i: (i, 0))
    wsp = lambda: pl.BlockSpec((D, D), lambda i: (0, 0))
    return pl.pallas_call(
        functools.partial(_tc_layer_body, False),
        grid=(nrb,),
        in_specs=[a3(), dsp(), a3(), dsp(), wsp(), wsp()],
        out_specs=pl.BlockSpec((RB, D), lambda i: (i, 0)),
        out_shape=jax.ShapeDtypeStruct((NP, D), jnp.float32),
    )(a0.reshape(2, NP, H), d0, a1.reshape(2, NP, H), d1, w0, w1)


def _split_ei(ei):
    src = jnp.pad(ei[0].astype(jnp.int32), (0, EP - E)).reshape(NROW, CHUNK)
    dst = jnp.pad(ei[1].astype(jnp.int32), (0, EP - E),
                  constant_values=NP - 1).reshape(NROW, CHUNK)
    src2 = jnp.concatenate([src, src + NP], axis=0)
    return src2, dst


def kernel(x, block1_ei_r0, block1_ei_r1, block2_ei_r0, block2_ei_r1,
           pos_ei_r0, pos_ei_r1, neg_ei_r0, neg_ei_r1,
           W1_r0, W1_r1, W2_r0, W2_r1):
    zeros = jnp.zeros((NP, H), jnp.float32)
    ones = jnp.ones((CHUNK, H), jnp.float32)
    perms = jnp.asarray(_PERMS)

    pad = ((0, NP - N), (0, 0))
    x2 = jnp.concatenate([jnp.pad(x[:, :H], pad), jnp.pad(x[:, H:], pad)], axis=0)
    s10, d10 = _split_ei(block1_ei_r0)
    s11, d11 = _split_ei(block1_ei_r1)
    s20, d20 = _split_ei(block2_ei_r0)
    s21, d21 = _split_ei(block2_ei_r1)

    def _deg(dst, dep):
        p = _sc_deg1(dst + (dep * 0.0).astype(jnp.int32), zeros, ones)
        return p[:NP, :16]

    deg10 = _deg(d10, jnp.float32(0.0))
    deg11 = _deg(d11, deg10[0, 0])
    deg20 = _deg(d20, deg11[0, 0])
    deg21 = _deg(d21, deg20[0, 0])

    agg10 = _sc_conv(x2, s10, d10, zeros, deg21[0, 0])
    agg11 = _sc_conv(x2, s11, d11, zeros, agg10[0, 0])
    h1 = _tc_layer1(agg10, deg10, agg11, deg11, W1_r0, W1_r1)

    agg20 = _sc_conv(h1, s20, d20, zeros, h1[0, 0])
    agg21 = _sc_conv(h1, s21, d21, zeros, agg20[0, 0])
    h2 = _tc_layer2(agg20, deg20, agg21, deg21, W2_r0, W2_r1)

    def _idx(ei, row):
        return jnp.pad(ei[row].astype(jnp.int32),
                       (0, EP - E)).reshape(EP // DCH, DCH)

    u_all = jnp.concatenate([_idx(pos_ei_r0, 0), _idx(pos_ei_r1, 0),
                             _idx(neg_ei_r0, 0), _idx(neg_ei_r1, 0)], axis=0)
    v_all = jnp.concatenate([_idx(pos_ei_r0, 1), _idx(pos_ei_r1, 1),
                             _idx(neg_ei_r0, 1), _idx(neg_ei_r1, 1)], axis=0)
    scores = _sc_dots(h2, u_all, v_all, perms).reshape(2, 2, EP)
    pos_score = scores[0, :, :E].reshape(2 * E, 1)
    neg_score = scores[1, :, :E].reshape(2 * E, 1)
    return (pos_score, neg_score)

# --- scband reference (transcript-rebuilt; emitter-appended) ---
"""Pipeline reference for scband-model-33552284516866 (READ-ONLY COPY).

The authoritative reference and input builder live on the scoring server;
editing this copy changes nothing except your own understanding.
"""

import jax, jax.numpy as jnp
import numpy as np

N = 10000
D_IN = 256
D_HID = 256
D_OUT = 256
E = 80000


def setup_inputs(seed: int = 0) -> dict:
    key = jax.random.key(seed)
    ks = jax.random.split(key, 16)
    inp = {}
    inp["x"] = jax.random.normal(ks[0], (N, D_IN), dtype=jnp.float32)
    inp["block1_ei_r0"] = jax.random.randint(ks[1], (2, E), 0, N, dtype=jnp.int32).astype(jnp.int64)
    inp["block1_ei_r1"] = jax.random.randint(ks[2], (2, E), 0, N, dtype=jnp.int32).astype(jnp.int64)
    inp["block2_ei_r0"] = jax.random.randint(ks[3], (2, E), 0, N, dtype=jnp.int32).astype(jnp.int64)
    inp["block2_ei_r1"] = jax.random.randint(ks[4], (2, E), 0, N, dtype=jnp.int32).astype(jnp.int64)
    inp["pos_ei_r0"] = jax.random.randint(ks[5], (2, E), 0, N, dtype=jnp.int32).astype(jnp.int64)
    inp["pos_ei_r1"] = jax.random.randint(ks[6], (2, E), 0, N, dtype=jnp.int32).astype(jnp.int64)
    inp["neg_ei_r0"] = jax.random.randint(ks[7], (2, E), 0, N, dtype=jnp.int32).astype(jnp.int64)
    inp["neg_ei_r1"] = jax.random.randint(ks[8], (2, E), 0, N, dtype=jnp.int32).astype(jnp.int64)
    # learned parameters: per-etype GraphConv weights for the two RGCN layers
    inp["W1_r0"] = jax.random.normal(ks[9], (D_IN, D_HID), dtype=jnp.float32) * 0.05
    inp["W1_r1"] = jax.random.normal(ks[10], (D_IN, D_HID), dtype=jnp.float32) * 0.05
    inp["W2_r0"] = jax.random.normal(ks[11], (D_HID, D_OUT), dtype=jnp.float32) * 0.05
    inp["W2_r1"] = jax.random.normal(ks[12], (D_HID, D_OUT), dtype=jnp.float32) * 0.05
    return inp


def _graph_conv(x, ei, W, num_nodes):
    # DGL GraphConv with norm='right' (mean over in-degree): agg_v = (1/deg_v) * sum_{u->v} x_u, then @ W
    src = ei[0]
    dst = ei[1]
    msg = jnp.take(x, src, axis=0)
    agg = jax.ops.segment_sum(msg, dst, num_segments=num_nodes)
    deg = jax.ops.segment_sum(jnp.ones((ei.shape[1],), dtype=x.dtype), dst, num_segments=num_nodes)
    agg = agg / jnp.maximum(deg, 1.0)[:, None]
    return agg @ W


def _u_dot_v(h, ei):
    # edge score: dot(h_u, h_v) for each edge, shape [E, 1]
    hu = jnp.take(h, ei[0], axis=0)
    hv = jnp.take(h, ei[1], axis=0)
    return jnp.sum(hu * hv, axis=-1, keepdims=True)


def reference(x, block1_ei_r0, block1_ei_r1, block2_ei_r0, block2_ei_r1,
              pos_ei_r0, pos_ei_r1, neg_ei_r0, neg_ei_r1,
              W1_r0, W1_r1, W2_r0, W2_r1):
    # StochasticTwoLayerRGCN: two HeteroGraphConv layers (sum across etypes), ReLU between
    h = _graph_conv(x, block1_ei_r0, W1_r0, N) + _graph_conv(x, block1_ei_r1, W1_r1, N)
    h = jax.nn.relu(h)
    h = _graph_conv(h, block2_ei_r0, W2_r0, N) + _graph_conv(h, block2_ei_r1, W2_r1, N)
    # ScorePredictor: u_dot_v per canonical etype on positive and negative graphs
    pos_score = jnp.concatenate([_u_dot_v(h, pos_ei_r0), _u_dot_v(h, pos_ei_r1)], axis=0)
    neg_score = jnp.concatenate([_u_dot_v(h, neg_ei_r0), _u_dot_v(h, neg_ei_r1)], axis=0)
    return (pos_score, neg_score)

if __name__ == "__main__":
    import jax
    _d = setup_inputs()
    print(jax.jit(kernel)(*tuple(_d.values())))

</pallas_src>

<mosaic_0001>
#map = affine_map<(d0, d1) -> (0, 0)>
module attributes {stable_mosaic.version = 14 : i64} {
  func.func @_sc_deg1(%arg0: i32, %arg1: i32, %arg2: memref<640x128xi32, #tpu.memory_space<hbm>>, %arg3: memref<10240x128xf32, #tpu.memory_space<hbm>>, %arg4: memref<128x128xf32, #tpu.memory_space<hbm>>, %arg5: memref<20480x128xf32, #tpu.memory_space<hbm>>, %arg6: memref<40x128xi32, #tpu.memory_space<vmem>>, %arg7: memref<128x128xf32, #tpu.memory_space<vmem>>, %arg8: memref<10240x128xf32, #tpu.memory_space<vmem_shared>>) attributes {dimension_semantics = [#tpu.dimension_semantics<core_parallel>, #tpu.dimension_semantics<subcore_parallel>], iteration_bounds = array<i64: 2, 16>, scalar_prefetch = 0 : i64, scratch_operands = 3 : i64, tpu.core_type = #tpu.core_type<sc_vector_subcore>, window_params = [{transform_indices = #map}, {transform_indices = #map}, {transform_indices = #map}, {transform_indices = #map}]} {
    %mul3A = arith.constant 640 : i32
    %mul3A_0 = arith.muli %arg1, %mul3A : i32
    %mul3A_1 = arith.constant 640 : i32
    %mul3A_2 = arith.muli %arg1, %mul3A_1 : i32
    "tpu.region"() ({
      %run_scoped3A = tpu.sem_alloc : memref<!tpu.dma_semaphore, #tpu.memory_space<semaphore_mem>>
      %dma_start3A = arith.constant 0 : i32
      %dma_start3A_17 = tpu.memref_slice %arg8[%mul3A_2, %dma_start3A] : memref<10240x128xf32, #tpu.memory_space<vmem_shared>> -> memref<640x128xf32, #tpu.memory_space<vmem_shared>>
      %dma_start3A_18 = arith.constant 0 : i32
      %dma_start3A_19 = tpu.memref_slice %arg3[%mul3A_0, %dma_start3A_18] : memref<10240x128xf32, #tpu.memory_space<hbm>> -> memref<640x128xf32, #tpu.memory_space<hbm>>
      tpu.enqueue_dma source(%dma_start3A_19 : memref<640x128xf32, #tpu.memory_space<hbm>>) target(%dma_start3A_17 : memref<640x128xf32, #tpu.memory_space<vmem_shared>>) target_semaphore(%run_scoped3A : memref<!tpu.dma_semaphore, #tpu.memory_space<semaphore_mem>>)
      %dma_wait3A = arith.constant 0 : i32
      %dma_wait3A_20 = tpu.memref_slice %arg8[%mul3A_2, %dma_wait3A] : memref<10240x128xf32, #tpu.memory_space<vmem_shared>> -> memref<640x128xf32, #tpu.memory_space<vmem_shared>>
      %dma_wait3A_21 = arith.constant 0 : i32
      %dma_wait3A_22 = tpu.memref_slice %arg3[%mul3A_0, %dma_wait3A_21] : memref<10240x128xf32, #tpu.memory_space<hbm>> -> memref<640x128xf32, #tpu.memory_space<hbm>>
      tpu.wait_dma2 semaphore(%run_scoped3A : memref<!tpu.dma_semaphore, #tpu.memory_space<semaphore_mem>>) src(%dma_wait3A_22 : memref<640x128xf32, #tpu.memory_space<hbm>>) dst(%dma_wait3A_20 : memref<640x128xf32, #tpu.memory_space<vmem_shared>>)
      tpu.yield
    }) : () -> ()
    "tpu.region"() ({
      %run_scoped3A = tpu.sem_alloc : memref<!tpu.dma_semaphore, #tpu.memory_space<semaphore_mem>>
      tpu.enqueue_dma source(%arg4 : memref<128x128xf32, #tpu.memory_space<hbm>>) target(%arg7 : memref<128x128xf32, #tpu.memory_space<vmem>>) target_semaphore(%run_scoped3A : memref<!tpu.dma_semaphore, #tpu.memory_space<semaphore_mem>>)
      tpu.wait_dma2 semaphore(%run_scoped3A : memref<!tpu.dma_semaphore, #tpu.memory_space<semaphore_mem>>) src(%arg4 : memref<128x128xf32, #tpu.memory_space<hbm>>) dst(%arg7 : memref<128x128xf32, #tpu.memory_space<vmem>>)
      tpu.yield
    }) : () -> ()
    %mul3A_3 = arith.constant 40 : i32
    %mul3A_4 = arith.muli %arg1, %mul3A_3 : i32
    "tpu.region"() ({
      %run_scoped3A = tpu.sem_alloc : memref<!tpu.dma_semaphore, #tpu.memory_space<semaphore_mem>>
      %dma_start3A = arith.constant 0 : i32
      %dma_start3A_17 = tpu.memref_slice %arg2[%mul3A_4, %dma_start3A] : memref<640x128xi32, #tpu.memory_space<hbm>> -> memref<40x128xi32, #tpu.memory_space<hbm>>
      %dma_start3A_18 = arith.constant 0 : i32
      %dma_start3A_19 = tpu.memref_slice %arg2[%mul3A_4, %dma_start3A_18] : memref<640x128xi32, #tpu.memory_space<hbm>> -> memref<40x128xi32, #tpu.memory_space<hbm>>
      tpu.enqueue_dma source(%dma_start3A_19 : memref<40x128xi32, #tpu.memory_space<hbm>>) target(%arg6 : memref<40x128xi32, #tpu.memory_space<vmem>>) target_semaphore(%run_scoped3A : memref<!tpu.dma_semaphore, #tpu.memory_space<semaphore_mem>>)
      %dma_wait3A = arith.constant 0 : i32
      %dma_wait3A_20 = tpu.memref_slice %arg2[%mul3A_4, %dma_wait3A] : memref<640x128xi32, #tpu.memory_space<hbm>> -> memref<40x128xi32, #tpu.memory_space<hbm>>
      %dma_wait3A_21 = arith.constant 0 : i32
      %dma_wait3A_22 = tpu.memref_slice %arg2[%mul3A_4, %dma_wait3A_21] : memref<640x128xi32, #tpu.memory_space<hbm>> -> memref<40x128xi32, #tpu.memory_space<hbm>>
      tpu.wait_dma2 semaphore(%run_scoped3A : memref<!tpu.dma_semaphore, #tpu.memory_space<semaphore_mem>>) src(%dma_wait3A_22 : memref<40x128xi32, #tpu.memory_space<hbm>>) dst(%arg6 : memref<40x128xi32, #tpu.memory_space<vmem>>)
      tpu.yield
    }) : () -> ()
    %barrier3A = arith.constant 0 : index
    tpu.barrier barrier_id(%barrier3A)
    %scan3A = arith.constant 0 : i32
    %scan3A_5 = arith.constant 0 : i32
    %scan3A_6 = arith.constant 40 : i32
    %scan3A_7 = arith.addi %scan3A_5, %scan3A_6 : i32
    %scan3A_8 = arith.constant 1 : i32
    scf.for %scan3A_17 = %scan3A_5 to %scan3A_7 step %scan3A_8  : i32 {
      "tpu.region"() ({
        %run_scoped3A = tpu.sem_alloc : memref<!tpu.dma_semaphore, #tpu.memory_space<semaphore_mem>>
        %dma_start3A = arith.constant 0 : i32
        %dma_start3A_18 = tpu.memref_slice %arg6[%scan3A_17, %dma_start3A] : memref<40x128xi32, #tpu.memory_space<vmem>> -> memref<1x128xi32, #tpu.memory_space<vmem>>
        %dma_start3A_19 = tpu.memref_squeeze %dma_start3A_18 : memref<1x128xi32, #tpu.memory_space<vmem>> -> memref<128xi32, #tpu.memory_space<vmem>>
        %dma_start3A_20 = arith.constant 0 : i32
        %dma_start3A_21 = arith.constant 0 : i32
        %dma_start3A_22 = tpu.memref_slice %arg8[%dma_start3A_20, %dma_start3A_21] : memref<10240x128xf32, #tpu.memory_space<vmem_shared>> -> memref<10240x128xf32, #tpu.memory_space<vmem_shared>>
        tpu.enqueue_indirect_dma source(%arg7 : memref<128x128xf32, #tpu.memory_space<vmem>>) target(%dma_start3A_22 : memref<10240x128xf32, #tpu.memory_space<vmem_shared>>) offsets(%dma_start3A_19 : memref<128xi32, #tpu.memory_space<vmem>>) semaphore(%run_scoped3A : memref<!tpu.dma_semaphore, #tpu.memory_space<semaphore_mem>>) {add = true}
        %dma_wait3A = arith.constant 0 : i32
        %dma_wait3A_23 = tpu.memref_slice %arg6[%scan3A_17, %dma_wait3A] : memref<40x128xi32, #tpu.memory_space<vmem>> -> memref<1x128xi32, #tpu.memory_space<vmem>>
        %dma_wait3A_24 = tpu.memref_squeeze %dma_wait3A_23 : memref<1x128xi32, #tpu.memory_space<vmem>> -> memref<128xi32, #tpu.memory_space<vmem>>
        %dma_wait3A_25 = arith.constant 0 : i32
        %dma_wait3A_26 = arith.constant 0 : i32
        %dma_wait3A_27 = tpu.memref_slice %arg8[%dma_wait3A_25, %dma_wait3A_26] : memref<10240x128xf32, #tpu.memory_space<vmem_shared>> -> memref<10240x128xf32, #tpu.memory_space<vmem_shared>>
        tpu.wait_indirect_dma semaphore(%run_scoped3A : memref<!tpu.dma_semaphore, #tpu.memory_space<semaphore_mem>>) src(%arg7 : memref<128x128xf32, #tpu.memory_space<vmem>>) dst(%dma_wait3A_27 : memref<10240x128xf32, #tpu.memory_space<vmem_shared>>)
        tpu.yield
      }) : () -> ()
    }
    %scan3A_9 = arith.constant 40 : i32
    %barrier3A_10 = arith.constant 0 : index
    tpu.barrier barrier_id(%barrier3A_10)
    %mul3A_11 = arith.constant 640 : i32
    %mul3A_12 = arith.muli %arg1, %mul3A_11 : i32
    %mul3A_13 = arith.constant 10240 : i32
    %mul3A_14 = arith.muli %arg0, %mul3A_13 : i32
    %mul3A_15 = arith.constant 640 : i32
    %mul3A_16 = arith.muli %arg1, %mul3A_15 : i32
    %add3A = arith.addi %mul3A_14, %mul3A_16 : i32
    "tpu.region"() ({
      %run_scoped3A = tpu.sem_alloc : memref<!tpu.dma_semaphore, #tpu.memory_space<semaphore_mem>>
      %dma_start3A = arith.constant 0 : i32
      %dma_start3A_17 = tpu.memref_slice %arg5[%add3A, %dma_start3A] : memref<20480x128xf32, #tpu.memory_space<hbm>> -> memref<640x128xf32, #tpu.memory_space<hbm>>
      %dma_start3A_18 = arith.constant 0 : i32
      %dma_start3A_19 = tpu.memref_slice %arg8[%mul3A_12, %dma_start3A_18] : memref<10240x128xf32, #tpu.memory_space<vmem_shared>> -> memref<640x128xf32, #tpu.memory_space<vmem_shared>>
      tpu.enqueue_dma source(%dma_start3A_19 : memref<640x128xf32, #tpu.memory_space<vmem_shared>>) target(%dma_start3A_17 : memref<640x128xf32, #tpu.memory_space<hbm>>) target_semaphore(%run_scoped3A : memref<!tpu.dma_semaphore, #tpu.memory_space<semaphore_mem>>)
      %dma_wait3A = arith.constant 0 : i32
      %dma_wait3A_20 = tpu.memref_slice %arg5[%add3A, %dma_wait3A] : memref<20480x128xf32, #tpu.memory_space<hbm>> -> memref<640x128xf32, #tpu.memory_space<hbm>>
      %dma_wait3A_21 = arith.constant 0 : i32
      %dma_wait3A_22 = tpu.memref_slice %arg8[%mul3A_12, %dma_wait3A_21] : memref<10240x128xf32, #tpu.memory_space<vmem_shared>> -> memref<640x128xf32, #tpu.memory_space<vmem_shared>>
      tpu.wait_dma2 semaphore(%run_scoped3A : memref<!tpu.dma_semaphore, #tpu.memory_space<semaphore_mem>>) src(%dma_wait3A_22 : memref<640x128xf32, #tpu.memory_space<vmem_shared>>) dst(%dma_wait3A_20 : memref<640x128xf32, #tpu.memory_space<hbm>>)
      tpu.yield
    }) : () -> ()
    return
  }
}

#map = affine_map<(d0, d1) -> (0, 0)>
module attributes {stable_mosaic.version = 14 : i64} {
  func.func @_sc_deg1(%arg0: i32, %arg1: i32, %arg2: memref<640x128xi32, #tpu.memory_space<hbm>>, %arg3: memref<10240x128xf32, #tpu.memory_space<hbm>>, %arg4: memref<128x128xf32, #tpu.memory_space<hbm>>, %arg5: memref<20480x128xf32, #tpu.memory_space<hbm>>, %arg6: memref<40x128xi32, #tpu.memory_space<vmem>>, %arg7: memref<128x128xf32, #tpu.memory_space<vmem>>, %arg8: memref<10240x128xf32, #tpu.memory_space<vmem_shared>>) attributes {dimension_semantics = [#tpu.dimension_semantics<core_parallel>, #tpu.dimension_semantics<subcore_parallel>], iteration_bounds = array<i64: 2, 16>, scalar_prefetch = 0 : i64, scratch_operands = 3 : i64, tpu.core_type = #tpu.core_type<sc_vector_subcore>, window_params = [{transform_indices = #map}, {transform_indices = #map}, {transform_indices = #map}, {transform_indices = #map}]} {
    %mul3A = arith.constant 640 : i32
    %mul3A_0 = arith.muli %arg1, %mul3A : i32
    %mul3A_1 = arith.constant 640 : i32
    %mul3A_2 = arith.muli %arg1, %mul3A_1 : i32
    "tpu.region"() ({
      %run_scoped3A = tpu.sem_alloc : memref<!tpu.dma_semaphore, #tpu.memory_space<semaphore_mem>>
      %dma_start3A = arith.constant 0 : i32
      %dma_start3A_17 = tpu.memref_slice %arg8[%mul3A_2, %dma_start3A] : memref<10240x128xf32, #tpu.memory_space<vmem_shared>> -> memref<640x128xf32, #tpu.memory_space<vmem_shared>>
      %dma_start3A_18 = arith.constant 0 : i32
      %dma_start3A_19 = tpu.memref_slice %arg3[%mul3A_0, %dma_start3A_18] : memref<10240x128xf32, #tpu.memory_space<hbm>> -> memref<640x128xf32, #tpu.memory_space<hbm>>
      tpu.enqueue_dma source(%dma_start3A_19 : memref<640x128xf32, #tpu.memory_space<hbm>>) target(%dma_start3A_17 : memref<640x128xf32, #tpu.memory_space<vmem_shared>>) target_semaphore(%run_scoped3A : memref<!tpu.dma_semaphore, #tpu.memory_space<semaphore_mem>>)
      %dma_wait3A = arith.constant 0 : i32
      %dma_wait3A_20 = tpu.memref_slice %arg8[%mul3A_2, %dma_wait3A] : memref<10240x128xf32, #tpu.memory_space<vmem_shared>> -> memref<640x128xf32, #tpu.memory_space<vmem_shared>>
      %dma_wait3A_21 = arith.constant 0 : i32
      %dma_wait3A_22 = tpu.memref_slice %arg3[%mul3A_0, %dma_wait3A_21] : memref<10240x128xf32, #tpu.memory_space<hbm>> -> memref<640x128xf32, #tpu.memory_space<hbm>>
      tpu.wait_dma2 semaphore(%run_scoped3A : memref<!tpu.dma_semaphore, #tpu.memory_space<semaphore_mem>>) src(%dma_wait3A_22 : memref<640x128xf32, #tpu.memory_space<hbm>>) dst(%dma_wait3A_20 : memref<640x128xf32, #tpu.memory_space<vmem_shared>>)
      tpu.yield
    }) : () -> ()
    "tpu.region"() ({
      %run_scoped3A = tpu.sem_alloc : memref<!tpu.dma_semaphore, #tpu.memory_space<semaphore_mem>>
      tpu.enqueue_dma source(%arg4 : memref<128x128xf32, #tpu.memory_space<hbm>>) target(%arg7 : memref<128x128xf32, #tpu.memory_space<vmem>>) target_semaphore(%run_scoped3A : memref<!tpu.dma_semaphore, #tpu.memory_space<semaphore_mem>>)
      tpu.wait_dma2 semaphore(%run_scoped3A : memref<!tpu.dma_semaphore, #tpu.memory_space<semaphore_mem>>) src(%arg4 : memref<128x128xf32, #tpu.memory_space<hbm>>) dst(%arg7 : memref<128x128xf32, #tpu.memory_space<vmem>>)
      tpu.yield
    }) : () -> ()
    %mul3A_3 = arith.constant 40 : i32
    %mul3A_4 = arith.muli %arg1, %mul3A_3 : i32
    "tpu.region"() ({
      %run_scoped3A = tpu.sem_alloc : memref<!tpu.dma_semaphore, #tpu.memory_space<semaphore_mem>>
      %dma_start3A = arith.constant 0 : i32
      %dma_start3A_17 = tpu.memref_slice %arg2[%mul3A_4, %dma_start3A] : memref<640x128xi32, #tpu.memory_space<hbm>> -> memref<40x128xi32, #tpu.memory_space<hbm>>
      %dma_start3A_18 = arith.constant 0 : i32
      %dma_start3A_19 = tpu.memref_slice %arg2[%mul3A_4, %dma_start3A_18] : memref<640x128xi32, #tpu.memory_space<hbm>> -> memref<40x128xi32, #tpu.memory_space<hbm>>
      tpu.enqueue_dma source(%dma_start3A_19 : memref<40x128xi32, #tpu.memory_space<hbm>>) target(%arg6 : memref<40x128xi32, #tpu.memory_space<vmem>>) target_semaphore(%run_scoped3A : memref<!tpu.dma_semaphore, #tpu.memory_space<semaphore_mem>>)
      %dma_wait3A = arith.constant 0 : i32
      %dma_wait3A_20 = tpu.memref_slice %arg2[%mul3A_4, %dma_wait3A] : memref<640x128xi32, #tpu.memory_space<hbm>> -> memref<40x128xi32, #tpu.memory_space<hbm>>
      %dma_wait3A_21 = arith.constant 0 : i32
      %dma_wait3A_22 = tpu.memref_slice %arg2[%mul3A_4, %dma_wait3A_21] : memref<640x128xi32, #tpu.memory_space<hbm>> -> memref<40x128xi32, #tpu.memory_space<hbm>>
      tpu.wait_dma2 semaphore(%run_scoped3A : memref<!tpu.dma_semaphore, #tpu.memory_space<semaphore_mem>>) src(%dma_wait3A_22 : memref<40x128xi32, #tpu.memory_space<hbm>>) dst(%arg6 : memref<40x128xi32, #tpu.memory_space<vmem>>)
      tpu.yield
    }) : () -> ()
    %barrier3A = arith.constant 0 : index
    tpu.barrier barrier_id(%barrier3A)
    %scan3A = arith.constant 0 : i32
    %scan3A_5 = arith.constant 0 : i32
    %scan3A_6 = arith.constant 40 : i32
    %scan3A_7 = arith.addi %scan3A_5, %scan3A_6 : i32
    %scan3A_8 = arith.constant 1 : i32
    scf.for %scan3A_17 = %scan3A_5 to %scan3A_7 step %scan3A_8  : i32 {
      "tpu.region"() ({
        %run_scoped3A = tpu.sem_alloc : memref<!tpu.dma_semaphore, #tpu.memory_space<semaphore_mem>>
        %dma_start3A = arith.constant 0 : i32
        %dma_start3A_18 = tpu.memref_slice %arg6[%scan3A_17, %dma_start3A] : memref<40x128xi32, #tpu.memory_space<vmem>> -> memref<1x128xi32, #tpu.memory_space<vmem>>
        %dma_start3A_19 = tpu.memref_squeeze %dma_start3A_18 : memref<1x128xi32, #tpu.memory_space<vmem>> -> memref<128xi32, #tpu.memory_space<vmem>>
        %dma_start3A_20 = arith.constant 0 : i32
        %dma_start3A_21 = arith.constant 0 : i32
        %dma_start3A_22 = tpu.memref_slice %arg8[%dma_start3A_20, %dma_start3A_21] : memref<10240x128xf32, #tpu.memory_space<vmem_shared>> -> memref<10240x128xf32, #tpu.memory_space<vmem_shared>>
        tpu.enqueue_indirect_dma source(%arg7 : memref<128x128xf32, #tpu.memory_space<vmem>>) target(%dma_start3A_22 : memref<10240x128xf32, #tpu.memory_space<vmem_shared>>) offsets(%dma_start3A_19 : memref<128xi32, #tpu.memory_space<vmem>>) semaphore(%run_scoped3A : memref<!tpu.dma_semaphore, #tpu.memory_space<semaphore_mem>>) {add = true}
        %dma_wait3A = arith.constant 0 : i32
        %dma_wait3A_23 = tpu.memref_slice %arg6[%scan3A_17, %dma_wait3A] : memref<40x128xi32, #tpu.memory_space<vmem>> -> memref<1x128xi32, #tpu.memory_space<vmem>>
        %dma_wait3A_24 = tpu.memref_squeeze %dma_wait3A_23 : memref<1x128xi32, #tpu.memory_space<vmem>> -> memref<128xi32, #tpu.memory_space<vmem>>
        %dma_wait3A_25 = arith.constant 0 : i32
        %dma_wait3A_26 = arith.constant 0 : i32
        %dma_wait3A_27 = tpu.memref_slice %arg8[%dma_wait3A_25, %dma_wait3A_26] : memref<10240x128xf32, #tpu.memory_space<vmem_shared>> -> memref<10240x128xf32, #tpu.memory_space<vmem_shared>>
        tpu.wait_indirect_dma semaphore(%run_scoped3A : memref<!tpu.dma_semaphore, #tpu.memory_space<semaphore_mem>>) src(%arg7 : memref<128x128xf32, #tpu.memory_space<vmem>>) dst(%dma_wait3A_27 : memref<10240x128xf32, #tpu.memory_space<vmem_shared>>)
        tpu.yield
      }) : () -> ()
    }
    %scan3A_9 = arith.constant 40 : i32
    %barrier3A_10 = arith.constant 0 : index
    tpu.barrier barrier_id(%barrier3A_10)
    %mul3A_11 = arith.constant 640 : i32
    %mul3A_12 = arith.muli %arg1, %mul3A_11 : i32
    %mul3A_13 = arith.constant 10240 : i32
    %mul3A_14 = arith.muli %arg0, %mul3A_13 : i32
    %mul3A_15 = arith.constant 640 : i32
    %mul3A_16 = arith.muli %arg1, %mul3A_15 : i32
    %add3A = arith.addi %mul3A_14, %mul3A_16 : i32
    "tpu.region"() ({
      %run_scoped3A = tpu.sem_alloc : memref<!tpu.dma_semaphore, #tpu.memory_space<semaphore_mem>>
      %dma_start3A = arith.constant 0 : i32
      %dma_start3A_17 = tpu.memref_slice %arg5[%add3A, %dma_start3A] : memref<20480x128xf32, #tpu.memory_space<hbm>> -> memref<640x128xf32, #tpu.memory_space<hbm>>
      %dma_start3A_18 = arith.constant 0 : i32
      %dma_start3A_19 = tpu.memref_slice %arg8[%mul3A_12, %dma_start3A_18] : memref<10240x128xf32, #tpu.memory_space<vmem_shared>> -> memref<640x128xf32, #tpu.memory_space<vmem_shared>>
      tpu.enqueue_dma source(%dma_start3A_19 : memref<640x128xf32, #tpu.memory_space<vmem_shared>>) target(%dma_start3A_17 : memref<640x128xf32, #tpu.memory_space<hbm>>) target_semaphore(%run_scoped3A : memref<!tpu.dma_semaphore, #tpu.memory_space<semaphore_mem>>)
      %dma_wait3A = arith.constant 0 : i32
      %dma_wait3A_20 = tpu.memref_slice %arg5[%add3A, %dma_wait3A] : memref<20480x128xf32, #tpu.memory_space<hbm>> -> memref<640x128xf32, #tpu.memory_space<hbm>>
      %dma_wait3A_21 = arith.constant 0 : i32
      %dma_wait3A_22 = tpu.memref_slice %arg8[%mul3A_12, %dma_wait3A_21] : memref<10240x128xf32, #tpu.memory_space<vmem_shared>> -> memref<640x128xf32, #tpu.memory_space<vmem_shared>>
      tpu.wait_dma2 semaphore(%run_scoped3A : memref<!tpu.dma_semaphore, #tpu.memory_space<semaphore_mem>>) src(%dma_wait3A_22 : memref<640x128xf32, #tpu.memory_space<vmem_shared>>) dst(%dma_wait3A_20 : memref<640x128xf32, #tpu.memory_space<hbm>>)
      tpu.yield
    }) : () -> ()
    return
  }
}

#map = affine_map<(d0, d1) -> (0, 0)>
module attributes {stable_mosaic.version = 14 : i64} {
  func.func @_sc_deg1(%arg0: i32, %arg1: i32, %arg2: memref<640x128xi32, #tpu.memory_space<hbm>>, %arg3: memref<10240x128xf32, #tpu.memory_space<hbm>>, %arg4: memref<128x128xf32, #tpu.memory_space<hbm>>, %arg5: memref<20480x128xf32, #tpu.memory_space<hbm>>, %arg6: memref<40x128xi32, #tpu.memory_space<vmem>>, %arg7: memref<128x128xf32, #tpu.memory_space<vmem>>, %arg8: memref<10240x128xf32, #tpu.memory_space<vmem_shared>>) attributes {dimension_semantics = [#tpu.dimension_semantics<core_parallel>, #tpu.dimension_semantics<subcore_parallel>], iteration_bounds = array<i64: 2, 16>, scalar_prefetch = 0 : i64, scratch_operands = 3 : i64, tpu.core_type = #tpu.core_type<sc_vector_subcore>, window_params = [{transform_indices = #map}, {transform_indices = #map}, {transform_indices = #map}, {transform_indices = #map}]} {
    %mul3A = arith.constant 640 : i32
    %mul3A_0 = arith.muli %arg1, %mul3A : i32
    %mul3A_1 = arith.constant 640 : i32
    %mul3A_2 = arith.muli %arg1, %mul3A_1 : i32
    "tpu.region"() ({
      %run_scoped3A = tpu.sem_alloc : memref<!tpu.dma_semaphore, #tpu.memory_space<semaphore_mem>>
      %dma_start3A = arith.constant 0 : i32
      %dma_start3A_17 = tpu.memref_slice %arg8[%mul3A_2, %dma_start3A] : memref<10240x128xf32, #tpu.memory_space<vmem_shared>> -> memref<640x128xf32, #tpu.memory_space<vmem_shared>>
      %dma_start3A_18 = arith.constant 0 : i32
      %dma_start3A_19 = tpu.memref_slice %arg3[%mul3A_0, %dma_start3A_18] : memref<10240x128xf32, #tpu.memory_space<hbm>> -> memref<640x128xf32, #tpu.memory_space<hbm>>
      tpu.enqueue_dma source(%dma_start3A_19 : memref<640x128xf32, #tpu.memory_space<hbm>>) target(%dma_start3A_17 : memref<640x128xf32, #tpu.memory_space<vmem_shared>>) target_semaphore(%run_scoped3A : memref<!tpu.dma_semaphore, #tpu.memory_space<semaphore_mem>>)
      %dma_wait3A = arith.constant 0 : i32
      %dma_wait3A_20 = tpu.memref_slice %arg8[%mul3A_2, %dma_wait3A] : memref<10240x128xf32, #tpu.memory_space<vmem_shared>> -> memref<640x128xf32, #tpu.memory_space<vmem_shared>>
      %dma_wait3A_21 = arith.constant 0 : i32
      %dma_wait3A_22 = tpu.memref_slice %arg3[%mul3A_0, %dma_wait3A_21] : memref<10240x128xf32, #tpu.memory_space<hbm>> -> memref<640x128xf32, #tpu.memory_space<hbm>>
      tpu.wait_dma2 semaphore(%run_scoped3A : memref<!tpu.dma_semaphore, #tpu.memory_space<semaphore_mem>>) src(%dma_wait3A_22 : memref<640x128xf32, #tpu.memory_space<hbm>>) dst(%dma_wait3A_20 : memref<640x128xf32, #tpu.memory_space<vmem_shared>>)
      tpu.yield
    }) : () -> ()
    "tpu.region"() ({
      %run_scoped3A = tpu.sem_alloc : memref<!tpu.dma_semaphore, #tpu.memory_space<semaphore_mem>>
      tpu.enqueue_dma source(%arg4 : memref<128x128xf32, #tpu.memory_space<hbm>>) target(%arg7 : memref<128x128xf32, #tpu.memory_space<vmem>>) target_semaphore(%run_scoped3A : memref<!tpu.dma_semaphore, #tpu.memory_space<semaphore_mem>>)
      tpu.wait_dma2 semaphore(%run_scoped3A : memref<!tpu.dma_semaphore, #tpu.memory_space<semaphore_mem>>) src(%arg4 : memref<128x128xf32, #tpu.memory_space<hbm>>) dst(%arg7 : memref<128x128xf32, #tpu.memory_space<vmem>>)
      tpu.yield
    }) : () -> ()
    %mul3A_3 = arith.constant 40 : i32
    %mul3A_4 = arith.muli %arg1, %mul3A_3 : i32
    "tpu.region"() ({
      %run_scoped3A = tpu.sem_alloc : memref<!tpu.dma_semaphore, #tpu.memory_space<semaphore_mem>>
      %dma_start3A = arith.constant 0 : i32
      %dma_start3A_17 = tpu.memref_slice %arg2[%mul3A_4, %dma_start3A] : memref<640x128xi32, #tpu.memory_space<hbm>> -> memref<40x128xi32, #tpu.memory_space<hbm>>
      %dma_start3A_18 = arith.constant 0 : i32
      %dma_start3A_19 = tpu.memref_slice %arg2[%mul3A_4, %dma_start3A_18] : memref<640x128xi32, #tpu.memory_space<hbm>> -> memref<40x128xi32, #tpu.memory_space<hbm>>
      tpu.enqueue_dma source(%dma_start3A_19 : memref<40x128xi32, #tpu.memory_space<hbm>>) target(%arg6 : memref<40x128xi32, #tpu.memory_space<vmem>>) target_semaphore(%run_scoped3A : memref<!tpu.dma_semaphore, #tpu.memory_space<semaphore_mem>>)
      %dma_wait3A = arith.constant 0 : i32
      %dma_wait3A_20 = tpu.memref_slice %arg2[%mul3A_4, %dma_wait3A] : memref<640x128xi32, #tpu.memory_space<hbm>> -> memref<40x128xi32, #tpu.memory_space<hbm>>
      %dma_wait3A_21 = arith.constant 0 : i32
      %dma_wait3A_22 = tpu.memref_slice %arg2[%mul3A_4, %dma_wait3A_21] : memref<640x128xi32, #tpu.memory_space<hbm>> -> memref<40x128xi32, #tpu.memory_space<hbm>>
      tpu.wait_dma2 semaphore(%run_scoped3A : memref<!tpu.dma_semaphore, #tpu.memory_space<semaphore_mem>>) src(%dma_wait3A_22 : memref<40x128xi32, #tpu.memory_space<hbm>>) dst(%arg6 : memref<40x128xi32, #tpu.memory_space<vmem>>)
      tpu.yield
    }) : () -> ()
    %barrier3A = arith.constant 0 : index
    tpu.barrier barrier_id(%barrier3A)
    %scan3A = arith.constant 0 : i32
    %scan3A_5 = arith.constant 0 : i32
    %scan3A_6 = arith.constant 40 : i32
    %scan3A_7 = arith.addi %scan3A_5, %scan3A_6 : i32
    %scan3A_8 = arith.constant 1 : i32
    scf.for %scan3A_17 = %scan3A_5 to %scan3A_7 step %scan3A_8  : i32 {
      "tpu.region"() ({
        %run_scoped3A = tpu.sem_alloc : memref<!tpu.dma_semaphore, #tpu.memory_space<semaphore_mem>>
        %dma_start3A = arith.constant 0 : i32
        %dma_start3A_18 = tpu.memref_slice %arg6[%scan3A_17, %dma_start3A] : memref<40x128xi32, #tpu.memory_space<vmem>> -> memref<1x128xi32, #tpu.memory_space<vmem>>
        %dma_start3A_19 = tpu.memref_squeeze %dma_start3A_18 : memref<1x128xi32, #tpu.memory_space<vmem>> -> memref<128xi32, #tpu.memory_space<vmem>>
        %dma_start3A_20 = arith.constant 0 : i32
        %dma_start3A_21 = arith.constant 0 : i32
        %dma_start3A_22 = tpu.memref_slice %arg8[%dma_start3A_20, %dma_start3A_21] : memref<10240x128xf32, #tpu.memory_space<vmem_shared>> -> memref<10240x128xf32, #tpu.memory_space<vmem_shared>>
        tpu.enqueue_indirect_dma source(%arg7 : memref<128x128xf32, #tpu.memory_space<vmem>>) target(%dma_start3A_22 : memref<10240x128xf32, #tpu.memory_space<vmem_shared>>) offsets(%dma_start3A_19 : memref<128xi32, #tpu.memory_space<vmem>>) semaphore(%run_scoped3A : memref<!tpu.dma_semaphore, #tpu.memory_space<semaphore_mem>>) {add = true}
        %dma_wait3A = arith.constant 0 : i32
        %dma_wait3A_23 = tpu.memref_slice %arg6[%scan3A_17, %dma_wait3A] : memref<40x128xi32, #tpu.memory_space<vmem>> -> memref<1x128xi32, #tpu.memory_space<vmem>>
        %dma_wait3A_24 = tpu.memref_squeeze %dma_wait3A_23 : memref<1x128xi32, #tpu.memory_space<vmem>> -> memref<128xi32, #tpu.memory_space<vmem>>
        %dma_wait3A_25 = arith.constant 0 : i32
        %dma_wait3A_26 = arith.constant 0 : i32
        %dma_wait3A_27 = tpu.memref_slice %arg8[%dma_wait3A_25, %dma_wait3A_26] : memref<10240x128xf32, #tpu.memory_space<vmem_shared>> -> memref<10240x128xf32, #tpu.memory_space<vmem_shared>>
        tpu.wait_indirect_dma semaphore(%run_scoped3A : memref<!tpu.dma_semaphore, #tpu.memory_space<semaphore_mem>>) src(%arg7 : memref<128x128xf32, #tpu.memory_space<vmem>>) dst(%dma_wait3A_27 : memref<10240x128xf32, #tpu.memory_space<vmem_shared>>)
        tpu.yield
      }) : () -> ()
    }
    %scan3A_9 = arith.constant 40 : i32
    %barrier3A_10 = arith.constant 0 : index
    tpu.barrier barrier_id(%barrier3A_10)
    %mul3A_11 = arith.constant 640 : i32
    %mul3A_12 = arith.muli %arg1, %mul3A_11 : i32
    %mul3A_13 = arith.constant 10240 : i32
    %mul3A_14 = arith.muli %arg0, %mul3A_13 : i32
    %mul3A_15 = arith.constant 640 : i32
    %mul3A_16 = arith.muli %arg1, %mul3A_15 : i32
    %add3A = arith.addi %mul3A_14, %mul3A_16 : i32
    "tpu.region"() ({
      %run_scoped3A = tpu.sem_alloc : memref<!tpu.dma_semaphore, #tpu.memory_space<semaphore_mem>>
      %dma_start3A = arith.constant 0 : i32
      %dma_start3A_17 = tpu.memref_slice %arg5[%add3A, %dma_start3A] : memref<20480x128xf32, #tpu.memory_space<hbm>> -> memref<640x128xf32, #tpu.memory_space<hbm>>
      %dma_start3A_18 = arith.constant 0 : i32
      %dma_start3A_19 = tpu.memref_slice %arg8[%mul3A_12, %dma_start3A_18] : memref<10240x128xf32, #tpu.memory_space<vmem_shared>> -> memref<640x128xf32, #tpu.memory_space<vmem_shared>>
      tpu.enqueue_dma source(%dma_start3A_19 : memref<640x128xf32, #tpu.memory_space<vmem_shared>>) target(%dma_start3A_17 : memref<640x128xf32, #tpu.memory_space<hbm>>) target_semaphore(%run_scoped3A : memref<!tpu.dma_semaphore, #tpu.memory_space<semaphore_mem>>)
      %dma_wait3A = arith.constant 0 : i32
      %dma_wait3A_20 = tpu.memref_slice %arg5[%add3A, %dma_wait3A] : memref<20480x128xf32, #tpu.memory_space<hbm>> -> memref<640x128xf32, #tpu.memory_space<hbm>>
      %dma_wait3A_21 = arith.constant 0 : i32
      %dma_wait3A_22 = tpu.memref_slice %arg8[%mul3A_12, %dma_wait3A_21] : memref<10240x128xf32, #tpu.memory_space<vmem_shared>> -> memref<640x128xf32, #tpu.memory_space<vmem_shared>>
      tpu.wait_dma2 semaphore(%run_scoped3A : memref<!tpu.dma_semaphore, #tpu.memory_space<semaphore_mem>>) src(%dma_wait3A_22 : memref<640x128xf32, #tpu.memory_space<vmem_shared>>) dst(%dma_wait3A_20 : memref<640x128xf32, #tpu.memory_space<hbm>>)
      tpu.yield
    }) : () -> ()
    return
  }
}

#map = affine_map<(d0, d1) -> (0, 0)>
module attributes {stable_mosaic.version = 14 : i64} {
  func.func @_sc_deg1(%arg0: i32, %arg1: i32, %arg2: memref<640x128xi32, #tpu.memory_space<hbm>>, %arg3: memref<10240x128xf32, #tpu.memory_space<hbm>>, %arg4: memref<128x128xf32, #tpu.memory_space<hbm>>, %arg5: memref<20480x128xf32, #tpu.memory_space<hbm>>, %arg6: memref<40x128xi32, #tpu.memory_space<vmem>>, %arg7: memref<128x128xf32, #tpu.memory_space<vmem>>, %arg8: memref<10240x128xf32, #tpu.memory_space<vmem_shared>>) attributes {dimension_semantics = [#tpu.dimension_semantics<core_parallel>, #tpu.dimension_semantics<subcore_parallel>], iteration_bounds = array<i64: 2, 16>, scalar_prefetch = 0 : i64, scratch_operands = 3 : i64, tpu.core_type = #tpu.core_type<sc_vector_subcore>, window_params = [{transform_indices = #map}, {transform_indices = #map}, {transform_indices = #map}, {transform_indices = #map}]} {
    %mul3A = arith.constant 640 : i32
    %mul3A_0 = arith.muli %arg1, %mul3A : i32
    %mul3A_1 = arith.constant 640 : i32
    %mul3A_2 = arith.muli %arg1, %mul3A_1 : i32
    "tpu.region"() ({
      %run_scoped3A = tpu.sem_alloc : memref<!tpu.dma_semaphore, #tpu.memory_space<semaphore_mem>>
      %dma_start3A = arith.constant 0 : i32
      %dma_start3A_17 = tpu.memref_slice %arg8[%mul3A_2, %dma_start3A] : memref<10240x128xf32, #tpu.memory_space<vmem_shared>> -> memref<640x128xf32, #tpu.memory_space<vmem_shared>>
      %dma_start3A_18 = arith.constant 0 : i32
      %dma_start3A_19 = tpu.memref_slice %arg3[%mul3A_0, %dma_start3A_18] : memref<10240x128xf32, #tpu.memory_space<hbm>> -> memref<640x128xf32, #tpu.memory_space<hbm>>
      tpu.enqueue_dma source(%dma_start3A_19 : memref<640x128xf32, #tpu.memory_space<hbm>>) target(%dma_start3A_17 : memref<640x128xf32, #tpu.memory_space<vmem_shared>>) target_semaphore(%run_scoped3A : memref<!tpu.dma_semaphore, #tpu.memory_space<semaphore_mem>>)
      %dma_wait3A = arith.constant 0 : i32
      %dma_wait3A_20 = tpu.memref_slice %arg8[%mul3A_2, %dma_wait3A] : memref<10240x128xf32, #tpu.memory_space<vmem_shared>> -> memref<640x128xf32, #tpu.memory_space<vmem_shared>>
      %dma_wait3A_21 = arith.constant 0 : i32
      %dma_wait3A_22 = tpu.memref_slice %arg3[%mul3A_0, %dma_wait3A_21] : memref<10240x128xf32, #tpu.memory_space<hbm>> -> memref<640x128xf32, #tpu.memory_space<hbm>>
      tpu.wait_dma2 semaphore(%run_scoped3A : memref<!tpu.dma_semaphore, #tpu.memory_space<semaphore_mem>>) src(%dma_wait3A_22 : memref<640x128xf32, #tpu.memory_space<hbm>>) dst(%dma_wait3A_20 : memref<640x128xf32, #tpu.memory_space<vmem_shared>>)
      tpu.yield
    }) : () -> ()
    "tpu.region"() ({
      %run_scoped3A = tpu.sem_alloc : memref<!tpu.dma_semaphore, #tpu.memory_space<semaphore_mem>>
      tpu.enqueue_dma source(%arg4 : memref<128x128xf32, #tpu.memory_space<hbm>>) target(%arg7 : memref<128x128xf32, #tpu.memory_space<vmem>>) target_semaphore(%run_scoped3A : memref<!tpu.dma_semaphore, #tpu.memory_space<semaphore_mem>>)
      tpu.wait_dma2 semaphore(%run_scoped3A : memref<!tpu.dma_semaphore, #tpu.memory_space<semaphore_mem>>) src(%arg4 : memref<128x128xf32, #tpu.memory_space<hbm>>) dst(%arg7 : memref<128x128xf32, #tpu.memory_space<vmem>>)
      tpu.yield
    }) : () -> ()
    %mul3A_3 = arith.constant 40 : i32
    %mul3A_4 = arith.muli %arg1, %mul3A_3 : i32
    "tpu.region"() ({
      %run_scoped3A = tpu.sem_alloc : memref<!tpu.dma_semaphore, #tpu.memory_space<semaphore_mem>>
      %dma_start3A = arith.constant 0 : i32
      %dma_start3A_17 = tpu.memref_slice %arg2[%mul3A_4, %dma_start3A] : memref<640x128xi32, #tpu.memory_space<hbm>> -> memref<40x128xi32, #tpu.memory_space<hbm>>
      %dma_start3A_18 = arith.constant 0 : i32
      %dma_start3A_19 = tpu.memref_slice %arg2[%mul3A_4, %dma_start3A_18] : memref<640x128xi32, #tpu.memory_space<hbm>> -> memref<40x128xi32, #tpu.memory_space<hbm>>
      tpu.enqueue_dma source(%dma_start3A_19 : memref<40x128xi32, #tpu.memory_space<hbm>>) target(%arg6 : memref<40x128xi32, #tpu.memory_space<vmem>>) target_semaphore(%run_scoped3A : memref<!tpu.dma_semaphore, #tpu.memory_space<semaphore_mem>>)
      %dma_wait3A = arith.constant 0 : i32
      %dma_wait3A_20 = tpu.memref_slice %arg2[%mul3A_4, %dma_wait3A] : memref<640x128xi32, #tpu.memory_space<hbm>> -> memref<40x128xi32, #tpu.memory_space<hbm>>
      %dma_wait3A_21 = arith.constant 0 : i32
      %dma_wait3A_22 = tpu.memref_slice %arg2[%mul3A_4, %dma_wait3A_21] : memref<640x128xi32, #tpu.memory_space<hbm>> -> memref<40x128xi32, #tpu.memory_space<hbm>>
      tpu.wait_dma2 semaphore(%run_scoped3A : memref<!tpu.dma_semaphore, #tpu.memory_space<semaphore_mem>>) src(%dma_wait3A_22 : memref<40x128xi32, #tpu.memory_space<hbm>>) dst(%arg6 : memref<40x128xi32, #tpu.memory_space<vmem>>)
      tpu.yield
    }) : () -> ()
    %barrier3A = arith.constant 0 : index
    tpu.barrier barrier_id(%barrier3A)
    %scan3A = arith.constant 0 : i32
    %scan3A_5 = arith.constant 0 : i32
    %scan3A_6 = arith.constant 40 : i32
    %scan3A_7 = arith.addi %scan3A_5, %scan3A_6 : i32
    %scan3A_8 = arith.constant 1 : i32
    scf.for %scan3A_17 = %scan3A_5 to %scan3A_7 step %scan3A_8  : i32 {
      "tpu.region"() ({
        %run_scoped3A = tpu.sem_alloc : memref<!tpu.dma_semaphore, #tpu.memory_space<semaphore_mem>>
        %dma_start3A = arith.constant 0 : i32
        %dma_start3A_18 = tpu.memref_slice %arg6[%scan3A_17, %dma_start3A] : memref<40x128xi32, #tpu.memory_space<vmem>> -> memref<1x128xi32, #tpu.memory_space<vmem>>
        %dma_start3A_19 = tpu.memref_squeeze %dma_start3A_18 : memref<1x128xi32, #tpu.memory_space<vmem>> -> memref<128xi32, #tpu.memory_space<vmem>>
        %dma_start3A_20 = arith.constant 0 : i32
        %dma_start3A_21 = arith.constant 0 : i32
        %dma_start3A_22 = tpu.memref_slice %arg8[%dma_start3A_20, %dma_start3A_21] : memref<10240x128xf32, #tpu.memory_space<vmem_shared>> -> memref<10240x128xf32, #tpu.memory_space<vmem_shared>>
        tpu.enqueue_indirect_dma source(%arg7 : memref<128x128xf32, #tpu.memory_space<vmem>>) target(%dma_start3A_22 : memref<10240x128xf32, #tpu.memory_space<vmem_shared>>) offsets(%dma_start3A_19 : memref<128xi32, #tpu.memory_space<vmem>>) semaphore(%run_scoped3A : memref<!tpu.dma_semaphore, #tpu.memory_space<semaphore_mem>>) {add = true}
        %dma_wait3A = arith.constant 0 : i32
        %dma_wait3A_23 = tpu.memref_slice %arg6[%scan3A_17, %dma_wait3A] : memref<40x128xi32, #tpu.memory_space<vmem>> -> memref<1x128xi32, #tpu.memory_space<vmem>>
        %dma_wait3A_24 = tpu.memref_squeeze %dma_wait3A_23 : memref<1x128xi32, #tpu.memory_space<vmem>> -> memref<128xi32, #tpu.memory_space<vmem>>
        %dma_wait3A_25 = arith.constant 0 : i32
        %dma_wait3A_26 = arith.constant 0 : i32
        %dma_wait3A_27 = tpu.memref_slice %arg8[%dma_wait3A_25, %dma_wait3A_26] : memref<10240x128xf32, #tpu.memory_space<vmem_shared>> -> memref<10240x128xf32, #tpu.memory_space<vmem_shared>>
        tpu.wait_indirect_dma semaphore(%run_scoped3A : memref<!tpu.dma_semaphore, #tpu.memory_space<semaphore_mem>>) src(%arg7 : memref<128x128xf32, #tpu.memory_space<vmem>>) dst(%dma_wait3A_27 : memref<10240x128xf32, #tpu.memory_space<vmem_shared>>)
        tpu.yield
      }) : () -> ()
    }
    %scan3A_9 = arith.constant 40 : i32
    %barrier3A_10 = arith.constant 0 : index
    tpu.barrier barrier_id(%barrier3A_10)
    %mul3A_11 = arith.constant 640 : i32
    %mul3A_12 = arith.muli %arg1, %mul3A_11 : i32
    %mul3A_13 = arith.constant 10240 : i32
    %mul3A_14 = arith.muli %arg0, %mul3A_13 : i32
    %mul3A_15 = arith.constant 640 : i32
    %mul3A_16 = arith.muli %arg1, %mul3A_15 : i32
    %add3A = arith.addi %mul3A_14, %mul3A_16 : i32
    "tpu.region"() ({
      %run_scoped3A = tpu.sem_alloc : memref<!tpu.dma_semaphore, #tpu.memory_space<semaphore_mem>>
      %dma_start3A = arith.constant 0 : i32
      %dma_start3A_17 = tpu.memref_slice %arg5[%add3A, %dma_start3A] : memref<20480x128xf32, #tpu.memory_space<hbm>> -> memref<640x128xf32, #tpu.memory_space<hbm>>
      %dma_start3A_18 = arith.constant 0 : i32
      %dma_start3A_19 = tpu.memref_slice %arg8[%mul3A_12, %dma_start3A_18] : memref<10240x128xf32, #tpu.memory_space<vmem_shared>> -> memref<640x128xf32, #tpu.memory_space<vmem_shared>>
      tpu.enqueue_dma source(%dma_start3A_19 : memref<640x128xf32, #tpu.memory_space<vmem_shared>>) target(%dma_start3A_17 : memref<640x128xf32, #tpu.memory_space<hbm>>) target_semaphore(%run_scoped3A : memref<!tpu.dma_semaphore, #tpu.memory_space<semaphore_mem>>)
      %dma_wait3A = arith.constant 0 : i32
      %dma_wait3A_20 = tpu.memref_slice %arg5[%add3A, %dma_wait3A] : memref<20480x128xf32, #tpu.memory_space<hbm>> -> memref<640x128xf32, #tpu.memory_space<hbm>>
      %dma_wait3A_21 = arith.constant 0 : i32
      %dma_wait3A_22 = tpu.memref_slice %arg8[%mul3A_12, %dma_wait3A_21] : memref<10240x128xf32, #tpu.memory_space<vmem_shared>> -> memref<640x128xf32, #tpu.memory_space<vmem_shared>>
      tpu.wait_dma2 semaphore(%run_scoped3A : memref<!tpu.dma_semaphore, #tpu.memory_space<semaphore_mem>>) src(%dma_wait3A_22 : memref<640x128xf32, #tpu.memory_space<vmem_shared>>) dst(%dma_wait3A_20 : memref<640x128xf32, #tpu.memory_space<hbm>>)
      tpu.yield
    }) : () -> ()
    return
  }
}

#map = affine_map<(d0, d1) -> (0, 0)>
module attributes {stable_mosaic.version = 14 : i64} {
  func.func @_sc_conv1(%arg0: i32, %arg1: i32, %arg2: memref<20480x128xf32, #tpu.memory_space<hbm>>, %arg3: memref<1280x128xi32, #tpu.memory_space<hbm>>, %arg4: memref<640x128xi32, #tpu.memory_space<hbm>>, %arg5: memref<10240x128xf32, #tpu.memory_space<hbm>>, %arg6: memref<20480x128xf32, #tpu.memory_space<hbm>>, %arg7: memref<40x128xi32, #tpu.memory_space<vmem>>, %arg8: memref<40x128xi32, #tpu.memory_space<vmem>>, %arg9: memref<128x128xf32, #tpu.memory_space<vmem>>, %arg10: memref<128x128xf32, #tpu.memory_space<vmem>>, %arg11: memref<10240x128xf32, #tpu.memory_space<vmem_shared>>, %arg12: memref<!tpu.dma_semaphore, #tpu.memory_space<semaphore_mem>>, %arg13: memref<!tpu.dma_semaphore, #tpu.memory_space<semaphore_mem>>) attributes {dimension_semantics = [#tpu.dimension_semantics<core_parallel>, #tpu.dimension_semantics<subcore_parallel>], iteration_bounds = array<i64: 2, 16>, scalar_prefetch = 0 : i64, scratch_operands = 7 : i64, tpu.core_type = #tpu.core_type<sc_vector_subcore>, window_params = [{transform_indices = #map}, {transform_indices = #map}, {transform_indices = #map}, {transform_indices = #map}, {transform_indices = #map}]} {
    %mul3A = arith.constant 640 : i32
    %mul3A_0 = arith.muli %arg1, %mul3A : i32
    %mul3A_1 = arith.constant 640 : i32
    %mul3A_2 = arith.muli %arg1, %mul3A_1 : i32
    "tpu.region"() ({
      %run_scoped3A = tpu.sem_alloc : memref<!tpu.dma_semaphore, #tpu.memory_space<semaphore_mem>>
      %dma_start3A_35 = arith.constant 0 : i32
      %dma_start3A_36 = tpu.memref_slice %arg11[%mul3A_2, %dma_start3A_35] : memref<10240x128xf32, #tpu.memory_space<vmem_shared>> -> memref<640x128xf32, #tpu.memory_space<vmem_shared>>
      %dma_start3A_37 = arith.constant 0 : i32
      %dma_start3A_38 = tpu.memref_slice %arg5[%mul3A_0, %dma_start3A_37] : memref<10240x128xf32, #tpu.memory_space<hbm>> -> memref<640x128xf32, #tpu.memory_space<hbm>>
      tpu.enqueue_dma source(%dma_start3A_38 : memref<640x128xf32, #tpu.memory_space<hbm>>) target(%dma_start3A_36 : memref<640x128xf32, #tpu.memory_space<vmem_shared>>) target_semaphore(%run_scoped3A : memref<!tpu.dma_semaphore, #tpu.memory_space<semaphore_mem>>)
      %dma_wait3A = arith.constant 0 : i32
      %dma_wait3A_39 = tpu.memref_slice %arg11[%mul3A_2, %dma_wait3A] : memref<10240x128xf32, #tpu.memory_space<vmem_shared>> -> memref<640x128xf32, #tpu.memory_space<vmem_shared>>
      %dma_wait3A_40 = arith.constant 0 : i32
      %dma_wait3A_41 = tpu.memref_slice %arg5[%mul3A_0, %dma_wait3A_40] : memref<10240x128xf32, #tpu.memory_space<hbm>> -> memref<640x128xf32, #tpu.memory_space<hbm>>
      tpu.wait_dma2 semaphore(%run_scoped3A : memref<!tpu.dma_semaphore, #tpu.memory_space<semaphore_mem>>) src(%dma_wait3A_41 : memref<640x128xf32, #tpu.memory_space<hbm>>) dst(%dma_wait3A_39 : memref<640x128xf32, #tpu.memory_space<vmem_shared>>)
      tpu.yield
    }) : () -> ()
    %mul3A_3 = arith.constant 16 : i32
    %mul3A_4 = arith.muli %arg0, %mul3A_3 : i32
    %add3A = arith.addi %mul3A_4, %arg1 : i32
    %mul3A_5 = arith.constant 40 : i32
    %mul3A_6 = arith.muli %add3A, %mul3A_5 : i32
    "tpu.region"() ({
      %run_scoped3A = tpu.sem_alloc : memref<!tpu.dma_semaphore, #tpu.memory_space<semaphore_mem>>
      %dma_start3A_35 = arith.constant 0 : i32
      %dma_start3A_36 = tpu.memref_slice %arg3[%mul3A_6, %dma_start3A_35] : memref<1280x128xi32, #tpu.memory_space<hbm>> -> memref<40x128xi32, #tpu.memory_space<hbm>>
      %dma_start3A_37 = arith.constant 0 : i32
      %dma_start3A_38 = tpu.memref_slice %arg3[%mul3A_6, %dma_start3A_37] : memref<1280x128xi32, #tpu.memory_space<hbm>> -> memref<40x128xi32, #tpu.memory_space<hbm>>
      tpu.enqueue_dma source(%dma_start3A_38 : memref<40x128xi32, #tpu.memory_space<hbm>>) target(%arg7 : memref<40x128xi32, #tpu.memory_space<vmem>>) target_semaphore(%run_scoped3A : memref<!tpu.dma_semaphore, #tpu.memory_space<semaphore_mem>>)
      %dma_wait3A = arith.constant 0 : i32
      %dma_wait3A_39 = tpu.memref_slice %arg3[%mul3A_6, %dma_wait3A] : memref<1280x128xi32, #tpu.memory_space<hbm>> -> memref<40x128xi32, #tpu.memory_space<hbm>>
      %dma_wait3A_40 = arith.constant 0 : i32
      %dma_wait3A_41 = tpu.memref_slice %arg3[%mul3A_6, %dma_wait3A_40] : memref<1280x128xi32, #tpu.memory_space<hbm>> -> memref<40x128xi32, #tpu.memory_space<hbm>>
      tpu.wait_dma2 semaphore(%run_scoped3A : memref<!tpu.dma_semaphore, #tpu.memory_space<semaphore_mem>>) src(%dma_wait3A_41 : memref<40x128xi32, #tpu.memory_space<hbm>>) dst(%arg7 : memref<40x128xi32, #tpu.memory_space<vmem>>)
      tpu.yield
    }) : () -> ()
    %mul3A_7 = arith.constant 40 : i32
    %mul3A_8 = arith.muli %arg1, %mul3A_7 : i32
    "tpu.region"() ({
      %run_scoped3A = tpu.sem_alloc : memref<!tpu.dma_semaphore, #tpu.memory_space<semaphore_mem>>
      %dma_start3A_35 = arith.constant 0 : i32
      %dma_start3A_36 = tpu.memref_slice %arg4[%mul3A_8, %dma_start3A_35] : memref<640x128xi32, #tpu.memory_space<hbm>> -> memref<40x128xi32, #tpu.memory_space<hbm>>
      %dma_start3A_37 = arith.constant 0 : i32
      %dma_start3A_38 = tpu.memref_slice %arg4[%mul3A_8, %dma_start3A_37] : memref<640x128xi32, #tpu.memory_space<hbm>> -> memref<40x128xi32, #tpu.memory_space<hbm>>
      tpu.enqueue_dma source(%dma_start3A_38 : memref<40x128xi32, #tpu.memory_space<hbm>>) target(%arg8 : memref<40x128xi32, #tpu.memory_space<vmem>>) target_semaphore(%run_scoped3A : memref<!tpu.dma_semaphore, #tpu.memory_space<semaphore_mem>>)
      %dma_wait3A = arith.constant 0 : i32
      %dma_wait3A_39 = tpu.memref_slice %arg4[%mul3A_8, %dma_wait3A] : memref<640x128xi32, #tpu.memory_space<hbm>> -> memref<40x128xi32, #tpu.memory_space<hbm>>
      %dma_wait3A_40 = arith.constant 0 : i32
      %dma_wait3A_41 = tpu.memref_slice %arg4[%mul3A_8, %dma_wait3A_40] : memref<640x128xi32, #tpu.memory_space<hbm>> -> memref<40x128xi32, #tpu.memory_space<hbm>>
      tpu.wait_dma2 semaphore(%run_scoped3A : memref<!tpu.dma_semaphore, #tpu.memory_space<semaphore_mem>>) src(%dma_wait3A_41 : memref<40x128xi32, #tpu.memory_space<hbm>>) dst(%arg8 : memref<40x128xi32, #tpu.memory_space<vmem>>)
      tpu.yield
    }) : () -> ()
    %barrier3A = arith.constant 0 : index
    tpu.barrier barrier_id(%barrier3A)
    %dma_start3A = arith.constant 0 : i32
    %dma_start3A_9 = arith.constant 0 : i32
    %dma_start3A_10 = tpu.memref_slice %arg7[%dma_start3A, %dma_start3A_9] : memref<40x128xi32, #tpu.memory_space<vmem>> -> memref<1x128xi32, #tpu.memory_space<vmem>>
    %dma_start3A_11 = tpu.memref_squeeze %dma_start3A_10 : memref<1x128xi32, #tpu.memory_space<vmem>> -> memref<128xi32, #tpu.memory_space<vmem>>
    %dma_start3A_12 = arith.constant 0 : i32
    %dma_start3A_13 = arith.constant 0 : i32
    %dma_start3A_14 = tpu.memref_slice %arg2[%dma_start3A_12, %dma_start3A_13] : memref<20480x128xf32, #tpu.memory_space<hbm>> -> memref<20480x128xf32, #tpu.memory_space<hbm>>
    tpu.enqueue_indirect_dma source(%dma_start3A_14 : memref<20480x128xf32, #tpu.memory_space<hbm>>) target(%arg9 : memref<128x128xf32, #tpu.memory_space<vmem>>) offsets(%dma_start3A_11 : memref<128xi32, #tpu.memory_space<vmem>>) semaphore(%arg12 : memref<!tpu.dma_semaphore, #tpu.memory_space<semaphore_mem>>)
    %dma_start3A_15 = arith.constant 1 : i32
    %dma_start3A_16 = arith.constant 0 : i32
    %dma_start3A_17 = tpu.memref_slice %arg7[%dma_start3A_15, %dma_start3A_16] : memref<40x128xi32, #tpu.memory_space<vmem>> -> memref<1x128xi32, #tpu.memory_space<vmem>>
    %dma_start3A_18 = tpu.memref_squeeze %dma_start3A_17 : memref<1x128xi32, #tpu.memory_space<vmem>> -> memref<128xi32, #tpu.memory_space<vmem>>
    %dma_start3A_19 = arith.constant 0 : i32
    %dma_start3A_20 = arith.constant 0 : i32
    %dma_start3A_21 = tpu.memref_slice %arg2[%dma_start3A_19, %dma_start3A_20] : memref<20480x128xf32, #tpu.memory_space<hbm>> -> memref<20480x128xf32, #tpu.memory_space<hbm>>
    tpu.enqueue_indirect_dma source(%dma_start3A_21 : memref<20480x128xf32, #tpu.memory_space<hbm>>) target(%arg10 : memref<128x128xf32, #tpu.memory_space<vmem>>) offsets(%dma_start3A_18 : memref<128xi32, #tpu.memory_space<vmem>>) semaphore(%arg13 : memref<!tpu.dma_semaphore, #tpu.memory_space<semaphore_mem>>)
    %scan3A = arith.constant 0 : i32
    %scan3A_22 = arith.constant 0 : i32
    %scan3A_23 = arith.constant 20 : i32
    %scan3A_24 = arith.addi %scan3A_22, %scan3A_23 : i32
    %scan3A_25 = arith.constant 1 : i32
    scf.for %scan3A_35 = %scan3A_22 to %scan3A_24 step %scan3A_25  : i32 {
      %mul3A_36 = arith.constant 2 : i32
      %mul3A_37 = arith.muli %scan3A_35, %mul3A_36 : i32
      %dma_wait3A = arith.constant 0 : i32
      %dma_wait3A_38 = tpu.memref_slice %arg7[%mul3A_37, %dma_wait3A] : memref<40x128xi32, #tpu.memory_space<vmem>> -> memref<1x128xi32, #tpu.memory_space<vmem>>
      %dma_wait3A_39 = tpu.memref_squeeze %dma_wait3A_38 : memref<1x128xi32, #tpu.memory_space<vmem>> -> memref<128xi32, #tpu.memory_space<vmem>>
      %dma_wait3A_40 = arith.constant 0 : i32
      %dma_wait3A_41 = arith.constant 0 : i32
      %dma_wait3A_42 = tpu.memref_slice %arg2[%dma_wait3A_40, %dma_wait3A_41] : memref<20480x128xf32, #tpu.memory_space<hbm>> -> memref<20480x128xf32, #tpu.memory_space<hbm>>
      tpu.wait_indirect_dma semaphore(%arg12 : memref<!tpu.dma_semaphore, #tpu.memory_space<semaphore_mem>>) src(%dma_wait3A_42 : memref<20480x128xf32, #tpu.memory_space<hbm>>) dst(%arg9 : memref<128x128xf32, #tpu.memory_space<vmem>>)
      "tpu.region"() ({
        %run_scoped3A = tpu.sem_alloc : memref<!tpu.dma_semaphore, #tpu.memory_space<semaphore_mem>>
        %dma_start3A_64 = arith.constant 0 : i32
        %dma_start3A_65 = tpu.memref_slice %arg8[%mul3A_37, %dma_start3A_64] : memref<40x128xi32, #tpu.memory_space<vmem>> -> memref<1x128xi32, #tpu.memory_space<vmem>>
        %dma_start3A_66 = tpu.memref_squeeze %dma_start3A_65 : memref<1x128xi32, #tpu.memory_space<vmem>> -> memref<128xi32, #tpu.memory_space<vmem>>
        %dma_start3A_67 = arith.constant 0 : i32
        %dma_start3A_68 = arith.constant 0 : i32
        %dma_start3A_69 = tpu.memref_slice %arg11[%dma_start3A_67, %dma_start3A_68] : memref<10240x128xf32, #tpu.memory_space<vmem_shared>> -> memref<10240x128xf32, #tpu.memory_space<vmem_shared>>
        tpu.enqueue_indirect_dma source(%arg9 : memref<128x128xf32, #tpu.memory_space<vmem>>) target(%dma_start3A_69 : memref<10240x128xf32, #tpu.memory_space<vmem_shared>>) offsets(%dma_start3A_66 : memref<128xi32, #tpu.memory_space<vmem>>) semaphore(%run_scoped3A : memref<!tpu.dma_semaphore, #tpu.memory_space<semaphore_mem>>) {add = true}
        %dma_wait3A_70 = arith.constant 0 : i32
        %dma_wait3A_71 = tpu.memref_slice %arg8[%mul3A_37, %dma_wait3A_70] : memref<40x128xi32, #tpu.memory_space<vmem>> -> memref<1x128xi32, #tpu.memory_space<vmem>>
        %dma_wait3A_72 = tpu.memref_squeeze %dma_wait3A_71 : memref<1x128xi32, #tpu.memory_space<vmem>> -> memref<128xi32, #tpu.memory_space<vmem>>
        %dma_wait3A_73 = arith.constant 0 : i32
        %dma_wait3A_74 = arith.constant 0 : i32
        %dma_wait3A_75 = tpu.memref_slice %arg11[%dma_wait3A_73, %dma_wait3A_74] : memref<10240x128xf32, #tpu.memory_space<vmem_shared>> -> memref<10240x128xf32, #tpu.memory_space<vmem_shared>>
        tpu.wait_indirect_dma semaphore(%run_scoped3A : memref<!tpu.dma_semaphore, #tpu.memory_space<semaphore_mem>>) src(%arg9 : memref<128x128xf32, #tpu.memory_space<vmem>>) dst(%dma_wait3A_75 : memref<10240x128xf32, #tpu.memory_space<vmem_shared>>)
        tpu.yield
      }) : () -> ()
      %add3A_43 = arith.constant 1 : i32
      %add3A_44 = arith.addi %scan3A_35, %add3A_43 : i32
      %lt3A = arith.constant 20 : i32
      %lt3A_45 = arith.cmpi slt, %add3A_44, %lt3A : i32
      %convert_element_type3A = arith.extui %lt3A_45 : i1 to i32
      %cond3A = arith.constant 0 : i32
      %cond3A_46 = arith.cmpi ne, %convert_element_type3A, %cond3A : i32
      scf.if %cond3A_46 {
        %add3A_64 = arith.constant 2 : i32
        %add3A_65 = arith.addi %mul3A_37, %add3A_64 : i32
        %dma_start3A_66 = arith.constant 0 : i32
        %dma_start3A_67 = tpu.memref_slice %arg7[%add3A_65, %dma_start3A_66] : memref<40x128xi32, #tpu.memory_space<vmem>> -> memref<1x128xi32, #tpu.memory_space<vmem>>
        %dma_start3A_68 = tpu.memref_squeeze %dma_start3A_67 : memref<1x128xi32, #tpu.memory_space<vmem>> -> memref<128xi32, #tpu.memory_space<vmem>>
        %dma_start3A_69 = arith.constant 0 : i32
        %dma_start3A_70 = arith.constant 0 : i32
        %dma_start3A_71 = tpu.memref_slice %arg2[%dma_start3A_69, %dma_start3A_70] : memref<20480x128xf32, #tpu.memory_space<hbm>> -> memref<20480x128xf32, #tpu.memory_space<hbm>>
        tpu.enqueue_indirect_dma source(%dma_start3A_71 : memref<20480x128xf32, #tpu.memory_space<hbm>>) target(%arg9 : memref<128x128xf32, #tpu.memory_space<vmem>>) offsets(%dma_start3A_68 : memref<128xi32, #tpu.memory_space<vmem>>) semaphore(%arg12 : memref<!tpu.dma_semaphore, #tpu.memory_space<semaphore_mem>>)
      } else {
      }
      %add3A_47 = arith.constant 1 : i32
      %add3A_48 = arith.addi %mul3A_37, %add3A_47 : i32
      %dma_wait3A_49 = arith.constant 0 : i32
      %dma_wait3A_50 = tpu.memref_slice %arg7[%add3A_48, %dma_wait3A_49] : memref<40x128xi32, #tpu.memory_space<vmem>> -> memref<1x128xi32, #tpu.memory_space<vmem>>
      %dma_wait3A_51 = tpu.memref_squeeze %dma_wait3A_50 : memref<1x128xi32, #tpu.memory_space<vmem>> -> memref<128xi32, #tpu.memory_space<vmem>>
      %dma_wait3A_52 = arith.constant 0 : i32
      %dma_wait3A_53 = arith.constant 0 : i32
      %dma_wait3A_54 = tpu.memref_slice %arg2[%dma_wait3A_52, %dma_wait3A_53] : memref<20480x128xf32, #tpu.memory_space<hbm>> -> memref<20480x128xf32, #tpu.memory_space<hbm>>
      tpu.wait_indirect_dma semaphore(%arg13 : memref<!tpu.dma_semaphore, #tpu.memory_space<semaphore_mem>>) src(%dma_wait3A_54 : memref<20480x128xf32, #tpu.memory_space<hbm>>) dst(%arg10 : memref<128x128xf32, #tpu.memory_space<vmem>>)
      %add3A_55 = arith.constant 1 : i32
      %add3A_56 = arith.addi %mul3A_37, %add3A_55 : i32
      "tpu.region"() ({
        %run_scoped3A = tpu.sem_alloc : memref<!tpu.dma_semaphore, #tpu.memory_space<semaphore_mem>>
        %dma_start3A_64 = arith.constant 0 : i32
        %dma_start3A_65 = tpu.memref_slice %arg8[%add3A_56, %dma_start3A_64] : memref<40x128xi32, #tpu.memory_space<vmem>> -> memref<1x128xi32, #tpu.memory_space<vmem>>
        %dma_start3A_66 = tpu.memref_squeeze %dma_start3A_65 : memref<1x128xi32, #tpu.memory_space<vmem>> -> memref<128xi32, #tpu.memory_space<vmem>>
        %dma_start3A_67 = arith.constant 0 : i32
        %dma_start3A_68 = arith.constant 0 : i32
        %dma_start3A_69 = tpu.memref_slice %arg11[%dma_start3A_67, %dma_start3A_68] : memref<10240x128xf32, #tpu.memory_space<vmem_shared>> -> memref<10240x128xf32, #tpu.memory_space<vmem_shared>>
        tpu.enqueue_indirect_dma source(%arg10 : memref<128x128xf32, #tpu.memory_space<vmem>>) target(%dma_start3A_69 : memref<10240x128xf32, #tpu.memory_space<vmem_shared>>) offsets(%dma_start3A_66 : memref<128xi32, #tpu.memory_space<vmem>>) semaphore(%run_scoped3A : memref<!tpu.dma_semaphore, #tpu.memory_space<semaphore_mem>>) {add = true}
        %dma_wait3A_70 = arith.constant 0 : i32
        %dma_wait3A_71 = tpu.memref_slice %arg8[%add3A_56, %dma_wait3A_70] : memref<40x128xi32, #tpu.memory_space<vmem>> -> memref<1x128xi32, #tpu.memory_space<vmem>>
        %dma_wait3A_72 = tpu.memref_squeeze %dma_wait3A_71 : memref<1x128xi32, #tpu.memory_space<vmem>> -> memref<128xi32, #tpu.memory_space<vmem>>
        %dma_wait3A_73 = arith.constant 0 : i32
        %dma_wait3A_74 = arith.constant 0 : i32
        %dma_wait3A_75 = tpu.memref_slice %arg11[%dma_wait3A_73, %dma_wait3A_74] : memref<10240x128xf32, #tpu.memory_space<vmem_shared>> -> memref<10240x128xf32, #tpu.memory_space<vmem_shared>>
        tpu.wait_indirect_dma semaphore(%run_scoped3A : memref<!tpu.dma_semaphore, #tpu.memory_space<semaphore_mem>>) src(%arg10 : memref<128x128xf32, #tpu.memory_space<vmem>>) dst(%dma_wait3A_75 : memref<10240x128xf32, #tpu.memory_space<vmem_shared>>)
        tpu.yield
      }) : () -> ()
      %add3A_57 = arith.constant 1 : i32
      %add3A_58 = arith.addi %scan3A_35, %add3A_57 : i32
      %lt3A_59 = arith.constant 20 : i32
      %lt3A_60 = arith.cmpi slt, %add3A_58, %lt3A_59 : i32
      %convert_element_type3A_61 = arith.extui %lt3A_60 : i1 to i32
      %cond3A_62 = arith.constant 0 : i32
      %cond3A_63 = arith.cmpi ne, %convert_element_type3A_61, %cond3A_62 : i32
      scf.if %cond3A_63 {
        %add3A_64 = arith.constant 3 : i32
        %add3A_65 = arith.addi %mul3A_37, %add3A_64 : i32
        %dma_start3A_66 = arith.constant 0 : i32
        %dma_start3A_67 = tpu.memref_slice %arg7[%add3A_65, %dma_start3A_66] : memref<40x128xi32, #tpu.memory_space<vmem>> -> memref<1x128xi32, #tpu.memory_space<vmem>>
        %dma_start3A_68 = tpu.memref_squeeze %dma_start3A_67 : memref<1x128xi32, #tpu.memory_space<vmem>> -> memref<128xi32, #tpu.memory_space<vmem>>
        %dma_start3A_69 = arith.constant 0 : i32
        %dma_start3A_70 = arith.constant 0 : i32
        %dma_start3A_71 = tpu.memref_slice %arg2[%dma_start3A_69, %dma_start3A_70] : memref<20480x128xf32, #tpu.memory_space<hbm>> -> memref<20480x128xf32, #tpu.memory_space<hbm>>
        tpu.enqueue_indirect_dma source(%dma_start3A_71 : memref<20480x128xf32, #tpu.memory_space<hbm>>) target(%arg10 : memref<128x128xf32, #tpu.memory_space<vmem>>) offsets(%dma_start3A_68 : memref<128xi32, #tpu.memory_space<vmem>>) semaphore(%arg13 : memref<!tpu.dma_semaphore, #tpu.memory_space<semaphore_mem>>)
      } else {
      }
    }
    %scan3A_26 = arith.constant 20 : i32
    %barrier3A_27 = arith.constant 0 : index
    tpu.barrier barrier_id(%barrier3A_27)
    %mul3A_28 = arith.constant 640 : i32
    %mul3A_29 = arith.muli %arg1, %mul3A_28 : i32
    %mul3A_30 = arith.constant 10240 : i32
    %mul3A_31 = arith.muli %arg0, %mul3A_30 : i32
    %mul3A_32 = arith.constant 640 : i32
    %mul3A_33 = arith.muli %arg1, %mul3A_32 : i32
    %add3A_34 = arith.addi %mul3A_31, %mul3A_33 : i32
    "tpu.region"() ({
      %run_scoped3A = tpu.sem_alloc : memref<!tpu.dma_semaphore, #tpu.memory_space<semaphore_mem>>
      %dma_start3A_35 = arith.constant 0 : i32
      %dma_start3A_36 = tpu.memref_slice %arg6[%add3A_34, %dma_start3A_35] : memref<20480x128xf32, #tpu.memory_space<hbm>> -> memref<640x128xf32, #tpu.memory_space<hbm>>
      %dma_start3A_37 = arith.constant 0 : i32
      %dma_start3A_38 = tpu.memref_slice %arg11[%mul3A_29, %dma_start3A_37] : memref<10240x128xf32, #tpu.memory_space<vmem_shared>> -> memref<640x128xf32, #tpu.memory_space<vmem_shared>>
      tpu.enqueue_dma source(%dma_start3A_38 : memref<640x128xf32, #tpu.memory_space<vmem_shared>>) target(%dma_start3A_36 : memref<640x128xf32, #tpu.memory_space<hbm>>) target_semaphore(%run_scoped3A : memref<!tpu.dma_semaphore, #tpu.memory_space<semaphore_mem>>)
      %dma_wait3A = arith.constant 0 : i32
      %dma_wait3A_39 = tpu.memref_slice %arg6[%add3A_34, %dma_wait3A] : memref<20480x128xf32, #tpu.memory_space<hbm>> -> memref<640x128xf32, #tpu.memory_space<hbm>>
      %dma_wait3A_40 = arith.constant 0 : i32
      %dma_wait3A_41 = tpu.memref_slice %arg11[%mul3A_29, %dma_wait3A_40] : memref<10240x128xf32, #tpu.memory_space<vmem_shared>> -> memref<640x128xf32, #tpu.memory_space<vmem_shared>>
      tpu.wait_dma2 semaphore(%run_scoped3A : memref<!tpu.dma_semaphore, #tpu.memory_space<semaphore_mem>>) src(%dma_wait3A_41 : memref<640x128xf32, #tpu.memory_space<vmem_shared>>) dst(%dma_wait3A_39 : memref<640x128xf32, #tpu.memory_space<hbm>>)
      tpu.yield
    }) : () -> ()
    return
  }
}

#map = affine_map<(d0, d1) -> (0, 0)>
module attributes {stable_mosaic.version = 14 : i64} {
  func.func @_sc_conv1(%arg0: i32, %arg1: i32, %arg2: memref<20480x128xf32, #tpu.memory_space<hbm>>, %arg3: memref<1280x128xi32, #tpu.memory_space<hbm>>, %arg4: memref<640x128xi32, #tpu.memory_space<hbm>>, %arg5: memref<10240x128xf32, #tpu.memory_space<hbm>>, %arg6: memref<20480x128xf32, #tpu.memory_space<hbm>>, %arg7: memref<40x128xi32, #tpu.memory_space<vmem>>, %arg8: memref<40x128xi32, #tpu.memory_space<vmem>>, %arg9: memref<128x128xf32, #tpu.memory_space<vmem>>, %arg10: memref<128x128xf32, #tpu.memory_space<vmem>>, %arg11: memref<10240x128xf32, #tpu.memory_space<vmem_shared>>, %arg12: memref<!tpu.dma_semaphore, #tpu.memory_space<semaphore_mem>>, %arg13: memref<!tpu.dma_semaphore, #tpu.memory_space<semaphore_mem>>) attributes {dimension_semantics = [#tpu.dimension_semantics<core_parallel>, #tpu.dimension_semantics<subcore_parallel>], iteration_bounds = array<i64: 2, 16>, scalar_prefetch = 0 : i64, scratch_operands = 7 : i64, tpu.core_type = #tpu.core_type<sc_vector_subcore>, window_params = [{transform_indices = #map}, {transform_indices = #map}, {transform_indices = #map}, {transform_indices = #map}, {transform_indices = #map}]} {
    %mul3A = arith.constant 640 : i32
    %mul3A_0 = arith.muli %arg1, %mul3A : i32
    %mul3A_1 = arith.constant 640 : i32
    %mul3A_2 = arith.muli %arg1, %mul3A_1 : i32
    "tpu.region"() ({
      %run_scoped3A = tpu.sem_alloc : memref<!tpu.dma_semaphore, #tpu.memory_space<semaphore_mem>>
      %dma_start3A_35 = arith.constant 0 : i32
      %dma_start3A_36 = tpu.memref_slice %arg11[%mul3A_2, %dma_start3A_35] : memref<10240x128xf32, #tpu.memory_space<vmem_shared>> -> memref<640x128xf32, #tpu.memory_space<vmem_shared>>
      %dma_start3A_37 = arith.constant 0 : i32
      %dma_start3A_38 = tpu.memref_slice %arg5[%mul3A_0, %dma_start3A_37] : memref<10240x128xf32, #tpu.memory_space<hbm>> -> memref<640x128xf32, #tpu.memory_space<hbm>>
      tpu.enqueue_dma source(%dma_start3A_38 : memref<640x128xf32, #tpu.memory_space<hbm>>) target(%dma_start3A_36 : memref<640x128xf32, #tpu.memory_space<vmem_shared>>) target_semaphore(%run_scoped3A : memref<!tpu.dma_semaphore, #tpu.memory_space<semaphore_mem>>)
      %dma_wait3A = arith.constant 0 : i32
      %dma_wait3A_39 = tpu.memref_slice %arg11[%mul3A_2, %dma_wait3A] : memref<10240x128xf32, #tpu.memory_space<vmem_shared>> -> memref<640x128xf32, #tpu.memory_space<vmem_shared>>
      %dma_wait3A_40 = arith.constant 0 : i32
      %dma_wait3A_41 = tpu.memref_slice %arg5[%mul3A_0, %dma_wait3A_40] : memref<10240x128xf32, #tpu.memory_space<hbm>> -> memref<640x128xf32, #tpu.memory_space<hbm>>
      tpu.wait_dma2 semaphore(%run_scoped3A : memref<!tpu.dma_semaphore, #tpu.memory_space<semaphore_mem>>) src(%dma_wait3A_41 : memref<640x128xf32, #tpu.memory_space<hbm>>) dst(%dma_wait3A_39 : memref<640x128xf32, #tpu.memory_space<vmem_shared>>)
      tpu.yield
    }) : () -> ()
    %mul3A_3 = arith.constant 16 : i32
    %mul3A_4 = arith.muli %arg0, %mul3A_3 : i32
    %add3A = arith.addi %mul3A_4, %arg1 : i32
    %mul3A_5 = arith.constant 40 : i32
    %mul3A_6 = arith.muli %add3A, %mul3A_5 : i32
    "tpu.region"() ({
      %run_scoped3A = tpu.sem_alloc : memref<!tpu.dma_semaphore, #tpu.memory_space<semaphore_mem>>
      %dma_start3A_35 = arith.constant 0 : i32
      %dma_start3A_36 = tpu.memref_slice %arg3[%mul3A_6, %dma_start3A_35] : memref<1280x128xi32, #tpu.memory_space<hbm>> -> memref<40x128xi32, #tpu.memory_space<hbm>>
      %dma_start3A_37 = arith.constant 0 : i32
      %dma_start3A_38 = tpu.memref_slice %arg3[%mul3A_6, %dma_start3A_37] : memref<1280x128xi32, #tpu.memory_space<hbm>> -> memref<40x128xi32, #tpu.memory_space<hbm>>
      tpu.enqueue_dma source(%dma_start3A_38 : memref<40x128xi32, #tpu.memory_space<hbm>>) target(%arg7 : memref<40x128xi32, #tpu.memory_space<vmem>>) target_semaphore(%run_scoped3A : memref<!tpu.dma_semaphore, #tpu.memory_space<semaphore_mem>>)
      %dma_wait3A = arith.constant 0 : i32
      %dma_wait3A_39 = tpu.memref_slice %arg3[%mul3A_6, %dma_wait3A] : memref<1280x128xi32, #tpu.memory_space<hbm>> -> memref<40x128xi32, #tpu.memory_space<hbm>>
      %dma_wait3A_40 = arith.constant 0 : i32
      %dma_wait3A_41 = tpu.memref_slice %arg3[%mul3A_6, %dma_wait3A_40] : memref<1280x128xi32, #tpu.memory_space<hbm>> -> memref<40x128xi32, #tpu.memory_space<hbm>>
      tpu.wait_dma2 semaphore(%run_scoped3A : memref<!tpu.dma_semaphore, #tpu.memory_space<semaphore_mem>>) src(%dma_wait3A_41 : memref<40x128xi32, #tpu.memory_space<hbm>>) dst(%arg7 : memref<40x128xi32, #tpu.memory_space<vmem>>)
      tpu.yield
    }) : () -> ()
    %mul3A_7 = arith.constant 40 : i32
    %mul3A_8 = arith.muli %arg1, %mul3A_7 : i32
    "tpu.region"() ({
      %run_scoped3A = tpu.sem_alloc : memref<!tpu.dma_semaphore, #tpu.memory_space<semaphore_mem>>
      %dma_start3A_35 = arith.constant 0 : i32
      %dma_start3A_36 = tpu.memref_slice %arg4[%mul3A_8, %dma_start3A_35] : memref<640x128xi32, #tpu.memory_space<hbm>> -> memref<40x128xi32, #tpu.memory_space<hbm>>
      %dma_start3A_37 = arith.constant 0 : i32
      %dma_start3A_38 = tpu.memref_slice %arg4[%mul3A_8, %dma_start3A_37] : memref<640x128xi32, #tpu.memory_space<hbm>> -> memref<40x128xi32, #tpu.memory_space<hbm>>
      tpu.enqueue_dma source(%dma_start3A_38 : memref<40x128xi32, #tpu.memory_space<hbm>>) target(%arg8 : memref<40x128xi32, #tpu.memory_space<vmem>>) target_semaphore(%run_scoped3A : memref<!tpu.dma_semaphore, #tpu.memory_space<semaphore_mem>>)
      %dma_wait3A = arith.constant 0 : i32
      %dma_wait3A_39 = tpu.memref_slice %arg4[%mul3A_8, %dma_wait3A] : memref<640x128xi32, #tpu.memory_space<hbm>> -> memref<40x128xi32, #tpu.memory_space<hbm>>
      %dma_wait3A_40 = arith.constant 0 : i32
      %dma_wait3A_41 = tpu.memref_slice %arg4[%mul3A_8, %dma_wait3A_40] : memref<640x128xi32, #tpu.memory_space<hbm>> -> memref<40x128xi32, #tpu.memory_space<hbm>>
      tpu.wait_dma2 semaphore(%run_scoped3A : memref<!tpu.dma_semaphore, #tpu.memory_space<semaphore_mem>>) src(%dma_wait3A_41 : memref<40x128xi32, #tpu.memory_space<hbm>>) dst(%arg8 : memref<40x128xi32, #tpu.memory_space<vmem>>)
      tpu.yield
    }) : () -> ()
    %barrier3A = arith.constant 0 : index
    tpu.barrier barrier_id(%barrier3A)
    %dma_start3A = arith.constant 0 : i32
    %dma_start3A_9 = arith.constant 0 : i32
    %dma_start3A_10 = tpu.memref_slice %arg7[%dma_start3A, %dma_start3A_9] : memref<40x128xi32, #tpu.memory_space<vmem>> -> memref<1x128xi32, #tpu.memory_space<vmem>>
    %dma_start3A_11 = tpu.memref_squeeze %dma_start3A_10 : memref<1x128xi32, #tpu.memory_space<vmem>> -> memref<128xi32, #tpu.memory_space<vmem>>
    %dma_start3A_12 = arith.constant 0 : i32
    %dma_start3A_13 = arith.constant 0 : i32
    %dma_start3A_14 = tpu.memref_slice %arg2[%dma_start3A_12, %dma_start3A_13] : memref<20480x128xf32, #tpu.memory_space<hbm>> -> memref<20480x128xf32, #tpu.memory_space<hbm>>
    tpu.enqueue_indirect_dma source(%dma_start3A_14 : memref<20480x128xf32, #tpu.memory_space<hbm>>) target(%arg9 : memref<128x128xf32, #tpu.memory_space<vmem>>) offsets(%dma_start3A_11 : memref<128xi32, #tpu.memory_space<vmem>>) semaphore(%arg12 : memref<!tpu.dma_semaphore, #tpu.memory_space<semaphore_mem>>)
    %dma_start3A_15 = arith.constant 1 : i32
    %dma_start3A_16 = arith.constant 0 : i32
    %dma_start3A_17 = tpu.memref_slice %arg7[%dma_start3A_15, %dma_start3A_16] : memref<40x128xi32, #tpu.memory_space<vmem>> -> memref<1x128xi32, #tpu.memory_space<vmem>>
    %dma_start3A_18 = tpu.memref_squeeze %dma_start3A_17 : memref<1x128xi32, #tpu.memory_space<vmem>> -> memref<128xi32, #tpu.memory_space<vmem>>
    %dma_start3A_19 = arith.constant 0 : i32
    %dma_start3A_20 = arith.constant 0 : i32
    %dma_start3A_21 = tpu.memref_slice %arg2[%dma_start3A_19, %dma_start3A_20] : memref<20480x128xf32, #tpu.memory_space<hbm>> -> memref<20480x128xf32, #tpu.memory_space<hbm>>
    tpu.enqueue_indirect_dma source(%dma_start3A_21 : memref<20480x128xf32, #tpu.memory_space<hbm>>) target(%arg10 : memref<128x128xf32, #tpu.memory_space<vmem>>) offsets(%dma_start3A_18 : memref<128xi32, #tpu.memory_space<vmem>>) semaphore(%arg13 : memref<!tpu.dma_semaphore, #tpu.memory_space<semaphore_mem>>)
    %scan3A = arith.constant 0 : i32
    %scan3A_22 = arith.constant 0 : i32
    %scan3A_23 = arith.constant 20 : i32
    %scan3A_24 = arith.addi %scan3A_22, %scan3A_23 : i32
    %scan3A_25 = arith.constant 1 : i32
    scf.for %scan3A_35 = %scan3A_22 to %scan3A_24 step %scan3A_25  : i32 {
      %mul3A_36 = arith.constant 2 : i32
      %mul3A_37 = arith.muli %scan3A_35, %mul3A_36 : i32
      %dma_wait3A = arith.constant 0 : i32
      %dma_wait3A_38 = tpu.memref_slice %arg7[%mul3A_37, %dma_wait3A] : memref<40x128xi32, #tpu.memory_space<vmem>> -> memref<1x128xi32, #tpu.memory_space<vmem>>
      %dma_wait3A_39 = tpu.memref_squeeze %dma_wait3A_38 : memref<1x128xi32, #tpu.memory_space<vmem>> -> memref<128xi32, #tpu.memory_space<vmem>>
      %dma_wait3A_40 = arith.constant 0 : i32
      %dma_wait3A_41 = arith.constant 0 : i32
      %dma_wait3A_42 = tpu.memref_slice %arg2[%dma_wait3A_40, %dma_wait3A_41] : memref<20480x128xf32, #tpu.memory_space<hbm>> -> memref<20480x128xf32, #tpu.memory_space<hbm>>
      tpu.wait_indirect_dma semaphore(%arg12 : memref<!tpu.dma_semaphore, #tpu.memory_space<semaphore_mem>>) src(%dma_wait3A_42 : memref<20480x128xf32, #tpu.memory_space<hbm>>) dst(%arg9 : memref<128x128xf32, #tpu.memory_space<vmem>>)
      "tpu.region"() ({
        %run_scoped3A = tpu.sem_alloc : memref<!tpu.dma_semaphore, #tpu.memory_space<semaphore_mem>>
        %dma_start3A_64 = arith.constant 0 : i32
        %dma_start3A_65 = tpu.memref_slice %arg8[%mul3A_37, %dma_start3A_64] : memref<40x128xi32, #tpu.memory_space<vmem>> -> memref<1x128xi32, #tpu.memory_space<vmem>>
        %dma_start3A_66 = tpu.memref_squeeze %dma_start3A_65 : memref<1x128xi32, #tpu.memory_space<vmem>> -> memref<128xi32, #tpu.memory_space<vmem>>
        %dma_start3A_67 = arith.constant 0 : i32
        %dma_start3A_68 = arith.constant 0 : i32
        %dma_start3A_69 = tpu.memref_slice %arg11[%dma_start3A_67, %dma_start3A_68] : memref<10240x128xf32, #tpu.memory_space<vmem_shared>> -> memref<10240x128xf32, #tpu.memory_space<vmem_shared>>
        tpu.enqueue_indirect_dma source(%arg9 : memref<128x128xf32, #tpu.memory_space<vmem>>) target(%dma_start3A_69 : memref<10240x128xf32, #tpu.memory_space<vmem_shared>>) offsets(%dma_start3A_66 : memref<128xi32, #tpu.memory_space<vmem>>) semaphore(%run_scoped3A : memref<!tpu.dma_semaphore, #tpu.memory_space<semaphore_mem>>) {add = true}
        %dma_wait3A_70 = arith.constant 0 : i32
        %dma_wait3A_71 = tpu.memref_slice %arg8[%mul3A_37, %dma_wait3A_70] : memref<40x128xi32, #tpu.memory_space<vmem>> -> memref<1x128xi32, #tpu.memory_space<vmem>>
        %dma_wait3A_72 = tpu.memref_squeeze %dma_wait3A_71 : memref<1x128xi32, #tpu.memory_space<vmem>> -> memref<128xi32, #tpu.memory_space<vmem>>
        %dma_wait3A_73 = arith.constant 0 : i32
        %dma_wait3A_74 = arith.constant 0 : i32
        %dma_wait3A_75 = tpu.memref_slice %arg11[%dma_wait3A_73, %dma_wait3A_74] : memref<10240x128xf32, #tpu.memory_space<vmem_shared>> -> memref<10240x128xf32, #tpu.memory_space<vmem_shared>>
        tpu.wait_indirect_dma semaphore(%run_scoped3A : memref<!tpu.dma_semaphore, #tpu.memory_space<semaphore_mem>>) src(%arg9 : memref<128x128xf32, #tpu.memory_space<vmem>>) dst(%dma_wait3A_75 : memref<10240x128xf32, #tpu.memory_space<vmem_shared>>)
        tpu.yield
      }) : () -> ()
      %add3A_43 = arith.constant 1 : i32
      %add3A_44 = arith.addi %scan3A_35, %add3A_43 : i32
      %lt3A = arith.constant 20 : i32
      %lt3A_45 = arith.cmpi slt, %add3A_44, %lt3A : i32
      %convert_element_type3A = arith.extui %lt3A_45 : i1 to i32
      %cond3A = arith.constant 0 : i32
      %cond3A_46 = arith.cmpi ne, %convert_element_type3A, %cond3A : i32
      scf.if %cond3A_46 {
        %add3A_64 = arith.constant 2 : i32
        %add3A_65 = arith.addi %mul3A_37, %add3A_64 : i32
        %dma_start3A_66 = arith.constant 0 : i32
        %dma_start3A_67 = tpu.memref_slice %arg7[%add3A_65, %dma_start3A_66] : memref<40x128xi32, #tpu.memory_space<vmem>> -> memref<1x128xi32, #tpu.memory_space<vmem>>
        %dma_start3A_68 = tpu.memref_squeeze %dma_start3A_67 : memref<1x128xi32, #tpu.memory_space<vmem>> -> memref<128xi32, #tpu.memory_space<vmem>>
        %dma_start3A_69 = arith.constant 0 : i32
        %dma_start3A_70 = arith.constant 0 : i32
        %dma_start3A_71 = tpu.memref_slice %arg2[%dma_start3A_69, %dma_start3A_70] : memref<20480x128xf32, #tpu.memory_space<hbm>> -> memref<20480x128xf32, #tpu.memory_space<hbm>>
        tpu.enqueue_indirect_dma source(%dma_start3A_71 : memref<20480x128xf32, #tpu.memory_space<hbm>>) target(%arg9 : memref<128x128xf32, #tpu.memory_space<vmem>>) offsets(%dma_start3A_68 : memref<128xi32, #tpu.memory_space<vmem>>) semaphore(%arg12 : memref<!tpu.dma_semaphore, #tpu.memory_space<semaphore_mem>>)
      } else {
      }
      %add3A_47 = arith.constant 1 : i32
      %add3A_48 = arith.addi %mul3A_37, %add3A_47 : i32
      %dma_wait3A_49 = arith.constant 0 : i32
      %dma_wait3A_50 = tpu.memref_slice %arg7[%add3A_48, %dma_wait3A_49] : memref<40x128xi32, #tpu.memory_space<vmem>> -> memref<1x128xi32, #tpu.memory_space<vmem>>
      %dma_wait3A_51 = tpu.memref_squeeze %dma_wait3A_50 : memref<1x128xi32, #tpu.memory_space<vmem>> -> memref<128xi32, #tpu.memory_space<vmem>>
      %dma_wait3A_52 = arith.constant 0 : i32
      %dma_wait3A_53 = arith.constant 0 : i32
      %dma_wait3A_54 = tpu.memref_slice %arg2[%dma_wait3A_52, %dma_wait3A_53] : memref<20480x128xf32, #tpu.memory_space<hbm>> -> memref<20480x128xf32, #tpu.memory_space<hbm>>
      tpu.wait_indirect_dma semaphore(%arg13 : memref<!tpu.dma_semaphore, #tpu.memory_space<semaphore_mem>>) src(%dma_wait3A_54 : memref<20480x128xf32, #tpu.memory_space<hbm>>) dst(%arg10 : memref<128x128xf32, #tpu.memory_space<vmem>>)
      %add3A_55 = arith.constant 1 : i32
      %add3A_56 = arith.addi %mul3A_37, %add3A_55 : i32
      "tpu.region"() ({
        %run_scoped3A = tpu.sem_alloc : memref<!tpu.dma_semaphore, #tpu.memory_space<semaphore_mem>>
        %dma_start3A_64 = arith.constant 0 : i32
        %dma_start3A_65 = tpu.memref_slice %arg8[%add3A_56, %dma_start3A_64] : memref<40x128xi32, #tpu.memory_space<vmem>> -> memref<1x128xi32, #tpu.memory_space<vmem>>
        %dma_start3A_66 = tpu.memref_squeeze %dma_start3A_65 : memref<1x128xi32, #tpu.memory_space<vmem>> -> memref<128xi32, #tpu.memory_space<vmem>>
        %dma_start3A_67 = arith.constant 0 : i32
        %dma_start3A_68 = arith.constant 0 : i32
        %dma_start3A_69 = tpu.memref_slice %arg11[%dma_start3A_67, %dma_start3A_68] : memref<10240x128xf32, #tpu.memory_space<vmem_shared>> -> memref<10240x128xf32, #tpu.memory_space<vmem_shared>>
        tpu.enqueue_indirect_dma source(%arg10 : memref<128x128xf32, #tpu.memory_space<vmem>>) target(%dma_start3A_69 : memref<10240x128xf32, #tpu.memory_space<vmem_shared>>) offsets(%dma_start3A_66 : memref<128xi32, #tpu.memory_space<vmem>>) semaphore(%run_scoped3A : memref<!tpu.dma_semaphore, #tpu.memory_space<semaphore_mem>>) {add = true}
        %dma_wait3A_70 = arith.constant 0 : i32
        %dma_wait3A_71 = tpu.memref_slice %arg8[%add3A_56, %dma_wait3A_70] : memref<40x128xi32, #tpu.memory_space<vmem>> -> memref<1x128xi32, #tpu.memory_space<vmem>>
        %dma_wait3A_72 = tpu.memref_squeeze %dma_wait3A_71 : memref<1x128xi32, #tpu.memory_space<vmem>> -> memref<128xi32, #tpu.memory_space<vmem>>
        %dma_wait3A_73 = arith.constant 0 : i32
        %dma_wait3A_74 = arith.constant 0 : i32
        %dma_wait3A_75 = tpu.memref_slice %arg11[%dma_wait3A_73, %dma_wait3A_74] : memref<10240x128xf32, #tpu.memory_space<vmem_shared>> -> memref<10240x128xf32, #tpu.memory_space<vmem_shared>>
        tpu.wait_indirect_dma semaphore(%run_scoped3A : memref<!tpu.dma_semaphore, #tpu.memory_space<semaphore_mem>>) src(%arg10 : memref<128x128xf32, #tpu.memory_space<vmem>>) dst(%dma_wait3A_75 : memref<10240x128xf32, #tpu.memory_space<vmem_shared>>)
        tpu.yield
      }) : () -> ()
      %add3A_57 = arith.constant 1 : i32
      %add3A_58 = arith.addi %scan3A_35, %add3A_57 : i32
      %lt3A_59 = arith.constant 20 : i32
      %lt3A_60 = arith.cmpi slt, %add3A_58, %lt3A_59 : i32
      %convert_element_type3A_61 = arith.extui %lt3A_60 : i1 to i32
      %cond3A_62 = arith.constant 0 : i32
      %cond3A_63 = arith.cmpi ne, %convert_element_type3A_61, %cond3A_62 : i32
      scf.if %cond3A_63 {
        %add3A_64 = arith.constant 3 : i32
        %add3A_65 = arith.addi %mul3A_37, %add3A_64 : i32
        %dma_start3A_66 = arith.constant 0 : i32
        %dma_start3A_67 = tpu.memref_slice %arg7[%add3A_65, %dma_start3A_66] : memref<40x128xi32, #tpu.memory_space<vmem>> -> memref<1x128xi32, #tpu.memory_space<vmem>>
        %dma_start3A_68 = tpu.memref_squeeze %dma_start3A_67 : memref<1x128xi32, #tpu.memory_space<vmem>> -> memref<128xi32, #tpu.memory_space<vmem>>
        %dma_start3A_69 = arith.constant 0 : i32
        %dma_start3A_70 = arith.constant 0 : i32
        %dma_start3A_71 = tpu.memref_slice %arg2[%dma_start3A_69, %dma_start3A_70] : memref<20480x128xf32, #tpu.memory_space<hbm>> -> memref<20480x128xf32, #tpu.memory_space<hbm>>
        tpu.enqueue_indirect_dma source(%dma_start3A_71 : memref<20480x128xf32, #tpu.memory_space<hbm>>) target(%arg10 : memref<128x128xf32, #tpu.memory_space<vmem>>) offsets(%dma_start3A_68 : memref<128xi32, #tpu.memory_space<vmem>>) semaphore(%arg13 : memref<!tpu.dma_semaphore, #tpu.memory_space<semaphore_mem>>)
      } else {
      }
    }
    %scan3A_26 = arith.constant 20 : i32
    %barrier3A_27 = arith.constant 0 : index
    tpu.barrier barrier_id(%barrier3A_27)
    %mul3A_28 = arith.constant 640 : i32
    %mul3A_29 = arith.muli %arg1, %mul3A_28 : i32
    %mul3A_30 = arith.constant 10240 : i32
    %mul3A_31 = arith.muli %arg0, %mul3A_30 : i32
    %mul3A_32 = arith.constant 640 : i32
    %mul3A_33 = arith.muli %arg1, %mul3A_32 : i32
    %add3A_34 = arith.addi %mul3A_31, %mul3A_33 : i32
    "tpu.region"() ({
      %run_scoped3A = tpu.sem_alloc : memref<!tpu.dma_semaphore, #tpu.memory_space<semaphore_mem>>
      %dma_start3A_35 = arith.constant 0 : i32
      %dma_start3A_36 = tpu.memref_slice %arg6[%add3A_34, %dma_start3A_35] : memref<20480x128xf32, #tpu.memory_space<hbm>> -> memref<640x128xf32, #tpu.memory_space<hbm>>
      %dma_start3A_37 = arith.constant 0 : i32
      %dma_start3A_38 = tpu.memref_slice %arg11[%mul3A_29, %dma_start3A_37] : memref<10240x128xf32, #tpu.memory_space<vmem_shared>> -> memref<640x128xf32, #tpu.memory_space<vmem_shared>>
      tpu.enqueue_dma source(%dma_start3A_38 : memref<640x128xf32, #tpu.memory_space<vmem_shared>>) target(%dma_start3A_36 : memref<640x128xf32, #tpu.memory_space<hbm>>) target_semaphore(%run_scoped3A : memref<!tpu.dma_semaphore, #tpu.memory_space<semaphore_mem>>)
      %dma_wait3A = arith.constant 0 : i32
      %dma_wait3A_39 = tpu.memref_slice %arg6[%add3A_34, %dma_wait3A] : memref<20480x128xf32, #tpu.memory_space<hbm>> -> memref<640x128xf32, #tpu.memory_space<hbm>>
      %dma_wait3A_40 = arith.constant 0 : i32
      %dma_wait3A_41 = tpu.memref_slice %arg11[%mul3A_29, %dma_wait3A_40] : memref<10240x128xf32, #tpu.memory_space<vmem_shared>> -> memref<640x128xf32, #tpu.memory_space<vmem_shared>>
      tpu.wait_dma2 semaphore(%run_scoped3A : memref<!tpu.dma_semaphore, #tpu.memory_space<semaphore_mem>>) src(%dma_wait3A_41 : memref<640x128xf32, #tpu.memory_space<vmem_shared>>) dst(%dma_wait3A_39 : memref<640x128xf32, #tpu.memory_space<hbm>>)
      tpu.yield
    }) : () -> ()
    return
  }
}

#map = affine_map<(d0, d1) -> (0, 0)>
module attributes {stable_mosaic.version = 14 : i64} {
  func.func @_sc_conv1(%arg0: i32, %arg1: i32, %arg2: memref<20480x128xf32, #tpu.memory_space<hbm>>, %arg3: memref<1280x128xi32, #tpu.memory_space<hbm>>, %arg4: memref<640x128xi32, #tpu.memory_space<hbm>>, %arg5: memref<10240x128xf32, #tpu.memory_space<hbm>>, %arg6: memref<20480x128xf32, #tpu.memory_space<hbm>>, %arg7: memref<40x128xi32, #tpu.memory_space<vmem>>, %arg8: memref<40x128xi32, #tpu.memory_space<vmem>>, %arg9: memref<128x128xf32, #tpu.memory_space<vmem>>, %arg10: memref<128x128xf32, #tpu.memory_space<vmem>>, %arg11: memref<10240x128xf32, #tpu.memory_space<vmem_shared>>, %arg12: memref<!tpu.dma_semaphore, #tpu.memory_space<semaphore_mem>>, %arg13: memref<!tpu.dma_semaphore, #tpu.memory_space<semaphore_mem>>) attributes {dimension_semantics = [#tpu.dimension_semantics<core_parallel>, #tpu.dimension_semantics<subcore_parallel>], iteration_bounds = array<i64: 2, 16>, scalar_prefetch = 0 : i64, scratch_operands = 7 : i64, tpu.core_type = #tpu.core_type<sc_vector_subcore>, window_params = [{transform_indices = #map}, {transform_indices = #map}, {transform_indices = #map}, {transform_indices = #map}, {transform_indices = #map}]} {
    %mul3A = arith.constant 640 : i32
    %mul3A_0 = arith.muli %arg1, %mul3A : i32
    %mul3A_1 = arith.constant 640 : i32
    %mul3A_2 = arith.muli %arg1, %mul3A_1 : i32
    "tpu.region"() ({
      %run_scoped3A = tpu.sem_alloc : memref<!tpu.dma_semaphore, #tpu.memory_space<semaphore_mem>>
      %dma_start3A_35 = arith.constant 0 : i32
      %dma_start3A_36 = tpu.memref_slice %arg11[%mul3A_2, %dma_start3A_35] : memref<10240x128xf32, #tpu.memory_space<vmem_shared>> -> memref<640x128xf32, #tpu.memory_space<vmem_shared>>
      %dma_start3A_37 = arith.constant 0 : i32
      %dma_start3A_38 = tpu.memref_slice %arg5[%mul3A_0, %dma_start3A_37] : memref<10240x128xf32, #tpu.memory_space<hbm>> -> memref<640x128xf32, #tpu.memory_space<hbm>>
      tpu.enqueue_dma source(%dma_start3A_38 : memref<640x128xf32, #tpu.memory_space<hbm>>) target(%dma_start3A_36 : memref<640x128xf32, #tpu.memory_space<vmem_shared>>) target_semaphore(%run_scoped3A : memref<!tpu.dma_semaphore, #tpu.memory_space<semaphore_mem>>)
      %dma_wait3A = arith.constant 0 : i32
      %dma_wait3A_39 = tpu.memref_slice %arg11[%mul3A_2, %dma_wait3A] : memref<10240x128xf32, #tpu.memory_space<vmem_shared>> -> memref<640x128xf32, #tpu.memory_space<vmem_shared>>
      %dma_wait3A_40 = arith.constant 0 : i32
      %dma_wait3A_41 = tpu.memref_slice %arg5[%mul3A_0, %dma_wait3A_40] : memref<10240x128xf32, #tpu.memory_space<hbm>> -> memref<640x128xf32, #tpu.memory_space<hbm>>
      tpu.wait_dma2 semaphore(%run_scoped3A : memref<!tpu.dma_semaphore, #tpu.memory_space<semaphore_mem>>) src(%dma_wait3A_41 : memref<640x128xf32, #tpu.memory_space<hbm>>) dst(%dma_wait3A_39 : memref<640x128xf32, #tpu.memory_space<vmem_shared>>)
      tpu.yield
    }) : () -> ()
    %mul3A_3 = arith.constant 16 : i32
    %mul3A_4 = arith.muli %arg0, %mul3A_3 : i32
    %add3A = arith.addi %mul3A_4, %arg1 : i32
    %mul3A_5 = arith.constant 40 : i32
    %mul3A_6 = arith.muli %add3A, %mul3A_5 : i32
    "tpu.region"() ({
      %run_scoped3A = tpu.sem_alloc : memref<!tpu.dma_semaphore, #tpu.memory_space<semaphore_mem>>
      %dma_start3A_35 = arith.constant 0 : i32
      %dma_start3A_36 = tpu.memref_slice %arg3[%mul3A_6, %dma_start3A_35] : memref<1280x128xi32, #tpu.memory_space<hbm>> -> memref<40x128xi32, #tpu.memory_space<hbm>>
      %dma_start3A_37 = arith.constant 0 : i32
      %dma_start3A_38 = tpu.memref_slice %arg3[%mul3A_6, %dma_start3A_37] : memref<1280x128xi32, #tpu.memory_space<hbm>> -> memref<40x128xi32, #tpu.memory_space<hbm>>
      tpu.enqueue_dma source(%dma_start3A_38 : memref<40x128xi32, #tpu.memory_space<hbm>>) target(%arg7 : memref<40x128xi32, #tpu.memory_space<vmem>>) target_semaphore(%run_scoped3A : memref<!tpu.dma_semaphore, #tpu.memory_space<semaphore_mem>>)
      %dma_wait3A = arith.constant 0 : i32
      %dma_wait3A_39 = tpu.memref_slice %arg3[%mul3A_6, %dma_wait3A] : memref<1280x128xi32, #tpu.memory_space<hbm>> -> memref<40x128xi32, #tpu.memory_space<hbm>>
      %dma_wait3A_40 = arith.constant 0 : i32
      %dma_wait3A_41 = tpu.memref_slice %arg3[%mul3A_6, %dma_wait3A_40] : memref<1280x128xi32, #tpu.memory_space<hbm>> -> memref<40x128xi32, #tpu.memory_space<hbm>>
      tpu.wait_dma2 semaphore(%run_scoped3A : memref<!tpu.dma_semaphore, #tpu.memory_space<semaphore_mem>>) src(%dma_wait3A_41 : memref<40x128xi32, #tpu.memory_space<hbm>>) dst(%arg7 : memref<40x128xi32, #tpu.memory_space<vmem>>)
      tpu.yield
    }) : () -> ()
    %mul3A_7 = arith.constant 40 : i32
    %mul3A_8 = arith.muli %arg1, %mul3A_7 : i32
    "tpu.region"() ({
      %run_scoped3A = tpu.sem_alloc : memref<!tpu.dma_semaphore, #tpu.memory_space<semaphore_mem>>
      %dma_start3A_35 = arith.constant 0 : i32
      %dma_start3A_36 = tpu.memref_slice %arg4[%mul3A_8, %dma_start3A_35] : memref<640x128xi32, #tpu.memory_space<hbm>> -> memref<40x128xi32, #tpu.memory_space<hbm>>
      %dma_start3A_37 = arith.constant 0 : i32
      %dma_start3A_38 = tpu.memref_slice %arg4[%mul3A_8, %dma_start3A_37] : memref<640x128xi32, #tpu.memory_space<hbm>> -> memref<40x128xi32, #tpu.memory_space<hbm>>
      tpu.enqueue_dma source(%dma_start3A_38 : memref<40x128xi32, #tpu.memory_space<hbm>>) target(%arg8 : memref<40x128xi32, #tpu.memory_space<vmem>>) target_semaphore(%run_scoped3A : memref<!tpu.dma_semaphore, #tpu.memory_space<semaphore_mem>>)
      %dma_wait3A = arith.constant 0 : i32
      %dma_wait3A_39 = tpu.memref_slice %arg4[%mul3A_8, %dma_wait3A] : memref<640x128xi32, #tpu.memory_space<hbm>> -> memref<40x128xi32, #tpu.memory_space<hbm>>
      %dma_wait3A_40 = arith.constant 0 : i32
      %dma_wait3A_41 = tpu.memref_slice %arg4[%mul3A_8, %dma_wait3A_40] : memref<640x128xi32, #tpu.memory_space<hbm>> -> memref<40x128xi32, #tpu.memory_space<hbm>>
      tpu.wait_dma2 semaphore(%run_scoped3A : memref<!tpu.dma_semaphore, #tpu.memory_space<semaphore_mem>>) src(%dma_wait3A_41 : memref<40x128xi32, #tpu.memory_space<hbm>>) dst(%arg8 : memref<40x128xi32, #tpu.memory_space<vmem>>)
      tpu.yield
    }) : () -> ()
    %barrier3A = arith.constant 0 : index
    tpu.barrier barrier_id(%barrier3A)
    %dma_start3A = arith.constant 0 : i32
    %dma_start3A_9 = arith.constant 0 : i32
    %dma_start3A_10 = tpu.memref_slice %arg7[%dma_start3A, %dma_start3A_9] : memref<40x128xi32, #tpu.memory_space<vmem>> -> memref<1x128xi32, #tpu.memory_space<vmem>>
    %dma_start3A_11 = tpu.memref_squeeze %dma_start3A_10 : memref<1x128xi32, #tpu.memory_space<vmem>> -> memref<128xi32, #tpu.memory_space<vmem>>
    %dma_start3A_12 = arith.constant 0 : i32
    %dma_start3A_13 = arith.constant 0 : i32
    %dma_start3A_14 = tpu.memref_slice %arg2[%dma_start3A_12, %dma_start3A_13] : memref<20480x128xf32, #tpu.memory_space<hbm>> -> memref<20480x128xf32, #tpu.memory_space<hbm>>
    tpu.enqueue_indirect_dma source(%dma_start3A_14 : memref<20480x128xf32, #tpu.memory_space<hbm>>) target(%arg9 : memref<128x128xf32, #tpu.memory_space<vmem>>) offsets(%dma_start3A_11 : memref<128xi32, #tpu.memory_space<vmem>>) semaphore(%arg12 : memref<!tpu.dma_semaphore, #tpu.memory_space<semaphore_mem>>)
    %dma_start3A_15 = arith.constant 1 : i32
    %dma_start3A_16 = arith.constant 0 : i32
    %dma_start3A_17 = tpu.memref_slice %arg7[%dma_start3A_15, %dma_start3A_16] : memref<40x128xi32, #tpu.memory_space<vmem>> -> memref<1x128xi32, #tpu.memory_space<vmem>>
    %dma_start3A_18 = tpu.memref_squeeze %dma_start3A_17 : memref<1x128xi32, #tpu.memory_space<vmem>> -> memref<128xi32, #tpu.memory_space<vmem>>
    %dma_start3A_19 = arith.constant 0 : i32
    %dma_start3A_20 = arith.constant 0 : i32
    %dma_start3A_21 = tpu.memref_slice %arg2[%dma_start3A_19, %dma_start3A_20] : memref<20480x128xf32, #tpu.memory_space<hbm>> -> memref<20480x128xf32, #tpu.memory_space<hbm>>
    tpu.enqueue_indirect_dma source(%dma_start3A_21 : memref<20480x128xf32, #tpu.memory_space<hbm>>) target(%arg10 : memref<128x128xf32, #tpu.memory_space<vmem>>) offsets(%dma_start3A_18 : memref<128xi32, #tpu.memory_space<vmem>>) semaphore(%arg13 : memref<!tpu.dma_semaphore, #tpu.memory_space<semaphore_mem>>)
    %scan3A = arith.constant 0 : i32
    %scan3A_22 = arith.constant 0 : i32
    %scan3A_23 = arith.constant 20 : i32
    %scan3A_24 = arith.addi %scan3A_22, %scan3A_23 : i32
    %scan3A_25 = arith.constant 1 : i32
    scf.for %scan3A_35 = %scan3A_22 to %scan3A_24 step %scan3A_25  : i32 {
      %mul3A_36 = arith.constant 2 : i32
      %mul3A_37 = arith.muli %scan3A_35, %mul3A_36 : i32
      %dma_wait3A = arith.constant 0 : i32
      %dma_wait3A_38 = tpu.memref_slice %arg7[%mul3A_37, %dma_wait3A] : memref<40x128xi32, #tpu.memory_space<vmem>> -> memref<1x128xi32, #tpu.memory_space<vmem>>
      %dma_wait3A_39 = tpu.memref_squeeze %dma_wait3A_38 : memref<1x128xi32, #tpu.memory_space<vmem>> -> memref<128xi32, #tpu.memory_space<vmem>>
      %dma_wait3A_40 = arith.constant 0 : i32
      %dma_wait3A_41 = arith.constant 0 : i32
      %dma_wait3A_42 = tpu.memref_slice %arg2[%dma_wait3A_40, %dma_wait3A_41] : memref<20480x128xf32, #tpu.memory_space<hbm>> -> memref<20480x128xf32, #tpu.memory_space<hbm>>
      tpu.wait_indirect_dma semaphore(%arg12 : memref<!tpu.dma_semaphore, #tpu.memory_space<semaphore_mem>>) src(%dma_wait3A_42 : memref<20480x128xf32, #tpu.memory_space<hbm>>) dst(%arg9 : memref<128x128xf32, #tpu.memory_space<vmem>>)
      "tpu.region"() ({
        %run_scoped3A = tpu.sem_alloc : memref<!tpu.dma_semaphore, #tpu.memory_space<semaphore_mem>>
        %dma_start3A_64 = arith.constant 0 : i32
        %dma_start3A_65 = tpu.memref_slice %arg8[%mul3A_37, %dma_start3A_64] : memref<40x128xi32, #tpu.memory_space<vmem>> -> memref<1x128xi32, #tpu.memory_space<vmem>>
        %dma_start3A_66 = tpu.memref_squeeze %dma_start3A_65 : memref<1x128xi32, #tpu.memory_space<vmem>> -> memref<128xi32, #tpu.memory_space<vmem>>
        %dma_start3A_67 = arith.constant 0 : i32
        %dma_start3A_68 = arith.constant 0 : i32
        %dma_start3A_69 = tpu.memref_slice %arg11[%dma_start3A_67, %dma_start3A_68] : memref<10240x128xf32, #tpu.memory_space<vmem_shared>> -> memref<10240x128xf32, #tpu.memory_space<vmem_shared>>
        tpu.enqueue_indirect_dma source(%arg9 : memref<128x128xf32, #tpu.memory_space<vmem>>) target(%dma_start3A_69 : memref<10240x128xf32, #tpu.memory_space<vmem_shared>>) offsets(%dma_start3A_66 : memref<128xi32, #tpu.memory_space<vmem>>) semaphore(%run_scoped3A : memref<!tpu.dma_semaphore, #tpu.memory_space<semaphore_mem>>) {add = true}
        %dma_wait3A_70 = arith.constant 0 : i32
        %dma_wait3A_71 = tpu.memref_slice %arg8[%mul3A_37, %dma_wait3A_70] : memref<40x128xi32, #tpu.memory_space<vmem>> -> memref<1x128xi32, #tpu.memory_space<vmem>>
        %dma_wait3A_72 = tpu.memref_squeeze %dma_wait3A_71 : memref<1x128xi32, #tpu.memory_space<vmem>> -> memref<128xi32, #tpu.memory_space<vmem>>
        %dma_wait3A_73 = arith.constant 0 : i32
        %dma_wait3A_74 = arith.constant 0 : i32
        %dma_wait3A_75 = tpu.memref_slice %arg11[%dma_wait3A_73, %dma_wait3A_74] : memref<10240x128xf32, #tpu.memory_space<vmem_shared>> -> memref<10240x128xf32, #tpu.memory_space<vmem_shared>>
        tpu.wait_indirect_dma semaphore(%run_scoped3A : memref<!tpu.dma_semaphore, #tpu.memory_space<semaphore_mem>>) src(%arg9 : memref<128x128xf32, #tpu.memory_space<vmem>>) dst(%dma_wait3A_75 : memref<10240x128xf32, #tpu.memory_space<vmem_shared>>)
        tpu.yield
      }) : () -> ()
      %add3A_43 = arith.constant 1 : i32
      %add3A_44 = arith.addi %scan3A_35, %add3A_43 : i32
      %lt3A = arith.constant 20 : i32
      %lt3A_45 = arith.cmpi slt, %add3A_44, %lt3A : i32
      %convert_element_type3A = arith.extui %lt3A_45 : i1 to i32
      %cond3A = arith.constant 0 : i32
      %cond3A_46 = arith.cmpi ne, %convert_element_type3A, %cond3A : i32
      scf.if %cond3A_46 {
        %add3A_64 = arith.constant 2 : i32
        %add3A_65 = arith.addi %mul3A_37, %add3A_64 : i32
        %dma_start3A_66 = arith.constant 0 : i32
        %dma_start3A_67 = tpu.memref_slice %arg7[%add3A_65, %dma_start3A_66] : memref<40x128xi32, #tpu.memory_space<vmem>> -> memref<1x128xi32, #tpu.memory_space<vmem>>
        %dma_start3A_68 = tpu.memref_squeeze %dma_start3A_67 : memref<1x128xi32, #tpu.memory_space<vmem>> -> memref<128xi32, #tpu.memory_space<vmem>>
        %dma_start3A_69 = arith.constant 0 : i32
        %dma_start3A_70 = arith.constant 0 : i32
        %dma_start3A_71 = tpu.memref_slice %arg2[%dma_start3A_69, %dma_start3A_70] : memref<20480x128xf32, #tpu.memory_space<hbm>> -> memref<20480x128xf32, #tpu.memory_space<hbm>>
        tpu.enqueue_indirect_dma source(%dma_start3A_71 : memref<20480x128xf32, #tpu.memory_space<hbm>>) target(%arg9 : memref<128x128xf32, #tpu.memory_space<vmem>>) offsets(%dma_start3A_68 : memref<128xi32, #tpu.memory_space<vmem>>) semaphore(%arg12 : memref<!tpu.dma_semaphore, #tpu.memory_space<semaphore_mem>>)
      } else {
      }
      %add3A_47 = arith.constant 1 : i32
      %add3A_48 = arith.addi %mul3A_37, %add3A_47 : i32
      %dma_wait3A_49 = arith.constant 0 : i32
      %dma_wait3A_50 = tpu.memref_slice %arg7[%add3A_48, %dma_wait3A_49] : memref<40x128xi32, #tpu.memory_space<vmem>> -> memref<1x128xi32, #tpu.memory_space<vmem>>
      %dma_wait3A_51 = tpu.memref_squeeze %dma_wait3A_50 : memref<1x128xi32, #tpu.memory_space<vmem>> -> memref<128xi32, #tpu.memory_space<vmem>>
      %dma_wait3A_52 = arith.constant 0 : i32
      %dma_wait3A_53 = arith.constant 0 : i32
      %dma_wait3A_54 = tpu.memref_slice %arg2[%dma_wait3A_52, %dma_wait3A_53] : memref<20480x128xf32, #tpu.memory_space<hbm>> -> memref<20480x128xf32, #tpu.memory_space<hbm>>
      tpu.wait_indirect_dma semaphore(%arg13 : memref<!tpu.dma_semaphore, #tpu.memory_space<semaphore_mem>>) src(%dma_wait3A_54 : memref<20480x128xf32, #tpu.memory_space<hbm>>) dst(%arg10 : memref<128x128xf32, #tpu.memory_space<vmem>>)
      %add3A_55 = arith.constant 1 : i32
      %add3A_56 = arith.addi %mul3A_37, %add3A_55 : i32
      "tpu.region"() ({
        %run_scoped3A = tpu.sem_alloc : memref<!tpu.dma_semaphore, #tpu.memory_space<semaphore_mem>>
        %dma_start3A_64 = arith.constant 0 : i32
        %dma_start3A_65 = tpu.memref_slice %arg8[%add3A_56, %dma_start3A_64] : memref<40x128xi32, #tpu.memory_space<vmem>> -> memref<1x128xi32, #tpu.memory_space<vmem>>
        %dma_start3A_66 = tpu.memref_squeeze %dma_start3A_65 : memref<1x128xi32, #tpu.memory_space<vmem>> -> memref<128xi32, #tpu.memory_space<vmem>>
        %dma_start3A_67 = arith.constant 0 : i32
        %dma_start3A_68 = arith.constant 0 : i32
        %dma_start3A_69 = tpu.memref_slice %arg11[%dma_start3A_67, %dma_start3A_68] : memref<10240x128xf32, #tpu.memory_space<vmem_shared>> -> memref<10240x128xf32, #tpu.memory_space<vmem_shared>>
        tpu.enqueue_indirect_dma source(%arg10 : memref<128x128xf32, #tpu.memory_space<vmem>>) target(%dma_start3A_69 : memref<10240x128xf32, #tpu.memory_space<vmem_shared>>) offsets(%dma_start3A_66 : memref<128xi32, #tpu.memory_space<vmem>>) semaphore(%run_scoped3A : memref<!tpu.dma_semaphore, #tpu.memory_space<semaphore_mem>>) {add = true}
        %dma_wait3A_70 = arith.constant 0 : i32
        %dma_wait3A_71 = tpu.memref_slice %arg8[%add3A_56, %dma_wait3A_70] : memref<40x128xi32, #tpu.memory_space<vmem>> -> memref<1x128xi32, #tpu.memory_space<vmem>>
        %dma_wait3A_72 = tpu.memref_squeeze %dma_wait3A_71 : memref<1x128xi32, #tpu.memory_space<vmem>> -> memref<128xi32, #tpu.memory_space<vmem>>
        %dma_wait3A_73 = arith.constant 0 : i32
        %dma_wait3A_74 = arith.constant 0 : i32
        %dma_wait3A_75 = tpu.memref_slice %arg11[%dma_wait3A_73, %dma_wait3A_74] : memref<10240x128xf32, #tpu.memory_space<vmem_shared>> -> memref<10240x128xf32, #tpu.memory_space<vmem_shared>>
        tpu.wait_indirect_dma semaphore(%run_scoped3A : memref<!tpu.dma_semaphore, #tpu.memory_space<semaphore_mem>>) src(%arg10 : memref<128x128xf32, #tpu.memory_space<vmem>>) dst(%dma_wait3A_75 : memref<10240x128xf32, #tpu.memory_space<vmem_shared>>)
        tpu.yield
      }) : () -> ()
      %add3A_57 = arith.constant 1 : i32
      %add3A_58 = arith.addi %scan3A_35, %add3A_57 : i32
      %lt3A_59 = arith.constant 20 : i32
      %lt3A_60 = arith.cmpi slt, %add3A_58, %lt3A_59 : i32
      %convert_element_type3A_61 = arith.extui %lt3A_60 : i1 to i32
      %cond3A_62 = arith.constant 0 : i32
      %cond3A_63 = arith.cmpi ne, %convert_element_type3A_61, %cond3A_62 : i32
      scf.if %cond3A_63 {
        %add3A_64 = arith.constant 3 : i32
        %add3A_65 = arith.addi %mul3A_37, %add3A_64 : i32
        %dma_start3A_66 = arith.constant 0 : i32
        %dma_start3A_67 = tpu.memref_slice %arg7[%add3A_65, %dma_start3A_66] : memref<40x128xi32, #tpu.memory_space<vmem>> -> memref<1x128xi32, #tpu.memory_space<vmem>>
        %dma_start3A_68 = tpu.memref_squeeze %dma_start3A_67 : memref<1x128xi32, #tpu.memory_space<vmem>> -> memref<128xi32, #tpu.memory_space<vmem>>
        %dma_start3A_69 = arith.constant 0 : i32
        %dma_start3A_70 = arith.constant 0 : i32
        %dma_start3A_71 = tpu.memref_slice %arg2[%dma_start3A_69, %dma_start3A_70] : memref<20480x128xf32, #tpu.memory_space<hbm>> -> memref<20480x128xf32, #tpu.memory_space<hbm>>
        tpu.enqueue_indirect_dma source(%dma_start3A_71 : memref<20480x128xf32, #tpu.memory_space<hbm>>) target(%arg10 : memref<128x128xf32, #tpu.memory_space<vmem>>) offsets(%dma_start3A_68 : memref<128xi32, #tpu.memory_space<vmem>>) semaphore(%arg13 : memref<!tpu.dma_semaphore, #tpu.memory_space<semaphore_mem>>)
      } else {
      }
    }
    %scan3A_26 = arith.constant 20 : i32
    %barrier3A_27 = arith.constant 0 : index
    tpu.barrier barrier_id(%barrier3A_27)
    %mul3A_28 = arith.constant 640 : i32
    %mul3A_29 = arith.muli %arg1, %mul3A_28 : i32
    %mul3A_30 = arith.constant 10240 : i32
    %mul3A_31 = arith.muli %arg0, %mul3A_30 : i32
    %mul3A_32 = arith.constant 640 : i32
    %mul3A_33 = arith.muli %arg1, %mul3A_32 : i32
    %add3A_34 = arith.addi %mul3A_31, %mul3A_33 : i32
    "tpu.region"() ({
      %run_scoped3A = tpu.sem_alloc : memref<!tpu.dma_semaphore, #tpu.memory_space<semaphore_mem>>
      %dma_start3A_35 = arith.constant 0 : i32
      %dma_start3A_36 = tpu.memref_slice %arg6[%add3A_34, %dma_start3A_35] : memref<20480x128xf32, #tpu.memory_space<hbm>> -> memref<640x128xf32, #tpu.memory_space<hbm>>
      %dma_start3A_37 = arith.constant 0 : i32
      %dma_start3A_38 = tpu.memref_slice %arg11[%mul3A_29, %dma_start3A_37] : memref<10240x128xf32, #tpu.memory_space<vmem_shared>> -> memref<640x128xf32, #tpu.memory_space<vmem_shared>>
      tpu.enqueue_dma source(%dma_start3A_38 : memref<640x128xf32, #tpu.memory_space<vmem_shared>>) target(%dma_start3A_36 : memref<640x128xf32, #tpu.memory_space<hbm>>) target_semaphore(%run_scoped3A : memref<!tpu.dma_semaphore, #tpu.memory_space<semaphore_mem>>)
      %dma_wait3A = arith.constant 0 : i32
      %dma_wait3A_39 = tpu.memref_slice %arg6[%add3A_34, %dma_wait3A] : memref<20480x128xf32, #tpu.memory_space<hbm>> -> memref<640x128xf32, #tpu.memory_space<hbm>>
      %dma_wait3A_40 = arith.constant 0 : i32
      %dma_wait3A_41 = tpu.memref_slice %arg11[%mul3A_29, %dma_wait3A_40] : memref<10240x128xf32, #tpu.memory_space<vmem_shared>> -> memref<640x128xf32, #tpu.memory_space<vmem_shared>>
      tpu.wait_dma2 semaphore(%run_scoped3A : memref<!tpu.dma_semaphore, #tpu.memory_space<semaphore_mem>>) src(%dma_wait3A_41 : memref<640x128xf32, #tpu.memory_space<vmem_shared>>) dst(%dma_wait3A_39 : memref<640x128xf32, #tpu.memory_space<hbm>>)
      tpu.yield
    }) : () -> ()
    return
  }
}

#map = affine_map<(d0, d1) -> (0, 0)>
module attributes {stable_mosaic.version = 14 : i64} {
  func.func @_sc_conv1(%arg0: i32, %arg1: i32, %arg2: memref<20480x128xf32, #tpu.memory_space<hbm>>, %arg3: memref<1280x128xi32, #tpu.memory_space<hbm>>, %arg4: memref<640x128xi32, #tpu.memory_space<hbm>>, %arg5: memref<10240x128xf32, #tpu.memory_space<hbm>>, %arg6: memref<20480x128xf32, #tpu.memory_space<hbm>>, %arg7: memref<40x128xi32, #tpu.memory_space<vmem>>, %arg8: memref<40x128xi32, #tpu.memory_space<vmem>>, %arg9: memref<128x128xf32, #tpu.memory_space<vmem>>, %arg10: memref<128x128xf32, #tpu.memory_space<vmem>>, %arg11: memref<10240x128xf32, #tpu.memory_space<vmem_shared>>, %arg12: memref<!tpu.dma_semaphore, #tpu.memory_space<semaphore_mem>>, %arg13: memref<!tpu.dma_semaphore, #tpu.memory_space<semaphore_mem>>) attributes {dimension_semantics = [#tpu.dimension_semantics<core_parallel>, #tpu.dimension_semantics<subcore_parallel>], iteration_bounds = array<i64: 2, 16>, scalar_prefetch = 0 : i64, scratch_operands = 7 : i64, tpu.core_type = #tpu.core_type<sc_vector_subcore>, window_params = [{transform_indices = #map}, {transform_indices = #map}, {transform_indices = #map}, {transform_indices = #map}, {transform_indices = #map}]} {
    %mul3A = arith.constant 640 : i32
    %mul3A_0 = arith.muli %arg1, %mul3A : i32
    %mul3A_1 = arith.constant 640 : i32
    %mul3A_2 = arith.muli %arg1, %mul3A_1 : i32
    "tpu.region"() ({
      %run_scoped3A = tpu.sem_alloc : memref<!tpu.dma_semaphore, #tpu.memory_space<semaphore_mem>>
      %dma_start3A_35 = arith.constant 0 : i32
      %dma_start3A_36 = tpu.memref_slice %arg11[%mul3A_2, %dma_start3A_35] : memref<10240x128xf32, #tpu.memory_space<vmem_shared>> -> memref<640x128xf32, #tpu.memory_space<vmem_shared>>
      %dma_start3A_37 = arith.constant 0 : i32
      %dma_start3A_38 = tpu.memref_slice %arg5[%mul3A_0, %dma_start3A_37] : memref<10240x128xf32, #tpu.memory_space<hbm>> -> memref<640x128xf32, #tpu.memory_space<hbm>>
      tpu.enqueue_dma source(%dma_start3A_38 : memref<640x128xf32, #tpu.memory_space<hbm>>) target(%dma_start3A_36 : memref<640x128xf32, #tpu.memory_space<vmem_shared>>) target_semaphore(%run_scoped3A : memref<!tpu.dma_semaphore, #tpu.memory_space<semaphore_mem>>)
      %dma_wait3A = arith.constant 0 : i32
      %dma_wait3A_39 = tpu.memref_slice %arg11[%mul3A_2, %dma_wait3A] : memref<10240x128xf32, #tpu.memory_space<vmem_shared>> -> memref<640x128xf32, #tpu.memory_space<vmem_shared>>
      %dma_wait3A_40 = arith.constant 0 : i32
      %dma_wait3A_41 = tpu.memref_slice %arg5[%mul3A_0, %dma_wait3A_40] : memref<10240x128xf32, #tpu.memory_space<hbm>> -> memref<640x128xf32, #tpu.memory_space<hbm>>
      tpu.wait_dma2 semaphore(%run_scoped3A : memref<!tpu.dma_semaphore, #tpu.memory_space<semaphore_mem>>) src(%dma_wait3A_41 : memref<640x128xf32, #tpu.memory_space<hbm>>) dst(%dma_wait3A_39 : memref<640x128xf32, #tpu.memory_space<vmem_shared>>)
      tpu.yield
    }) : () -> ()
    %mul3A_3 = arith.constant 16 : i32
    %mul3A_4 = arith.muli %arg0, %mul3A_3 : i32
    %add3A = arith.addi %mul3A_4, %arg1 : i32
    %mul3A_5 = arith.constant 40 : i32
    %mul3A_6 = arith.muli %add3A, %mul3A_5 : i32
    "tpu.region"() ({
      %run_scoped3A = tpu.sem_alloc : memref<!tpu.dma_semaphore, #tpu.memory_space<semaphore_mem>>
      %dma_start3A_35 = arith.constant 0 : i32
      %dma_start3A_36 = tpu.memref_slice %arg3[%mul3A_6, %dma_start3A_35] : memref<1280x128xi32, #tpu.memory_space<hbm>> -> memref<40x128xi32, #tpu.memory_space<hbm>>
      %dma_start3A_37 = arith.constant 0 : i32
      %dma_start3A_38 = tpu.memref_slice %arg3[%mul3A_6, %dma_start3A_37] : memref<1280x128xi32, #tpu.memory_space<hbm>> -> memref<40x128xi32, #tpu.memory_space<hbm>>
      tpu.enqueue_dma source(%dma_start3A_38 : memref<40x128xi32, #tpu.memory_space<hbm>>) target(%arg7 : memref<40x128xi32, #tpu.memory_space<vmem>>) target_semaphore(%run_scoped3A : memref<!tpu.dma_semaphore, #tpu.memory_space<semaphore_mem>>)
      %dma_wait3A = arith.constant 0 : i32
      %dma_wait3A_39 = tpu.memref_slice %arg3[%mul3A_6, %dma_wait3A] : memref<1280x128xi32, #tpu.memory_space<hbm>> -> memref<40x128xi32, #tpu.memory_space<hbm>>
      %dma_wait3A_40 = arith.constant 0 : i32
      %dma_wait3A_41 = tpu.memref_slice %arg3[%mul3A_6, %dma_wait3A_40] : memref<1280x128xi32, #tpu.memory_space<hbm>> -> memref<40x128xi32, #tpu.memory_space<hbm>>
      tpu.wait_dma2 semaphore(%run_scoped3A : memref<!tpu.dma_semaphore, #tpu.memory_space<semaphore_mem>>) src(%dma_wait3A_41 : memref<40x128xi32, #tpu.memory_space<hbm>>) dst(%arg7 : memref<40x128xi32, #tpu.memory_space<vmem>>)
      tpu.yield
    }) : () -> ()
    %mul3A_7 = arith.constant 40 : i32
    %mul3A_8 = arith.muli %arg1, %mul3A_7 : i32
    "tpu.region"() ({
      %run_scoped3A = tpu.sem_alloc : memref<!tpu.dma_semaphore, #tpu.memory_space<semaphore_mem>>
      %dma_start3A_35 = arith.constant 0 : i32
      %dma_start3A_36 = tpu.memref_slice %arg4[%mul3A_8, %dma_start3A_35] : memref<640x128xi32, #tpu.memory_space<hbm>> -> memref<40x128xi32, #tpu.memory_space<hbm>>
      %dma_start3A_37 = arith.constant 0 : i32
      %dma_start3A_38 = tpu.memref_slice %arg4[%mul3A_8, %dma_start3A_37] : memref<640x128xi32, #tpu.memory_space<hbm>> -> memref<40x128xi32, #tpu.memory_space<hbm>>
      tpu.enqueue_dma source(%dma_start3A_38 : memref<40x128xi32, #tpu.memory_space<hbm>>) target(%arg8 : memref<40x128xi32, #tpu.memory_space<vmem>>) target_semaphore(%run_scoped3A : memref<!tpu.dma_semaphore, #tpu.memory_space<semaphore_mem>>)
      %dma_wait3A = arith.constant 0 : i32
      %dma_wait3A_39 = tpu.memref_slice %arg4[%mul3A_8, %dma_wait3A] : memref<640x128xi32, #tpu.memory_space<hbm>> -> memref<40x128xi32, #tpu.memory_space<hbm>>
      %dma_wait3A_40 = arith.constant 0 : i32
      %dma_wait3A_41 = tpu.memref_slice %arg4[%mul3A_8, %dma_wait3A_40] : memref<640x128xi32, #tpu.memory_space<hbm>> -> memref<40x128xi32, #tpu.memory_space<hbm>>
      tpu.wait_dma2 semaphore(%run_scoped3A : memref<!tpu.dma_semaphore, #tpu.memory_space<semaphore_mem>>) src(%dma_wait3A_41 : memref<40x128xi32, #tpu.memory_space<hbm>>) dst(%arg8 : memref<40x128xi32, #tpu.memory_space<vmem>>)
      tpu.yield
    }) : () -> ()
    %barrier3A = arith.constant 0 : index
    tpu.barrier barrier_id(%barrier3A)
    %dma_start3A = arith.constant 0 : i32
    %dma_start3A_9 = arith.constant 0 : i32
    %dma_start3A_10 = tpu.memref_slice %arg7[%dma_start3A, %dma_start3A_9] : memref<40x128xi32, #tpu.memory_space<vmem>> -> memref<1x128xi32, #tpu.memory_space<vmem>>
    %dma_start3A_11 = tpu.memref_squeeze %dma_start3A_10 : memref<1x128xi32, #tpu.memory_space<vmem>> -> memref<128xi32, #tpu.memory_space<vmem>>
    %dma_start3A_12 = arith.constant 0 : i32
    %dma_start3A_13 = arith.constant 0 : i32
    %dma_start3A_14 = tpu.memref_slice %arg2[%dma_start3A_12, %dma_start3A_13] : memref<20480x128xf32, #tpu.memory_space<hbm>> -> memref<20480x128xf32, #tpu.memory_space<hbm>>
    tpu.enqueue_indirect_dma source(%dma_start3A_14 : memref<20480x128xf32, #tpu.memory_space<hbm>>) target(%arg9 : memref<128x128xf32, #tpu.memory_space<vmem>>) offsets(%dma_start3A_11 : memref<128xi32, #tpu.memory_space<vmem>>) semaphore(%arg12 : memref<!tpu.dma_semaphore, #tpu.memory_space<semaphore_mem>>)
    %dma_start3A_15 = arith.constant 1 : i32
    %dma_start3A_16 = arith.constant 0 : i32
    %dma_start3A_17 = tpu.memref_slice %arg7[%dma_start3A_15, %dma_start3A_16] : memref<40x128xi32, #tpu.memory_space<vmem>> -> memref<1x128xi32, #tpu.memory_space<vmem>>
    %dma_start3A_18 = tpu.memref_squeeze %dma_start3A_17 : memref<1x128xi32, #tpu.memory_space<vmem>> -> memref<128xi32, #tpu.memory_space<vmem>>
    %dma_start3A_19 = arith.constant 0 : i32
    %dma_start3A_20 = arith.constant 0 : i32
    %dma_start3A_21 = tpu.memref_slice %arg2[%dma_start3A_19, %dma_start3A_20] : memref<20480x128xf32, #tpu.memory_space<hbm>> -> memref<20480x128xf32, #tpu.memory_space<hbm>>
    tpu.enqueue_indirect_dma source(%dma_start3A_21 : memref<20480x128xf32, #tpu.memory_space<hbm>>) target(%arg10 : memref<128x128xf32, #tpu.memory_space<vmem>>) offsets(%dma_start3A_18 : memref<128xi32, #tpu.memory_space<vmem>>) semaphore(%arg13 : memref<!tpu.dma_semaphore, #tpu.memory_space<semaphore_mem>>)
    %scan3A = arith.constant 0 : i32
    %scan3A_22 = arith.constant 0 : i32
    %scan3A_23 = arith.constant 20 : i32
    %scan3A_24 = arith.addi %scan3A_22, %scan3A_23 : i32
    %scan3A_25 = arith.constant 1 : i32
    scf.for %scan3A_35 = %scan3A_22 to %scan3A_24 step %scan3A_25  : i32 {
      %mul3A_36 = arith.constant 2 : i32
      %mul3A_37 = arith.muli %scan3A_35, %mul3A_36 : i32
      %dma_wait3A = arith.constant 0 : i32
      %dma_wait3A_38 = tpu.memref_slice %arg7[%mul3A_37, %dma_wait3A] : memref<40x128xi32, #tpu.memory_space<vmem>> -> memref<1x128xi32, #tpu.memory_space<vmem>>
      %dma_wait3A_39 = tpu.memref_squeeze %dma_wait3A_38 : memref<1x128xi32, #tpu.memory_space<vmem>> -> memref<128xi32, #tpu.memory_space<vmem>>
      %dma_wait3A_40 = arith.constant 0 : i32
      %dma_wait3A_41 = arith.constant 0 : i32
      %dma_wait3A_42 = tpu.memref_slice %arg2[%dma_wait3A_40, %dma_wait3A_41] : memref<20480x128xf32, #tpu.memory_space<hbm>> -> memref<20480x128xf32, #tpu.memory_space<hbm>>
      tpu.wait_indirect_dma semaphore(%arg12 : memref<!tpu.dma_semaphore, #tpu.memory_space<semaphore_mem>>) src(%dma_wait3A_42 : memref<20480x128xf32, #tpu.memory_space<hbm>>) dst(%arg9 : memref<128x128xf32, #tpu.memory_space<vmem>>)
      "tpu.region"() ({
        %run_scoped3A = tpu.sem_alloc : memref<!tpu.dma_semaphore, #tpu.memory_space<semaphore_mem>>
        %dma_start3A_64 = arith.constant 0 : i32
        %dma_start3A_65 = tpu.memref_slice %arg8[%mul3A_37, %dma_start3A_64] : memref<40x128xi32, #tpu.memory_space<vmem>> -> memref<1x128xi32, #tpu.memory_space<vmem>>
        %dma_start3A_66 = tpu.memref_squeeze %dma_start3A_65 : memref<1x128xi32, #tpu.memory_space<vmem>> -> memref<128xi32, #tpu.memory_space<vmem>>
        %dma_start3A_67 = arith.constant 0 : i32
        %dma_start3A_68 = arith.constant 0 : i32
        %dma_start3A_69 = tpu.memref_slice %arg11[%dma_start3A_67, %dma_start3A_68] : memref<10240x128xf32, #tpu.memory_space<vmem_shared>> -> memref<10240x128xf32, #tpu.memory_space<vmem_shared>>
        tpu.enqueue_indirect_dma source(%arg9 : memref<128x128xf32, #tpu.memory_space<vmem>>) target(%dma_start3A_69 : memref<10240x128xf32, #tpu.memory_space<vmem_shared>>) offsets(%dma_start3A_66 : memref<128xi32, #tpu.memory_space<vmem>>) semaphore(%run_scoped3A : memref<!tpu.dma_semaphore, #tpu.memory_space<semaphore_mem>>) {add = true}
        %dma_wait3A_70 = arith.constant 0 : i32
        %dma_wait3A_71 = tpu.memref_slice %arg8[%mul3A_37, %dma_wait3A_70] : memref<40x128xi32, #tpu.memory_space<vmem>> -> memref<1x128xi32, #tpu.memory_space<vmem>>
        %dma_wait3A_72 = tpu.memref_squeeze %dma_wait3A_71 : memref<1x128xi32, #tpu.memory_space<vmem>> -> memref<128xi32, #tpu.memory_space<vmem>>
        %dma_wait3A_73 = arith.constant 0 : i32
        %dma_wait3A_74 = arith.constant 0 : i32
        %dma_wait3A_75 = tpu.memref_slice %arg11[%dma_wait3A_73, %dma_wait3A_74] : memref<10240x128xf32, #tpu.memory_space<vmem_shared>> -> memref<10240x128xf32, #tpu.memory_space<vmem_shared>>
        tpu.wait_indirect_dma semaphore(%run_scoped3A : memref<!tpu.dma_semaphore, #tpu.memory_space<semaphore_mem>>) src(%arg9 : memref<128x128xf32, #tpu.memory_space<vmem>>) dst(%dma_wait3A_75 : memref<10240x128xf32, #tpu.memory_space<vmem_shared>>)
        tpu.yield
      }) : () -> ()
      %add3A_43 = arith.constant 1 : i32
      %add3A_44 = arith.addi %scan3A_35, %add3A_43 : i32
      %lt3A = arith.constant 20 : i32
      %lt3A_45 = arith.cmpi slt, %add3A_44, %lt3A : i32
      %convert_element_type3A = arith.extui %lt3A_45 : i1 to i32
      %cond3A = arith.constant 0 : i32
      %cond3A_46 = arith.cmpi ne, %convert_element_type3A, %cond3A : i32
      scf.if %cond3A_46 {
        %add3A_64 = arith.constant 2 : i32
        %add3A_65 = arith.addi %mul3A_37, %add3A_64 : i32
        %dma_start3A_66 = arith.constant 0 : i32
        %dma_start3A_67 = tpu.memref_slice %arg7[%add3A_65, %dma_start3A_66] : memref<40x128xi32, #tpu.memory_space<vmem>> -> memref<1x128xi32, #tpu.memory_space<vmem>>
        %dma_start3A_68 = tpu.memref_squeeze %dma_start3A_67 : memref<1x128xi32, #tpu.memory_space<vmem>> -> memref<128xi32, #tpu.memory_space<vmem>>
        %dma_start3A_69 = arith.constant 0 : i32
        %dma_start3A_70 = arith.constant 0 : i32
        %dma_start3A_71 = tpu.memref_slice %arg2[%dma_start3A_69, %dma_start3A_70] : memref<20480x128xf32, #tpu.memory_space<hbm>> -> memref<20480x128xf32, #tpu.memory_space<hbm>>
        tpu.enqueue_indirect_dma source(%dma_start3A_71 : memref<20480x128xf32, #tpu.memory_space<hbm>>) target(%arg9 : memref<128x128xf32, #tpu.memory_space<vmem>>) offsets(%dma_start3A_68 : memref<128xi32, #tpu.memory_space<vmem>>) semaphore(%arg12 : memref<!tpu.dma_semaphore, #tpu.memory_space<semaphore_mem>>)
      } else {
      }
      %add3A_47 = arith.constant 1 : i32
      %add3A_48 = arith.addi %mul3A_37, %add3A_47 : i32
      %dma_wait3A_49 = arith.constant 0 : i32
      %dma_wait3A_50 = tpu.memref_slice %arg7[%add3A_48, %dma_wait3A_49] : memref<40x128xi32, #tpu.memory_space<vmem>> -> memref<1x128xi32, #tpu.memory_space<vmem>>
      %dma_wait3A_51 = tpu.memref_squeeze %dma_wait3A_50 : memref<1x128xi32, #tpu.memory_space<vmem>> -> memref<128xi32, #tpu.memory_space<vmem>>
      %dma_wait3A_52 = arith.constant 0 : i32
      %dma_wait3A_53 = arith.constant 0 : i32
      %dma_wait3A_54 = tpu.memref_slice %arg2[%dma_wait3A_52, %dma_wait3A_53] : memref<20480x128xf32, #tpu.memory_space<hbm>> -> memref<20480x128xf32, #tpu.memory_space<hbm>>
      tpu.wait_indirect_dma semaphore(%arg13 : memref<!tpu.dma_semaphore, #tpu.memory_space<semaphore_mem>>) src(%dma_wait3A_54 : memref<20480x128xf32, #tpu.memory_space<hbm>>) dst(%arg10 : memref<128x128xf32, #tpu.memory_space<vmem>>)
      %add3A_55 = arith.constant 1 : i32
      %add3A_56 = arith.addi %mul3A_37, %add3A_55 : i32
      "tpu.region"() ({
        %run_scoped3A = tpu.sem_alloc : memref<!tpu.dma_semaphore, #tpu.memory_space<semaphore_mem>>
        %dma_start3A_64 = arith.constant 0 : i32
        %dma_start3A_65 = tpu.memref_slice %arg8[%add3A_56, %dma_start3A_64] : memref<40x128xi32, #tpu.memory_space<vmem>> -> memref<1x128xi32, #tpu.memory_space<vmem>>
        %dma_start3A_66 = tpu.memref_squeeze %dma_start3A_65 : memref<1x128xi32, #tpu.memory_space<vmem>> -> memref<128xi32, #tpu.memory_space<vmem>>
        %dma_start3A_67 = arith.constant 0 : i32
        %dma_start3A_68 = arith.constant 0 : i32
        %dma_start3A_69 = tpu.memref_slice %arg11[%dma_start3A_67, %dma_start3A_68] : memref<10240x128xf32, #tpu.memory_space<vmem_shared>> -> memref<10240x128xf32, #tpu.memory_space<vmem_shared>>
        tpu.enqueue_indirect_dma source(%arg10 : memref<128x128xf32, #tpu.memory_space<vmem>>) target(%dma_start3A_69 : memref<10240x128xf32, #tpu.memory_space<vmem_shared>>) offsets(%dma_start3A_66 : memref<128xi32, #tpu.memory_space<vmem>>) semaphore(%run_scoped3A : memref<!tpu.dma_semaphore, #tpu.memory_space<semaphore_mem>>) {add = true}
        %dma_wait3A_70 = arith.constant 0 : i32
        %dma_wait3A_71 = tpu.memref_slice %arg8[%add3A_56, %dma_wait3A_70] : memref<40x128xi32, #tpu.memory_space<vmem>> -> memref<1x128xi32, #tpu.memory_space<vmem>>
        %dma_wait3A_72 = tpu.memref_squeeze %dma_wait3A_71 : memref<1x128xi32, #tpu.memory_space<vmem>> -> memref<128xi32, #tpu.memory_space<vmem>>
        %dma_wait3A_73 = arith.constant 0 : i32
        %dma_wait3A_74 = arith.constant 0 : i32
        %dma_wait3A_75 = tpu.memref_slice %arg11[%dma_wait3A_73, %dma_wait3A_74] : memref<10240x128xf32, #tpu.memory_space<vmem_shared>> -> memref<10240x128xf32, #tpu.memory_space<vmem_shared>>
        tpu.wait_indirect_dma semaphore(%run_scoped3A : memref<!tpu.dma_semaphore, #tpu.memory_space<semaphore_mem>>) src(%arg10 : memref<128x128xf32, #tpu.memory_space<vmem>>) dst(%dma_wait3A_75 : memref<10240x128xf32, #tpu.memory_space<vmem_shared>>)
        tpu.yield
      }) : () -> ()
      %add3A_57 = arith.constant 1 : i32
      %add3A_58 = arith.addi %scan3A_35, %add3A_57 : i32
      %lt3A_59 = arith.constant 20 : i32
      %lt3A_60 = arith.cmpi slt, %add3A_58, %lt3A_59 : i32
      %convert_element_type3A_61 = arith.extui %lt3A_60 : i1 to i32
      %cond3A_62 = arith.constant 0 : i32
      %cond3A_63 = arith.cmpi ne, %convert_element_type3A_61, %cond3A_62 : i32
      scf.if %cond3A_63 {
        %add3A_64 = arith.constant 3 : i32
        %add3A_65 = arith.addi %mul3A_37, %add3A_64 : i32
        %dma_start3A_66 = arith.constant 0 : i32
        %dma_start3A_67 = tpu.memref_slice %arg7[%add3A_65, %dma_start3A_66] : memref<40x128xi32, #tpu.memory_space<vmem>> -> memref<1x128xi32, #tpu.memory_space<vmem>>
        %dma_start3A_68 = tpu.memref_squeeze %dma_start3A_67 : memref<1x128xi32, #tpu.memory_space<vmem>> -> memref<128xi32, #tpu.memory_space<vmem>>
        %dma_start3A_69 = arith.constant 0 : i32
        %dma_start3A_70 = arith.constant 0 : i32
        %dma_start3A_71 = tpu.memref_slice %arg2[%dma_start3A_69, %dma_start3A_70] : memref<20480x128xf32, #tpu.memory_space<hbm>> -> memref<20480x128xf32, #tpu.memory_space<hbm>>
        tpu.enqueue_indirect_dma source(%dma_start3A_71 : memref<20480x128xf32, #tpu.memory_space<hbm>>) target(%arg10 : memref<128x128xf32, #tpu.memory_space<vmem>>) offsets(%dma_start3A_68 : memref<128xi32, #tpu.memory_space<vmem>>) semaphore(%arg13 : memref<!tpu.dma_semaphore, #tpu.memory_space<semaphore_mem>>)
      } else {
      }
    }
    %scan3A_26 = arith.constant 20 : i32
    %barrier3A_27 = arith.constant 0 : index
    tpu.barrier barrier_id(%barrier3A_27)
    %mul3A_28 = arith.constant 640 : i32
    %mul3A_29 = arith.muli %arg1, %mul3A_28 : i32
    %mul3A_30 = arith.constant 10240 : i32
    %mul3A_31 = arith.muli %arg0, %mul3A_30 : i32
    %mul3A_32 = arith.constant 640 : i32
    %mul3A_33 = arith.muli %arg1, %mul3A_32 : i32
    %add3A_34 = arith.addi %mul3A_31, %mul3A_33 : i32
    "tpu.region"() ({
      %run_scoped3A = tpu.sem_alloc : memref<!tpu.dma_semaphore, #tpu.memory_space<semaphore_mem>>
      %dma_start3A_35 = arith.constant 0 : i32
      %dma_start3A_36 = tpu.memref_slice %arg6[%add3A_34, %dma_start3A_35] : memref<20480x128xf32, #tpu.memory_space<hbm>> -> memref<640x128xf32, #tpu.memory_space<hbm>>
      %dma_start3A_37 = arith.constant 0 : i32
      %dma_start3A_38 = tpu.memref_slice %arg11[%mul3A_29, %dma_start3A_37] : memref<10240x128xf32, #tpu.memory_space<vmem_shared>> -> memref<640x128xf32, #tpu.memory_space<vmem_shared>>
      tpu.enqueue_dma source(%dma_start3A_38 : memref<640x128xf32, #tpu.memory_space<vmem_shared>>) target(%dma_start3A_36 : memref<640x128xf32, #tpu.memory_space<hbm>>) target_semaphore(%run_scoped3A : memref<!tpu.dma_semaphore, #tpu.memory_space<semaphore_mem>>)
      %dma_wait3A = arith.constant 0 : i32
      %dma_wait3A_39 = tpu.memref_slice %arg6[%add3A_34, %dma_wait3A] : memref<20480x128xf32, #tpu.memory_space<hbm>> -> memref<640x128xf32, #tpu.memory_space<hbm>>
      %dma_wait3A_40 = arith.constant 0 : i32
      %dma_wait3A_41 = tpu.memref_slice %arg11[%mul3A_29, %dma_wait3A_40] : memref<10240x128xf32, #tpu.memory_space<vmem_shared>> -> memref<640x128xf32, #tpu.memory_space<vmem_shared>>
      tpu.wait_dma2 semaphore(%run_scoped3A : memref<!tpu.dma_semaphore, #tpu.memory_space<semaphore_mem>>) src(%dma_wait3A_41 : memref<640x128xf32, #tpu.memory_space<vmem_shared>>) dst(%dma_wait3A_39 : memref<640x128xf32, #tpu.memory_space<hbm>>)
      tpu.yield
    }) : () -> ()
    return
  }
}

#map = affine_map<(d0, d1) -> (0, 0)>
#map1 = affine_map<(d0, d1) -> (0)>
module attributes {stable_mosaic.version = 14 : i64} {
  func.func @_sc_dots(%arg0: i32, %arg1: i32, %arg2: memref<10240x256xf32, #tpu.memory_space<hbm>>, %arg3: memref<5120x64xi32, #tpu.memory_space<hbm>>, %arg4: memref<5120x64xi32, #tpu.memory_space<hbm>>, %arg5: memref<4x16xi32, #tpu.memory_space<hbm>>, %arg6: memref<327680xf32, #tpu.memory_space<hbm>>, %arg7: memref<80x64xi32, #tpu.memory_space<vmem>>, %arg8: memref<80x64xi32, #tpu.memory_space<vmem>>, %arg9: memref<64x256xf32, #tpu.memory_space<vmem>>, %arg10: memref<64x256xf32, #tpu.memory_space<vmem>>, %arg11: memref<64x256xf32, #tpu.memory_space<vmem>>, %arg12: memref<64x256xf32, #tpu.memory_space<vmem>>, %arg13: memref<4x16xi32, #tpu.memory_space<vmem>>, %arg14: memref<5120xf32, #tpu.memory_space<vmem>>, %arg15: memref<!tpu.dma_semaphore, #tpu.memory_space<semaphore_mem>>, %arg16: memref<!tpu.dma_semaphore, #tpu.memory_space<semaphore_mem>>, %arg17: memref<!tpu.dma_semaphore, #tpu.memory_space<semaphore_mem>>, %arg18: memref<!tpu.dma_semaphore, #tpu.memory_space<semaphore_mem>>) attributes {dimension_semantics = [#tpu.dimension_semantics<core_parallel>, #tpu.dimension_semantics<subcore_parallel>], iteration_bounds = array<i64: 2, 16>, scalar_prefetch = 0 : i64, scratch_operands = 12 : i64, tpu.core_type = #tpu.core_type<sc_vector_subcore>, window_params = [{transform_indices = #map}, {transform_indices = #map}, {transform_indices = #map}, {transform_indices = #map}, {transform_indices = #map1}]} {
    "tpu.region"() ({
      %run_scoped3A = tpu.sem_alloc : memref<!tpu.dma_semaphore, #tpu.memory_space<semaphore_mem>>
      tpu.enqueue_dma source(%arg5 : memref<4x16xi32, #tpu.memory_space<hbm>>) target(%arg13 : memref<4x16xi32, #tpu.memory_space<vmem>>) target_semaphore(%run_scoped3A : memref<!tpu.dma_semaphore, #tpu.memory_space<semaphore_mem>>)
      tpu.wait_dma2 semaphore(%run_scoped3A : memref<!tpu.dma_semaphore, #tpu.memory_space<semaphore_mem>>) src(%arg5 : memref<4x16xi32, #tpu.memory_space<hbm>>) dst(%arg13 : memref<4x16xi32, #tpu.memory_space<vmem>>)
      tpu.yield
    }) : () -> ()
    %iota3A = tpu.iota {dimensions = array<i32: 0>} : vector<16xi32>
    %add3A = arith.constant 0 : i32
    %add3A_0 = arith.addi %add3A, %arg0 : i32
    %mul3A = arith.constant 16 : i32
    %mul3A_1 = arith.muli %add3A_0, %mul3A : i32
    %add3A_2 = arith.addi %mul3A_1, %arg1 : i32
    %mul3A_3 = arith.constant 80 : i32
    %mul3A_4 = arith.muli %add3A_2, %mul3A_3 : i32
    "tpu.region"() ({
      %run_scoped3A = tpu.sem_alloc : memref<!tpu.dma_semaphore, #tpu.memory_space<semaphore_mem>>
      %dma_start3A_92 = arith.constant 0 : i32
      %dma_start3A_93 = tpu.memref_slice %arg3[%mul3A_4, %dma_start3A_92] : memref<5120x64xi32, #tpu.memory_space<hbm>> -> memref<80x64xi32, #tpu.memory_space<hbm>>
      %dma_start3A_94 = arith.constant 0 : i32
      %dma_start3A_95 = tpu.memref_slice %arg3[%mul3A_4, %dma_start3A_94] : memref<5120x64xi32, #tpu.memory_space<hbm>> -> memref<80x64xi32, #tpu.memory_space<hbm>>
      tpu.enqueue_dma source(%dma_start3A_95 : memref<80x64xi32, #tpu.memory_space<hbm>>) target(%arg7 : memref<80x64xi32, #tpu.memory_space<vmem>>) target_semaphore(%run_scoped3A : memref<!tpu.dma_semaphore, #tpu.memory_space<semaphore_mem>>)
      %dma_wait3A = arith.constant 0 : i32
      %dma_wait3A_96 = tpu.memref_slice %arg3[%mul3A_4, %dma_wait3A] : memref<5120x64xi32, #tpu.memory_space<hbm>> -> memref<80x64xi32, #tpu.memory_space<hbm>>
      %dma_wait3A_97 = arith.constant 0 : i32
      %dma_wait3A_98 = tpu.memref_slice %arg3[%mul3A_4, %dma_wait3A_97] : memref<5120x64xi32, #tpu.memory_space<hbm>> -> memref<80x64xi32, #tpu.memory_space<hbm>>
      tpu.wait_dma2 semaphore(%run_scoped3A : memref<!tpu.dma_semaphore, #tpu.memory_space<semaphore_mem>>) src(%dma_wait3A_98 : memref<80x64xi32, #tpu.memory_space<hbm>>) dst(%arg7 : memref<80x64xi32, #tpu.memory_space<vmem>>)
      tpu.yield
    }) : () -> ()
    "tpu.region"() ({
      %run_scoped3A = tpu.sem_alloc : memref<!tpu.dma_semaphore, #tpu.memory_space<semaphore_mem>>
      %dma_start3A_92 = arith.constant 0 : i32
      %dma_start3A_93 = tpu.memref_slice %arg4[%mul3A_4, %dma_start3A_92] : memref<5120x64xi32, #tpu.memory_space<hbm>> -> memref<80x64xi32, #tpu.memory_space<hbm>>
      %dma_start3A_94 = arith.constant 0 : i32
      %dma_start3A_95 = tpu.memref_slice %arg4[%mul3A_4, %dma_start3A_94] : memref<5120x64xi32, #tpu.memory_space<hbm>> -> memref<80x64xi32, #tpu.memory_space<hbm>>
      tpu.enqueue_dma source(%dma_start3A_95 : memref<80x64xi32, #tpu.memory_space<hbm>>) target(%arg8 : memref<80x64xi32, #tpu.memory_space<vmem>>) target_semaphore(%run_scoped3A : memref<!tpu.dma_semaphore, #tpu.memory_space<semaphore_mem>>)
      %dma_wait3A = arith.constant 0 : i32
      %dma_wait3A_96 = tpu.memref_slice %arg4[%mul3A_4, %dma_wait3A] : memref<5120x64xi32, #tpu.memory_space<hbm>> -> memref<80x64xi32, #tpu.memory_space<hbm>>
      %dma_wait3A_97 = arith.constant 0 : i32
      %dma_wait3A_98 = tpu.memref_slice %arg4[%mul3A_4, %dma_wait3A_97] : memref<5120x64xi32, #tpu.memory_space<hbm>> -> memref<80x64xi32, #tpu.memory_space<hbm>>
      tpu.wait_dma2 semaphore(%run_scoped3A : memref<!tpu.dma_semaphore, #tpu.memory_space<semaphore_mem>>) src(%dma_wait3A_98 : memref<80x64xi32, #tpu.memory_space<hbm>>) dst(%arg8 : memref<80x64xi32, #tpu.memory_space<vmem>>)
      tpu.yield
    }) : () -> ()
    %dma_start3A = arith.constant 0 : i32
    %dma_start3A_5 = arith.constant 0 : i32
    %dma_start3A_6 = tpu.memref_slice %arg7[%dma_start3A, %dma_start3A_5] : memref<80x64xi32, #tpu.memory_space<vmem>> -> memref<1x64xi32, #tpu.memory_space<vmem>>
    %dma_start3A_7 = tpu.memref_squeeze %dma_start3A_6 : memref<1x64xi32, #tpu.memory_space<vmem>> -> memref<64xi32, #tpu.memory_space<vmem>>
    %dma_start3A_8 = arith.constant 0 : i32
    %dma_start3A_9 = arith.constant 0 : i32
    %dma_start3A_10 = tpu.memref_slice %arg2[%dma_start3A_8, %dma_start3A_9] : memref<10240x256xf32, #tpu.memory_space<hbm>> -> memref<10240x256xf32, #tpu.memory_space<hbm>>
    tpu.enqueue_indirect_dma source(%dma_start3A_10 : memref<10240x256xf32, #tpu.memory_space<hbm>>) target(%arg9 : memref<64x256xf32, #tpu.memory_space<vmem>>) offsets(%dma_start3A_7 : memref<64xi32, #tpu.memory_space<vmem>>) semaphore(%arg15 : memref<!tpu.dma_semaphore, #tpu.memory_space<semaphore_mem>>)
    %dma_start3A_11 = arith.constant 0 : i32
    %dma_start3A_12 = arith.constant 0 : i32
    %dma_start3A_13 = tpu.memref_slice %arg8[%dma_start3A_11, %dma_start3A_12] : memref<80x64xi32, #tpu.memory_space<vmem>> -> memref<1x64xi32, #tpu.memory_space<vmem>>
    %dma_start3A_14 = tpu.memref_squeeze %dma_start3A_13 : memref<1x64xi32, #tpu.memory_space<vmem>> -> memref<64xi32, #tpu.memory_space<vmem>>
    %dma_start3A_15 = arith.constant 0 : i32
    %dma_start3A_16 = arith.constant 0 : i32
    %dma_start3A_17 = tpu.memref_slice %arg2[%dma_start3A_15, %dma_start3A_16] : memref<10240x256xf32, #tpu.memory_space<hbm>> -> memref<10240x256xf32, #tpu.memory_space<hbm>>
    tpu.enqueue_indirect_dma source(%dma_start3A_17 : memref<10240x256xf32, #tpu.memory_space<hbm>>) target(%arg10 : memref<64x256xf32, #tpu.memory_space<vmem>>) offsets(%dma_start3A_14 : memref<64xi32, #tpu.memory_space<vmem>>) semaphore(%arg16 : memref<!tpu.dma_semaphore, #tpu.memory_space<semaphore_mem>>)
    %dma_start3A_18 = arith.constant 1 : i32
    %dma_start3A_19 = arith.constant 0 : i32
    %dma_start3A_20 = tpu.memref_slice %arg7[%dma_start3A_18, %dma_start3A_19] : memref<80x64xi32, #tpu.memory_space<vmem>> -> memref<1x64xi32, #tpu.memory_space<vmem>>
    %dma_start3A_21 = tpu.memref_squeeze %dma_start3A_20 : memref<1x64xi32, #tpu.memory_space<vmem>> -> memref<64xi32, #tpu.memory_space<vmem>>
    %dma_start3A_22 = arith.constant 0 : i32
    %dma_start3A_23 = arith.constant 0 : i32
    %dma_start3A_24 = tpu.memref_slice %arg2[%dma_start3A_22, %dma_start3A_23] : memref<10240x256xf32, #tpu.memory_space<hbm>> -> memref<10240x256xf32, #tpu.memory_space<hbm>>
    tpu.enqueue_indirect_dma source(%dma_start3A_24 : memref<10240x256xf32, #tpu.memory_space<hbm>>) target(%arg11 : memref<64x256xf32, #tpu.memory_space<vmem>>) offsets(%dma_start3A_21 : memref<64xi32, #tpu.memory_space<vmem>>) semaphore(%arg17 : memref<!tpu.dma_semaphore, #tpu.memory_space<semaphore_mem>>)
    %dma_start3A_25 = arith.constant 1 : i32
    %dma_start3A_26 = arith.constant 0 : i32
    %dma_start3A_27 = tpu.memref_slice %arg8[%dma_start3A_25, %dma_start3A_26] : memref<80x64xi32, #tpu.memory_space<vmem>> -> memref<1x64xi32, #tpu.memory_space<vmem>>
    %dma_start3A_28 = tpu.memref_squeeze %dma_start3A_27 : memref<1x64xi32, #tpu.memory_space<vmem>> -> memref<64xi32, #tpu.memory_space<vmem>>
    %dma_start3A_29 = arith.constant 0 : i32
    %dma_start3A_30 = arith.constant 0 : i32
    %dma_start3A_31 = tpu.memref_slice %arg2[%dma_start3A_29, %dma_start3A_30] : memref<10240x256xf32, #tpu.memory_space<hbm>> -> memref<10240x256xf32, #tpu.memory_space<hbm>>
    tpu.enqueue_indirect_dma source(%dma_start3A_31 : memref<10240x256xf32, #tpu.memory_space<hbm>>) target(%arg12 : memref<64x256xf32, #tpu.memory_space<vmem>>) offsets(%dma_start3A_28 : memref<64xi32, #tpu.memory_space<vmem>>) semaphore(%arg18 : memref<!tpu.dma_semaphore, #tpu.memory_space<semaphore_mem>>)
    %scan3A = arith.constant 0 : i32
    %scan3A_32 = arith.constant 0 : i32
    %scan3A_33 = arith.constant 40 : i32
    %scan3A_34 = arith.addi %scan3A_32, %scan3A_33 : i32
    %scan3A_35 = arith.constant 1 : i32
    scf.for %scan3A_92 = %scan3A_32 to %scan3A_34 step %scan3A_35  : i32 {
      %mul3A_93 = arith.constant 2 : i32
      %mul3A_94 = arith.muli %scan3A_92, %mul3A_93 : i32
      %dma_wait3A = arith.constant 0 : i32
      %dma_wait3A_95 = tpu.memref_slice %arg7[%mul3A_94, %dma_wait3A] : memref<80x64xi32, #tpu.memory_space<vmem>> -> memref<1x64xi32, #tpu.memory_space<vmem>>
      %dma_wait3A_96 = tpu.memref_squeeze %dma_wait3A_95 : memref<1x64xi32, #tpu.memory_space<vmem>> -> memref<64xi32, #tpu.memory_space<vmem>>
      %dma_wait3A_97 = arith.constant 0 : i32
      %dma_wait3A_98 = arith.constant 0 : i32
      %dma_wait3A_99 = tpu.memref_slice %arg2[%dma_wait3A_97, %dma_wait3A_98] : memref<10240x256xf32, #tpu.memory_space<hbm>> -> memref<10240x256xf32, #tpu.memory_space<hbm>>
      tpu.wait_indirect_dma semaphore(%arg15 : memref<!tpu.dma_semaphore, #tpu.memory_space<semaphore_mem>>) src(%dma_wait3A_99 : memref<10240x256xf32, #tpu.memory_space<hbm>>) dst(%arg9 : memref<64x256xf32, #tpu.memory_space<vmem>>)
      %dma_wait3A_100 = arith.constant 0 : i32
      %dma_wait3A_101 = tpu.memref_slice %arg8[%mul3A_94, %dma_wait3A_100] : memref<80x64xi32, #tpu.memory_space<vmem>> -> memref<1x64xi32, #tpu.memory_space<vmem>>
      %dma_wait3A_102 = tpu.memref_squeeze %dma_wait3A_101 : memref<1x64xi32, #tpu.memory_space<vmem>> -> memref<64xi32, #tpu.memory_space<vmem>>
      %dma_wait3A_103 = arith.constant 0 : i32
      %dma_wait3A_104 = arith.constant 0 : i32
      %dma_wait3A_105 = tpu.memref_slice %arg2[%dma_wait3A_103, %dma_wait3A_104] : memref<10240x256xf32, #tpu.memory_space<hbm>> -> memref<10240x256xf32, #tpu.memory_space<hbm>>
      tpu.wait_indirect_dma semaphore(%arg16 : memref<!tpu.dma_semaphore, #tpu.memory_space<semaphore_mem>>) src(%dma_wait3A_105 : memref<10240x256xf32, #tpu.memory_space<hbm>>) dst(%arg10 : memref<64x256xf32, #tpu.memory_space<vmem>>)
      %broadcast_in_dim3A = arith.constant 0.000000e+00 : f32
      %broadcast_in_dim3A_106 = vector.broadcast %broadcast_in_dim3A : f32 to vector<16xf32>
      %scan3A_107 = arith.constant 0 : i32
      %scan3A_108 = arith.constant 64 : i32
      %scan3A_109 = arith.addi %scan3A_107, %scan3A_108 : i32
      %scan3A_110 = arith.constant 1 : i32
      %scan3A_111 = scf.for %scan3A_150 = %scan3A_107 to %scan3A_109 step %scan3A_110 iter_args(%scan3A_151 = %broadcast_in_dim3A_106) -> (vector<16xf32>)  : i32 {
        %get3A = arith.index_cast %scan3A_150 : i32 to index
        %get3A_152 = arith.constant 0 : index
        %get3A_153 = tpu.vector_load %arg9[%get3A, %get3A_152] {strides = array<i32>} : memref<64x256xf32, #tpu.memory_space<vmem>>, vector<1x16xf32>,
        %get3A_154 = vector.shape_cast %get3A_153 : vector<1x16xf32> to vector<16xf32>
        %get3A_155 = arith.index_cast %scan3A_150 : i32 to index
        %get3A_156 = arith.constant 0 : index
        %get3A_157 = tpu.vector_load %arg10[%get3A_155, %get3A_156] {strides = array<i32>} : memref<64x256xf32, #tpu.memory_space<vmem>>, vector<1x16xf32>,
        %get3A_158 = vector.shape_cast %get3A_157 : vector<1x16xf32> to vector<16xf32>
        %mul3A_159 = arith.mulf %get3A_154, %get3A_158 : vector<16xf32>
        %get3A_160 = arith.index_cast %scan3A_150 : i32 to index
        %get3A_161 = arith.constant 16 : index
        %get3A_162 = tpu.vector_load %arg9[%get3A_160, %get3A_161] {strides = array<i32>} : memref<64x256xf32, #tpu.memory_space<vmem>>, vector<1x16xf32>,
        %get3A_163 = vector.shape_cast %get3A_162 : vector<1x16xf32> to vector<16xf32>
        %get3A_164 = arith.index_cast %scan3A_150 : i32 to index
        %get3A_165 = arith.constant 16 : index
        %get3A_166 = tpu.vector_load %arg10[%get3A_164, %get3A_165] {strides = array<i32>} : memref<64x256xf32, #tpu.memory_space<vmem>>, vector<1x16xf32>,
        %get3A_167 = vector.shape_cast %get3A_166 : vector<1x16xf32> to vector<16xf32>
        %mul3A_168 = arith.mulf %get3A_163, %get3A_167 : vector<16xf32>
        %get3A_169 = arith.index_cast %scan3A_150 : i32 to index
        %get3A_170 = arith.constant 32 : index
        %get3A_171 = tpu.vector_load %arg9[%get3A_169, %get3A_170] {strides = array<i32>} : memref<64x256xf32, #tpu.memory_space<vmem>>, vector<1x16xf32>,
        %get3A_172 = vector.shape_cast %get3A_171 : vector<1x16xf32> to vector<16xf32>
        %get3A_173 = arith.index_cast %scan3A_150 : i32 to index
        %get3A_174 = arith.constant 32 : index
        %get3A_175 = tpu.vector_load %arg10[%get3A_173, %get3A_174] {strides = array<i32>} : memref<64x256xf32, #tpu.memory_space<vmem>>, vector<1x16xf32>,
        %get3A_176 = vector.shape_cast %get3A_175 : vector<1x16xf32> to vector<16xf32>
        %mul3A_177 = arith.mulf %get3A_172, %get3A_176 : vector<16xf32>
        %get3A_178 = arith.index_cast %scan3A_150 : i32 to index
        %get3A_179 = arith.constant 48 : index
        %get3A_180 = tpu.vector_load %arg9[%get3A_178, %get3A_179] {strides = array<i32>} : memref<64x256xf32, #tpu.memory_space<vmem>>, vector<1x16xf32>,
        %get3A_181 = vector.shape_cast %get3A_180 : vector<1x16xf32> to vector<16xf32>
        %get3A_182 = arith.index_cast %scan3A_150 : i32 to index
        %get3A_183 = arith.constant 48 : index
        %get3A_184 = tpu.vector_load %arg10[%get3A_182, %get3A_183] {strides = array<i32>} : memref<64x256xf32, #tpu.memory_space<vmem>>, vector<1x16xf32>,
        %get3A_185 = vector.shape_cast %get3A_184 : vector<1x16xf32> to vector<16xf32>
        %mul3A_186 = arith.mulf %get3A_181, %get3A_185 : vector<16xf32>
        %get3A_187 = arith.index_cast %scan3A_150 : i32 to index
        %get3A_188 = arith.constant 64 : index
        %get3A_189 = tpu.vector_load %arg9[%get3A_187, %get3A_188] {strides = array<i32>} : memref<64x256xf32, #tpu.memory_space<vmem>>, vector<1x16xf32>,
        %get3A_190 = vector.shape_cast %get3A_189 : vector<1x16xf32> to vector<16xf32>
        %get3A_191 = arith.index_cast %scan3A_150 : i32 to index
        %get3A_192 = arith.constant 64 : index
        %get3A_193 = tpu.vector_load %arg10[%get3A_191, %get3A_192] {strides = array<i32>} : memref<64x256xf32, #tpu.memory_space<vmem>>, vector<1x16xf32>,
        %get3A_194 = vector.shape_cast %get3A_193 : vector<1x16xf32> to vector<16xf32>
        %mul3A_195 = arith.mulf %get3A_190, %get3A_194 : vector<16xf32>
        %add3A_196 = arith.addf %mul3A_159, %mul3A_195 : vector<16xf32>
        %get3A_197 = arith.index_cast %scan3A_150 : i32 to index
        %get3A_198 = arith.constant 80 : index
        %get3A_199 = tpu.vector_load %arg9[%get3A_197, %get3A_198] {strides = array<i32>} : memref<64x256xf32, #tpu.memory_space<vmem>>, vector<1x16xf32>,
        %get3A_200 = vector.shape_cast %get3A_199 : vector<1x16xf32> to vector<16xf32>
        %get3A_201 = arith.index_cast %scan3A_150 : i32 to index
        %get3A_202 = arith.constant 80 : index
        %get3A_203 = tpu.vector_load %arg10[%get3A_201, %get3A_202] {strides = array<i32>} : memref<64x256xf32, #tpu.memory_space<vmem>>, vector<1x16xf32>,
        %get3A_204 = vector.shape_cast %get3A_203 : vector<1x16xf32> to vector<16xf32>
        %mul3A_205 = arith.mulf %get3A_200, %get3A_204 : vector<16xf32>
        %add3A_206 = arith.addf %mul3A_168, %mul3A_205 : vector<16xf32>
        %get3A_207 = arith.index_cast %scan3A_150 : i32 to index
        %get3A_208 = arith.constant 96 : index
        %get3A_209 = tpu.vector_load %arg9[%get3A_207, %get3A_208] {strides = array<i32>} : memref<64x256xf32, #tpu.memory_space<vmem>>, vector<1x16xf32>,
        %get3A_210 = vector.shape_cast %get3A_209 : vector<1x16xf32> to vector<16xf32>
        %get3A_211 = arith.index_cast %scan3A_150 : i32 to index
        %get3A_212 = arith.constant 96 : index
        %get3A_213 = tpu.vector_load %arg10[%get3A_211, %get3A_212] {strides = array<i32>} : memref<64x256xf32, #tpu.memory_space<vmem>>, vector<1x16xf32>,
        %get3A_214 = vector.shape_cast %get3A_213 : vector<1x16xf32> to vector<16xf32>
        %mul3A_215 = arith.mulf %get3A_210, %get3A_214 : vector<16xf32>
        %add3A_216 = arith.addf %mul3A_177, %mul3A_215 : vector<16xf32>
        %get3A_217 = arith.index_cast %scan3A_150 : i32 to index
        %get3A_218 = arith.constant 112 : index
        %get3A_219 = tpu.vector_load %arg9[%get3A_217, %get3A_218] {strides = array<i32>} : memref<64x256xf32, #tpu.memory_space<vmem>>, vector<1x16xf32>,
        %get3A_220 = vector.shape_cast %get3A_219 : vector<1x16xf32> to vector<16xf32>
        %get3A_221 = arith.index_cast %scan3A_150 : i32 to index
        %get3A_222 = arith.constant 112 : index
        %get3A_223 = tpu.vector_load %arg10[%get3A_221, %get3A_222] {strides = array<i32>} : memref<64x256xf32, #tpu.memory_space<vmem>>, vector<1x16xf32>,
        %get3A_224 = vector.shape_cast %get3A_223 : vector<1x16xf32> to vector<16xf32>
        %mul3A_225 = arith.mulf %get3A_220, %get3A_224 : vector<16xf32>
        %add3A_226 = arith.addf %mul3A_186, %mul3A_225 : vector<16xf32>
        %get3A_227 = arith.index_cast %scan3A_150 : i32 to index
        %get3A_228 = arith.constant 128 : index
        %get3A_229 = tpu.vector_load %arg9[%get3A_227, %get3A_228] {strides = array<i32>} : memref<64x256xf32, #tpu.memory_space<vmem>>, vector<1x16xf32>,
        %get3A_230 = vector.shape_cast %get3A_229 : vector<1x16xf32> to vector<16xf32>
        %get3A_231 = arith.index_cast %scan3A_150 : i32 to index
        %get3A_232 = arith.constant 128 : index
        %get3A_233 = tpu.vector_load %arg10[%get3A_231, %get3A_232] {strides = array<i32>} : memref<64x256xf32, #tpu.memory_space<vmem>>, vector<1x16xf32>,
        %get3A_234 = vector.shape_cast %get3A_233 : vector<1x16xf32> to vector<16xf32>
        %mul3A_235 = arith.mulf %get3A_230, %get3A_234 : vector<16xf32>
        %add3A_236 = arith.addf %add3A_196, %mul3A_235 : vector<16xf32>
        %get3A_237 = arith.index_cast %scan3A_150 : i32 to index
        %get3A_238 = arith.constant 144 : index
        %get3A_239 = tpu.vector_load %arg9[%get3A_237, %get3A_238] {strides = array<i32>} : memref<64x256xf32, #tpu.memory_space<vmem>>, vector<1x16xf32>,
        %get3A_240 = vector.shape_cast %get3A_239 : vector<1x16xf32> to vector<16xf32>
        %get3A_241 = arith.index_cast %scan3A_150 : i32 to index
        %get3A_242 = arith.constant 144 : index
        %get3A_243 = tpu.vector_load %arg10[%get3A_241, %get3A_242] {strides = array<i32>} : memref<64x256xf32, #tpu.memory_space<vmem>>, vector<1x16xf32>,
        %get3A_244 = vector.shape_cast %get3A_243 : vector<1x16xf32> to vector<16xf32>
        %mul3A_245 = arith.mulf %get3A_240, %get3A_244 : vector<16xf32>
        %add3A_246 = arith.addf %add3A_206, %mul3A_245 : vector<16xf32>
        %get3A_247 = arith.index_cast %scan3A_150 : i32 to index
        %get3A_248 = arith.constant 160 : index
        %get3A_249 = tpu.vector_load %arg9[%get3A_247, %get3A_248] {strides = array<i32>} : memref<64x256xf32, #tpu.memory_space<vmem>>, vector<1x16xf32>,
        %get3A_250 = vector.shape_cast %get3A_249 : vector<1x16xf32> to vector<16xf32>
        %get3A_251 = arith.index_cast %scan3A_150 : i32 to index
        %get3A_252 = arith.constant 160 : index
        %get3A_253 = tpu.vector_load %arg10[%get3A_251, %get3A_252] {strides = array<i32>} : memref<64x256xf32, #tpu.memory_space<vmem>>, vector<1x16xf32>,
        %get3A_254 = vector.shape_cast %get3A_253 : vector<1x16xf32> to vector<16xf32>
        %mul3A_255 = arith.mulf %get3A_250, %get3A_254 : vector<16xf32>
        %add3A_256 = arith.addf %add3A_216, %mul3A_255 : vector<16xf32>
        %get3A_257 = arith.index_cast %scan3A_150 : i32 to index
        %get3A_258 = arith.constant 176 : index
        %get3A_259 = tpu.vector_load %arg9[%get3A_257, %get3A_258] {strides = array<i32>} : memref<64x256xf32, #tpu.memory_space<vmem>>, vector<1x16xf32>,
        %get3A_260 = vector.shape_cast %get3A_259 : vector<1x16xf32> to vector<16xf32>
        %get3A_261 = arith.index_cast %scan3A_150 : i32 to index
        %get3A_262 = arith.constant 176 : index
        %get3A_263 = tpu.vector_load %arg10[%get3A_261, %get3A_262] {strides = array<i32>} : memref<64x256xf32, #tpu.memory_space<vmem>>, vector<1x16xf32>,
        %get3A_264 = vector.shape_cast %get3A_263 : vector<1x16xf32> to vector<16xf32>
        %mul3A_265 = arith.mulf %get3A_260, %get3A_264 : vector<16xf32>
        %add3A_266 = arith.addf %add3A_226, %mul3A_265 : vector<16xf32>
        %get3A_267 = arith.index_cast %scan3A_150 : i32 to index
        %get3A_268 = arith.constant 192 : index
        %get3A_269 = tpu.vector_load %arg9[%get3A_267, %get3A_268] {strides = array<i32>} : memref<64x256xf32, #tpu.memory_space<vmem>>, vector<1x16xf32>,
        %get3A_270 = vector.shape_cast %get3A_269 : vector<1x16xf32> to vector<16xf32>
        %get3A_271 = arith.index_cast %scan3A_150 : i32 to index
        %get3A_272 = arith.constant 192 : index
        %get3A_273 = tpu.vector_load %arg10[%get3A_271, %get3A_272] {strides = array<i32>} : memref<64x256xf32, #tpu.memory_space<vmem>>, vector<1x16xf32>,
        %get3A_274 = vector.shape_cast %get3A_273 : vector<1x16xf32> to vector<16xf32>
        %mul3A_275 = arith.mulf %get3A_270, %get3A_274 : vector<16xf32>
        %add3A_276 = arith.addf %add3A_236, %mul3A_275 : vector<16xf32>
        %get3A_277 = arith.index_cast %scan3A_150 : i32 to index
        %get3A_278 = arith.constant 208 : index
        %get3A_279 = tpu.vector_load %arg9[%get3A_277, %get3A_278] {strides = array<i32>} : memref<64x256xf32, #tpu.memory_space<vmem>>, vector<1x16xf32>,
        %get3A_280 = vector.shape_cast %get3A_279 : vector<1x16xf32> to vector<16xf32>
        %get3A_281 = arith.index_cast %scan3A_150 : i32 to index
        %get3A_282 = arith.constant 208 : index
        %get3A_283 = tpu.vector_load %arg10[%get3A_281, %get3A_282] {strides = array<i32>} : memref<64x256xf32, #tpu.memory_space<vmem>>, vector<1x16xf32>,
        %get3A_284 = vector.shape_cast %get3A_283 : vector<1x16xf32> to vector<16xf32>
        %mul3A_285 = arith.mulf %get3A_280, %get3A_284 : vector<16xf32>
        %add3A_286 = arith.addf %add3A_246, %mul3A_285 : vector<16xf32>
        %get3A_287 = arith.index_cast %scan3A_150 : i32 to index
        %get3A_288 = arith.constant 224 : index
        %get3A_289 = tpu.vector_load %arg9[%get3A_287, %get3A_288] {strides = array<i32>} : memref<64x256xf32, #tpu.memory_space<vmem>>, vector<1x16xf32>,
        %get3A_290 = vector.shape_cast %get3A_289 : vector<1x16xf32> to vector<16xf32>
        %get3A_291 = arith.index_cast %scan3A_150 : i32 to index
        %get3A_292 = arith.constant 224 : index
        %get3A_293 = tpu.vector_load %arg10[%get3A_291, %get3A_292] {strides = array<i32>} : memref<64x256xf32, #tpu.memory_space<vmem>>, vector<1x16xf32>,
        %get3A_294 = vector.shape_cast %get3A_293 : vector<1x16xf32> to vector<16xf32>
        %mul3A_295 = arith.mulf %get3A_290, %get3A_294 : vector<16xf32>
        %add3A_296 = arith.addf %add3A_256, %mul3A_295 : vector<16xf32>
        %get3A_297 = arith.index_cast %scan3A_150 : i32 to index
        %get3A_298 = arith.constant 240 : index
        %get3A_299 = tpu.vector_load %arg9[%get3A_297, %get3A_298] {strides = array<i32>} : memref<64x256xf32, #tpu.memory_space<vmem>>, vector<1x16xf32>,
        %get3A_300 = vector.shape_cast %get3A_299 : vector<1x16xf32> to vector<16xf32>
        %get3A_301 = arith.index_cast %scan3A_150 : i32 to index
        %get3A_302 = arith.constant 240 : index
        %get3A_303 = tpu.vector_load %arg10[%get3A_301, %get3A_302] {strides = array<i32>} : memref<64x256xf32, #tpu.memory_space<vmem>>, vector<1x16xf32>,
        %get3A_304 = vector.shape_cast %get3A_303 : vector<1x16xf32> to vector<16xf32>
        %mul3A_305 = arith.mulf %get3A_300, %get3A_304 : vector<16xf32>
        %add3A_306 = arith.addf %add3A_266, %mul3A_305 : vector<16xf32>
        %add3A_307 = arith.addf %add3A_276, %add3A_286 : vector<16xf32>
        %add3A_308 = arith.addf %add3A_296, %add3A_306 : vector<16xf32>
        %add3A_309 = arith.addf %add3A_307, %add3A_308 : vector<16xf32>
        %get3A_310 = arith.constant 0 : i32
        %get3A_311 = arith.index_cast %get3A_310 : i32 to index
        %get3A_312 = arith.constant 0 : index
        %get3A_313 = tpu.vector_load %arg13[%get3A_311, %get3A_312] {strides = array<i32>} : memref<4x16xi32, #tpu.memory_space<vmem>>, vector<1x16xi32>,
        %get3A_314 = vector.shape_cast %get3A_313 : vector<1x16xi32> to vector<16xi32>
        %lt3A_315 = arith.constant 0 : i32
        %lt3A_316 = vector.broadcast %lt3A_315 : i32 to vector<16xi32>
        %lt3A_317 = arith.cmpi slt, %get3A_314, %lt3A_316 : vector<16xi32>
        %add3A_318 = arith.constant 16 : i32
        %add3A_319 = vector.broadcast %add3A_318 : i32 to vector<16xi32>
        %add3A_320 = arith.addi %get3A_314, %add3A_319 : vector<16xi32>
        %select_n3A = arith.select %lt3A_317, %add3A_320, %get3A_314 : vector<16xi1>, vector<16xi32>
        %broadcast_in_dim3A_321 = vector.shape_cast %select_n3A : vector<16xi32> to vector<16x1xi32>
        %gather3A = vector.shape_cast %broadcast_in_dim3A_321 : vector<16x1xi32> to vector<16xi32>
        %gather3A_322 = tpu.dynamic_gather %add3A_309[%gather3A] in [0] : vector<16xf32>, vector<16xi32> -> vector<16xf32>
        %add3A_323 = arith.addf %add3A_309, %gather3A_322 : vector<16xf32>
        %get3A_324 = arith.constant 1 : i32
        %get3A_325 = arith.index_cast %get3A_324 : i32 to index
        %get3A_326 = arith.constant 0 : index
        %get3A_327 = tpu.vector_load %arg13[%get3A_325, %get3A_326] {strides = array<i32>} : memref<4x16xi32, #tpu.memory_space<vmem>>, vector<1x16xi32>,
        %get3A_328 = vector.shape_cast %get3A_327 : vector<1x16xi32> to vector<16xi32>
        %lt3A_329 = arith.constant 0 : i32
        %lt3A_330 = vector.broadcast %lt3A_329 : i32 to vector<16xi32>
        %lt3A_331 = arith.cmpi slt, %get3A_328, %lt3A_330 : vector<16xi32>
        %add3A_332 = arith.constant 16 : i32
        %add3A_333 = vector.broadcast %add3A_332 : i32 to vector<16xi32>
        %add3A_334 = arith.addi %get3A_328, %add3A_333 : vector<16xi32>
        %select_n3A_335 = arith.select %lt3A_331, %add3A_334, %get3A_328 : vector<16xi1>, vector<16xi32>
        %broadcast_in_dim3A_336 = vector.shape_cast %select_n3A_335 : vector<16xi32> to vector<16x1xi32>
        %gather3A_337 = vector.shape_cast %broadcast_in_dim3A_336 : vector<16x1xi32> to vector<16xi32>
        %gather3A_338 = tpu.dynamic_gather %add3A_323[%gather3A_337] in [0] : vector<16xf32>, vector<16xi32> -> vector<16xf32>
        %add3A_339 = arith.addf %add3A_323, %gather3A_338 : vector<16xf32>
        %get3A_340 = arith.constant 2 : i32
        %get3A_341 = arith.index_cast %get3A_340 : i32 to index
        %get3A_342 = arith.constant 0 : index
        %get3A_343 = tpu.vector_load %arg13[%get3A_341, %get3A_342] {strides = array<i32>} : memref<4x16xi32, #tpu.memory_space<vmem>>, vector<1x16xi32>,
        %get3A_344 = vector.shape_cast %get3A_343 : vector<1x16xi32> to vector<16xi32>
        %lt3A_345 = arith.constant 0 : i32
        %lt3A_346 = vector.broadcast %lt3A_345 : i32 to vector<16xi32>
        %lt3A_347 = arith.cmpi slt, %get3A_344, %lt3A_346 : vector<16xi32>
        %add3A_348 = arith.constant 16 : i32
        %add3A_349 = vector.broadcast %add3A_348 : i32 to vector<16xi32>
        %add3A_350 = arith.addi %get3A_344, %add3A_349 : vector<16xi32>
        %select_n3A_351 = arith.select %lt3A_347, %add3A_350, %get3A_344 : vector<16xi1>, vector<16xi32>
        %broadcast_in_dim3A_352 = vector.shape_cast %select_n3A_351 : vector<16xi32> to vector<16x1xi32>
        %gather3A_353 = vector.shape_cast %broadcast_in_dim3A_352 : vector<16x1xi32> to vector<16xi32>
        %gather3A_354 = tpu.dynamic_gather %add3A_339[%gather3A_353] in [0] : vector<16xf32>, vector<16xi32> -> vector<16xf32>
        %add3A_355 = arith.addf %add3A_339, %gather3A_354 : vector<16xf32>
        %get3A_356 = arith.constant 3 : i32
        %get3A_357 = arith.index_cast %get3A_356 : i32 to index
        %get3A_358 = arith.constant 0 : index
        %get3A_359 = tpu.vector_load %arg13[%get3A_357, %get3A_358] {strides = array<i32>} : memref<4x16xi32, #tpu.memory_space<vmem>>, vector<1x16xi32>,
        %get3A_360 = vector.shape_cast %get3A_359 : vector<1x16xi32> to vector<16xi32>
        %lt3A_361 = arith.constant 0 : i32
        %lt3A_362 = vector.broadcast %lt3A_361 : i32 to vector<16xi32>
        %lt3A_363 = arith.cmpi slt, %get3A_360, %lt3A_362 : vector<16xi32>
        %add3A_364 = arith.constant 16 : i32
        %add3A_365 = vector.broadcast %add3A_364 : i32 to vector<16xi32>
        %add3A_366 = arith.addi %get3A_360, %add3A_365 : vector<16xi32>
        %select_n3A_367 = arith.select %lt3A_363, %add3A_366, %get3A_360 : vector<16xi1>, vector<16xi32>
        %broadcast_in_dim3A_368 = vector.shape_cast %select_n3A_367 : vector<16xi32> to vector<16x1xi32>
        %gather3A_369 = vector.shape_cast %broadcast_in_dim3A_368 : vector<16x1xi32> to vector<16xi32>
        %gather3A_370 = tpu.dynamic_gather %add3A_355[%gather3A_369] in [0] : vector<16xf32>, vector<16xi32> -> vector<16xf32>
        %add3A_371 = arith.addf %add3A_355, %gather3A_370 : vector<16xf32>
        %rem3A = arith.constant 16 : i32
        %rem3A_372 = arith.remsi %scan3A_150, %rem3A : i32
        %eq3A = vector.broadcast %rem3A_372 : i32 to vector<16xi32>
        %eq3A_373 = arith.cmpi eq, %iota3A, %eq3A : vector<16xi32>
        %select_n3A_374 = arith.select %eq3A_373, %add3A_371, %scan3A_151 : vector<16xi1>, vector<16xf32>
        %rem3A_375 = arith.constant 16 : i32
        %rem3A_376 = arith.remsi %scan3A_150, %rem3A_375 : i32
        %eq3A_377 = arith.constant 15 : i32
        %eq3A_378 = arith.cmpi eq, %rem3A_376, %eq3A_377 : i32
        %convert_element_type3A_379 = arith.extui %eq3A_378 : i1 to i32
        %cond3A_380 = arith.constant 0 : i32
        %cond3A_381 = arith.cmpi ne, %convert_element_type3A_379, %cond3A_380 : i32
        scf.if %cond3A_381 {
          %mul3A_382 = arith.constant 64 : i32
          %mul3A_383 = arith.muli %mul3A_94, %mul3A_382 : i32
          %add3A_384 = arith.addi %mul3A_383, %scan3A_150 : i32
          %sub3A = arith.constant 15 : i32
          %sub3A_385 = arith.subi %add3A_384, %sub3A : i32
          %swap3A = arith.index_cast %sub3A_385 : i32 to index
          %swap3A_386 = tpu.vector_load %arg14[%swap3A] {strides = array<i32>} : memref<5120xf32, #tpu.memory_space<vmem>>, vector<16xf32>,
          %swap3A_387 = vector.shape_cast %swap3A_386 : vector<16xf32> to vector<16xf32>
          %swap3A_388 = vector.shape_cast %select_n3A_374 : vector<16xf32> to vector<16xf32>
          tpu.vector_store %arg14[%swap3A], %swap3A_388 {strides = array<i32>} : memref<5120xf32, #tpu.memory_space<vmem>>, vector<16xf32>,
        } else {
        }
        scf.yield %select_n3A_374 : vector<16xf32>
      }
      %scan3A_112 = arith.constant 64 : i32
      %add3A_113 = arith.constant 1 : i32
      %add3A_114 = arith.addi %scan3A_92, %add3A_113 : i32
      %lt3A = arith.constant 40 : i32
      %lt3A_115 = arith.cmpi slt, %add3A_114, %lt3A : i32
      %convert_element_type3A = arith.extui %lt3A_115 : i1 to i32
      %cond3A = arith.constant 0 : i32
      %cond3A_116 = arith.cmpi ne, %convert_element_type3A, %cond3A : i32
      scf.if %cond3A_116 {
        %add3A_150 = arith.constant 2 : i32
        %add3A_151 = arith.addi %mul3A_94, %add3A_150 : i32
        %dma_start3A_152 = arith.constant 0 : i32
        %dma_start3A_153 = tpu.memref_slice %arg7[%add3A_151, %dma_start3A_152] : memref<80x64xi32, #tpu.memory_space<vmem>> -> memref<1x64xi32, #tpu.memory_space<vmem>>
        %dma_start3A_154 = tpu.memref_squeeze %dma_start3A_153 : memref<1x64xi32, #tpu.memory_space<vmem>> -> memref<64xi32, #tpu.memory_space<vmem>>
        %dma_start3A_155 = arith.constant 0 : i32
        %dma_start3A_156 = arith.constant 0 : i32
        %dma_start3A_157 = tpu.memref_slice %arg2[%dma_start3A_155, %dma_start3A_156] : memref<10240x256xf32, #tpu.memory_space<hbm>> -> memref<10240x256xf32, #tpu.memory_space<hbm>>
        tpu.enqueue_indirect_dma source(%dma_start3A_157 : memref<10240x256xf32, #tpu.memory_space<hbm>>) target(%arg9 : memref<64x256xf32, #tpu.memory_space<vmem>>) offsets(%dma_start3A_154 : memref<64xi32, #tpu.memory_space<vmem>>) semaphore(%arg15 : memref<!tpu.dma_semaphore, #tpu.memory_space<semaphore_mem>>)
        %add3A_158 = arith.constant 2 : i32
        %add3A_159 = arith.addi %mul3A_94, %add3A_158 : i32
        %dma_start3A_160 = arith.constant 0 : i32
        %dma_start3A_161 = tpu.memref_slice %arg8[%add3A_159, %dma_start3A_160] : memref<80x64xi32, #tpu.memory_space<vmem>> -> memref<1x64xi32, #tpu.memory_space<vmem>>
        %dma_start3A_162 = tpu.memref_squeeze %dma_start3A_161 : memref<1x64xi32, #tpu.memory_space<vmem>> -> memref<64xi32, #tpu.memory_space<vmem>>
        %dma_start3A_163 = arith.constant 0 : i32
        %dma_start3A_164 = arith.constant 0 : i32
        %dma_start3A_165 = tpu.memref_slice %arg2[%dma_start3A_163, %dma_start3A_164] : memref<10240x256xf32, #tpu.memory_space<hbm>> -> memref<10240x256xf32, #tpu.memory_space<hbm>>
        tpu.enqueue_indirect_dma source(%dma_start3A_165 : memref<10240x256xf32, #tpu.memory_space<hbm>>) target(%arg10 : memref<64x256xf32, #tpu.memory_space<vmem>>) offsets(%dma_start3A_162 : memref<64xi32, #tpu.memory_space<vmem>>) semaphore(%arg16 : memref<!tpu.dma_semaphore, #tpu.memory_space<semaphore_mem>>)
      } else {
      }
      %add3A_117 = arith.constant 1 : i32
      %add3A_118 = arith.addi %mul3A_94, %add3A_117 : i32
      %dma_wait3A_119 = arith.constant 0 : i32
      %dma_wait3A_120 = tpu.memref_slice %arg7[%add3A_118, %dma_wait3A_119] : memref<80x64xi32, #tpu.memory_space<vmem>> -> memref<1x64xi32, #tpu.memory_space<vmem>>
      %dma_wait3A_121 = tpu.memref_squeeze %dma_wait3A_120 : memref<1x64xi32, #tpu.memory_space<vmem>> -> memref<64xi32, #tpu.memory_space<vmem>>
      %dma_wait3A_122 = arith.constant 0 : i32
      %dma_wait3A_123 = arith.constant 0 : i32
      %dma_wait3A_124 = tpu.memref_slice %arg2[%dma_wait3A_122, %dma_wait3A_123] : memref<10240x256xf32, #tpu.memory_space<hbm>> -> memref<10240x256xf32, #tpu.memory_space<hbm>>
      tpu.wait_indirect_dma semaphore(%arg17 : memref<!tpu.dma_semaphore, #tpu.memory_space<semaphore_mem>>) src(%dma_wait3A_124 : memref<10240x256xf32, #tpu.memory_space<hbm>>) dst(%arg11 : memref<64x256xf32, #tpu.memory_space<vmem>>)
      %add3A_125 = arith.constant 1 : i32
      %add3A_126 = arith.addi %mul3A_94, %add3A_125 : i32
      %dma_wait3A_127 = arith.constant 0 : i32
      %dma_wait3A_128 = tpu.memref_slice %arg8[%add3A_126, %dma_wait3A_127] : memref<80x64xi32, #tpu.memory_space<vmem>> -> memref<1x64xi32, #tpu.memory_space<vmem>>
      %dma_wait3A_129 = tpu.memref_squeeze %dma_wait3A_128 : memref<1x64xi32, #tpu.memory_space<vmem>> -> memref<64xi32, #tpu.memory_space<vmem>>
      %dma_wait3A_130 = arith.constant 0 : i32
      %dma_wait3A_131 = arith.constant 0 : i32
      %dma_wait3A_132 = tpu.memref_slice %arg2[%dma_wait3A_130, %dma_wait3A_131] : memref<10240x256xf32, #tpu.memory_space<hbm>> -> memref<10240x256xf32, #tpu.memory_space<hbm>>
      tpu.wait_indirect_dma semaphore(%arg18 : memref<!tpu.dma_semaphore, #tpu.memory_space<semaphore_mem>>) src(%dma_wait3A_132 : memref<10240x256xf32, #tpu.memory_space<hbm>>) dst(%arg12 : memref<64x256xf32, #tpu.memory_space<vmem>>)
      %add3A_133 = arith.constant 1 : i32
      %add3A_134 = arith.addi %mul3A_94, %add3A_133 : i32
      %broadcast_in_dim3A_135 = arith.constant 0.000000e+00 : f32
      %broadcast_in_dim3A_136 = vector.broadcast %broadcast_in_dim3A_135 : f32 to vector<16xf32>
      %scan3A_137 = arith.constant 0 : i32
      %scan3A_138 = arith.constant 64 : i32
      %scan3A_139 = arith.addi %scan3A_137, %scan3A_138 : i32
      %scan3A_140 = arith.constant 1 : i32
      %scan3A_141 = scf.for %scan3A_150 = %scan3A_137 to %scan3A_139 step %scan3A_140 iter_args(%scan3A_151 = %broadcast_in_dim3A_136) -> (vector<16xf32>)  : i32 {
        %get3A = arith.index_cast %scan3A_150 : i32 to index
        %get3A_152 = arith.constant 0 : index
        %get3A_153 = tpu.vector_load %arg11[%get3A, %get3A_152] {strides = array<i32>} : memref<64x256xf32, #tpu.memory_space<vmem>>, vector<1x16xf32>,
        %get3A_154 = vector.shape_cast %get3A_153 : vector<1x16xf32> to vector<16xf32>
        %get3A_155 = arith.index_cast %scan3A_150 : i32 to index
        %get3A_156 = arith.constant 0 : index
        %get3A_157 = tpu.vector_load %arg12[%get3A_155, %get3A_156] {strides = array<i32>} : memref<64x256xf32, #tpu.memory_space<vmem>>, vector<1x16xf32>,
        %get3A_158 = vector.shape_cast %get3A_157 : vector<1x16xf32> to vector<16xf32>
        %mul3A_159 = arith.mulf %get3A_154, %get3A_158 : vector<16xf32>
        %get3A_160 = arith.index_cast %scan3A_150 : i32 to index
        %get3A_161 = arith.constant 16 : index
        %get3A_162 = tpu.vector_load %arg11[%get3A_160, %get3A_161] {strides = array<i32>} : memref<64x256xf32, #tpu.memory_space<vmem>>, vector<1x16xf32>,
        %get3A_163 = vector.shape_cast %get3A_162 : vector<1x16xf32> to vector<16xf32>
        %get3A_164 = arith.index_cast %scan3A_150 : i32 to index
        %get3A_165 = arith.constant 16 : index
        %get3A_166 = tpu.vector_load %arg12[%get3A_164, %get3A_165] {strides = array<i32>} : memref<64x256xf32, #tpu.memory_space<vmem>>, vector<1x16xf32>,
        %get3A_167 = vector.shape_cast %get3A_166 : vector<1x16xf32> to vector<16xf32>
        %mul3A_168 = arith.mulf %get3A_163, %get3A_167 : vector<16xf32>
        %get3A_169 = arith.index_cast %scan3A_150 : i32 to index
        %get3A_170 = arith.constant 32 : index
        %get3A_171 = tpu.vector_load %arg11[%get3A_169, %get3A_170] {strides = array<i32>} : memref<64x256xf32, #tpu.memory_space<vmem>>, vector<1x16xf32>,
        %get3A_172 = vector.shape_cast %get3A_171 : vector<1x16xf32> to vector<16xf32>
        %get3A_173 = arith.index_cast %scan3A_150 : i32 to index
        %get3A_174 = arith.constant 32 : index
        %get3A_175 = tpu.vector_load %arg12[%get3A_173, %get3A_174] {strides = array<i32>} : memref<64x256xf32, #tpu.memory_space<vmem>>, vector<1x16xf32>,
        %get3A_176 = vector.shape_cast %get3A_175 : vector<1x16xf32> to vector<16xf32>
        %mul3A_177 = arith.mulf %get3A_172, %get3A_176 : vector<16xf32>
        %get3A_178 = arith.index_cast %scan3A_150 : i32 to index
        %get3A_179 = arith.constant 48 : index
        %get3A_180 = tpu.vector_load %arg11[%get3A_178, %get3A_179] {strides = array<i32>} : memref<64x256xf32, #tpu.memory_space<vmem>>, vector<1x16xf32>,
        %get3A_181 = vector.shape_cast %get3A_180 : vector<1x16xf32> to vector<16xf32>
        %get3A_182 = arith.index_cast %scan3A_150 : i32 to index
        %get3A_183 = arith.constant 48 : index
        %get3A_184 = tpu.vector_load %arg12[%get3A_182, %get3A_183] {strides = array<i32>} : memref<64x256xf32, #tpu.memory_space<vmem>>, vector<1x16xf32>,
        %get3A_185 = vector.shape_cast %get3A_184 : vector<1x16xf32> to vector<16xf32>
        %mul3A_186 = arith.mulf %get3A_181, %get3A_185 : vector<16xf32>
        %get3A_187 = arith.index_cast %scan3A_150 : i32 to index
        %get3A_188 = arith.constant 64 : index
        %get3A_189 = tpu.vector_load %arg11[%get3A_187, %get3A_188] {strides = array<i32>} : memref<64x256xf32, #tpu.memory_space<vmem>>, vector<1x16xf32>,
        %get3A_190 = vector.shape_cast %get3A_189 : vector<1x16xf32> to vector<16xf32>
        %get3A_191 = arith.index_cast %scan3A_150 : i32 to index
        %get3A_192 = arith.constant 64 : index
        %get3A_193 = tpu.vector_load %arg12[%get3A_191, %get3A_192] {strides = array<i32>} : memref<64x256xf32, #tpu.memory_space<vmem>>, vector<1x16xf32>,
        %get3A_194 = vector.shape_cast %get3A_193 : vector<1x16xf32> to vector<16xf32>
        %mul3A_195 = arith.mulf %get3A_190, %get3A_194 : vector<16xf32>
        %add3A_196 = arith.addf %mul3A_159, %mul3A_195 : vector<16xf32>
        %get3A_197 = arith.index_cast %scan3A_150 : i32 to index
        %get3A_198 = arith.constant 80 : index
        %get3A_199 = tpu.vector_load %arg11[%get3A_197, %get3A_198] {strides = array<i32>} : memref<64x256xf32, #tpu.memory_space<vmem>>, vector<1x16xf32>,
        %get3A_200 = vector.shape_cast %get3A_199 : vector<1x16xf32> to vector<16xf32>
        %get3A_201 = arith.index_cast %scan3A_150 : i32 to index
        %get3A_202 = arith.constant 80 : index
        %get3A_203 = tpu.vector_load %arg12[%get3A_201, %get3A_202] {strides = array<i32>} : memref<64x256xf32, #tpu.memory_space<vmem>>, vector<1x16xf32>,
        %get3A_204 = vector.shape_cast %get3A_203 : vector<1x16xf32> to vector<16xf32>
        %mul3A_205 = arith.mulf %get3A_200, %get3A_204 : vector<16xf32>
        %add3A_206 = arith.addf %mul3A_168, %mul3A_205 : vector<16xf32>
        %get3A_207 = arith.index_cast %scan3A_150 : i32 to index
        %get3A_208 = arith.constant 96 : index
        %get3A_209 = tpu.vector_load %arg11[%get3A_207, %get3A_208] {strides = array<i32>} : memref<64x256xf32, #tpu.memory_space<vmem>>, vector<1x16xf32>,
        %get3A_210 = vector.shape_cast %get3A_209 : vector<1x16xf32> to vector<16xf32>
        %get3A_211 = arith.index_cast %scan3A_150 : i32 to index
        %get3A_212 = arith.constant 96 : index
        %get3A_213 = tpu.vector_load %arg12[%get3A_211, %get3A_212] {strides = array<i32>} : memref<64x256xf32, #tpu.memory_space<vmem>>, vector<1x16xf32>,
        %get3A_214 = vector.shape_cast %get3A_213 : vector<1x16xf32> to vector<16xf32>
        %mul3A_215 = arith.mulf %get3A_210, %get3A_214 : vector<16xf32>
        %add3A_216 = arith.addf %mul3A_177, %mul3A_215 : vector<16xf32>
        %get3A_217 = arith.index_cast %scan3A_150 : i32 to index
        %get3A_218 = arith.constant 112 : index
        %get3A_219 = tpu.vector_load %arg11[%get3A_217, %get3A_218] {strides = array<i32>} : memref<64x256xf32, #tpu.memory_space<vmem>>, vector<1x16xf32>,
        %get3A_220 = vector.shape_cast %get3A_219 : vector<1x16xf32> to vector<16xf32>
        %get3A_221 = arith.index_cast %scan3A_150 : i32 to index
        %get3A_222 = arith.constant 112 : index
        %get3A_223 = tpu.vector_load %arg12[%get3A_221, %get3A_222] {strides = array<i32>} : memref<64x256xf32, #tpu.memory_space<vmem>>, vector<1x16xf32>,
        %get3A_224 = vector.shape_cast %get3A_223 : vector<1x16xf32> to vector<16xf32>
        %mul3A_225 = arith.mulf %get3A_220, %get3A_224 : vector<16xf32>
        %add3A_226 = arith.addf %mul3A_186, %mul3A_225 : vector<16xf32>
        %get3A_227 = arith.index_cast %scan3A_150 : i32 to index
        %get3A_228 = arith.constant 128 : index
        %get3A_229 = tpu.vector_load %arg11[%get3A_227, %get3A_228] {strides = array<i32>} : memref<64x256xf32, #tpu.memory_space<vmem>>, vector<1x16xf32>,
        %get3A_230 = vector.shape_cast %get3A_229 : vector<1x16xf32> to vector<16xf32>
        %get3A_231 = arith.index_cast %scan3A_150 : i32 to index
        %get3A_232 = arith.constant 128 : index
        %get3A_233 = tpu.vector_load %arg12[%get3A_231, %get3A_232] {strides = array<i32>} : memref<64x256xf32, #tpu.memory_space<vmem>>, vector<1x16xf32>,
        %get3A_234 = vector.shape_cast %get3A_233 : vector<1x16xf32> to vector<16xf32>
        %mul3A_235 = arith.mulf %get3A_230, %get3A_234 : vector<16xf32>
        %add3A_236 = arith.addf %add3A_196, %mul3A_235 : vector<16xf32>
        %get3A_237 = arith.index_cast %scan3A_150 : i32 to index
        %get3A_238 = arith.constant 144 : index
        %get3A_239 = tpu.vector_load %arg11[%get3A_237, %get3A_238] {strides = array<i32>} : memref<64x256xf32, #tpu.memory_space<vmem>>, vector<1x16xf32>,
        %get3A_240 = vector.shape_cast %get3A_239 : vector<1x16xf32> to vector<16xf32>
        %get3A_241 = arith.index_cast %scan3A_150 : i32 to index
        %get3A_242 = arith.constant 144 : index
        %get3A_243 = tpu.vector_load %arg12[%get3A_241, %get3A_242] {strides = array<i32>} : memref<64x256xf32, #tpu.memory_space<vmem>>, vector<1x16xf32>,
        %get3A_244 = vector.shape_cast %get3A_243 : vector<1x16xf32> to vector<16xf32>
        %mul3A_245 = arith.mulf %get3A_240, %get3A_244 : vector<16xf32>
        %add3A_246 = arith.addf %add3A_206, %mul3A_245 : vector<16xf32>
        %get3A_247 = arith.index_cast %scan3A_150 : i32 to index
        %get3A_248 = arith.constant 160 : index
        %get3A_249 = tpu.vector_load %arg11[%get3A_247, %get3A_248] {strides = array<i32>} : memref<64x256xf32, #tpu.memory_space<vmem>>, vector<1x16xf32>,
        %get3A_250 = vector.shape_cast %get3A_249 : vector<1x16xf32> to vector<16xf32>
        %get3A_251 = arith.index_cast %scan3A_150 : i32 to index
        %get3A_252 = arith.constant 160 : index
        %get3A_253 = tpu.vector_load %arg12[%get3A_251, %get3A_252] {strides = array<i32>} : memref<64x256xf32, #tpu.memory_space<vmem>>, vector<1x16xf32>,
        %get3A_254 = vector.shape_cast %get3A_253 : vector<1x16xf32> to vector<16xf32>
        %mul3A_255 = arith.mulf %get3A_250, %get3A_254 : vector<16xf32>
        %add3A_256 = arith.addf %add3A_216, %mul3A_255 : vector<16xf32>
        %get3A_257 = arith.index_cast %scan3A_150 : i32 to index
        %get3A_258 = arith.constant 176 : index
        %get3A_259 = tpu.vector_load %arg11[%get3A_257, %get3A_258] {strides = array<i32>} : memref<64x256xf32, #tpu.memory_space<vmem>>, vector<1x16xf32>,
        %get3A_260 = vector.shape_cast %get3A_259 : vector<1x16xf32> to vector<16xf32>
        %get3A_261 = arith.index_cast %scan3A_150 : i32 to index
        %get3A_262 = arith.constant 176 : index
        %get3A_263 = tpu.vector_load %arg12[%get3A_261, %get3A_262] {strides = array<i32>} : memref<64x256xf32, #tpu.memory_space<vmem>>, vector<1x16xf32>,
        %get3A_264 = vector.shape_cast %get3A_263 : vector<1x16xf32> to vector<16xf32>
        %mul3A_265 = arith.mulf %get3A_260, %get3A_264 : vector<16xf32>
        %add3A_266 = arith.addf %add3A_226, %mul3A_265 : vector<16xf32>
        %get3A_267 = arith.index_cast %scan3A_150 : i32 to index
        %get3A_268 = arith.constant 192 : index
        %get3A_269 = tpu.vector_load %arg11[%get3A_267, %get3A_268] {strides = array<i32>} : memref<64x256xf32, #tpu.memory_space<vmem>>, vector<1x16xf32>,
        %get3A_270 = vector.shape_cast %get3A_269 : vector<1x16xf32> to vector<16xf32>
        %get3A_271 = arith.index_cast %scan3A_150 : i32 to index
        %get3A_272 = arith.constant 192 : index
        %get3A_273 = tpu.vector_load %arg12[%get3A_271, %get3A_272] {strides = array<i32>} : memref<64x256xf32, #tpu.memory_space<vmem>>, vector<1x16xf32>,
        %get3A_274 = vector.shape_cast %get3A_273 : vector<1x16xf32> to vector<16xf32>
        %mul3A_275 = arith.mulf %get3A_270, %get3A_274 : vector<16xf32>
        %add3A_276 = arith.addf %add3A_236, %mul3A_275 : vector<16xf32>
        %get3A_277 = arith.index_cast %scan3A_150 : i32 to index
        %get3A_278 = arith.constant 208 : index
        %get3A_279 = tpu.vector_load %arg11[%get3A_277, %get3A_278] {strides = array<i32>} : memref<64x256xf32, #tpu.memory_space<vmem>>, vector<1x16xf32>,
        %get3A_280 = vector.shape_cast %get3A_279 : vector<1x16xf32> to vector<16xf32>
        %get3A_281 = arith.index_cast %scan3A_150 : i32 to index
        %get3A_282 = arith.constant 208 : index
        %get3A_283 = tpu.vector_load %arg12[%get3A_281, %get3A_282] {strides = array<i32>} : memref<64x256xf32, #tpu.memory_space<vmem>>, vector<1x16xf32>,
        %get3A_284 = vector.shape_cast %get3A_283 : vector<1x16xf32> to vector<16xf32>
        %mul3A_285 = arith.mulf %get3A_280, %get3A_284 : vector<16xf32>
        %add3A_286 = arith.addf %add3A_246, %mul3A_285 : vector<16xf32>
        %get3A_287 = arith.index_cast %scan3A_150 : i32 to index
        %get3A_288 = arith.constant 224 : index
        %get3A_289 = tpu.vector_load %arg11[%get3A_287, %get3A_288] {strides = array<i32>} : memref<64x256xf32, #tpu.memory_space<vmem>>, vector<1x16xf32>,
        %get3A_290 = vector.shape_cast %get3A_289 : vector<1x16xf32> to vector<16xf32>
        %get3A_291 = arith.index_cast %scan3A_150 : i32 to index
        %get3A_292 = arith.constant 224 : index
        %get3A_293 = tpu.vector_load %arg12[%get3A_291, %get3A_292] {strides = array<i32>} : memref<64x256xf32, #tpu.memory_space<vmem>>, vector<1x16xf32>,
        %get3A_294 = vector.shape_cast %get3A_293 : vector<1x16xf32> to vector<16xf32>
        %mul3A_295 = arith.mulf %get3A_290, %get3A_294 : vector<16xf32>
        %add3A_296 = arith.addf %add3A_256, %mul3A_295 : vector<16xf32>
        %get3A_297 = arith.index_cast %scan3A_150 : i32 to index
        %get3A_298 = arith.constant 240 : index
        %get3A_299 = tpu.vector_load %arg11[%get3A_297, %get3A_298] {strides = array<i32>} : memref<64x256xf32, #tpu.memory_space<vmem>>, vector<1x16xf32>,
        %get3A_300 = vector.shape_cast %get3A_299 : vector<1x16xf32> to vector<16xf32>
        %get3A_301 = arith.index_cast %scan3A_150 : i32 to index
        %get3A_302 = arith.constant 240 : index
        %get3A_303 = tpu.vector_load %arg12[%get3A_301, %get3A_302] {strides = array<i32>} : memref<64x256xf32, #tpu.memory_space<vmem>>, vector<1x16xf32>,
        %get3A_304 = vector.shape_cast %get3A_303 : vector<1x16xf32> to vector<16xf32>
        %mul3A_305 = arith.mulf %get3A_300, %get3A_304 : vector<16xf32>
        %add3A_306 = arith.addf %add3A_266, %mul3A_305 : vector<16xf32>
        %add3A_307 = arith.addf %add3A_276, %add3A_286 : vector<16xf32>
        %add3A_308 = arith.addf %add3A_296, %add3A_306 : vector<16xf32>
        %add3A_309 = arith.addf %add3A_307, %add3A_308 : vector<16xf32>
        %get3A_310 = arith.constant 0 : i32
        %get3A_311 = arith.index_cast %get3A_310 : i32 to index
        %get3A_312 = arith.constant 0 : index
        %get3A_313 = tpu.vector_load %arg13[%get3A_311, %get3A_312] {strides = array<i32>} : memref<4x16xi32, #tpu.memory_space<vmem>>, vector<1x16xi32>,
        %get3A_314 = vector.shape_cast %get3A_313 : vector<1x16xi32> to vector<16xi32>
        %lt3A_315 = arith.constant 0 : i32
        %lt3A_316 = vector.broadcast %lt3A_315 : i32 to vector<16xi32>
        %lt3A_317 = arith.cmpi slt, %get3A_314, %lt3A_316 : vector<16xi32>
        %add3A_318 = arith.constant 16 : i32
        %add3A_319 = vector.broadcast %add3A_318 : i32 to vector<16xi32>
        %add3A_320 = arith.addi %get3A_314, %add3A_319 : vector<16xi32>
        %select_n3A = arith.select %lt3A_317, %add3A_320, %get3A_314 : vector<16xi1>, vector<16xi32>
        %broadcast_in_dim3A_321 = vector.shape_cast %select_n3A : vector<16xi32> to vector<16x1xi32>
        %gather3A = vector.shape_cast %broadcast_in_dim3A_321 : vector<16x1xi32> to vector<16xi32>
        %gather3A_322 = tpu.dynamic_gather %add3A_309[%gather3A] in [0] : vector<16xf32>, vector<16xi32> -> vector<16xf32>
        %add3A_323 = arith.addf %add3A_309, %gather3A_322 : vector<16xf32>
        %get3A_324 = arith.constant 1 : i32
        %get3A_325 = arith.index_cast %get3A_324 : i32 to index
        %get3A_326 = arith.constant 0 : index
        %get3A_327 = tpu.vector_load %arg13[%get3A_325, %get3A_326] {strides = array<i32>} : memref<4x16xi32, #tpu.memory_space<vmem>>, vector<1x16xi32>,
        %get3A_328 = vector.shape_cast %get3A_327 : vector<1x16xi32> to vector<16xi32>
        %lt3A_329 = arith.constant 0 : i32
        %lt3A_330 = vector.broadcast %lt3A_329 : i32 to vector<16xi32>
        %lt3A_331 = arith.cmpi slt, %get3A_328, %lt3A_330 : vector<16xi32>
        %add3A_332 = arith.constant 16 : i32
        %add3A_333 = vector.broadcast %add3A_332 : i32 to vector<16xi32>
        %add3A_334 = arith.addi %get3A_328, %add3A_333 : vector<16xi32>
        %select_n3A_335 = arith.select %lt3A_331, %add3A_334, %get3A_328 : vector<16xi1>, vector<16xi32>
        %broadcast_in_dim3A_336 = vector.shape_cast %select_n3A_335 : vector<16xi32> to vector<16x1xi32>
        %gather3A_337 = vector.shape_cast %broadcast_in_dim3A_336 : vector<16x1xi32> to vector<16xi32>
        %gather3A_338 = tpu.dynamic_gather %add3A_323[%gather3A_337] in [0] : vector<16xf32>, vector<16xi32> -> vector<16xf32>
        %add3A_339 = arith.addf %add3A_323, %gather3A_338 : vector<16xf32>
        %get3A_340 = arith.constant 2 : i32
        %get3A_341 = arith.index_cast %get3A_340 : i32 to index
        %get3A_342 = arith.constant 0 : index
        %get3A_343 = tpu.vector_load %arg13[%get3A_341, %get3A_342] {strides = array<i32>} : memref<4x16xi32, #tpu.memory_space<vmem>>, vector<1x16xi32>,
        %get3A_344 = vector.shape_cast %get3A_343 : vector<1x16xi32> to vector<16xi32>
        %lt3A_345 = arith.constant 0 : i32
        %lt3A_346 = vector.broadcast %lt3A_345 : i32 to vector<16xi32>
        %lt3A_347 = arith.cmpi slt, %get3A_344, %lt3A_346 : vector<16xi32>
        %add3A_348 = arith.constant 16 : i32
        %add3A_349 = vector.broadcast %add3A_348 : i32 to vector<16xi32>
        %add3A_350 = arith.addi %get3A_344, %add3A_349 : vector<16xi32>
        %select_n3A_351 = arith.select %lt3A_347, %add3A_350, %get3A_344 : vector<16xi1>, vector<16xi32>
        %broadcast_in_dim3A_352 = vector.shape_cast %select_n3A_351 : vector<16xi32> to vector<16x1xi32>
        %gather3A_353 = vector.shape_cast %broadcast_in_dim3A_352 : vector<16x1xi32> to vector<16xi32>
        %gather3A_354 = tpu.dynamic_gather %add3A_339[%gather3A_353] in [0] : vector<16xf32>, vector<16xi32> -> vector<16xf32>
        %add3A_355 = arith.addf %add3A_339, %gather3A_354 : vector<16xf32>
        %get3A_356 = arith.constant 3 : i32
        %get3A_357 = arith.index_cast %get3A_356 : i32 to index
        %get3A_358 = arith.constant 0 : index
        %get3A_359 = tpu.vector_load %arg13[%get3A_357, %get3A_358] {strides = array<i32>} : memref<4x16xi32, #tpu.memory_space<vmem>>, vector<1x16xi32>,
        %get3A_360 = vector.shape_cast %get3A_359 : vector<1x16xi32> to vector<16xi32>
        %lt3A_361 = arith.constant 0 : i32
        %lt3A_362 = vector.broadcast %lt3A_361 : i32 to vector<16xi32>
        %lt3A_363 = arith.cmpi slt, %get3A_360, %lt3A_362 : vector<16xi32>
        %add3A_364 = arith.constant 16 : i32
        %add3A_365 = vector.broadcast %add3A_364 : i32 to vector<16xi32>
        %add3A_366 = arith.addi %get3A_360, %add3A_365 : vector<16xi32>
        %select_n3A_367 = arith.select %lt3A_363, %add3A_366, %get3A_360 : vector<16xi1>, vector<16xi32>
        %broadcast_in_dim3A_368 = vector.shape_cast %select_n3A_367 : vector<16xi32> to vector<16x1xi32>
        %gather3A_369 = vector.shape_cast %broadcast_in_dim3A_368 : vector<16x1xi32> to vector<16xi32>
        %gather3A_370 = tpu.dynamic_gather %add3A_355[%gather3A_369] in [0] : vector<16xf32>, vector<16xi32> -> vector<16xf32>
        %add3A_371 = arith.addf %add3A_355, %gather3A_370 : vector<16xf32>
        %rem3A = arith.constant 16 : i32
        %rem3A_372 = arith.remsi %scan3A_150, %rem3A : i32
        %eq3A = vector.broadcast %rem3A_372 : i32 to vector<16xi32>
        %eq3A_373 = arith.cmpi eq, %iota3A, %eq3A : vector<16xi32>
        %select_n3A_374 = arith.select %eq3A_373, %add3A_371, %scan3A_151 : vector<16xi1>, vector<16xf32>
        %rem3A_375 = arith.constant 16 : i32
        %rem3A_376 = arith.remsi %scan3A_150, %rem3A_375 : i32
        %eq3A_377 = arith.constant 15 : i32
        %eq3A_378 = arith.cmpi eq, %rem3A_376, %eq3A_377 : i32
        %convert_element_type3A_379 = arith.extui %eq3A_378 : i1 to i32
        %cond3A_380 = arith.constant 0 : i32
        %cond3A_381 = arith.cmpi ne, %convert_element_type3A_379, %cond3A_380 : i32
        scf.if %cond3A_381 {
          %mul3A_382 = arith.constant 64 : i32
          %mul3A_383 = arith.muli %add3A_134, %mul3A_382 : i32
          %add3A_384 = arith.addi %mul3A_383, %scan3A_150 : i32
          %sub3A = arith.constant 15 : i32
          %sub3A_385 = arith.subi %add3A_384, %sub3A : i32
          %swap3A = arith.index_cast %sub3A_385 : i32 to index
          %swap3A_386 = tpu.vector_load %arg14[%swap3A] {strides = array<i32>} : memref<5120xf32, #tpu.memory_space<vmem>>, vector<16xf32>,
          %swap3A_387 = vector.shape_cast %swap3A_386 : vector<16xf32> to vector<16xf32>
          %swap3A_388 = vector.shape_cast %select_n3A_374 : vector<16xf32> to vector<16xf32>
          tpu.vector_store %arg14[%swap3A], %swap3A_388 {strides = array<i32>} : memref<5120xf32, #tpu.memory_space<vmem>>, vector<16xf32>,
        } else {
        }
        scf.yield %select_n3A_374 : vector<16xf32>
      }
      %scan3A_142 = arith.constant 64 : i32
      %add3A_143 = arith.constant 1 : i32
      %add3A_144 = arith.addi %scan3A_92, %add3A_143 : i32
      %lt3A_145 = arith.constant 40 : i32
      %lt3A_146 = arith.cmpi slt, %add3A_144, %lt3A_145 : i32
      %convert_element_type3A_147 = arith.extui %lt3A_146 : i1 to i32
      %cond3A_148 = arith.constant 0 : i32
      %cond3A_149 = arith.cmpi ne, %convert_element_type3A_147, %cond3A_148 : i32
      scf.if %cond3A_149 {
        %add3A_150 = arith.constant 3 : i32
        %add3A_151 = arith.addi %mul3A_94, %add3A_150 : i32
        %dma_start3A_152 = arith.constant 0 : i32
        %dma_start3A_153 = tpu.memref_slice %arg7[%add3A_151, %dma_start3A_152] : memref<80x64xi32, #tpu.memory_space<vmem>> -> memref<1x64xi32, #tpu.memory_space<vmem>>
        %dma_start3A_154 = tpu.memref_squeeze %dma_start3A_153 : memref<1x64xi32, #tpu.memory_space<vmem>> -> memref<64xi32, #tpu.memory_space<vmem>>
        %dma_start3A_155 = arith.constant 0 : i32
        %dma_start3A_156 = arith.constant 0 : i32
        %dma_start3A_157 = tpu.memref_slice %arg2[%dma_start3A_155, %dma_start3A_156] : memref<10240x256xf32, #tpu.memory_space<hbm>> -> memref<10240x256xf32, #tpu.memory_space<hbm>>
        tpu.enqueue_indirect_dma source(%dma_start3A_157 : memref<10240x256xf32, #tpu.memory_space<hbm>>) target(%arg11 : memref<64x256xf32, #tpu.memory_space<vmem>>) offsets(%dma_start3A_154 : memref<64xi32, #tpu.memory_space<vmem>>) semaphore(%arg17 : memref<!tpu.dma_semaphore, #tpu.memory_space<semaphore_mem>>)
        %add3A_158 = arith.constant 3 : i32
        %add3A_159 = arith.addi %mul3A_94, %add3A_158 : i32
        %dma_start3A_160 = arith.constant 0 : i32
        %dma_start3A_161 = tpu.memref_slice %arg8[%add3A_159, %dma_start3A_160] : memref<80x64xi32, #tpu.memory_space<vmem>> -> memref<1x64xi32, #tpu.memory_space<vmem>>
        %dma_start3A_162 = tpu.memref_squeeze %dma_start3A_161 : memref<1x64xi32, #tpu.memory_space<vmem>> -> memref<64xi32, #tpu.memory_space<vmem>>
        %dma_start3A_163 = arith.constant 0 : i32
        %dma_start3A_164 = arith.constant 0 : i32
        %dma_start3A_165 = tpu.memref_slice %arg2[%dma_start3A_163, %dma_start3A_164] : memref<10240x256xf32, #tpu.memory_space<hbm>> -> memref<10240x256xf32, #tpu.memory_space<hbm>>
        tpu.enqueue_indirect_dma source(%dma_start3A_165 : memref<10240x256xf32, #tpu.memory_space<hbm>>) target(%arg12 : memref<64x256xf32, #tpu.memory_space<vmem>>) offsets(%dma_start3A_162 : memref<64xi32, #tpu.memory_space<vmem>>) semaphore(%arg18 : memref<!tpu.dma_semaphore, #tpu.memory_space<semaphore_mem>>)
      } else {
      }
    }
    %scan3A_36 = arith.constant 40 : i32
    %add3A_37 = arith.constant 0 : i32
    %add3A_38 = arith.addi %add3A_37, %arg0 : i32
    %mul3A_39 = arith.constant 16 : i32
    %mul3A_40 = arith.muli %add3A_38, %mul3A_39 : i32
    %add3A_41 = arith.addi %mul3A_40, %arg1 : i32
    %mul3A_42 = arith.constant 5120 : i32
    %mul3A_43 = arith.muli %add3A_41, %mul3A_42 : i32
    "tpu.region"() ({
      %run_scoped3A = tpu.sem_alloc : memref<!tpu.dma_semaphore, #tpu.memory_space<semaphore_mem>>
      %dma_start3A_92 = tpu.memref_slice %arg6[%mul3A_43] : memref<327680xf32, #tpu.memory_space<hbm>> -> memref<5120xf32, #tpu.memory_space<hbm>>
      %dma_start3A_93 = tpu.memref_slice %arg6[%mul3A_43] : memref<327680xf32, #tpu.memory_space<hbm>> -> memref<5120xf32, #tpu.memory_space<hbm>>
      tpu.enqueue_dma source(%arg14 : memref<5120xf32, #tpu.memory_space<vmem>>) target(%dma_start3A_93 : memref<5120xf32, #tpu.memory_space<hbm>>) target_semaphore(%run_scoped3A : memref<!tpu.dma_semaphore, #tpu.memory_space<semaphore_mem>>)
      %dma_wait3A = tpu.memref_slice %arg6[%mul3A_43] : memref<327680xf32, #tpu.memory_space<hbm>> -> memref<5120xf32, #tpu.memory_space<hbm>>
      %dma_wait3A_94 = tpu.memref_slice %arg6[%mul3A_43] : memref<327680xf32, #tpu.memory_space<hbm>> -> memref<5120xf32, #tpu.memory_space<hbm>>
      tpu.wait_dma2 semaphore(%run_scoped3A : memref<!tpu.dma_semaphore, #tpu.memory_space<semaphore_mem>>) src(%arg14 : memref<5120xf32, #tpu.memory_space<vmem>>) dst(%dma_wait3A_94 : memref<5120xf32, #tpu.memory_space<hbm>>)
      tpu.yield
    }) : () -> ()
    %add3A_44 = arith.constant 2 : i32
    %add3A_45 = arith.addi %add3A_44, %arg0 : i32
    %mul3A_46 = arith.constant 16 : i32
    %mul3A_47 = arith.muli %add3A_45, %mul3A_46 : i32
    %add3A_48 = arith.addi %mul3A_47, %arg1 : i32
    %mul3A_49 = arith.constant 80 : i32
    %mul3A_50 = arith.muli %add3A_48, %mul3A_49 : i32
    "tpu.region"() ({
      %run_scoped3A = tpu.sem_alloc : memref<!tpu.dma_semaphore, #tpu.memory_space<semaphore_mem>>
      %dma_start3A_92 = arith.constant 0 : i32
      %dma_start3A_93 = tpu.memref_slice %arg3[%mul3A_50, %dma_start3A_92] : memref<5120x64xi32, #tpu.memory_space<hbm>> -> memref<80x64xi32, #tpu.memory_space<hbm>>
      %dma_start3A_94 = arith.constant 0 : i32
      %dma_start3A_95 = tpu.memref_slice %arg3[%mul3A_50, %dma_start3A_94] : memref<5120x64xi32, #tpu.memory_space<hbm>> -> memref<80x64xi32, #tpu.memory_space<hbm>>
      tpu.enqueue_dma source(%dma_start3A_95 : memref<80x64xi32, #tpu.memory_space<hbm>>) target(%arg7 : memref<80x64xi32, #tpu.memory_space<vmem>>) target_semaphore(%run_scoped3A : memref<!tpu.dma_semaphore, #tpu.memory_space<semaphore_mem>>)
      %dma_wait3A = arith.constant 0 : i32
      %dma_wait3A_96 = tpu.memref_slice %arg3[%mul3A_50, %dma_wait3A] : memref<5120x64xi32, #tpu.memory_space<hbm>> -> memref<80x64xi32, #tpu.memory_space<hbm>>
      %dma_wait3A_97 = arith.constant 0 : i32
      %dma_wait3A_98 = tpu.memref_slice %arg3[%mul3A_50, %dma_wait3A_97] : memref<5120x64xi32, #tpu.memory_space<hbm>> -> memref<80x64xi32, #tpu.memory_space<hbm>>
      tpu.wait_dma2 semaphore(%run_scoped3A : memref<!tpu.dma_semaphore, #tpu.memory_space<semaphore_mem>>) src(%dma_wait3A_98 : memref<80x64xi32, #tpu.memory_space<hbm>>) dst(%arg7 : memref<80x64xi32, #tpu.memory_space<vmem>>)
      tpu.yield
    }) : () -> ()
    "tpu.region"() ({
      %run_scoped3A = tpu.sem_alloc : memref<!tpu.dma_semaphore, #tpu.memory_space<semaphore_mem>>
      %dma_start3A_92 = arith.constant 0 : i32
      %dma_start3A_93 = tpu.memref_slice %arg4[%mul3A_50, %dma_start3A_92] : memref<5120x64xi32, #tpu.memory_space<hbm>> -> memref<80x64xi32, #tpu.memory_space<hbm>>
      %dma_start3A_94 = arith.constant 0 : i32
      %dma_start3A_95 = tpu.memref_slice %arg4[%mul3A_50, %dma_start3A_94] : memref<5120x64xi32, #tpu.memory_space<hbm>> -> memref<80x64xi32, #tpu.memory_space<hbm>>
      tpu.enqueue_dma source(%dma_start3A_95 : memref<80x64xi32, #tpu.memory_space<hbm>>) target(%arg8 : memref<80x64xi32, #tpu.memory_space<vmem>>) target_semaphore(%run_scoped3A : memref<!tpu.dma_semaphore, #tpu.memory_space<semaphore_mem>>)
      %dma_wait3A = arith.constant 0 : i32
      %dma_wait3A_96 = tpu.memref_slice %arg4[%mul3A_50, %dma_wait3A] : memref<5120x64xi32, #tpu.memory_space<hbm>> -> memref<80x64xi32, #tpu.memory_space<hbm>>
      %dma_wait3A_97 = arith.constant 0 : i32
      %dma_wait3A_98 = tpu.memref_slice %arg4[%mul3A_50, %dma_wait3A_97] : memref<5120x64xi32, #tpu.memory_space<hbm>> -> memref<80x64xi32, #tpu.memory_space<hbm>>
      tpu.wait_dma2 semaphore(%run_scoped3A : memref<!tpu.dma_semaphore, #tpu.memory_space<semaphore_mem>>) src(%dma_wait3A_98 : memref<80x64xi32, #tpu.memory_space<hbm>>) dst(%arg8 : memref<80x64xi32, #tpu.memory_space<vmem>>)
      tpu.yield
    }) : () -> ()
    %dma_start3A_51 = arith.constant 0 : i32
    %dma_start3A_52 = arith.constant 0 : i32
    %dma_start3A_53 = tpu.memref_slice %arg7[%dma_start3A_51, %dma_start3A_52] : memref<80x64xi32, #tpu.memory_space<vmem>> -> memref<1x64xi32, #tpu.memory_space<vmem>>
    %dma_start3A_54 = tpu.memref_squeeze %dma_start3A_53 : memref<1x64xi32, #tpu.memory_space<vmem>> -> memref<64xi32, #tpu.memory_space<vmem>>
    %dma_start3A_55 = arith.constant 0 : i32
    %dma_start3A_56 = arith.constant 0 : i32
    %dma_start3A_57 = tpu.memref_slice %arg2[%dma_start3A_55, %dma_start3A_56] : memref<10240x256xf32, #tpu.memory_space<hbm>> -> memref<10240x256xf32, #tpu.memory_space<hbm>>
    tpu.enqueue_indirect_dma source(%dma_start3A_57 : memref<10240x256xf32, #tpu.memory_space<hbm>>) target(%arg9 : memref<64x256xf32, #tpu.memory_space<vmem>>) offsets(%dma_start3A_54 : memref<64xi32, #tpu.memory_space<vmem>>) semaphore(%arg15 : memref<!tpu.dma_semaphore, #tpu.memory_space<semaphore_mem>>)
    %dma_start3A_58 = arith.constant 0 : i32
    %dma_start3A_59 = arith.constant 0 : i32
    %dma_start3A_60 = tpu.memref_slice %arg8[%dma_start3A_58, %dma_start3A_59] : memref<80x64xi32, #tpu.memory_space<vmem>> -> memref<1x64xi32, #tpu.memory_space<vmem>>
    %dma_start3A_61 = tpu.memref_squeeze %dma_start3A_60 : memref<1x64xi32, #tpu.memory_space<vmem>> -> memref<64xi32, #tpu.memory_space<vmem>>
    %dma_start3A_62 = arith.constant 0 : i32
    %dma_start3A_63 = arith.constant 0 : i32
    %dma_start3A_64 = tpu.memref_slice %arg2[%dma_start3A_62, %dma_start3A_63] : memref<10240x256xf32, #tpu.memory_space<hbm>> -> memref<10240x256xf32, #tpu.memory_space<hbm>>
    tpu.enqueue_indirect_dma source(%dma_start3A_64 : memref<10240x256xf32, #tpu.memory_space<hbm>>) target(%arg10 : memref<64x256xf32, #tpu.memory_space<vmem>>) offsets(%dma_start3A_61 : memref<64xi32, #tpu.memory_space<vmem>>) semaphore(%arg16 : memref<!tpu.dma_semaphore, #tpu.memory_space<semaphore_mem>>)
    %dma_start3A_65 = arith.constant 1 : i32
    %dma_start3A_66 = arith.constant 0 : i32
    %dma_start3A_67 = tpu.memref_slice %arg7[%dma_start3A_65, %dma_start3A_66] : memref<80x64xi32, #tpu.memory_space<vmem>> -> memref<1x64xi32, #tpu.memory_space<vmem>>
    %dma_start3A_68 = tpu.memref_squeeze %dma_start3A_67 : memref<1x64xi32, #tpu.memory_space<vmem>> -> memref<64xi32, #tpu.memory_space<vmem>>
    %dma_start3A_69 = arith.constant 0 : i32
    %dma_start3A_70 = arith.constant 0 : i32
    %dma_start3A_71 = tpu.memref_slice %arg2[%dma_start3A_69, %dma_start3A_70] : memref<10240x256xf32, #tpu.memory_space<hbm>> -> memref<10240x256xf32, #tpu.memory_space<hbm>>
    tpu.enqueue_indirect_dma source(%dma_start3A_71 : memref<10240x256xf32, #tpu.memory_space<hbm>>) target(%arg11 : memref<64x256xf32, #tpu.memory_space<vmem>>) offsets(%dma_start3A_68 : memref<64xi32, #tpu.memory_space<vmem>>) semaphore(%arg17 : memref<!tpu.dma_semaphore, #tpu.memory_space<semaphore_mem>>)
    %dma_start3A_72 = arith.constant 1 : i32
    %dma_start3A_73 = arith.constant 0 : i32
    %dma_start3A_74 = tpu.memref_slice %arg8[%dma_start3A_72, %dma_start3A_73] : memref<80x64xi32, #tpu.memory_space<vmem>> -> memref<1x64xi32, #tpu.memory_space<vmem>>
    %dma_start3A_75 = tpu.memref_squeeze %dma_start3A_74 : memref<1x64xi32, #tpu.memory_space<vmem>> -> memref<64xi32, #tpu.memory_space<vmem>>
    %dma_start3A_76 = arith.constant 0 : i32
    %dma_start3A_77 = arith.constant 0 : i32
    %dma_start3A_78 = tpu.memref_slice %arg2[%dma_start3A_76, %dma_start3A_77] : memref<10240x256xf32, #tpu.memory_space<hbm>> -> memref<10240x256xf32, #tpu.memory_space<hbm>>
    tpu.enqueue_indirect_dma source(%dma_start3A_78 : memref<10240x256xf32, #tpu.memory_space<hbm>>) target(%arg12 : memref<64x256xf32, #tpu.memory_space<vmem>>) offsets(%dma_start3A_75 : memref<64xi32, #tpu.memory_space<vmem>>) semaphore(%arg18 : memref<!tpu.dma_semaphore, #tpu.memory_space<semaphore_mem>>)
    %scan3A_79 = arith.constant 0 : i32
    %scan3A_80 = arith.constant 0 : i32
    %scan3A_81 = arith.constant 40 : i32
    %scan3A_82 = arith.addi %scan3A_80, %scan3A_81 : i32
    %scan3A_83 = arith.constant 1 : i32
    scf.for %scan3A_92 = %scan3A_80 to %scan3A_82 step %scan3A_83  : i32 {
      %mul3A_93 = arith.constant 2 : i32
      %mul3A_94 = arith.muli %scan3A_92, %mul3A_93 : i32
      %dma_wait3A = arith.constant 0 : i32
      %dma_wait3A_95 = tpu.memref_slice %arg7[%mul3A_94, %dma_wait3A] : memref<80x64xi32, #tpu.memory_space<vmem>> -> memref<1x64xi32, #tpu.memory_space<vmem>>
      %dma_wait3A_96 = tpu.memref_squeeze %dma_wait3A_95 : memref<1x64xi32, #tpu.memory_space<vmem>> -> memref<64xi32, #tpu.memory_space<vmem>>
      %dma_wait3A_97 = arith.constant 0 : i32
      %dma_wait3A_98 = arith.constant 0 : i32
      %dma_wait3A_99 = tpu.memref_slice %arg2[%dma_wait3A_97, %dma_wait3A_98] : memref<10240x256xf32, #tpu.memory_space<hbm>> -> memref<10240x256xf32, #tpu.memory_space<hbm>>
      tpu.wait_indirect_dma semaphore(%arg15 : memref<!tpu.dma_semaphore, #tpu.memory_space<semaphore_mem>>) src(%dma_wait3A_99 : memref<10240x256xf32, #tpu.memory_space<hbm>>) dst(%arg9 : memref<64x256xf32, #tpu.memory_space<vmem>>)
      %dma_wait3A_100 = arith.constant 0 : i32
      %dma_wait3A_101 = tpu.memref_slice %arg8[%mul3A_94, %dma_wait3A_100] : memref<80x64xi32, #tpu.memory_space<vmem>> -> memref<1x64xi32, #tpu.memory_space<vmem>>
      %dma_wait3A_102 = tpu.memref_squeeze %dma_wait3A_101 : memref<1x64xi32, #tpu.memory_space<vmem>> -> memref<64xi32, #tpu.memory_space<vmem>>
      %dma_wait3A_103 = arith.constant 0 : i32
      %dma_wait3A_104 = arith.constant 0 : i32
      %dma_wait3A_105 = tpu.memref_slice %arg2[%dma_wait3A_103, %dma_wait3A_104] : memref<10240x256xf32, #tpu.memory_space<hbm>> -> memref<10240x256xf32, #tpu.memory_space<hbm>>
      tpu.wait_indirect_dma semaphore(%arg16 : memref<!tpu.dma_semaphore, #tpu.memory_space<semaphore_mem>>) src(%dma_wait3A_105 : memref<10240x256xf32, #tpu.memory_space<hbm>>) dst(%arg10 : memref<64x256xf32, #tpu.memory_space<vmem>>)
      %broadcast_in_dim3A = arith.constant 0.000000e+00 : f32
      %broadcast_in_dim3A_106 = vector.broadcast %broadcast_in_dim3A : f32 to vector<16xf32>
      %scan3A_107 = arith.constant 0 : i32
      %scan3A_108 = arith.constant 64 : i32
      %scan3A_109 = arith.addi %scan3A_107, %scan3A_108 : i32
      %scan3A_110 = arith.constant 1 : i32
      %scan3A_111 = scf.for %scan3A_150 = %scan3A_107 to %scan3A_109 step %scan3A_110 iter_args(%scan3A_151 = %broadcast_in_dim3A_106) -> (vector<16xf32>)  : i32 {
        %get3A = arith.index_cast %scan3A_150 : i32 to index
        %get3A_152 = arith.constant 0 : index
        %get3A_153 = tpu.vector_load %arg9[%get3A, %get3A_152] {strides = array<i32>} : memref<64x256xf32, #tpu.memory_space<vmem>>, vector<1x16xf32>,
        %get3A_154 = vector.shape_cast %get3A_153 : vector<1x16xf32> to vector<16xf32>
        %get3A_155 = arith.index_cast %scan3A_150 : i32 to index
        %get3A_156 = arith.constant 0 : index
        %get3A_157 = tpu.vector_load %arg10[%get3A_155, %get3A_156] {strides = array<i32>} : memref<64x256xf32, #tpu.memory_space<vmem>>, vector<1x16xf32>,
        %get3A_158 = vector.shape_cast %get3A_157 : vector<1x16xf32> to vector<16xf32>
        %mul3A_159 = arith.mulf %get3A_154, %get3A_158 : vector<16xf32>
        %get3A_160 = arith.index_cast %scan3A_150 : i32 to index
        %get3A_161 = arith.constant 16 : index
        %get3A_162 = tpu.vector_load %arg9[%get3A_160, %get3A_161] {strides = array<i32>} : memref<64x256xf32, #tpu.memory_space<vmem>>, vector<1x16xf32>,
        %get3A_163 = vector.shape_cast %get3A_162 : vector<1x16xf32> to vector<16xf32>
        %get3A_164 = arith.index_cast %scan3A_150 : i32 to index
        %get3A_165 = arith.constant 16 : index
        %get3A_166 = tpu.vector_load %arg10[%get3A_164, %get3A_165] {strides = array<i32>} : memref<64x256xf32, #tpu.memory_space<vmem>>, vector<1x16xf32>,
        %get3A_167 = vector.shape_cast %get3A_166 : vector<1x16xf32> to vector<16xf32>
        %mul3A_168 = arith.mulf %get3A_163, %get3A_167 : vector<16xf32>
        %get3A_169 = arith.index_cast %scan3A_150 : i32 to index
        %get3A_170 = arith.constant 32 : index
        %get3A_171 = tpu.vector_load %arg9[%get3A_169, %get3A_170] {strides = array<i32>} : memref<64x256xf32, #tpu.memory_space<vmem>>, vector<1x16xf32>,
        %get3A_172 = vector.shape_cast %get3A_171 : vector<1x16xf32> to vector<16xf32>
        %get3A_173 = arith.index_cast %scan3A_150 : i32 to index
        %get3A_174 = arith.constant 32 : index
        %get3A_175 = tpu.vector_load %arg10[%get3A_173, %get3A_174] {strides = array<i32>} : memref<64x256xf32, #tpu.memory_space<vmem>>, vector<1x16xf32>,
        %get3A_176 = vector.shape_cast %get3A_175 : vector<1x16xf32> to vector<16xf32>
        %mul3A_177 = arith.mulf %get3A_172, %get3A_176 : vector<16xf32>
        %get3A_178 = arith.index_cast %scan3A_150 : i32 to index
        %get3A_179 = arith.constant 48 : index
        %get3A_180 = tpu.vector_load %arg9[%get3A_178, %get3A_179] {strides = array<i32>} : memref<64x256xf32, #tpu.memory_space<vmem>>, vector<1x16xf32>,
        %get3A_181 = vector.shape_cast %get3A_180 : vector<1x16xf32> to vector<16xf32>
        %get3A_182 = arith.index_cast %scan3A_150 : i32 to index
        %get3A_183 = arith.constant 48 : index
        %get3A_184 = tpu.vector_load %arg10[%get3A_182, %get3A_183] {strides = array<i32>} : memref<64x256xf32, #tpu.memory_space<vmem>>, vector<1x16xf32>,
        %get3A_185 = vector.shape_cast %get3A_184 : vector<1x16xf32> to vector<16xf32>
        %mul3A_186 = arith.mulf %get3A_181, %get3A_185 : vector<16xf32>
        %get3A_187 = arith.index_cast %scan3A_150 : i32 to index
        %get3A_188 = arith.constant 64 : index
        %get3A_189 = tpu.vector_load %arg9[%get3A_187, %get3A_188] {strides = array<i32>} : memref<64x256xf32, #tpu.memory_space<vmem>>, vector<1x16xf32>,
        %get3A_190 = vector.shape_cast %get3A_189 : vector<1x16xf32> to vector<16xf32>
        %get3A_191 = arith.index_cast %scan3A_150 : i32 to index
        %get3A_192 = arith.constant 64 : index
        %get3A_193 = tpu.vector_load %arg10[%get3A_191, %get3A_192] {strides = array<i32>} : memref<64x256xf32, #tpu.memory_space<vmem>>, vector<1x16xf32>,
        %get3A_194 = vector.shape_cast %get3A_193 : vector<1x16xf32> to vector<16xf32>
        %mul3A_195 = arith.mulf %get3A_190, %get3A_194 : vector<16xf32>
        %add3A_196 = arith.addf %mul3A_159, %mul3A_195 : vector<16xf32>
        %get3A_197 = arith.index_cast %scan3A_150 : i32 to index
        %get3A_198 = arith.constant 80 : index
        %get3A_199 = tpu.vector_load %arg9[%get3A_197, %get3A_198] {strides = array<i32>} : memref<64x256xf32, #tpu.memory_space<vmem>>, vector<1x16xf32>,
        %get3A_200 = vector.shape_cast %get3A_199 : vector<1x16xf32> to vector<16xf32>
        %get3A_201 = arith.index_cast %scan3A_150 : i32 to index
        %get3A_202 = arith.constant 80 : index
        %get3A_203 = tpu.vector_load %arg10[%get3A_201, %get3A_202] {strides = array<i32>} : memref<64x256xf32, #tpu.memory_space<vmem>>, vector<1x16xf32>,
        %get3A_204 = vector.shape_cast %get3A_203 : vector<1x16xf32> to vector<16xf32>
        %mul3A_205 = arith.mulf %get3A_200, %get3A_204 : vector<16xf32>
        %add3A_206 = arith.addf %mul3A_168, %mul3A_205 : vector<16xf32>
        %get3A_207 = arith.index_cast %scan3A_150 : i32 to index
        %get3A_208 = arith.constant 96 : index
        %get3A_209 = tpu.vector_load %arg9[%get3A_207, %get3A_208] {strides = array<i32>} : memref<64x256xf32, #tpu.memory_space<vmem>>, vector<1x16xf32>,
        %get3A_210 = vector.shape_cast %get3A_209 : vector<1x16xf32> to vector<16xf32>
        %get3A_211 = arith.index_cast %scan3A_150 : i32 to index
        %get3A_212 = arith.constant 96 : index
        %get3A_213 = tpu.vector_load %arg10[%get3A_211, %get3A_212] {strides = array<i32>} : memref<64x256xf32, #tpu.memory_space<vmem>>, vector<1x16xf32>,
        %get3A_214 = vector.shape_cast %get3A_213 : vector<1x16xf32> to vector<16xf32>
        %mul3A_215 = arith.mulf %get3A_210, %get3A_214 : vector<16xf32>
        %add3A_216 = arith.addf %mul3A_177, %mul3A_215 : vector<16xf32>
        %get3A_217 = arith.index_cast %scan3A_150 : i32 to index
        %get3A_218 = arith.constant 112 : index
        %get3A_219 = tpu.vector_load %arg9[%get3A_217, %get3A_218] {strides = array<i32>} : memref<64x256xf32, #tpu.memory_space<vmem>>, vector<1x16xf32>,
        %get3A_220 = vector.shape_cast %get3A_219 : vector<1x16xf32> to vector<16xf32>
        %get3A_221 = arith.index_cast %scan3A_150 : i32 to index
        %get3A_222 = arith.constant 112 : index
        %get3A_223 = tpu.vector_load %arg10[%get3A_221, %get3A_222] {strides = array<i32>} : memref<64x256xf32, #tpu.memory_space<vmem>>, vector<1x16xf32>,
        %get3A_224 = vector.shape_cast %get3A_223 : vector<1x16xf32> to vector<16xf32>
        %mul3A_225 = arith.mulf %get3A_220, %get3A_224 : vector<16xf32>
        %add3A_226 = arith.addf %mul3A_186, %mul3A_225 : vector<16xf32>
        %get3A_227 = arith.index_cast %scan3A_150 : i32 to index
        %get3A_228 = arith.constant 128 : index
        %get3A_229 = tpu.vector_load %arg9[%get3A_227, %get3A_228] {strides = array<i32>} : memref<64x256xf32, #tpu.memory_space<vmem>>, vector<1x16xf32>,
        %get3A_230 = vector.shape_cast %get3A_229 : vector<1x16xf32> to vector<16xf32>
        %get3A_231 = arith.index_cast %scan3A_150 : i32 to index
        %get3A_232 = arith.constant 128 : index
        %get3A_233 = tpu.vector_load %arg10[%get3A_231, %get3A_232] {strides = array<i32>} : memref<64x256xf32, #tpu.memory_space<vmem>>, vector<1x16xf32>,
        %get3A_234 = vector.shape_cast %get3A_233 : vector<1x16xf32> to vector<16xf32>
        %mul3A_235 = arith.mulf %get3A_230, %get3A_234 : vector<16xf32>
        %add3A_236 = arith.addf %add3A_196, %mul3A_235 : vector<16xf32>
        %get3A_237 = arith.index_cast %scan3A_150 : i32 to index
        %get3A_238 = arith.constant 144 : index
        %get3A_239 = tpu.vector_load %arg9[%get3A_237, %get3A_238] {strides = array<i32>} : memref<64x256xf32, #tpu.memory_space<vmem>>, vector<1x16xf32>,
        %get3A_240 = vector.shape_cast %get3A_239 : vector<1x16xf32> to vector<16xf32>
        %get3A_241 = arith.index_cast %scan3A_150 : i32 to index
        %get3A_242 = arith.constant 144 : index
        %get3A_243 = tpu.vector_load %arg10[%get3A_241, %get3A_242] {strides = array<i32>} : memref<64x256xf32, #tpu.memory_space<vmem>>, vector<1x16xf32>,
        %get3A_244 = vector.shape_cast %get3A_243 : vector<1x16xf32> to vector<16xf32>
        %mul3A_245 = arith.mulf %get3A_240, %get3A_244 : vector<16xf32>
        %add3A_246 = arith.addf %add3A_206, %mul3A_245 : vector<16xf32>
        %get3A_247 = arith.index_cast %scan3A_150 : i32 to index
        %get3A_248 = arith.constant 160 : index
        %get3A_249 = tpu.vector_load %arg9[%get3A_247, %get3A_248] {strides = array<i32>} : memref<64x256xf32, #tpu.memory_space<vmem>>, vector<1x16xf32>,
        %get3A_250 = vector.shape_cast %get3A_249 : vector<1x16xf32> to vector<16xf32>
        %get3A_251 = arith.index_cast %scan3A_150 : i32 to index
        %get3A_252 = arith.constant 160 : index
        %get3A_253 = tpu.vector_load %arg10[%get3A_251, %get3A_252] {strides = array<i32>} : memref<64x256xf32, #tpu.memory_space<vmem>>, vector<1x16xf32>,
        %get3A_254 = vector.shape_cast %get3A_253 : vector<1x16xf32> to vector<16xf32>
        %mul3A_255 = arith.mulf %get3A_250, %get3A_254 : vector<16xf32>
        %add3A_256 = arith.addf %add3A_216, %mul3A_255 : vector<16xf32>
        %get3A_257 = arith.index_cast %scan3A_150 : i32 to index
        %get3A_258 = arith.constant 176 : index
        %get3A_259 = tpu.vector_load %arg9[%get3A_257, %get3A_258] {strides = array<i32>} : memref<64x256xf32, #tpu.memory_space<vmem>>, vector<1x16xf32>,
        %get3A_260 = vector.shape_cast %get3A_259 : vector<1x16xf32> to vector<16xf32>
        %get3A_261 = arith.index_cast %scan3A_150 : i32 to index
        %get3A_262 = arith.constant 176 : index
        %get3A_263 = tpu.vector_load %arg10[%get3A_261, %get3A_262] {strides = array<i32>} : memref<64x256xf32, #tpu.memory_space<vmem>>, vector<1x16xf32>,
        %get3A_264 = vector.shape_cast %get3A_263 : vector<1x16xf32> to vector<16xf32>
        %mul3A_265 = arith.mulf %get3A_260, %get3A_264 : vector<16xf32>
        %add3A_266 = arith.addf %add3A_226, %mul3A_265 : vector<16xf32>
        %get3A_267 = arith.index_cast %scan3A_150 : i32 to index
        %get3A_268 = arith.constant 192 : index
        %get3A_269 = tpu.vector_load %arg9[%get3A_267, %get3A_268] {strides = array<i32>} : memref<64x256xf32, #tpu.memory_space<vmem>>, vector<1x16xf32>,
        %get3A_270 = vector.shape_cast %get3A_269 : vector<1x16xf32> to vector<16xf32>
        %get3A_271 = arith.index_cast %scan3A_150 : i32 to index
        %get3A_272 = arith.constant 192 : index
        %get3A_273 = tpu.vector_load %arg10[%get3A_271, %get3A_272] {strides = array<i32>} : memref<64x256xf32, #tpu.memory_space<vmem>>, vector<1x16xf32>,
        %get3A_274 = vector.shape_cast %get3A_273 : vector<1x16xf32> to vector<16xf32>
        %mul3A_275 = arith.mulf %get3A_270, %get3A_274 : vector<16xf32>
        %add3A_276 = arith.addf %add3A_236, %mul3A_275 : vector<16xf32>
        %get3A_277 = arith.index_cast %scan3A_150 : i32 to index
        %get3A_278 = arith.constant 208 : index
        %get3A_279 = tpu.vector_load %arg9[%get3A_277, %get3A_278] {strides = array<i32>} : memref<64x256xf32, #tpu.memory_space<vmem>>, vector<1x16xf32>,
        %get3A_280 = vector.shape_cast %get3A_279 : vector<1x16xf32> to vector<16xf32>
        %get3A_281 = arith.index_cast %scan3A_150 : i32 to index
        %get3A_282 = arith.constant 208 : index
        %get3A_283 = tpu.vector_load %arg10[%get3A_281, %get3A_282] {strides = array<i32>} : memref<64x256xf32, #tpu.memory_space<vmem>>, vector<1x16xf32>,
        %get3A_284 = vector.shape_cast %get3A_283 : vector<1x16xf32> to vector<16xf32>
        %mul3A_285 = arith.mulf %get3A_280, %get3A_284 : vector<16xf32>
        %add3A_286 = arith.addf %add3A_246, %mul3A_285 : vector<16xf32>
        %get3A_287 = arith.index_cast %scan3A_150 : i32 to index
        %get3A_288 = arith.constant 224 : index
        %get3A_289 = tpu.vector_load %arg9[%get3A_287, %get3A_288] {strides = array<i32>} : memref<64x256xf32, #tpu.memory_space<vmem>>, vector<1x16xf32>,
        %get3A_290 = vector.shape_cast %get3A_289 : vector<1x16xf32> to vector<16xf32>
        %get3A_291 = arith.index_cast %scan3A_150 : i32 to index
        %get3A_292 = arith.constant 224 : index
        %get3A_293 = tpu.vector_load %arg10[%get3A_291, %get3A_292] {strides = array<i32>} : memref<64x256xf32, #tpu.memory_space<vmem>>, vector<1x16xf32>,
        %get3A_294 = vector.shape_cast %get3A_293 : vector<1x16xf32> to vector<16xf32>
        %mul3A_295 = arith.mulf %get3A_290, %get3A_294 : vector<16xf32>
        %add3A_296 = arith.addf %add3A_256, %mul3A_295 : vector<16xf32>
        %get3A_297 = arith.index_cast %scan3A_150 : i32 to index
        %get3A_298 = arith.constant 240 : index
        %get3A_299 = tpu.vector_load %arg9[%get3A_297, %get3A_298] {strides = array<i32>} : memref<64x256xf32, #tpu.memory_space<vmem>>, vector<1x16xf32>,
        %get3A_300 = vector.shape_cast %get3A_299 : vector<1x16xf32> to vector<16xf32>
        %get3A_301 = arith.index_cast %scan3A_150 : i32 to index
        %get3A_302 = arith.constant 240 : index
        %get3A_303 = tpu.vector_load %arg10[%get3A_301, %get3A_302] {strides = array<i32>} : memref<64x256xf32, #tpu.memory_space<vmem>>, vector<1x16xf32>,
        %get3A_304 = vector.shape_cast %get3A_303 : vector<1x16xf32> to vector<16xf32>
        %mul3A_305 = arith.mulf %get3A_300, %get3A_304 : vector<16xf32>
        %add3A_306 = arith.addf %add3A_266, %mul3A_305 : vector<16xf32>
        %add3A_307 = arith.addf %add3A_276, %add3A_286 : vector<16xf32>
        %add3A_308 = arith.addf %add3A_296, %add3A_306 : vector<16xf32>
        %add3A_309 = arith.addf %add3A_307, %add3A_308 : vector<16xf32>
        %get3A_310 = arith.constant 0 : i32
        %get3A_311 = arith.index_cast %get3A_310 : i32 to index
        %get3A_312 = arith.constant 0 : index
        %get3A_313 = tpu.vector_load %arg13[%get3A_311, %get3A_312] {strides = array<i32>} : memref<4x16xi32, #tpu.memory_space<vmem>>, vector<1x16xi32>,
        %get3A_314 = vector.shape_cast %get3A_313 : vector<1x16xi32> to vector<16xi32>
        %lt3A_315 = arith.constant 0 : i32
        %lt3A_316 = vector.broadcast %lt3A_315 : i32 to vector<16xi32>
        %lt3A_317 = arith.cmpi slt, %get3A_314, %lt3A_316 : vector<16xi32>
        %add3A_318 = arith.constant 16 : i32
        %add3A_319 = vector.broadcast %add3A_318 : i32 to vector<16xi32>
        %add3A_320 = arith.addi %get3A_314, %add3A_319 : vector<16xi32>
        %select_n3A = arith.select %lt3A_317, %add3A_320, %get3A_314 : vector<16xi1>, vector<16xi32>
        %broadcast_in_dim3A_321 = vector.shape_cast %select_n3A : vector<16xi32> to vector<16x1xi32>
        %gather3A = vector.shape_cast %broadcast_in_dim3A_321 : vector<16x1xi32> to vector<16xi32>
        %gather3A_322 = tpu.dynamic_gather %add3A_309[%gather3A] in [0] : vector<16xf32>, vector<16xi32> -> vector<16xf32>
        %add3A_323 = arith.addf %add3A_309, %gather3A_322 : vector<16xf32>
        %get3A_324 = arith.constant 1 : i32
        %get3A_325 = arith.index_cast %get3A_324 : i32 to index
        %get3A_326 = arith.constant 0 : index
        %get3A_327 = tpu.vector_load %arg13[%get3A_325, %get3A_326] {strides = array<i32>} : memref<4x16xi32, #tpu.memory_space<vmem>>, vector<1x16xi32>,
        %get3A_328 = vector.shape_cast %get3A_327 : vector<1x16xi32> to vector<16xi32>
        %lt3A_329 = arith.constant 0 : i32
        %lt3A_330 = vector.broadcast %lt3A_329 : i32 to vector<16xi32>
        %lt3A_331 = arith.cmpi slt, %get3A_328, %lt3A_330 : vector<16xi32>
        %add3A_332 = arith.constant 16 : i32
        %add3A_333 = vector.broadcast %add3A_332 : i32 to vector<16xi32>
        %add3A_334 = arith.addi %get3A_328, %add3A_333 : vector<16xi32>
        %select_n3A_335 = arith.select %lt3A_331, %add3A_334, %get3A_328 : vector<16xi1>, vector<16xi32>
        %broadcast_in_dim3A_336 = vector.shape_cast %select_n3A_335 : vector<16xi32> to vector<16x1xi32>
        %gather3A_337 = vector.shape_cast %broadcast_in_dim3A_336 : vector<16x1xi32> to vector<16xi32>
        %gather3A_338 = tpu.dynamic_gather %add3A_323[%gather3A_337] in [0] : vector<16xf32>, vector<16xi32> -> vector<16xf32>
        %add3A_339 = arith.addf %add3A_323, %gather3A_338 : vector<16xf32>
        %get3A_340 = arith.constant 2 : i32
        %get3A_341 = arith.index_cast %get3A_340 : i32 to index
        %get3A_342 = arith.constant 0 : index
        %get3A_343 = tpu.vector_load %arg13[%get3A_341, %get3A_342] {strides = array<i32>} : memref<4x16xi32, #tpu.memory_space<vmem>>, vector<1x16xi32>,
        %get3A_344 = vector.shape_cast %get3A_343 : vector<1x16xi32> to vector<16xi32>
        %lt3A_345 = arith.constant 0 : i32
        %lt3A_346 = vector.broadcast %lt3A_345 : i32 to vector<16xi32>
        %lt3A_347 = arith.cmpi slt, %get3A_344, %lt3A_346 : vector<16xi32>
        %add3A_348 = arith.constant 16 : i32
        %add3A_349 = vector.broadcast %add3A_348 : i32 to vector<16xi32>
        %add3A_350 = arith.addi %get3A_344, %add3A_349 : vector<16xi32>
        %select_n3A_351 = arith.select %lt3A_347, %add3A_350, %get3A_344 : vector<16xi1>, vector<16xi32>
        %broadcast_in_dim3A_352 = vector.shape_cast %select_n3A_351 : vector<16xi32> to vector<16x1xi32>
        %gather3A_353 = vector.shape_cast %broadcast_in_dim3A_352 : vector<16x1xi32> to vector<16xi32>
        %gather3A_354 = tpu.dynamic_gather %add3A_339[%gather3A_353] in [0] : vector<16xf32>, vector<16xi32> -> vector<16xf32>
        %add3A_355 = arith.addf %add3A_339, %gather3A_354 : vector<16xf32>
        %get3A_356 = arith.constant 3 : i32
        %get3A_357 = arith.index_cast %get3A_356 : i32 to index
        %get3A_358 = arith.constant 0 : index
        %get3A_359 = tpu.vector_load %arg13[%get3A_357, %get3A_358] {strides = array<i32>} : memref<4x16xi32, #tpu.memory_space<vmem>>, vector<1x16xi32>,
        %get3A_360 = vector.shape_cast %get3A_359 : vector<1x16xi32> to vector<16xi32>
        %lt3A_361 = arith.constant 0 : i32
        %lt3A_362 = vector.broadcast %lt3A_361 : i32 to vector<16xi32>
        %lt3A_363 = arith.cmpi slt, %get3A_360, %lt3A_362 : vector<16xi32>
        %add3A_364 = arith.constant 16 : i32
        %add3A_365 = vector.broadcast %add3A_364 : i32 to vector<16xi32>
        %add3A_366 = arith.addi %get3A_360, %add3A_365 : vector<16xi32>
        %select_n3A_367 = arith.select %lt3A_363, %add3A_366, %get3A_360 : vector<16xi1>, vector<16xi32>
        %broadcast_in_dim3A_368 = vector.shape_cast %select_n3A_367 : vector<16xi32> to vector<16x1xi32>
        %gather3A_369 = vector.shape_cast %broadcast_in_dim3A_368 : vector<16x1xi32> to vector<16xi32>
        %gather3A_370 = tpu.dynamic_gather %add3A_355[%gather3A_369] in [0] : vector<16xf32>, vector<16xi32> -> vector<16xf32>
        %add3A_371 = arith.addf %add3A_355, %gather3A_370 : vector<16xf32>
        %rem3A = arith.constant 16 : i32
        %rem3A_372 = arith.remsi %scan3A_150, %rem3A : i32
        %eq3A = vector.broadcast %rem3A_372 : i32 to vector<16xi32>
        %eq3A_373 = arith.cmpi eq, %iota3A, %eq3A : vector<16xi32>
        %select_n3A_374 = arith.select %eq3A_373, %add3A_371, %scan3A_151 : vector<16xi1>, vector<16xf32>
        %rem3A_375 = arith.constant 16 : i32
        %rem3A_376 = arith.remsi %scan3A_150, %rem3A_375 : i32
        %eq3A_377 = arith.constant 15 : i32
        %eq3A_378 = arith.cmpi eq, %rem3A_376, %eq3A_377 : i32
        %convert_element_type3A_379 = arith.extui %eq3A_378 : i1 to i32
        %cond3A_380 = arith.constant 0 : i32
        %cond3A_381 = arith.cmpi ne, %convert_element_type3A_379, %cond3A_380 : i32
        scf.if %cond3A_381 {
          %mul3A_382 = arith.constant 64 : i32
          %mul3A_383 = arith.muli %mul3A_94, %mul3A_382 : i32
          %add3A_384 = arith.addi %mul3A_383, %scan3A_150 : i32
          %sub3A = arith.constant 15 : i32
          %sub3A_385 = arith.subi %add3A_384, %sub3A : i32
          %swap3A = arith.index_cast %sub3A_385 : i32 to index
          %swap3A_386 = tpu.vector_load %arg14[%swap3A] {strides = array<i32>} : memref<5120xf32, #tpu.memory_space<vmem>>, vector<16xf32>,
          %swap3A_387 = vector.shape_cast %swap3A_386 : vector<16xf32> to vector<16xf32>
          %swap3A_388 = vector.shape_cast %select_n3A_374 : vector<16xf32> to vector<16xf32>
          tpu.vector_store %arg14[%swap3A], %swap3A_388 {strides = array<i32>} : memref<5120xf32, #tpu.memory_space<vmem>>, vector<16xf32>,
        } else {
        }
        scf.yield %select_n3A_374 : vector<16xf32>
      }
      %scan3A_112 = arith.constant 64 : i32
      %add3A_113 = arith.constant 1 : i32
      %add3A_114 = arith.addi %scan3A_92, %add3A_113 : i32
      %lt3A = arith.constant 40 : i32
      %lt3A_115 = arith.cmpi slt, %add3A_114, %lt3A : i32
      %convert_element_type3A = arith.extui %lt3A_115 : i1 to i32
      %cond3A = arith.constant 0 : i32
      %cond3A_116 = arith.cmpi ne, %convert_element_type3A, %cond3A : i32
      scf.if %cond3A_116 {
        %add3A_150 = arith.constant 2 : i32
        %add3A_151 = arith.addi %mul3A_94, %add3A_150 : i32
        %dma_start3A_152 = arith.constant 0 : i32
        %dma_start3A_153 = tpu.memref_slice %arg7[%add3A_151, %dma_start3A_152] : memref<80x64xi32, #tpu.memory_space<vmem>> -> memref<1x64xi32, #tpu.memory_space<vmem>>
        %dma_start3A_154 = tpu.memref_squeeze %dma_start3A_153 : memref<1x64xi32, #tpu.memory_space<vmem>> -> memref<64xi32, #tpu.memory_space<vmem>>
        %dma_start3A_155 = arith.constant 0 : i32
        %dma_start3A_156 = arith.constant 0 : i32
        %dma_start3A_157 = tpu.memref_slice %arg2[%dma_start3A_155, %dma_start3A_156] : memref<10240x256xf32, #tpu.memory_space<hbm>> -> memref<10240x256xf32, #tpu.memory_space<hbm>>
        tpu.enqueue_indirect_dma source(%dma_start3A_157 : memref<10240x256xf32, #tpu.memory_space<hbm>>) target(%arg9 : memref<64x256xf32, #tpu.memory_space<vmem>>) offsets(%dma_start3A_154 : memref<64xi32, #tpu.memory_space<vmem>>) semaphore(%arg15 : memref<!tpu.dma_semaphore, #tpu.memory_space<semaphore_mem>>)
        %add3A_158 = arith.constant 2 : i32
        %add3A_159 = arith.addi %mul3A_94, %add3A_158 : i32
        %dma_start3A_160 = arith.constant 0 : i32
        %dma_start3A_161 = tpu.memref_slice %arg8[%add3A_159, %dma_start3A_160] : memref<80x64xi32, #tpu.memory_space<vmem>> -> memref<1x64xi32, #tpu.memory_space<vmem>>
        %dma_start3A_162 = tpu.memref_squeeze %dma_start3A_161 : memref<1x64xi32, #tpu.memory_space<vmem>> -> memref<64xi32, #tpu.memory_space<vmem>>
        %dma_start3A_163 = arith.constant 0 : i32
        %dma_start3A_164 = arith.constant 0 : i32
        %dma_start3A_165 = tpu.memref_slice %arg2[%dma_start3A_163, %dma_start3A_164] : memref<10240x256xf32, #tpu.memory_space<hbm>> -> memref<10240x256xf32, #tpu.memory_space<hbm>>
        tpu.enqueue_indirect_dma source(%dma_start3A_165 : memref<10240x256xf32, #tpu.memory_space<hbm>>) target(%arg10 : memref<64x256xf32, #tpu.memory_space<vmem>>) offsets(%dma_start3A_162 : memref<64xi32, #tpu.memory_space<vmem>>) semaphore(%arg16 : memref<!tpu.dma_semaphore, #tpu.memory_space<semaphore_mem>>)
      } else {
      }
      %add3A_117 = arith.constant 1 : i32
      %add3A_118 = arith.addi %mul3A_94, %add3A_117 : i32
      %dma_wait3A_119 = arith.constant 0 : i32
      %dma_wait3A_120 = tpu.memref_slice %arg7[%add3A_118, %dma_wait3A_119] : memref<80x64xi32, #tpu.memory_space<vmem>> -> memref<1x64xi32, #tpu.memory_space<vmem>>
      %dma_wait3A_121 = tpu.memref_squeeze %dma_wait3A_120 : memref<1x64xi32, #tpu.memory_space<vmem>> -> memref<64xi32, #tpu.memory_space<vmem>>
      %dma_wait3A_122 = arith.constant 0 : i32
      %dma_wait3A_123 = arith.constant 0 : i32
      %dma_wait3A_124 = tpu.memref_slice %arg2[%dma_wait3A_122, %dma_wait3A_123] : memref<10240x256xf32, #tpu.memory_space<hbm>> -> memref<10240x256xf32, #tpu.memory_space<hbm>>
      tpu.wait_indirect_dma semaphore(%arg17 : memref<!tpu.dma_semaphore, #tpu.memory_space<semaphore_mem>>) src(%dma_wait3A_124 : memref<10240x256xf32, #tpu.memory_space<hbm>>) dst(%arg11 : memref<64x256xf32, #tpu.memory_space<vmem>>)
      %add3A_125 = arith.constant 1 : i32
      %add3A_126 = arith.addi %mul3A_94, %add3A_125 : i32
      %dma_wait3A_127 = arith.constant 0 : i32
      %dma_wait3A_128 = tpu.memref_slice %arg8[%add3A_126, %dma_wait3A_127] : memref<80x64xi32, #tpu.memory_space<vmem>> -> memref<1x64xi32, #tpu.memory_space<vmem>>
      %dma_wait3A_129 = tpu.memref_squeeze %dma_wait3A_128 : memref<1x64xi32, #tpu.memory_space<vmem>> -> memref<64xi32, #tpu.memory_space<vmem>>
      %dma_wait3A_130 = arith.constant 0 : i32
      %dma_wait3A_131 = arith.constant 0 : i32
      %dma_wait3A_132 = tpu.memref_slice %arg2[%dma_wait3A_130, %dma_wait3A_131] : memref<10240x256xf32, #tpu.memory_space<hbm>> -> memref<10240x256xf32, #tpu.memory_space<hbm>>
      tpu.wait_indirect_dma semaphore(%arg18 : memref<!tpu.dma_semaphore, #tpu.memory_space<semaphore_mem>>) src(%dma_wait3A_132 : memref<10240x256xf32, #tpu.memory_space<hbm>>) dst(%arg12 : memref<64x256xf32, #tpu.memory_space<vmem>>)
      %add3A_133 = arith.constant 1 : i32
      %add3A_134 = arith.addi %mul3A_94, %add3A_133 : i32
      %broadcast_in_dim3A_135 = arith.constant 0.000000e+00 : f32
      %broadcast_in_dim3A_136 = vector.broadcast %broadcast_in_dim3A_135 : f32 to vector<16xf32>
      %scan3A_137 = arith.constant 0 : i32
      %scan3A_138 = arith.constant 64 : i32
      %scan3A_139 = arith.addi %scan3A_137, %scan3A_138 : i32
      %scan3A_140 = arith.constant 1 : i32
      %scan3A_141 = scf.for %scan3A_150 = %scan3A_137 to %scan3A_139 step %scan3A_140 iter_args(%scan3A_151 = %broadcast_in_dim3A_136) -> (vector<16xf32>)  : i32 {
        %get3A = arith.index_cast %scan3A_150 : i32 to index
        %get3A_152 = arith.constant 0 : index
        %get3A_153 = tpu.vector_load %arg11[%get3A, %get3A_152] {strides = array<i32>} : memref<64x256xf32, #tpu.memory_space<vmem>>, vector<1x16xf32>,
        %get3A_154 = vector.shape_cast %get3A_153 : vector<1x16xf32> to vector<16xf32>
        %get3A_155 = arith.index_cast %scan3A_150 : i32 to index
        %get3A_156 = arith.constant 0 : index
        %get3A_157 = tpu.vector_load %arg12[%get3A_155, %get3A_156] {strides = array<i32>} : memref<64x256xf32, #tpu.memory_space<vmem>>, vector<1x16xf32>,
        %get3A_158 = vector.shape_cast %get3A_157 : vector<1x16xf32> to vector<16xf32>
        %mul3A_159 = arith.mulf %get3A_154, %get3A_158 : vector<16xf32>
        %get3A_160 = arith.index_cast %scan3A_150 : i32 to index
        %get3A_161 = arith.constant 16 : index
        %get3A_162 = tpu.vector_load %arg11[%get3A_160, %get3A_161] {strides = array<i32>} : memref<64x256xf32, #tpu.memory_space<vmem>>, vector<1x16xf32>,
        %get3A_163 = vector.shape_cast %get3A_162 : vector<1x16xf32> to vector<16xf32>
        %get3A_164 = arith.index_cast %scan3A_150 : i32 to index
        %get3A_165 = arith.constant 16 : index
        %get3A_166 = tpu.vector_load %arg12[%get3A_164, %get3A_165] {strides = array<i32>} : memref<64x256xf32, #tpu.memory_space<vmem>>, vector<1x16xf32>,
        %get3A_167 = vector.shape_cast %get3A_166 : vector<1x16xf32> to vector<16xf32>
        %mul3A_168 = arith.mulf %get3A_163, %get3A_167 : vector<16xf32>
        %get3A_169 = arith.index_cast %scan3A_150 : i32 to index
        %get3A_170 = arith.constant 32 : index
        %get3A_171 = tpu.vector_load %arg11[%get3A_169, %get3A_170] {strides = array<i32>} : memref<64x256xf32, #tpu.memory_space<vmem>>, vector<1x16xf32>,
        %get3A_172 = vector.shape_cast %get3A_171 : vector<1x16xf32> to vector<16xf32>
        %get3A_173 = arith.index_cast %scan3A_150 : i32 to index
        %get3A_174 = arith.constant 32 : index
        %get3A_175 = tpu.vector_load %arg12[%get3A_173, %get3A_174] {strides = array<i32>} : memref<64x256xf32, #tpu.memory_space<vmem>>, vector<1x16xf32>,
        %get3A_176 = vector.shape_cast %get3A_175 : vector<1x16xf32> to vector<16xf32>
        %mul3A_177 = arith.mulf %get3A_172, %get3A_176 : vector<16xf32>
        %get3A_178 = arith.index_cast %scan3A_150 : i32 to index
        %get3A_179 = arith.constant 48 : index
        %get3A_180 = tpu.vector_load %arg11[%get3A_178, %get3A_179] {strides = array<i32>} : memref<64x256xf32, #tpu.memory_space<vmem>>, vector<1x16xf32>,
        %get3A_181 = vector.shape_cast %get3A_180 : vector<1x16xf32> to vector<16xf32>
        %get3A_182 = arith.index_cast %scan3A_150 : i32 to index
        %get3A_183 = arith.constant 48 : index
        %get3A_184 = tpu.vector_load %arg12[%get3A_182, %get3A_183] {strides = array<i32>} : memref<64x256xf32, #tpu.memory_space<vmem>>, vector<1x16xf32>,
        %get3A_185 = vector.shape_cast %get3A_184 : vector<1x16xf32> to vector<16xf32>
        %mul3A_186 = arith.mulf %get3A_181, %get3A_185 : vector<16xf32>
        %get3A_187 = arith.index_cast %scan3A_150 : i32 to index
        %get3A_188 = arith.constant 64 : index
        %get3A_189 = tpu.vector_load %arg11[%get3A_187, %get3A_188] {strides = array<i32>} : memref<64x256xf32, #tpu.memory_space<vmem>>, vector<1x16xf32>,
        %get3A_190 = vector.shape_cast %get3A_189 : vector<1x16xf32> to vector<16xf32>
        %get3A_191 = arith.index_cast %scan3A_150 : i32 to index
        %get3A_192 = arith.constant 64 : index
        %get3A_193 = tpu.vector_load %arg12[%get3A_191, %get3A_192] {strides = array<i32>} : memref<64x256xf32, #tpu.memory_space<vmem>>, vector<1x16xf32>,
        %get3A_194 = vector.shape_cast %get3A_193 : vector<1x16xf32> to vector<16xf32>
        %mul3A_195 = arith.mulf %get3A_190, %get3A_194 : vector<16xf32>
        %add3A_196 = arith.addf %mul3A_159, %mul3A_195 : vector<16xf32>
        %get3A_197 = arith.index_cast %scan3A_150 : i32 to index
        %get3A_198 = arith.constant 80 : index
        %get3A_199 = tpu.vector_load %arg11[%get3A_197, %get3A_198] {strides = array<i32>} : memref<64x256xf32, #tpu.memory_space<vmem>>, vector<1x16xf32>,
        %get3A_200 = vector.shape_cast %get3A_199 : vector<1x16xf32> to vector<16xf32>
        %get3A_201 = arith.index_cast %scan3A_150 : i32 to index
        %get3A_202 = arith.constant 80 : index
        %get3A_203 = tpu.vector_load %arg12[%get3A_201, %get3A_202] {strides = array<i32>} : memref<64x256xf32, #tpu.memory_space<vmem>>, vector<1x16xf32>,
        %get3A_204 = vector.shape_cast %get3A_203 : vector<1x16xf32> to vector<16xf32>
        %mul3A_205 = arith.mulf %get3A_200, %get3A_204 : vector<16xf32>
        %add3A_206 = arith.addf %mul3A_168, %mul3A_205 : vector<16xf32>
        %get3A_207 = arith.index_cast %scan3A_150 : i32 to index
        %get3A_208 = arith.constant 96 : index
        %get3A_209 = tpu.vector_load %arg11[%get3A_207, %get3A_208] {strides = array<i32>} : memref<64x256xf32, #tpu.memory_space<vmem>>, vector<1x16xf32>,
        %get3A_210 = vector.shape_cast %get3A_209 : vector<1x16xf32> to vector<16xf32>
        %get3A_211 = arith.index_cast %scan3A_150 : i32 to index
        %get3A_212 = arith.constant 96 : index
        %get3A_213 = tpu.vector_load %arg12[%get3A_211, %get3A_212] {strides = array<i32>} : memref<64x256xf32, #tpu.memory_space<vmem>>, vector<1x16xf32>,
        %get3A_214 = vector.shape_cast %get3A_213 : vector<1x16xf32> to vector<16xf32>
        %mul3A_215 = arith.mulf %get3A_210, %get3A_214 : vector<16xf32>
        %add3A_216 = arith.addf %mul3A_177, %mul3A_215 : vector<16xf32>
        %get3A_217 = arith.index_cast %scan3A_150 : i32 to index
        %get3A_218 = arith.constant 112 : index
        %get3A_219 = tpu.vector_load %arg11[%get3A_217, %get3A_218] {strides = array<i32>} : memref<64x256xf32, #tpu.memory_space<vmem>>, vector<1x16xf32>,
        %get3A_220 = vector.shape_cast %get3A_219 : vector<1x16xf32> to vector<16xf32>
        %get3A_221 = arith.index_cast %scan3A_150 : i32 to index
        %get3A_222 = arith.constant 112 : index
        %get3A_223 = tpu.vector_load %arg12[%get3A_221, %get3A_222] {strides = array<i32>} : memref<64x256xf32, #tpu.memory_space<vmem>>, vector<1x16xf32>,
        %get3A_224 = vector.shape_cast %get3A_223 : vector<1x16xf32> to vector<16xf32>
        %mul3A_225 = arith.mulf %get3A_220, %get3A_224 : vector<16xf32>
        %add3A_226 = arith.addf %mul3A_186, %mul3A_225 : vector<16xf32>
        %get3A_227 = arith.index_cast %scan3A_150 : i32 to index
        %get3A_228 = arith.constant 128 : index
        %get3A_229 = tpu.vector_load %arg11[%get3A_227, %get3A_228] {strides = array<i32>} : memref<64x256xf32, #tpu.memory_space<vmem>>, vector<1x16xf32>,
        %get3A_230 = vector.shape_cast %get3A_229 : vector<1x16xf32> to vector<16xf32>
        %get3A_231 = arith.index_cast %scan3A_150 : i32 to index
        %get3A_232 = arith.constant 128 : index
        %get3A_233 = tpu.vector_load %arg12[%get3A_231, %get3A_232] {strides = array<i32>} : memref<64x256xf32, #tpu.memory_space<vmem>>, vector<1x16xf32>,
        %get3A_234 = vector.shape_cast %get3A_233 : vector<1x16xf32> to vector<16xf32>
        %mul3A_235 = arith.mulf %get3A_230, %get3A_234 : vector<16xf32>
        %add3A_236 = arith.addf %add3A_196, %mul3A_235 : vector<16xf32>
        %get3A_237 = arith.index_cast %scan3A_150 : i32 to index
        %get3A_238 = arith.constant 144 : index
        %get3A_239 = tpu.vector_load %arg11[%get3A_237, %get3A_238] {strides = array<i32>} : memref<64x256xf32, #tpu.memory_space<vmem>>, vector<1x16xf32>,
        %get3A_240 = vector.shape_cast %get3A_239 : vector<1x16xf32> to vector<16xf32>
        %get3A_241 = arith.index_cast %scan3A_150 : i32 to index
        %get3A_242 = arith.constant 144 : index
        %get3A_243 = tpu.vector_load %arg12[%get3A_241, %get3A_242] {strides = array<i32>} : memref<64x256xf32, #tpu.memory_space<vmem>>, vector<1x16xf32>,
        %get3A_244 = vector.shape_cast %get3A_243 : vector<1x16xf32> to vector<16xf32>
        %mul3A_245 = arith.mulf %get3A_240, %get3A_244 : vector<16xf32>
        %add3A_246 = arith.addf %add3A_206, %mul3A_245 : vector<16xf32>
        %get3A_247 = arith.index_cast %scan3A_150 : i32 to index
        %get3A_248 = arith.constant 160 : index
        %get3A_249 = tpu.vector_load %arg11[%get3A_247, %get3A_248] {strides = array<i32>} : memref<64x256xf32, #tpu.memory_space<vmem>>, vector<1x16xf32>,
        %get3A_250 = vector.shape_cast %get3A_249 : vector<1x16xf32> to vector<16xf32>
        %get3A_251 = arith.index_cast %scan3A_150 : i32 to index
        %get3A_252 = arith.constant 160 : index
        %get3A_253 = tpu.vector_load %arg12[%get3A_251, %get3A_252] {strides = array<i32>} : memref<64x256xf32, #tpu.memory_space<vmem>>, vector<1x16xf32>,
        %get3A_254 = vector.shape_cast %get3A_253 : vector<1x16xf32> to vector<16xf32>
        %mul3A_255 = arith.mulf %get3A_250, %get3A_254 : vector<16xf32>
        %add3A_256 = arith.addf %add3A_216, %mul3A_255 : vector<16xf32>
        %get3A_257 = arith.index_cast %scan3A_150 : i32 to index
        %get3A_258 = arith.constant 176 : index
        %get3A_259 = tpu.vector_load %arg11[%get3A_257, %get3A_258] {strides = array<i32>} : memref<64x256xf32, #tpu.memory_space<vmem>>, vector<1x16xf32>,
        %get3A_260 = vector.shape_cast %get3A_259 : vector<1x16xf32> to vector<16xf32>
        %get3A_261 = arith.index_cast %scan3A_150 : i32 to index
        %get3A_262 = arith.constant 176 : index
        %get3A_263 = tpu.vector_load %arg12[%get3A_261, %get3A_262] {strides = array<i32>} : memref<64x256xf32, #tpu.memory_space<vmem>>, vector<1x16xf32>,
        %get3A_264 = vector.shape_cast %get3A_263 : vector<1x16xf32> to vector<16xf32>
        %mul3A_265 = arith.mulf %get3A_260, %get3A_264 : vector<16xf32>
        %add3A_266 = arith.addf %add3A_226, %mul3A_265 : vector<16xf32>
        %get3A_267 = arith.index_cast %scan3A_150 : i32 to index
        %get3A_268 = arith.constant 192 : index
        %get3A_269 = tpu.vector_load %arg11[%get3A_267, %get3A_268] {strides = array<i32>} : memref<64x256xf32, #tpu.memory_space<vmem>>, vector<1x16xf32>,
        %get3A_270 = vector.shape_cast %get3A_269 : vector<1x16xf32> to vector<16xf32>
        %get3A_271 = arith.index_cast %scan3A_150 : i32 to index
        %get3A_272 = arith.constant 192 : index
        %get3A_273 = tpu.vector_load %arg12[%get3A_271, %get3A_272] {strides = array<i32>} : memref<64x256xf32, #tpu.memory_space<vmem>>, vector<1x16xf32>,
        %get3A_274 = vector.shape_cast %get3A_273 : vector<1x16xf32> to vector<16xf32>
        %mul3A_275 = arith.mulf %get3A_270, %get3A_274 : vector<16xf32>
        %add3A_276 = arith.addf %add3A_236, %mul3A_275 : vector<16xf32>
        %get3A_277 = arith.index_cast %scan3A_150 : i32 to index
        %get3A_278 = arith.constant 208 : index
        %get3A_279 = tpu.vector_load %arg11[%get3A_277, %get3A_278] {strides = array<i32>} : memref<64x256xf32, #tpu.memory_space<vmem>>, vector<1x16xf32>,
        %get3A_280 = vector.shape_cast %get3A_279 : vector<1x16xf32> to vector<16xf32>
        %get3A_281 = arith.index_cast %scan3A_150 : i32 to index
        %get3A_282 = arith.constant 208 : index
        %get3A_283 = tpu.vector_load %arg12[%get3A_281, %get3A_282] {strides = array<i32>} : memref<64x256xf32, #tpu.memory_space<vmem>>, vector<1x16xf32>,
        %get3A_284 = vector.shape_cast %get3A_283 : vector<1x16xf32> to vector<16xf32>
        %mul3A_285 = arith.mulf %get3A_280, %get3A_284 : vector<16xf32>
        %add3A_286 = arith.addf %add3A_246, %mul3A_285 : vector<16xf32>
        %get3A_287 = arith.index_cast %scan3A_150 : i32 to index
        %get3A_288 = arith.constant 224 : index
        %get3A_289 = tpu.vector_load %arg11[%get3A_287, %get3A_288] {strides = array<i32>} : memref<64x256xf32, #tpu.memory_space<vmem>>, vector<1x16xf32>,
        %get3A_290 = vector.shape_cast %get3A_289 : vector<1x16xf32> to vector<16xf32>
        %get3A_291 = arith.index_cast %scan3A_150 : i32 to index
        %get3A_292 = arith.constant 224 : index
        %get3A_293 = tpu.vector_load %arg12[%get3A_291, %get3A_292] {strides = array<i32>} : memref<64x256xf32, #tpu.memory_space<vmem>>, vector<1x16xf32>,
        %get3A_294 = vector.shape_cast %get3A_293 : vector<1x16xf32> to vector<16xf32>
        %mul3A_295 = arith.mulf %get3A_290, %get3A_294 : vector<16xf32>
        %add3A_296 = arith.addf %add3A_256, %mul3A_295 : vector<16xf32>
        %get3A_297 = arith.index_cast %scan3A_150 : i32 to index
        %get3A_298 = arith.constant 240 : index
        %get3A_299 = tpu.vector_load %arg11[%get3A_297, %get3A_298] {strides = array<i32>} : memref<64x256xf32, #tpu.memory_space<vmem>>, vector<1x16xf32>,
        %get3A_300 = vector.shape_cast %get3A_299 : vector<1x16xf32> to vector<16xf32>
        %get3A_301 = arith.index_cast %scan3A_150 : i32 to index
        %get3A_302 = arith.constant 240 : index
        %get3A_303 = tpu.vector_load %arg12[%get3A_301, %get3A_302] {strides = array<i32>} : memref<64x256xf32, #tpu.memory_space<vmem>>, vector<1x16xf32>,
        %get3A_304 = vector.shape_cast %get3A_303 : vector<1x16xf32> to vector<16xf32>
        %mul3A_305 = arith.mulf %get3A_300, %get3A_304 : vector<16xf32>
        %add3A_306 = arith.addf %add3A_266, %mul3A_305 : vector<16xf32>
        %add3A_307 = arith.addf %add3A_276, %add3A_286 : vector<16xf32>
        %add3A_308 = arith.addf %add3A_296, %add3A_306 : vector<16xf32>
        %add3A_309 = arith.addf %add3A_307, %add3A_308 : vector<16xf32>
        %get3A_310 = arith.constant 0 : i32
        %get3A_311 = arith.index_cast %get3A_310 : i32 to index
        %get3A_312 = arith.constant 0 : index
        %get3A_313 = tpu.vector_load %arg13[%get3A_311, %get3A_312] {strides = array<i32>} : memref<4x16xi32, #tpu.memory_space<vmem>>, vector<1x16xi32>,
        %get3A_314 = vector.shape_cast %get3A_313 : vector<1x16xi32> to vector<16xi32>
        %lt3A_315 = arith.constant 0 : i32
        %lt3A_316 = vector.broadcast %lt3A_315 : i32 to vector<16xi32>
        %lt3A_317 = arith.cmpi slt, %get3A_314, %lt3A_316 : vector<16xi32>
        %add3A_318 = arith.constant 16 : i32
        %add3A_319 = vector.broadcast %add3A_318 : i32 to vector<16xi32>
        %add3A_320 = arith.addi %get3A_314, %add3A_319 : vector<16xi32>
        %select_n3A = arith.select %lt3A_317, %add3A_320, %get3A_314 : vector<16xi1>, vector<16xi32>
        %broadcast_in_dim3A_321 = vector.shape_cast %select_n3A : vector<16xi32> to vector<16x1xi32>
        %gather3A = vector.shape_cast %broadcast_in_dim3A_321 : vector<16x1xi32> to vector<16xi32>
        %gather3A_322 = tpu.dynamic_gather %add3A_309[%gather3A] in [0] : vector<16xf32>, vector<16xi32> -> vector<16xf32>
        %add3A_323 = arith.addf %add3A_309, %gather3A_322 : vector<16xf32>
        %get3A_324 = arith.constant 1 : i32
        %get3A_325 = arith.index_cast %get3A_324 : i32 to index
        %get3A_326 = arith.constant 0 : index
        %get3A_327 = tpu.vector_load %arg13[%get3A_325, %get3A_326] {strides = array<i32>} : memref<4x16xi32, #tpu.memory_space<vmem>>, vector<1x16xi32>,
        %get3A_328 = vector.shape_cast %get3A_327 : vector<1x16xi32> to vector<16xi32>
        %lt3A_329 = arith.constant 0 : i32
        %lt3A_330 = vector.broadcast %lt3A_329 : i32 to vector<16xi32>
        %lt3A_331 = arith.cmpi slt, %get3A_328, %lt3A_330 : vector<16xi32>
        %add3A_332 = arith.constant 16 : i32
        %add3A_333 = vector.broadcast %add3A_332 : i32 to vector<16xi32>
        %add3A_334 = arith.addi %get3A_328, %add3A_333 : vector<16xi32>
        %select_n3A_335 = arith.select %lt3A_331, %add3A_334, %get3A_328 : vector<16xi1>, vector<16xi32>
        %broadcast_in_dim3A_336 = vector.shape_cast %select_n3A_335 : vector<16xi32> to vector<16x1xi32>
        %gather3A_337 = vector.shape_cast %broadcast_in_dim3A_336 : vector<16x1xi32> to vector<16xi32>
        %gather3A_338 = tpu.dynamic_gather %add3A_323[%gather3A_337] in [0] : vector<16xf32>, vector<16xi32> -> vector<16xf32>
        %add3A_339 = arith.addf %add3A_323, %gather3A_338 : vector<16xf32>
        %get3A_340 = arith.constant 2 : i32
        %get3A_341 = arith.index_cast %get3A_340 : i32 to index
        %get3A_342 = arith.constant 0 : index
        %get3A_343 = tpu.vector_load %arg13[%get3A_341, %get3A_342] {strides = array<i32>} : memref<4x16xi32, #tpu.memory_space<vmem>>, vector<1x16xi32>,
        %get3A_344 = vector.shape_cast %get3A_343 : vector<1x16xi32> to vector<16xi32>
        %lt3A_345 = arith.constant 0 : i32
        %lt3A_346 = vector.broadcast %lt3A_345 : i32 to vector<16xi32>
        %lt3A_347 = arith.cmpi slt, %get3A_344, %lt3A_346 : vector<16xi32>
        %add3A_348 = arith.constant 16 : i32
        %add3A_349 = vector.broadcast %add3A_348 : i32 to vector<16xi32>
        %add3A_350 = arith.addi %get3A_344, %add3A_349 : vector<16xi32>
        %select_n3A_351 = arith.select %lt3A_347, %add3A_350, %get3A_344 : vector<16xi1>, vector<16xi32>
        %broadcast_in_dim3A_352 = vector.shape_cast %select_n3A_351 : vector<16xi32> to vector<16x1xi32>
        %gather3A_353 = vector.shape_cast %broadcast_in_dim3A_352 : vector<16x1xi32> to vector<16xi32>
        %gather3A_354 = tpu.dynamic_gather %add3A_339[%gather3A_353] in [0] : vector<16xf32>, vector<16xi32> -> vector<16xf32>
        %add3A_355 = arith.addf %add3A_339, %gather3A_354 : vector<16xf32>
        %get3A_356 = arith.constant 3 : i32
        %get3A_357 = arith.index_cast %get3A_356 : i32 to index
        %get3A_358 = arith.constant 0 : index
        %get3A_359 = tpu.vector_load %arg13[%get3A_357, %get3A_358] {strides = array<i32>} : memref<4x16xi32, #tpu.memory_space<vmem>>, vector<1x16xi32>,
        %get3A_360 = vector.shape_cast %get3A_359 : vector<1x16xi32> to vector<16xi32>
        %lt3A_361 = arith.constant 0 : i32
        %lt3A_362 = vector.broadcast %lt3A_361 : i32 to vector<16xi32>
        %lt3A_363 = arith.cmpi slt, %get3A_360, %lt3A_362 : vector<16xi32>
        %add3A_364 = arith.constant 16 : i32
        %add3A_365 = vector.broadcast %add3A_364 : i32 to vector<16xi32>
        %add3A_366 = arith.addi %get3A_360, %add3A_365 : vector<16xi32>
        %select_n3A_367 = arith.select %lt3A_363, %add3A_366, %get3A_360 : vector<16xi1>, vector<16xi32>
        %broadcast_in_dim3A_368 = vector.shape_cast %select_n3A_367 : vector<16xi32> to vector<16x1xi32>
        %gather3A_369 = vector.shape_cast %broadcast_in_dim3A_368 : vector<16x1xi32> to vector<16xi32>
        %gather3A_370 = tpu.dynamic_gather %add3A_355[%gather3A_369] in [0] : vector<16xf32>, vector<16xi32> -> vector<16xf32>
        %add3A_371 = arith.addf %add3A_355, %gather3A_370 : vector<16xf32>
        %rem3A = arith.constant 16 : i32
        %rem3A_372 = arith.remsi %scan3A_150, %rem3A : i32
        %eq3A = vector.broadcast %rem3A_372 : i32 to vector<16xi32>
        %eq3A_373 = arith.cmpi eq, %iota3A, %eq3A : vector<16xi32>
        %select_n3A_374 = arith.select %eq3A_373, %add3A_371, %scan3A_151 : vector<16xi1>, vector<16xf32>
        %rem3A_375 = arith.constant 16 : i32
        %rem3A_376 = arith.remsi %scan3A_150, %rem3A_375 : i32
        %eq3A_377 = arith.constant 15 : i32
        %eq3A_378 = arith.cmpi eq, %rem3A_376, %eq3A_377 : i32
        %convert_element_type3A_379 = arith.extui %eq3A_378 : i1 to i32
        %cond3A_380 = arith.constant 0 : i32
        %cond3A_381 = arith.cmpi ne, %convert_element_type3A_379, %cond3A_380 : i32
        scf.if %cond3A_381 {
          %mul3A_382 = arith.constant 64 : i32
          %mul3A_383 = arith.muli %add3A_134, %mul3A_382 : i32
          %add3A_384 = arith.addi %mul3A_383, %scan3A_150 : i32
          %sub3A = arith.constant 15 : i32
          %sub3A_385 = arith.subi %add3A_384, %sub3A : i32
          %swap3A = arith.index_cast %sub3A_385 : i32 to index
          %swap3A_386 = tpu.vector_load %arg14[%swap3A] {strides = array<i32>} : memref<5120xf32, #tpu.memory_space<vmem>>, vector<16xf32>,
          %swap3A_387 = vector.shape_cast %swap3A_386 : vector<16xf32> to vector<16xf32>
          %swap3A_388 = vector.shape_cast %select_n3A_374 : vector<16xf32> to vector<16xf32>
          tpu.vector_store %arg14[%swap3A], %swap3A_388 {strides = array<i32>} : memref<5120xf32, #tpu.memory_space<vmem>>, vector<16xf32>,
        } else {
        }
        scf.yield %select_n3A_374 : vector<16xf32>
      }
      %scan3A_142 = arith.constant 64 : i32
      %add3A_143 = arith.constant 1 : i32
      %add3A_144 = arith.addi %scan3A_92, %add3A_143 : i32
      %lt3A_145 = arith.constant 40 : i32
      %lt3A_146 = arith.cmpi slt, %add3A_144, %lt3A_145 : i32
      %convert_element_type3A_147 = arith.extui %lt3A_146 : i1 to i32
      %cond3A_148 = arith.constant 0 : i32
      %cond3A_149 = arith.cmpi ne, %convert_element_type3A_147, %cond3A_148 : i32
      scf.if %cond3A_149 {
        %add3A_150 = arith.constant 3 : i32
        %add3A_151 = arith.addi %mul3A_94, %add3A_150 : i32
        %dma_start3A_152 = arith.constant 0 : i32
        %dma_start3A_153 = tpu.memref_slice %arg7[%add3A_151, %dma_start3A_152] : memref<80x64xi32, #tpu.memory_space<vmem>> -> memref<1x64xi32, #tpu.memory_space<vmem>>
        %dma_start3A_154 = tpu.memref_squeeze %dma_start3A_153 : memref<1x64xi32, #tpu.memory_space<vmem>> -> memref<64xi32, #tpu.memory_space<vmem>>
        %dma_start3A_155 = arith.constant 0 : i32
        %dma_start3A_156 = arith.constant 0 : i32
        %dma_start3A_157 = tpu.memref_slice %arg2[%dma_start3A_155, %dma_start3A_156] : memref<10240x256xf32, #tpu.memory_space<hbm>> -> memref<10240x256xf32, #tpu.memory_space<hbm>>
        tpu.enqueue_indirect_dma source(%dma_start3A_157 : memref<10240x256xf32, #tpu.memory_space<hbm>>) target(%arg11 : memref<64x256xf32, #tpu.memory_space<vmem>>) offsets(%dma_start3A_154 : memref<64xi32, #tpu.memory_space<vmem>>) semaphore(%arg17 : memref<!tpu.dma_semaphore, #tpu.memory_space<semaphore_mem>>)
        %add3A_158 = arith.constant 3 : i32
        %add3A_159 = arith.addi %mul3A_94, %add3A_158 : i32
        %dma_start3A_160 = arith.constant 0 : i32
        %dma_start3A_161 = tpu.memref_slice %arg8[%add3A_159, %dma_start3A_160] : memref<80x64xi32, #tpu.memory_space<vmem>> -> memref<1x64xi32, #tpu.memory_space<vmem>>
        %dma_start3A_162 = tpu.memref_squeeze %dma_start3A_161 : memref<1x64xi32, #tpu.memory_space<vmem>> -> memref<64xi32, #tpu.memory_space<vmem>>
        %dma_start3A_163 = arith.constant 0 : i32
        %dma_start3A_164 = arith.constant 0 : i32
        %dma_start3A_165 = tpu.memref_slice %arg2[%dma_start3A_163, %dma_start3A_164] : memref<10240x256xf32, #tpu.memory_space<hbm>> -> memref<10240x256xf32, #tpu.memory_space<hbm>>
        tpu.enqueue_indirect_dma source(%dma_start3A_165 : memref<10240x256xf32, #tpu.memory_space<hbm>>) target(%arg12 : memref<64x256xf32, #tpu.memory_space<vmem>>) offsets(%dma_start3A_162 : memref<64xi32, #tpu.memory_space<vmem>>) semaphore(%arg18 : memref<!tpu.dma_semaphore, #tpu.memory_space<semaphore_mem>>)
      } else {
      }
    }
    %scan3A_84 = arith.constant 40 : i32
    %add3A_85 = arith.constant 2 : i32
    %add3A_86 = arith.addi %add3A_85, %arg0 : i32
    %mul3A_87 = arith.constant 16 : i32
    %mul3A_88 = arith.muli %add3A_86, %mul3A_87 : i32
    %add3A_89 = arith.addi %mul3A_88, %arg1 : i32
    %mul3A_90 = arith.constant 5120 : i32
    %mul3A_91 = arith.muli %add3A_89, %mul3A_90 : i32
    "tpu.region"() ({
      %run_scoped3A = tpu.sem_alloc : memref<!tpu.dma_semaphore, #tpu.memory_space<semaphore_mem>>
      %dma_start3A_92 = tpu.memref_slice %arg6[%mul3A_91] : memref<327680xf32, #tpu.memory_space<hbm>> -> memref<5120xf32, #tpu.memory_space<hbm>>
      %dma_start3A_93 = tpu.memref_slice %arg6[%mul3A_91] : memref<327680xf32, #tpu.memory_space<hbm>> -> memref<5120xf32, #tpu.memory_space<hbm>>
      tpu.enqueue_dma source(%arg14 : memref<5120xf32, #tpu.memory_space<vmem>>) target(%dma_start3A_93 : memref<5120xf32, #tpu.memory_space<hbm>>) target_semaphore(%run_scoped3A : memref<!tpu.dma_semaphore, #tpu.memory_space<semaphore_mem>>)
      %dma_wait3A = tpu.memref_slice %arg6[%mul3A_91] : memref<327680xf32, #tpu.memory_space<hbm>> -> memref<5120xf32, #tpu.memory_space<hbm>>
      %dma_wait3A_94 = tpu.memref_slice %arg6[%mul3A_91] : memref<327680xf32, #tpu.memory_space<hbm>> -> memref<5120xf32, #tpu.memory_space<hbm>>
      tpu.wait_dma2 semaphore(%run_scoped3A : memref<!tpu.dma_semaphore, #tpu.memory_space<semaphore_mem>>) src(%arg14 : memref<5120xf32, #tpu.memory_space<vmem>>) dst(%dma_wait3A_94 : memref<5120xf32, #tpu.memory_space<hbm>>)
      tpu.yield
    }) : () -> ()
    return
  }
}

module attributes {stable_mosaic.version = 14 : i64} {
  func.func @_tc_layer_body(%arg0: i32, %arg1: i32, %arg2: memref<2x2048x128xf32, #tpu.memory_space<vmem>>, %arg3: memref<2048x16xf32, #tpu.memory_space<vmem>>, %arg4: memref<2x2048x128xf32, #tpu.memory_space<vmem>>, %arg5: memref<2048x16xf32, #tpu.memory_space<vmem>>, %arg6: memref<256x128xf32, #tpu.memory_space<vmem>>, %arg7: memref<256x128xf32, #tpu.memory_space<vmem>>, %arg8: memref<2048x128xf32, #tpu.memory_space<vmem>>) attributes {dimension_semantics = [#tpu.dimension_semantics<arbitrary>, #tpu.dimension_semantics<arbitrary>], iteration_bounds = array<i64: 5, 2>, scalar_prefetch = 0 : i64, scratch_operands = 0 : i64, tpu.core_type = #tpu.core_type<tc>, window_params = [{transform_indices = @transform_0, window_bounds = array<i64: 2, 2048, 128>}, {transform_indices = @transform_1, window_bounds = array<i64: 2048, 16>}, {transform_indices = @transform_2, window_bounds = array<i64: 2, 2048, 128>}, {transform_indices = @transform_3, window_bounds = array<i64: 2048, 16>}, {transform_indices = @transform_4, window_bounds = array<i64: 256, 128>}, {transform_indices = @transform_5, window_bounds = array<i64: 256, 128>}, {transform_indices = @transform_6, window_bounds = array<i64: 2048, 128>}]} {
    %get3A = arith.constant 0 : index
    %get3A_0 = arith.constant 0 : index
    %get3A_1 = vector.load %arg3[%get3A, %get3A_0] : memref<2048x16xf32, #tpu.memory_space<vmem>>, vector<2048x16xf32>
    %slice3A = vector.extract_strided_slice %get3A_1 {offsets = [0, 0], sizes = [2048, 1], strides = [1, 1]} : vector<2048x16xf32> to vector<2048x1xf32>
    %max3A = arith.constant 1.000000e+00 : f32
    %max3A_2 = vector.broadcast %max3A : f32 to vector<2048x1xf32>
    %max3A_3 = arith.maximumf %slice3A, %max3A_2 : vector<2048x1xf32>
    %get3A_4 = arith.constant 0 : index
    %get3A_5 = arith.constant 0 : index
    %get3A_6 = vector.load %arg5[%get3A_4, %get3A_5] : memref<2048x16xf32, #tpu.memory_space<vmem>>, vector<2048x16xf32>
    %slice3A_7 = vector.extract_strided_slice %get3A_6 {offsets = [0, 0], sizes = [2048, 1], strides = [1, 1]} : vector<2048x16xf32> to vector<2048x1xf32>
    %max3A_8 = arith.constant 1.000000e+00 : f32
    %max3A_9 = vector.broadcast %max3A_8 : f32 to vector<2048x1xf32>
    %max3A_10 = arith.maximumf %slice3A_7, %max3A_9 : vector<2048x1xf32>
    %get3A_11 = arith.constant 0 : index
    %get3A_12 = arith.constant 0 : index
    %get3A_13 = arith.constant 0 : index
    %get3A_14 = vector.load %arg2[%get3A_11, %get3A_12, %get3A_13] : memref<2x2048x128xf32, #tpu.memory_space<vmem>>, vector<1x2048x128xf32>
    %get3A_15 = vector.shape_cast %get3A_14 : vector<1x2048x128xf32> to vector<2048x128xf32>
    %get3A_16 = arith.constant 1 : index
    %get3A_17 = arith.constant 0 : index
    %get3A_18 = arith.constant 0 : index
    %get3A_19 = vector.load %arg2[%get3A_16, %get3A_17, %get3A_18] : memref<2x2048x128xf32, #tpu.memory_space<vmem>>, vector<1x2048x128xf32>
    %get3A_20 = vector.shape_cast %get3A_19 : vector<1x2048x128xf32> to vector<2048x128xf32>
    %concatenate3A = tpu.concatenate %get3A_15, %get3A_20 in 1 : vector<2048x128xf32>, vector<2048x128xf32> -> vector<2048x256xf32>
    %div3A = vector.broadcast %max3A_3 : vector<2048x1xf32> to vector<2048x256xf32>
    %div3A_21 = arith.divf %concatenate3A, %div3A : vector<2048x256xf32>
    %get3A_22 = arith.constant 0 : index
    %get3A_23 = arith.constant 0 : index
    %get3A_24 = arith.constant 0 : index
    %get3A_25 = vector.load %arg4[%get3A_22, %get3A_23, %get3A_24] : memref<2x2048x128xf32, #tpu.memory_space<vmem>>, vector<1x2048x128xf32>
    %get3A_26 = vector.shape_cast %get3A_25 : vector<1x2048x128xf32> to vector<2048x128xf32>
    %get3A_27 = arith.constant 1 : index
    %get3A_28 = arith.constant 0 : index
    %get3A_29 = arith.constant 0 : index
    %get3A_30 = vector.load %arg4[%get3A_27, %get3A_28, %get3A_29] : memref<2x2048x128xf32, #tpu.memory_space<vmem>>, vector<1x2048x128xf32>
    %get3A_31 = vector.shape_cast %get3A_30 : vector<1x2048x128xf32> to vector<2048x128xf32>
    %concatenate3A_32 = tpu.concatenate %get3A_26, %get3A_31 in 1 : vector<2048x128xf32>, vector<2048x128xf32> -> vector<2048x256xf32>
    %div3A_33 = vector.broadcast %max3A_10 : vector<2048x1xf32> to vector<2048x256xf32>
    %div3A_34 = arith.divf %concatenate3A_32, %div3A_33 : vector<2048x256xf32>
    %get3A_35 = arith.constant 0 : index
    %get3A_36 = arith.constant 0 : index
    %get3A_37 = vector.load %arg6[%get3A_35, %get3A_36] : memref<256x128xf32, #tpu.memory_space<vmem>>, vector<256x128xf32>
    %dot_general3A = arith.constant dense<0.000000e+00> : vector<2048x128xf32>
    %dot_general3A_38 = tpu.matmul %div3A_21, %get3A_37, %dot_general3A {dimension_numbers = #tpu.dot_dimension_numbers<[1], [0], [0], [1], [0, 0, 1, 1], [], []>, precision = #tpu.contract_precision<fp32>, transpose_lhs_hint = false} : vector<2048x256xf32>, vector<256x128xf32>, vector<2048x128xf32> -> vector<2048x128xf32>
    %get3A_39 = arith.constant 0 : index
    %get3A_40 = arith.constant 0 : index
    %get3A_41 = vector.load %arg7[%get3A_39, %get3A_40] : memref<256x128xf32, #tpu.memory_space<vmem>>, vector<256x128xf32>
    %dot_general3A_42 = arith.constant dense<0.000000e+00> : vector<2048x128xf32>
    %dot_general3A_43 = tpu.matmul %div3A_34, %get3A_41, %dot_general3A_42 {dimension_numbers = #tpu.dot_dimension_numbers<[1], [0], [0], [1], [0, 0, 1, 1], [], []>, precision = #tpu.contract_precision<fp32>, transpose_lhs_hint = false} : vector<2048x256xf32>, vector<256x128xf32>, vector<2048x128xf32> -> vector<2048x128xf32>
    %add3A = arith.addf %dot_general3A_38, %dot_general3A_43 : vector<2048x128xf32>
    %max3A_44 = arith.constant 0.000000e+00 : f32
    %max3A_45 = vector.broadcast %max3A_44 : f32 to vector<2048x128xf32>
    %max3A_46 = arith.maximumf %add3A, %max3A_45 : vector<2048x128xf32>
    %swap3A = arith.constant 0 : index
    %swap3A_47 = arith.constant 0 : index
    %swap3A_48 = vector.load %arg8[%swap3A, %swap3A_47] : memref<2048x128xf32, #tpu.memory_space<vmem>>, vector<2048x128xf32>
    tpu.vector_store %arg8[%swap3A, %swap3A_47], %max3A_46 {strides = array<i32>} : memref<2048x128xf32, #tpu.memory_space<vmem>>, vector<2048x128xf32>,
    return
  }
  func.func @transform_0(%arg0: i32, %arg1: i32) -> (i32, i32, i32) {
    %c0_i32 = arith.constant 0 : i32
    %c0_i32_0 = arith.constant 0 : i32
    %c0_i32_1 = arith.constant 0 : i32
    return %c0_i32, %arg0, %c0_i32_0 : i32, i32, i32
  }
  func.func @transform_1(%arg0: i32, %arg1: i32) -> (i32, i32) {
    %c0_i32 = arith.constant 0 : i32
    %c0_i32_0 = arith.constant 0 : i32
    return %arg0, %c0_i32 : i32, i32
  }
  func.func @transform_2(%arg0: i32, %arg1: i32) -> (i32, i32, i32) {
    %c0_i32 = arith.constant 0 : i32
    %c0_i32_0 = arith.constant 0 : i32
    %c0_i32_1 = arith.constant 0 : i32
    return %c0_i32, %arg0, %c0_i32_0 : i32, i32, i32
  }
  func.func @transform_3(%arg0: i32, %arg1: i32) -> (i32, i32) {
    %c0_i32 = arith.constant 0 : i32
    %c0_i32_0 = arith.constant 0 : i32
    return %arg0, %c0_i32 : i32, i32
  }
  func.func @transform_4(%arg0: i32, %arg1: i32) -> (i32, i32) {
    %c0_i32 = arith.constant 0 : i32
    %c0_i32_0 = arith.constant 0 : i32
    return %c0_i32, %arg1 : i32, i32
  }
  func.func @transform_5(%arg0: i32, %arg1: i32) -> (i32, i32) {
    %c0_i32 = arith.constant 0 : i32
    %c0_i32_0 = arith.constant 0 : i32
    return %c0_i32, %arg1 : i32, i32
  }
  func.func @transform_6(%arg0: i32, %arg1: i32) -> (i32, i32) {
    %mul3A = arith.constant 5 : i32
    %mul3A_0 = arith.muli %arg1, %mul3A : i32
    %add3A = arith.addi %mul3A_0, %arg0 : i32
    %c0_i32 = arith.constant 0 : i32
    %c0_i32_1 = arith.constant 0 : i32
    return %add3A, %c0_i32 : i32, i32
  }
}

module attributes {stable_mosaic.version = 14 : i64} {
  func.func @_tc_layer_body(%arg0: i32, %arg1: memref<2x2048x128xf32, #tpu.memory_space<vmem>>, %arg2: memref<2048x16xf32, #tpu.memory_space<vmem>>, %arg3: memref<2x2048x128xf32, #tpu.memory_space<vmem>>, %arg4: memref<2048x16xf32, #tpu.memory_space<vmem>>, %arg5: memref<256x256xf32, #tpu.memory_space<vmem>>, %arg6: memref<256x256xf32, #tpu.memory_space<vmem>>, %arg7: memref<2048x256xf32, #tpu.memory_space<vmem>>) attributes {dimension_semantics = [#tpu.dimension_semantics<arbitrary>], iteration_bounds = array<i64: 5>, scalar_prefetch = 0 : i64, scratch_operands = 0 : i64, tpu.core_type = #tpu.core_type<tc>, window_params = [{transform_indices = @transform_0, window_bounds = array<i64: 2, 2048, 128>}, {transform_indices = @transform_1, window_bounds = array<i64: 2048, 16>}, {transform_indices = @transform_2, window_bounds = array<i64: 2, 2048, 128>}, {transform_indices = @transform_3, window_bounds = array<i64: 2048, 16>}, {pipeline_mode = #tpu.pipeline_mode<synchronous>, transform_indices = @transform_4, window_bounds = array<i64: 256, 256>}, {pipeline_mode = #tpu.pipeline_mode<synchronous>, transform_indices = @transform_5, window_bounds = array<i64: 256, 256>}, {transform_indices = @transform_6, window_bounds = array<i64: 2048, 256>}]} {
    %get3A = arith.constant 0 : index
    %get3A_0 = arith.constant 0 : index
    %get3A_1 = vector.load %arg2[%get3A, %get3A_0] : memref<2048x16xf32, #tpu.memory_space<vmem>>, vector<2048x16xf32>
    %slice3A = vector.extract_strided_slice %get3A_1 {offsets = [0, 0], sizes = [2048, 1], strides = [1, 1]} : vector<2048x16xf32> to vector<2048x1xf32>
    %max3A = arith.constant 1.000000e+00 : f32
    %max3A_2 = vector.broadcast %max3A : f32 to vector<2048x1xf32>
    %max3A_3 = arith.maximumf %slice3A, %max3A_2 : vector<2048x1xf32>
    %get3A_4 = arith.constant 0 : index
    %get3A_5 = arith.constant 0 : index
    %get3A_6 = vector.load %arg4[%get3A_4, %get3A_5] : memref<2048x16xf32, #tpu.memory_space<vmem>>, vector<2048x16xf32>
    %slice3A_7 = vector.extract_strided_slice %get3A_6 {offsets = [0, 0], sizes = [2048, 1], strides = [1, 1]} : vector<2048x16xf32> to vector<2048x1xf32>
    %max3A_8 = arith.constant 1.000000e+00 : f32
    %max3A_9 = vector.broadcast %max3A_8 : f32 to vector<2048x1xf32>
    %max3A_10 = arith.maximumf %slice3A_7, %max3A_9 : vector<2048x1xf32>
    %get3A_11 = arith.constant 0 : index
    %get3A_12 = arith.constant 0 : index
    %get3A_13 = arith.constant 0 : index
    %get3A_14 = vector.load %arg1[%get3A_11, %get3A_12, %get3A_13] : memref<2x2048x128xf32, #tpu.memory_space<vmem>>, vector<1x2048x128xf32>
    %get3A_15 = vector.shape_cast %get3A_14 : vector<1x2048x128xf32> to vector<2048x128xf32>
    %get3A_16 = arith.constant 1 : index
    %get3A_17 = arith.constant 0 : index
    %get3A_18 = arith.constant 0 : index
    %get3A_19 = vector.load %arg1[%get3A_16, %get3A_17, %get3A_18] : memref<2x2048x128xf32, #tpu.memory_space<vmem>>, vector<1x2048x128xf32>
    %get3A_20 = vector.shape_cast %get3A_19 : vector<1x2048x128xf32> to vector<2048x128xf32>
    %concatenate3A = tpu.concatenate %get3A_15, %get3A_20 in 1 : vector<2048x128xf32>, vector<2048x128xf32> -> vector<2048x256xf32>
    %div3A = vector.broadcast %max3A_3 : vector<2048x1xf32> to vector<2048x256xf32>
    %div3A_21 = arith.divf %concatenate3A, %div3A : vector<2048x256xf32>
    %get3A_22 = arith.constant 0 : index
    %get3A_23 = arith.constant 0 : index
    %get3A_24 = arith.constant 0 : index
    %get3A_25 = vector.load %arg3[%get3A_22, %get3A_23, %get3A_24] : memref<2x2048x128xf32, #tpu.memory_space<vmem>>, vector<1x2048x128xf32>
    %get3A_26 = vector.shape_cast %get3A_25 : vector<1x2048x128xf32> to vector<2048x128xf32>
    %get3A_27 = arith.constant 1 : index
    %get3A_28 = arith.constant 0 : index
    %get3A_29 = arith.constant 0 : index
    %get3A_30 = vector.load %arg3[%get3A_27, %get3A_28, %get3A_29] : memref<2x2048x128xf32, #tpu.memory_space<vmem>>, vector<1x2048x128xf32>
    %get3A_31 = vector.shape_cast %get3A_30 : vector<1x2048x128xf32> to vector<2048x128xf32>
    %concatenate3A_32 = tpu.concatenate %get3A_26, %get3A_31 in 1 : vector<2048x128xf32>, vector<2048x128xf32> -> vector<2048x256xf32>
    %div3A_33 = vector.broadcast %max3A_10 : vector<2048x1xf32> to vector<2048x256xf32>
    %div3A_34 = arith.divf %concatenate3A_32, %div3A_33 : vector<2048x256xf32>
    %get3A_35 = arith.constant 0 : index
    %get3A_36 = arith.constant 0 : index
    %get3A_37 = vector.load %arg5[%get3A_35, %get3A_36] : memref<256x256xf32, #tpu.memory_space<vmem>>, vector<256x256xf32>
    %dot_general3A = arith.constant dense<0.000000e+00> : vector<2048x256xf32>
    %dot_general3A_38 = tpu.matmul %div3A_21, %get3A_37, %dot_general3A {dimension_numbers = #tpu.dot_dimension_numbers<[1], [0], [0], [1], [0, 0, 1, 1], [], []>, precision = #tpu.contract_precision<fp32>, transpose_lhs_hint = false} : vector<2048x256xf32>, vector<256x256xf32>, vector<2048x256xf32> -> vector<2048x256xf32>
    %get3A_39 = arith.constant 0 : index
    %get3A_40 = arith.constant 0 : index
    %get3A_41 = vector.load %arg6[%get3A_39, %get3A_40] : memref<256x256xf32, #tpu.memory_space<vmem>>, vector<256x256xf32>
    %dot_general3A_42 = arith.constant dense<0.000000e+00> : vector<2048x256xf32>
    %dot_general3A_43 = tpu.matmul %div3A_34, %get3A_41, %dot_general3A_42 {dimension_numbers = #tpu.dot_dimension_numbers<[1], [0], [0], [1], [0, 0, 1, 1], [], []>, precision = #tpu.contract_precision<fp32>, transpose_lhs_hint = false} : vector<2048x256xf32>, vector<256x256xf32>, vector<2048x256xf32> -> vector<2048x256xf32>
    %add3A = arith.addf %dot_general3A_38, %dot_general3A_43 : vector<2048x256xf32>
    %swap3A = arith.constant 0 : index
    %swap3A_44 = arith.constant 0 : index
    %swap3A_45 = vector.load %arg7[%swap3A, %swap3A_44] : memref<2048x256xf32, #tpu.memory_space<vmem>>, vector<2048x256xf32>
    tpu.vector_store %arg7[%swap3A, %swap3A_44], %add3A {strides = array<i32>} : memref<2048x256xf32, #tpu.memory_space<vmem>>, vector<2048x256xf32>,
    return
  }
  func.func @transform_0(%arg0: i32) -> (i32, i32, i32) {
    %c0_i32 = arith.constant 0 : i32
    %c0_i32_0 = arith.constant 0 : i32
    %c0_i32_1 = arith.constant 0 : i32
    return %c0_i32, %arg0, %c0_i32_0 : i32, i32, i32
  }
  func.func @transform_1(%arg0: i32) -> (i32, i32) {
    %c0_i32 = arith.constant 0 : i32
    %c0_i32_0 = arith.constant 0 : i32
    return %arg0, %c0_i32 : i32, i32
  }
  func.func @transform_2(%arg0: i32) -> (i32, i32, i32) {
    %c0_i32 = arith.constant 0 : i32
    %c0_i32_0 = arith.constant 0 : i32
    %c0_i32_1 = arith.constant 0 : i32
    return %c0_i32, %arg0, %c0_i32_0 : i32, i32, i32
  }
  func.func @transform_3(%arg0: i32) -> (i32, i32) {
    %c0_i32 = arith.constant 0 : i32
    %c0_i32_0 = arith.constant 0 : i32
    return %arg0, %c0_i32 : i32, i32
  }
  func.func @transform_4(%arg0: i32) -> (i32, i32) {
    %c0_i32 = arith.constant 0 : i32
    %c0_i32_0 = arith.constant 0 : i32
    %c0_i32_1 = arith.constant 0 : i32
    return %c0_i32, %c0_i32_0 : i32, i32
  }
  func.func @transform_5(%arg0: i32) -> (i32, i32) {
    %c0_i32 = arith.constant 0 : i32
    %c0_i32_0 = arith.constant 0 : i32
    %c0_i32_1 = arith.constant 0 : i32
    return %c0_i32, %c0_i32_0 : i32, i32
  }
  func.func @transform_6(%arg0: i32) -> (i32, i32) {
    %c0_i32 = arith.constant 0 : i32
    %c0_i32_0 = arith.constant 0 : i32
    return %arg0, %c0_i32 : i32, i32
  }
}

</mosaic_0001>

<sc_bundles>
// kernel: kernel.13.cloned.1.call-start
scs
__scs_entry_jumppad:
0x0: {  	(pc) =	sbr.rel $0x88, $3  }
0x1: {  	(tag) =	ssettag $0x0;
	lr =	simm.s32 $0x1  }
0x2: {  	[smem:$0x3F94] =	sst lr;
	_ =	strace $0xD0000000  }
0x3: {  	_ = 	snop  }
0x4: {  	_ = 	snop  }
0x5: {  	_ = 	snop  }
0x6: {  	_ = 	snop  }
0x7: {  	_ = 	snop  }
__scs_overlays_trampoline_lowered:
0x8: {  	[smem:$0x3FA3] =	sst s0  }
0x9: {  	[smem:$0x3FA4] =	sst s1  }
0xa: {  	[smem:$0x3FA5] =	sst s2  }
0xb: {  	[smem:$0x3FA6] =	sst s3  }
0xc: {  	[smem:$0x3FA7] =	sst s4  }
0xd: {  	[smem:$0x3FA8] =	sst s5  }
0xe: {  	[smem:$0x3FA9] =	sst s6  }
0xf: {  	[smem:$0x3FAA] =	sst s7  }
0x10: {  	[smem:$0x3FAB] =	sst s8  }
0x11: {  	[smem:$0x3FAC] =	sst s9;
	s0 =	simm.s32 @!p0 $0x0  }
0x12: {  	s1 =	sld [smem:$0x3F92];
	s0 =	simm.s32 @p0 $0x1  }
0x13: {  	[smem:$0x3FAD] =	sst s0;
	s0 =	simm.s32 @!p1 $0x0  }
0x14: {  	s2 =	sld [smem:$0x3F91];
	s0 =	simm.s32 @p1 $0x1  }
0x15: {  	[smem:$0x3FAE] =	sst s0;
	s0 =	simm.s32 @!p2 $0x0  }
0x16: {  	s3 =	sld [smem:$0x3FDB];
	s0 =	simm.s32 @p2 $0x1  }
0x17: {  	s4 =	simm.s32 $0x1BF5;
	[smem:$0x3FB0] =	sst s0  }
0x18: {  	s0 =	sld [smem:$0x3F93];
	_ =	swait.ge [sflag:s4], $0x0  }
0x19: {  	s7 =	sld [smem:$0x3F94]  }
0x1a: {  	s8 =	sadd.s32 $0xFFFFE003, lr  }
0x1b: {  	s9 =	sadd.s32 $0xFFFFFEF7, lr;
	s5 =	simm.s32 $0xFFFFFFFF;
	p2 =	slt.u32 s8, $0xFFFFF086  }
0x1c: {  	p1 =	slt.u32 s9, $0xF7A;
	s5 =	simm.s32 @!p2 $0x0  }
0x1d: {  	s5 =	simm.s32 @p1 $0x1;
	p0 =	seq.s32 s7, s2  }
0x1e: {  	s7 =	smul.u32 @!p0 $0xF7A, s2;
	p2 =	seq.s32 @!p0 s5, $0x0  }
0x1f: {  	s9 =	smul.u32 $0xF7A, s1;
	s8 =	simm.s32 @!p0 $0x1BF5;
	p2 =	por !p2, p0  }
0x20: {  	[sflag:s8] =	ssyncset.s32 @!p0 $0xFFFFF086;
	s6 =	sadd.s32 @!p0 s3, s7;
	s7 =	simm.s32 @!p0 $0x108  }
0x21: {  	s3 =	sadd.s32 s3, s9;
	s6 =	sadd.s32 @!p0 $0x88, s6;
	s7 =	simm.s32 @p2 $0x1082  }
0x22: {  	[simem:s7], [sflag:s8] =	dma.local @!p0 [hbm:s6], $0xF7A  }
0x23: {  	s9 =	sor.u32 $0xD0000000, s2;
	s6 =	simm.s32 $0x108;
	_ =	swait.ge @!p0 [sflag:s8], $0x0  }
0x24: {  	s3 =	sadd.s32 $0x88, s3;
	s6 =	simm.s32 @!p1 $0x1082;
	[sflag:s4] =	ssyncset.s32 $0xFFFFF086  }
0x25: {  	[simem:s6], [sflag:s4] =	dma.local [hbm:s3], $0xF7A  }
0x26: {  	[smem:$0x3F94] =	sst s1;
	(tag) =	ssettag s2;
	_ =	strace s9  }
0x27: {  	s1 =	sld [smem:$0x3FA4]  }
0x28: {  	s2 =	sld [smem:$0x3FA5]  }
0x29: {  	s4 =	sld [smem:$0x3FA7]  }
0x2a: {  	p0 =	seq.s32 s5, $0x0;
	s5 =	sld [smem:$0x3FA8]  }
0x2b: {  	s6 =	sld [smem:$0x3FA9]  }
0x2c: {  	s7 =	sld [smem:$0x3FAA]  }
0x2d: {  	s3 =	simm.s32 $0x108;
	s8 =	sld [smem:$0x3FAB]  }
0x2e: {  	s3 =	simm.s32 @!p0 $0x1082;
	s9 =	sld [smem:$0x3FAC]  }
0x2f: {  	lr =	sadd.s32 s0, s3;
	s0 =	sld [smem:$0x3FA3]  }
0x30: {  	s3 =	sld [smem:$0x3FA6]  }
0x31: {  	[smem:$0x3FAF] =	sst s10  }
0x32: {  	s10 =	sld [smem:$0x3FAD];
	_ =	sdelay $0x3  }
0x33: {  	p0 =	seq.s32 s10, $0x1;
	s10 =	sld [smem:$0x3FAF];
	_ =	sdelay $0x3  }
0x34: {  	[smem:$0x3FAF] =	sst s10  }
0x35: {  	s10 =	sld [smem:$0x3FAE];
	_ =	sdelay $0x3  }
0x36: {  	p1 =	seq.s32 s10, $0x1;
	s10 =	sld [smem:$0x3FAF];
	_ =	sdelay $0x3  }
0x37: {  	[smem:$0x3FAF] =	sst s10  }
0x38: {  	s10 =	sld [smem:$0x3FB0]  }
0x39: {  	_ = 	snop;
	(pc) =	sbr.ind lr, $3  }
0x3a: {  	_ = 	snop  }
0x3b: {  	_ = 	snop  }
0x3c: {  	p2 =	seq.s32 s10, $0x1;
	s10 =	sld [smem:$0x3FAF]  }
0x3d: {  	_ =	shalt  }
0x3e: {  	_ =	shalt  }
0x3f: {  	_ =	shalt  }
0x40: {  	_ =	shalt  }
0x41: {  	_ =	shalt  }
0x42: {  	_ =	shalt  }
0x43: {  	_ =	shalt  }
0x44: {  	_ =	shalt  }
0x45: {  	_ =	shalt  }
0x46: {  	_ =	shalt  }
0x47: {  	_ =	shalt  }
0x48: {  	_ =	shalt  }
0x49: {  	_ =	shalt  }
0x4a: {  	_ =	shalt  }
0x4b: {  	_ =	shalt  }
0x4c: {  	_ =	shalt  }
0x4d: {  	_ =	shalt  }
0x4e: {  	_ =	shalt  }
0x4f: {  	_ =	shalt  }
0x50: {  	_ =	shalt  }
0x51: {  	_ =	shalt  }
0x52: {  	_ =	shalt  }
0x53: {  	_ =	shalt  }
0x54: {  	_ =	shalt  }
0x55: {  	_ =	shalt  }
0x56: {  	_ =	shalt  }
0x57: {  	_ =	shalt  }
0x58: {  	_ =	shalt  }
0x59: {  	_ =	shalt  }
0x5a: {  	_ =	shalt  }
0x5b: {  	_ =	shalt  }
0x5c: {  	_ =	shalt  }
0x5d: {  	_ =	shalt  }
0x5e: {  	_ =	shalt  }
0x5f: {  	_ =	shalt  }
0x60: {  	_ =	shalt  }
0x61: {  	_ =	shalt  }
0x62: {  	_ =	shalt  }
0x63: {  	_ =	shalt  }
0x64: {  	_ =	shalt  }
0x65: {  	_ =	shalt  }
0x66: {  	_ =	shalt  }
0x67: {  	_ =	shalt  }
0x68: {  	_ =	shalt  }
0x69: {  	_ =	shalt  }
0x6a: {  	_ =	shalt  }
0x6b: {  	_ =	shalt  }
0x6c: {  	_ =	shalt  }
0x6d: {  	_ =	shalt  }
0x6e: {  	_ =	shalt  }
0x6f: {  	_ =	shalt  }
0x70: {  	_ =	shalt  }
0x71: {  	_ =	shalt  }
0x72: {  	_ =	shalt  }
0x73: {  	_ =	shalt  }
0x74: {  	_ =	shalt  }
0x75: {  	_ =	shalt  }
0x76: {  	_ =	shalt  }
0x77: {  	_ =	shalt  }
0x78: {  	_ =	shalt  }
0x79: {  	_ =	shalt  }
0x7a: {  	_ =	shalt  }
0x7b: {  	_ =	shalt  }
0x7c: {  	_ =	shalt  }
0x7d: {  	_ =	shalt  }
0x7e: {  	_ =	shalt  }
0x7f: {  	_ =	shalt  }
0x80: {  	_ =	shalt  }
0x81: {  	_ =	shalt  }
0x82: {  	_ =	shalt  }
0x83: {  	_ =	shalt  }
0x84: {  	_ =	shalt  }
0x85: {  	_ =	shalt  }
0x86: {  	_ =	shalt  }
0x87: {  	_ =	shalt  }
.Lfunc_end0:
.L_simem_size_0:
called_computation_lowered:
.L_overlay_start_0:
0x88: {  	s2 =	sld [smem:$0x3FD9]  }
0x89: {  	s3 =	sld [smem:$0x3FFE];
	_ =	sdelay $0x1  }
0x8a: {  	s1 =	srdreg.scid  }
0x8b: {  	s0 =	sand.u32 $0x1, s1  }
0x8c: {  	s14 =	sshll.u32 s0, $0xA;
	s2 =	sadd.s32 s3, s2  }
0x8d: {  	s2 =	sadd.s32 s2, s14  }
0x8e: {  	[smem:$0x3FBB] =	sst s2  }
0x8f: {  	_ = 	snop  }
0x90: {  	s2 =	sld [smem:$0x3FD0];
	_ =	sdelay $0x2  }
0x91: {  	s15 =	simm.s32 $0xA;
	s4 =	simm.s32 $0x10  }
0x92: {  	[smem:s4], [sflag:s15] =	dma.local [hbm:s2], $0x1  }
0x93: {  	_ =	swait.eq [sflag:s15], $0x1  }
0x94: {  	[sflag:s15] =	ssyncset.done $0x0  }
0x95: {  	[sflag:s15] =	ssyncadd.s32 $0xFFFFFFFF  }
0x96: {  	s16 =	sld [smem:$0x11];
	(tm) =	ssettm $0x1  }
0x97: {  	s17 =	sld [smem:$0x3FFB];
	_ =	sdelay $0x3  }
0x98: {  	_ =	strace s17  }
0x99: {  	s3 =	sld [smem:$0x3FFC];
	_ =	sdelay $0x3  }
0x9a: {  	_ =	strace s3  }
0x9b: {  	s3 =	sld [smem:$0x3FFD];
	_ =	sdelay $0x3  }
0x9c: {  	_ =	strace s3  }
0x9d: {  	_ =	strace $0x8FFFFFFF  }
0x9e: {  	s18 =	sld [smem:$0x3FDB];
	_ =	sdelay $0x1  }
0x9f: {  	s19 =	simm.s32 $_scs_section_size  }
0xa0: {  	s5 =	simm.s32 $_size__tile_overlayer_lowered;
	s6 =	simm.s32 $_tile_overlayer_lowered  }
0xa1: {  	s22 =	simm.s32 $0x1BFF;
	s21 =	sshll.u32 s6, $0x1;
	s3 =	sadd.s32 s19, s18  }
0xa2: {  	s7 =	simm.s32 $0x0;
	s20 =	sshll.u32 s5, $0x1;
	s5 =	sadd.s32 s21, s3  }
0xa3: {  	[timem:s7], [sflag:s22] =	dma.local [hbm:s5], s20  }
0xa4: {  	_ =	swait.ge [sflag:s22], s20  }
0xa5: {  	s4 =	ssub.s32 $0x0, s20;
	[sflag:s22] =	ssyncset.done $0x0  }
0xa6: {  	[sflag:s22] =	ssyncadd.s32 s4;
	_ =	sdelay $0x1  }
0xa7: {  	s23 =	simm.s32 $0x1B8B  }
0xa8: {  	_ =	swait.ge [sflag:s23], $0x1  }
0xa9: {  	[sflag:s23] =	ssyncset.done $0x0  }
0xaa: {  	s25 =	simm.s32 $0x1B8E;
	s24 =	sld [smem:$0x3FFE];
	[sflag:s23] =	ssyncadd.s32 $0xFFFFFFFF  }
0xab: {  	s26 =	simm.s32 $execute0_lowered;
	[smem:$0x3FD2] =	sst s25  }
0xac: {  	s5 =	sshll.u32 s26, $0x1;
	_ =	strace $0x80000046;
	[dreg:$0x1] =	wrdreg $0xFFFFFFFF  }
0xad: {  	s28 =	simm.s32 $_size_execute0_lowered;
	s3 =	sadd.s32 s3, s5;
	[dreg:$0x0] =	wrdreg $0x0  }
0xae: {  	s5 =	sshll.u32 s28, $0x1;
	[dreg:$0x2] =	wrdreg s3  }
0xaf: {  	[dreg:$0x3] =	wrdreg s5  }
0xb0: {  	[dreg:$0x4] =	wrdreg $0xC0  }
0xb1: {  	_ =	task [dreg:s7], $0x5FFFF  }
0xb2: {  	[dreg:$0x1] =	wrdreg $0xFFFFFFFF  }
0xb3: {  	[dreg:$0x0] =	wrdreg $0x60  }
0xb4: {  	[dreg:$0x2] =	wrdreg s16  }
0xb5: {  	[dreg:$0x3] =	wrdreg s24  }
0xb6: {  	[dreg:$0x4] =	wrdreg $0x54000  }
0xb7: {  	[dreg:$0x5] =	wrdreg $0x9  }
0xb8: {  	_ =	task.clear_ibuf [dreg:s7], $0x6FFFF;
	_ =	strace $0x90000046  }
0xb9: {  	s29 =	simm.s32 $0x9;
	_ =	strace $0x80000048  }
0xba: {  	_ =	swait.ge [sflag:s29], $0x1  }
0xbb: {  	[sflag:s29] =	ssyncadd.s32 $0xFFFFFFFF  }
0xbc: {  	_ =	strace $0x90000048  }
0xbd: {  	_ =	sfence  }
0xbe: {  	s30 =	sld [smem:$0x0];
	_ =	sdelay $0x2  }
0xbf: {  	s31 =	sshll.u32 s1, $0xD;
	s1 =	sshrl.u32 s1, $0x2  }
0xc0: {  	s3 =	sand.u32 $0x4000, s31;
	s1 =	sadd.s32 s1, s30  }
0xc1: {  	s0 =	sor.u32 s3, s0;
	s1 =	sshll.u32 s1, $0x11  }
0xc2: {  	s0 =	sor.u32 s1, s0  }
0xc3: {  	s0 =	sadd.s32 $0x8F2B, s0  }
0xc4: {  	[sflag:s0] =	ssyncadd.remote.s32 $0x1  }
0xc5: {  	_ =	sfence.sel $0xFFFF  }
0xc6: {  	[dreg:$0x0] =	wrdreg $0xFFFFFFFF;
	(pc) =	sbr.abs _section_cstart, $3  }
0xc7: {  	[dreg:$0x1] =	wrdreg $0xFFFFFFFF  }
0xc8: {  	_ =	task.clear_ibuf [dreg:s7], $0x2FFFF;
	_ =	strace $0x9FFFFFFF  }
0xc9: {  	(tm) =	ssettm $0x7FFFFFFF  }
tec
execute0_lowered:
.L_overlay_start_1:
0x0: {  	(tag) =	ssettag $0x1  }
0x1: {  	s7 =	rddreg [dreg:$0x0]  }
0x2: {  	s5 =	rddreg [dreg:$0x1]  }
0x3: {  	s2 =	rddreg [dreg:$0x2]  }
0x4: {  	s0 =	rddreg [dreg:$0x3];
	s1 =	stileid.u32  }
0x5: {  	s6 =	srdreg.scid;
	s3 =	simm.s32 $0x0;
	s4 =	smul.u32 $0x2800, s1  }
0x6: {  	s13 =	simm.s32 $0x80;
	s14 =	simm.s32 $0x0;
	s8 =	smul.u32 $0x280, s1  }
0x7: {  	s6 =	sand.u32 $0x1, s6;
	[smem:$0x7FF] =	sst s3;
	s11 =	smul.u32 $0x50000, s1  }
0x8: {  	s31 =	sshll.u32 s1, $0x6;
	s9 =	smul.u32 $0x2800, s6;
	_ =	strace $0x80000047  }
0x9: {  	s6 =	ssub.s32 $0x2, s6;
	s10 =	sadd.s32 s4, s5;
	s4 =	sadd.s32 $0x3C00, s5  }
0xa: {  	s12 =	sshrl.u32 s6, $0x1;
	s30 =	sshrl.u32 s11, $0x2;
	s9 =	sadd.s32 s8, s9  }
0xb: {  	s7 =	sadd.s32 s7, s8;
	s12 =	ssub.s32 s6, s12;
	s9 =	sshll.u32 s9, $0x4  }
0xc: {  	s11 =	sadd.s32 s30, s2;
	s6 =	sor.u32 $0x1C01, s31;
	s9 =	sadd.s32 s9, s5  }
0xd: {  	s5 =	sadd.s32 $0x4400, s10;
	s10 =	sshrl.u32 s11, $0x3;
	s11 =	simm.s32 $0x1  }
0xe: {  	s8 =	sadd.s32 $0x2C400, s9;
	s9 =	smax.u32 s12, $0x1;
	s12 =	simm.s32 $0x1400  }
.LBB2_1:
0xf: {  	[spmem:s10], [sflag:s6] =	dma.local [hbm:s5], $0x2800  }
0x10: {  	_ =	swait.ge [sflag:s11], $0x2800  }
0x11: {  	[sflag:s11] =	ssyncset.done $0x0  }
0x12: {  	[sflag:s11] =	ssyncadd.s32 $0xFFFFD800  }
0x13: {  	[tilespmem:s12], [sflag:$0x1] =	stream.linear.gather [hbm4b:s4+s3], $0x4000, $0x38;
	[tilespmem:$0x19400] =	vst v63  }
0x14: {  	_ =	swait.ge [sflag:s11], $0x4000  }
0x15: {  	[sflag:s11] =	ssyncset.done $0x0  }
0x16: {  	[sflag:s11] =	ssyncadd.s32 $0xFFFFC000  }
0x17: {  	[tilespmem:s3], [sflag:$0x1] =	stream.linear.gather [hbm4b:s7+s3], $0x1400, $0x38;
	[tilespmem:$0x19400] =	vst v63  }
0x18: {  	_ =	swait.ge [sflag:s11], $0x1400  }
0x19: {  	[sflag:s11] =	ssyncset.done $0x0  }
0x1a: {  	[sflag:s11] =	ssyncadd.s32 $0xFFFFEC00  }
0x1b: {  	s15 =	simm.s32 $0x0;
	[bflag:$0x0] =	sbarrier.arrive $0xFFFF  }
0x1c: {  	[spmem:s2] =	stream.indirect.scatter.add.f32 [tilespmem:s12], [sflag:$0x1], $0x80, s15, s13, $0xb8;
	[tilespmem:$0x19400] =	vst v63  }
0x1d: {  	_ =	swait.ge [sflag:s11], $0x4000  }
0x1e: {  	s15 =	simm.s32 $0x200;
	[sflag:s11] =	ssyncset.done $0x0  }
.LBB2_2:
0x1f: {  	s16 =	sshra.s32 s15, $0x2;
	[sflag:s11] =	ssyncadd.s32 $0xFFFFC000;
	p0 =	sne.s32 s15, $0x4E00  }
0x20: {  	[spmem:s2] =	stream.indirect.scatter.add.f32 [tilespmem:s12], [sflag:$0x1], $0x80, s16, s13, $0xb8;
	[tilespmem:$0x19400] =	vst v63  }
.Ltmp0:
0x21: {  	_ = 	snop;
	(pc) =	sbr.rel @p0 .LBB2_2-.Ltmp0, $4  }
0x22: {  	_ = 	snop  }
0x23: {  	s15 =	sadd.s32 $0x200, s15  }
0x24: {  	_ =	swait.ge [sflag:s11], $0x4000  }
0x25: {  	[sflag:s11] =	ssyncset.done $0x0  }
0x26: {  	s14 =	sadd.s32 $0x1, s14  }
0x27: {  	[sflag:s11] =	ssyncadd.s32 $0xFFFFC000;
	p0 =	sne.s32 s14, s9  }
.Ltmp1:
0x28: {  	[bflag:$0x0] =	sbarrier.arrive $0xFFFF;
	(pc) =	sbr.rel @p0 .LBB2_1-.Ltmp1, $4  }
0x29: {  	[hbm:s8], [sflag:s6] =	dma.local [spmem:s10], $0x2800  }
0x2a: {  	_ =	swait.ge [sflag:s11], $0x2800  }
0x2b: {  	[sflag:s11] =	ssyncset.done $0x0  }
0x2c: {  	[sflag:s11] =	ssyncadd.s32 $0xFFFFD800  }
0x2d: {  	_ =	sfence.sel $0x180000  }
0x2e: {  	[bflag:$0x0] =	sbarrier.arrive $0xFFFF  }
0x2f: {  	p0 =	sne.s32 s1, $0x0;
	_ =	strace $0x90000047  }
0x30: {  	s0 =	sadd.s32 @!p0 $0x100000, s0;
	[bflag:$0x2] =	sbarrier.arrive $0xFFFF  }
0x31: {  	[sflag:s0] =	ssyncadd.tile.s32 @!p0 $0x1;
	_ =	shalt  }
.Lfunc_end2:
_tile_overlayer_lowered:
.L_overlay_start_2:
0x32: {  	(tag) =	ssettag $0x2  }
0x33: {  	s0 =	rddreg [dreg:$0x0];
	s2 =	stileid.u32  }
0x34: {  	s1 =	rddreg [dreg:$0x1];
	p0 =	sne.s32 s2, $0x0  }
0x35: {  	s3 =	rddreg [dreg:$0x2];
	[bflag:$0x3] =	sbarrier.arrive $0xFFFF;
	s2 =	simm.s32 @!p0 $0x1C01  }
0x36: {  	[timem:s3], [sflag:s2] =	dma.local @!p0 [hbm:s0], s1  }
0x37: {  	s0 =	simm.s32 @!p0 $0x1  }
0x38: {  	_ =	swait.ge @!p0 [sflag:s0], s1  }
0x39: {  	s1 =	ssub.s32 @!p0 $0x0, s1;
	[sflag:s0] =	ssyncset.done @!p0 $0x0  }
0x3a: {  	[sflag:s0] =	ssyncadd.s32 @!p0 s1  }
0x3b: {  	[bflag:$0x3] =	sbarrier.arrive $0xFFFF  }
0x3c: {  	_ =	shalt  }

// kernel: kernel.16.cloned.1.call-start
scs
__scs_entry_jumppad:
0x0: {  	(pc) =	sbr.rel $0x88, $3  }
0x1: {  	(tag) =	ssettag $0x0;
	lr =	simm.s32 $0x1  }
0x2: {  	[smem:$0x3F94] =	sst lr;
	_ =	strace $0xD0000000  }
0x3: {  	_ = 	snop  }
0x4: {  	_ = 	snop  }
0x5: {  	_ = 	snop  }
0x6: {  	_ = 	snop  }
0x7: {  	_ = 	snop  }
__scs_overlays_trampoline_lowered:
0x8: {  	[smem:$0x3FA3] =	sst s0  }
0x9: {  	[smem:$0x3FA4] =	sst s1  }
0xa: {  	[smem:$0x3FA5] =	sst s2  }
0xb: {  	[smem:$0x3FA6] =	sst s3  }
0xc: {  	[smem:$0x3FA7] =	sst s4  }
0xd: {  	[smem:$0x3FA8] =	sst s5  }
0xe: {  	[smem:$0x3FA9] =	sst s6  }
0xf: {  	[smem:$0x3FAA] =	sst s7  }
0x10: {  	[smem:$0x3FAB] =	sst s8  }
0x11: {  	[smem:$0x3FAC] =	sst s9;
	s0 =	simm.s32 @!p0 $0x0  }
0x12: {  	s1 =	sld [smem:$0x3F92];
	s0 =	simm.s32 @p0 $0x1  }
0x13: {  	[smem:$0x3FAD] =	sst s0;
	s0 =	simm.s32 @!p1 $0x0  }
0x14: {  	s2 =	sld [smem:$0x3F91];
	s0 =	simm.s32 @p1 $0x1  }
0x15: {  	[smem:$0x3FAE] =	sst s0;
	s0 =	simm.s32 @!p2 $0x0  }
0x16: {  	s3 =	sld [smem:$0x3FDB];
	s0 =	simm.s32 @p2 $0x1  }
0x17: {  	s4 =	simm.s32 $0x1BF5;
	[smem:$0x3FB0] =	sst s0  }
0x18: {  	s0 =	sld [smem:$0x3F93];
	_ =	swait.ge [sflag:s4], $0x0  }
0x19: {  	s7 =	sld [smem:$0x3F94]  }
0x1a: {  	s8 =	sadd.s32 $0xFFFFE003, lr  }
0x1b: {  	s9 =	sadd.s32 $0xFFFFFEF7, lr;
	s5 =	simm.s32 $0xFFFFFFFF;
	p2 =	slt.u32 s8, $0xFFFFF086  }
0x1c: {  	p1 =	slt.u32 s9, $0xF7A;
	s5 =	simm.s32 @!p2 $0x0  }
0x1d: {  	s5 =	simm.s32 @p1 $0x1;
	p0 =	seq.s32 s7, s2  }
0x1e: {  	s7 =	smul.u32 @!p0 $0xF7A, s2;
	p2 =	seq.s32 @!p0 s5, $0x0  }
0x1f: {  	s9 =	smul.u32 $0xF7A, s1;
	s8 =	simm.s32 @!p0 $0x1BF5;
	p2 =	por !p2, p0  }
0x20: {  	[sflag:s8] =	ssyncset.s32 @!p0 $0xFFFFF086;
	s6 =	sadd.s32 @!p0 s3, s7;
	s7 =	simm.s32 @!p0 $0x108  }
0x21: {  	s3 =	sadd.s32 s3, s9;
	s6 =	sadd.s32 @!p0 $0x88, s6;
	s7 =	simm.s32 @p2 $0x1082  }
0x22: {  	[simem:s7], [sflag:s8] =	dma.local @!p0 [hbm:s6], $0xF7A  }
0x23: {  	s9 =	sor.u32 $0xD0000000, s2;
	s6 =	simm.s32 $0x108;
	_ =	swait.ge @!p0 [sflag:s8], $0x0  }
0x24: {  	s3 =	sadd.s32 $0x88, s3;
	s6 =	simm.s32 @!p1 $0x1082;
	[sflag:s4] =	ssyncset.s32 $0xFFFFF086  }
0x25: {  	[simem:s6], [sflag:s4] =	dma.local [hbm:s3], $0xF7A  }
0x26: {  	[smem:$0x3F94] =	sst s1;
	(tag) =	ssettag s2;
	_ =	strace s9  }
0x27: {  	s1 =	sld [smem:$0x3FA4]  }
0x28: {  	s2 =	sld [smem:$0x3FA5]  }
0x29: {  	s4 =	sld [smem:$0x3FA7]  }
0x2a: {  	p0 =	seq.s32 s5, $0x0;
	s5 =	sld [smem:$0x3FA8]  }
0x2b: {  	s6 =	sld [smem:$0x3FA9]  }
0x2c: {  	s7 =	sld [smem:$0x3FAA]  }
0x2d: {  	s3 =	simm.s32 $0x108;
	s8 =	sld [smem:$0x3FAB]  }
0x2e: {  	s3 =	simm.s32 @!p0 $0x1082;
	s9 =	sld [smem:$0x3FAC]  }
0x2f: {  	lr =	sadd.s32 s0, s3;
	s0 =	sld [smem:$0x3FA3]  }
0x30: {  	s3 =	sld [smem:$0x3FA6]  }
0x31: {  	[smem:$0x3FAF] =	sst s10  }
0x32: {  	s10 =	sld [smem:$0x3FAD];
	_ =	sdelay $0x3  }
0x33: {  	p0 =	seq.s32 s10, $0x1;
	s10 =	sld [smem:$0x3FAF];
	_ =	sdelay $0x3  }
0x34: {  	[smem:$0x3FAF] =	sst s10  }
0x35: {  	s10 =	sld [smem:$0x3FAE];
	_ =	sdelay $0x3  }
0x36: {  	p1 =	seq.s32 s10, $0x1;
	s10 =	sld [smem:$0x3FAF];
	_ =	sdelay $0x3  }
0x37: {  	[smem:$0x3FAF] =	sst s10  }
0x38: {  	s10 =	sld [smem:$0x3FB0]  }
0x39: {  	_ = 	snop;
	(pc) =	sbr.ind lr, $3  }
0x3a: {  	_ = 	snop  }
0x3b: {  	_ = 	snop  }
0x3c: {  	p2 =	seq.s32 s10, $0x1;
	s10 =	sld [smem:$0x3FAF]  }
0x3d: {  	_ =	shalt  }
0x3e: {  	_ =	shalt  }
0x3f: {  	_ =	shalt  }
0x40: {  	_ =	shalt  }
0x41: {  	_ =	shalt  }
0x42: {  	_ =	shalt  }
0x43: {  	_ =	shalt  }
0x44: {  	_ =	shalt  }
0x45: {  	_ =	shalt  }
0x46: {  	_ =	shalt  }
0x47: {  	_ =	shalt  }
0x48: {  	_ =	shalt  }
0x49: {  	_ =	shalt  }
0x4a: {  	_ =	shalt  }
0x4b: {  	_ =	shalt  }
0x4c: {  	_ =	shalt  }
0x4d: {  	_ =	shalt  }
0x4e: {  	_ =	shalt  }
0x4f: {  	_ =	shalt  }
0x50: {  	_ =	shalt  }
0x51: {  	_ =	shalt  }
0x52: {  	_ =	shalt  }
0x53: {  	_ =	shalt  }
0x54: {  	_ =	shalt  }
0x55: {  	_ =	shalt  }
0x56: {  	_ =	shalt  }
0x57: {  	_ =	shalt  }
0x58: {  	_ =	shalt  }
0x59: {  	_ =	shalt  }
0x5a: {  	_ =	shalt  }
0x5b: {  	_ =	shalt  }
0x5c: {  	_ =	shalt  }
0x5d: {  	_ =	shalt  }
0x5e: {  	_ =	shalt  }
0x5f: {  	_ =	shalt  }
0x60: {  	_ =	shalt  }
0x61: {  	_ =	shalt  }
0x62: {  	_ =	shalt  }
0x63: {  	_ =	shalt  }
0x64: {  	_ =	shalt  }
0x65: {  	_ =	shalt  }
0x66: {  	_ =	shalt  }
0x67: {  	_ =	shalt  }
0x68: {  	_ =	shalt  }
0x69: {  	_ =	shalt  }
0x6a: {  	_ =	shalt  }
0x6b: {  	_ =	shalt  }
0x6c: {  	_ =	shalt  }
0x6d: {  	_ =	shalt  }
0x6e: {  	_ =	shalt  }
0x6f: {  	_ =	shalt  }
0x70: {  	_ =	shalt  }
0x71: {  	_ =	shalt  }
0x72: {  	_ =	shalt  }
0x73: {  	_ =	shalt  }
0x74: {  	_ =	shalt  }
0x75: {  	_ =	shalt  }
0x76: {  	_ =	shalt  }
0x77: {  	_ =	shalt  }
0x78: {  	_ =	shalt  }
0x79: {  	_ =	shalt  }
0x7a: {  	_ =	shalt  }
0x7b: {  	_ =	shalt  }
0x7c: {  	_ =	shalt  }
0x7d: {  	_ =	shalt  }
0x7e: {  	_ =	shalt  }
0x7f: {  	_ =	shalt  }
0x80: {  	_ =	shalt  }
0x81: {  	_ =	shalt  }
0x82: {  	_ =	shalt  }
0x83: {  	_ =	shalt  }
0x84: {  	_ =	shalt  }
0x85: {  	_ =	shalt  }
0x86: {  	_ =	shalt  }
0x87: {  	_ =	shalt  }
.Lfunc_end0:
.L_simem_size_0:
called_computation.1_lowered:
.L_overlay_start_0:
0x88: {  	s2 =	sld [smem:$0x3FD9]  }
0x89: {  	s3 =	sld [smem:$0x3FFE];
	_ =	sdelay $0x1  }
0x8a: {  	s1 =	srdreg.scid  }
0x8b: {  	s0 =	sand.u32 $0x1, s1  }
0x8c: {  	s14 =	sshll.u32 s0, $0xA;
	s2 =	sadd.s32 s3, s2  }
0x8d: {  	s2 =	sadd.s32 s2, s14  }
0x8e: {  	[smem:$0x3FBB] =	sst s2  }
0x8f: {  	_ = 	snop  }
0x90: {  	s2 =	sld [smem:$0x3FD0];
	_ =	sdelay $0x2  }
0x91: {  	s15 =	simm.s32 $0xA;
	s4 =	simm.s32 $0x10  }
0x92: {  	[smem:s4], [sflag:s15] =	dma.local [hbm:s2], $0x1  }
0x93: {  	_ =	swait.eq [sflag:s15], $0x1  }
0x94: {  	[sflag:s15] =	ssyncset.done $0x0  }
0x95: {  	[sflag:s15] =	ssyncadd.s32 $0xFFFFFFFF  }
0x96: {  	s16 =	sld [smem:$0x10];
	(tm) =	ssettm $0x1  }
0x97: {  	s17 =	sld [smem:$0x3FFB];
	_ =	sdelay $0x3  }
0x98: {  	_ =	strace s17  }
0x99: {  	s3 =	sld [smem:$0x3FFC];
	_ =	sdelay $0x3  }
0x9a: {  	_ =	strace s3  }
0x9b: {  	s3 =	sld [smem:$0x3FFD];
	_ =	sdelay $0x3  }
0x9c: {  	_ =	strace s3  }
0x9d: {  	_ =	strace $0x8FFFFFFF  }
0x9e: {  	s18 =	sld [smem:$0x3FDB];
	_ =	sdelay $0x1  }
0x9f: {  	s19 =	simm.s32 $_scs_section_size  }
0xa0: {  	s5 =	simm.s32 $_size__tile_overlayer_lowered;
	s6 =	simm.s32 $_tile_overlayer_lowered  }
0xa1: {  	s22 =	simm.s32 $0x1BFF;
	s21 =	sshll.u32 s6, $0x1;
	s3 =	sadd.s32 s19, s18  }
0xa2: {  	s7 =	simm.s32 $0x0;
	s20 =	sshll.u32 s5, $0x1;
	s5 =	sadd.s32 s21, s3  }
0xa3: {  	[timem:s7], [sflag:s22] =	dma.local [hbm:s5], s20  }
0xa4: {  	_ =	swait.ge [sflag:s22], s20  }
0xa5: {  	s4 =	ssub.s32 $0x0, s20;
	[sflag:s22] =	ssyncset.done $0x0  }
0xa6: {  	[sflag:s22] =	ssyncadd.s32 s4;
	_ =	sdelay $0x1  }
0xa7: {  	s23 =	simm.s32 $0x1B8B  }
0xa8: {  	_ =	swait.ge [sflag:s23], $0x1  }
0xa9: {  	[sflag:s23] =	ssyncset.done $0x0  }
0xaa: {  	s25 =	simm.s32 $0x1B8E;
	s24 =	sld [smem:$0x3FFE];
	[sflag:s23] =	ssyncadd.s32 $0xFFFFFFFF  }
0xab: {  	s26 =	simm.s32 $execute0_lowered;
	[smem:$0x3FD2] =	sst s25  }
0xac: {  	s5 =	sshll.u32 s26, $0x1;
	_ =	strace $0x80000049;
	[dreg:$0x1] =	wrdreg $0xFFFFFFFF  }
0xad: {  	s28 =	simm.s32 $_size_execute0_lowered;
	s3 =	sadd.s32 s3, s5;
	[dreg:$0x0] =	wrdreg $0x0  }
0xae: {  	s5 =	sshll.u32 s28, $0x1;
	[dreg:$0x2] =	wrdreg s3  }
0xaf: {  	[dreg:$0x3] =	wrdreg s5  }
0xb0: {  	[dreg:$0x4] =	wrdreg $0xC0  }
0xb1: {  	_ =	task [dreg:s7], $0x5FFFF  }
0xb2: {  	[dreg:$0x1] =	wrdreg $0xFFFFFFFF  }
0xb3: {  	[dreg:$0x0] =	wrdreg $0x60  }
0xb4: {  	[dreg:$0x2] =	wrdreg s16  }
0xb5: {  	[dreg:$0x3] =	wrdreg s24  }
0xb6: {  	[dreg:$0x4] =	wrdreg $0x54000  }
0xb7: {  	[dreg:$0x5] =	wrdreg $0x9  }
0xb8: {  	_ =	task.clear_ibuf [dreg:s7], $0x6FFFF;
	_ =	strace $0x90000049  }
0xb9: {  	s29 =	simm.s32 $0x9;
	_ =	strace $0x8000004B  }
0xba: {  	_ =	swait.ge [sflag:s29], $0x1  }
0xbb: {  	[sflag:s29] =	ssyncadd.s32 $0xFFFFFFFF  }
0xbc: {  	_ =	strace $0x9000004B  }
0xbd: {  	_ =	sfence  }
0xbe: {  	s30 =	sld [smem:$0x0];
	_ =	sdelay $0x2  }
0xbf: {  	s31 =	sshll.u32 s1, $0xD;
	s1 =	sshrl.u32 s1, $0x2  }
0xc0: {  	s3 =	sand.u32 $0x4000, s31;
	s1 =	sadd.s32 s1, s30  }
0xc1: {  	s0 =	sor.u32 s3, s0;
	s1 =	sshll.u32 s1, $0x11  }
0xc2: {  	s0 =	sor.u32 s1, s0  }
0xc3: {  	s0 =	sadd.s32 $0x8F2B, s0  }
0xc4: {  	[sflag:s0] =	ssyncadd.remote.s32 $0x1  }
0xc5: {  	_ =	sfence.sel $0xFFFF  }
0xc6: {  	[dreg:$0x0] =	wrdreg $0xFFFFFFFF;
	(pc) =	sbr.abs _section_cstart, $3  }
0xc7: {  	[dreg:$0x1] =	wrdreg $0xFFFFFFFF  }
0xc8: {  	_ =	task.clear_ibuf [dreg:s7], $0x2FFFF;
	_ =	strace $0x9FFFFFFF  }
0xc9: {  	(tm) =	ssettm $0x7FFFFFFF  }
tec
execute0_lowered:
.L_overlay_start_1:
0x0: {  	(tag) =	ssettag $0x1  }
0x1: {  	s7 =	rddreg [dreg:$0x0]  }
0x2: {  	s5 =	rddreg [dreg:$0x1]  }
0x3: {  	s2 =	rddreg [dreg:$0x2]  }
0x4: {  	s0 =	rddreg [dreg:$0x3];
	s1 =	stileid.u32  }
0x5: {  	s6 =	srdreg.scid;
	s3 =	simm.s32 $0x0;
	s4 =	smul.u32 $0x2800, s1  }
0x6: {  	s13 =	simm.s32 $0x80;
	s14 =	simm.s32 $0x0;
	s8 =	smul.u32 $0x280, s1  }
0x7: {  	s6 =	sand.u32 $0x1, s6;
	[smem:$0x7FF] =	sst s3;
	s11 =	smul.u32 $0x50000, s1  }
0x8: {  	s31 =	sshll.u32 s1, $0x6;
	s9 =	smul.u32 $0x2800, s6;
	_ =	strace $0x8000004A  }
0x9: {  	s6 =	ssub.s32 $0x2, s6;
	s10 =	sadd.s32 s4, s5;
	s4 =	sadd.s32 $0x3C00, s5  }
0xa: {  	s12 =	sshrl.u32 s6, $0x1;
	s30 =	sshrl.u32 s11, $0x2;
	s9 =	sadd.s32 s8, s9  }
0xb: {  	s7 =	sadd.s32 s7, s8;
	s12 =	ssub.s32 s6, s12;
	s9 =	sshll.u32 s9, $0x4  }
0xc: {  	s11 =	sadd.s32 s30, s2;
	s6 =	sor.u32 $0x1C01, s31;
	s9 =	sadd.s32 s9, s5  }
0xd: {  	s5 =	sadd.s32 $0x4400, s10;
	s10 =	sshrl.u32 s11, $0x3;
	s11 =	simm.s32 $0x1  }
0xe: {  	s8 =	sadd.s32 $0x7C400, s9;
	s9 =	smax.u32 s12, $0x1;
	s12 =	simm.s32 $0x1400  }
.LBB2_1:
0xf: {  	[spmem:s10], [sflag:s6] =	dma.local [hbm:s5], $0x2800  }
0x10: {  	_ =	swait.ge [sflag:s11], $0x2800  }
0x11: {  	[sflag:s11] =	ssyncset.done $0x0  }
0x12: {  	[sflag:s11] =	ssyncadd.s32 $0xFFFFD800  }
0x13: {  	[tilespmem:s12], [sflag:$0x1] =	stream.linear.gather [hbm4b:s4+s3], $0x4000, $0x38;
	[tilespmem:$0x19400] =	vst v63  }
0x14: {  	_ =	swait.ge [sflag:s11], $0x4000  }
0x15: {  	[sflag:s11] =	ssyncset.done $0x0  }
0x16: {  	[sflag:s11] =	ssyncadd.s32 $0xFFFFC000  }
0x17: {  	[tilespmem:s3], [sflag:$0x1] =	stream.linear.gather [hbm4b:s7+s3], $0x1400, $0x38;
	[tilespmem:$0x19400] =	vst v63  }
0x18: {  	_ =	swait.ge [sflag:s11], $0x1400  }
0x19: {  	[sflag:s11] =	ssyncset.done $0x0  }
0x1a: {  	[sflag:s11] =	ssyncadd.s32 $0xFFFFEC00  }
0x1b: {  	s15 =	simm.s32 $0x0;
	[bflag:$0x0] =	sbarrier.arrive $0xFFFF  }
0x1c: {  	[spmem:s2] =	stream.indirect.scatter.add.f32 [tilespmem:s12], [sflag:$0x1], $0x80, s15, s13, $0xb8;
	[tilespmem:$0x19400] =	vst v63  }
0x1d: {  	_ =	swait.ge [sflag:s11], $0x4000  }
0x1e: {  	s15 =	simm.s32 $0x200;
	[sflag:s11] =	ssyncset.done $0x0  }
.LBB2_2:
0x1f: {  	s16 =	sshra.s32 s15, $0x2;
	[sflag:s11] =	ssyncadd.s32 $0xFFFFC000;
	p0 =	sne.s32 s15, $0x4E00  }
0x20: {  	[spmem:s2] =	stream.indirect.scatter.add.f32 [tilespmem:s12], [sflag:$0x1], $0x80, s16, s13, $0xb8;
	[tilespmem:$0x19400] =	vst v63  }
.Ltmp0:
0x21: {  	_ = 	snop;
	(pc) =	sbr.rel @p0 .LBB2_2-.Ltmp0, $4  }
0x22: {  	_ = 	snop  }
0x23: {  	s15 =	sadd.s32 $0x200, s15  }
0x24: {  	_ =	swait.ge [sflag:s11], $0x4000  }
0x25: {  	[sflag:s11] =	ssyncset.done $0x0  }
0x26: {  	s14 =	sadd.s32 $0x1, s14  }
0x27: {  	[sflag:s11] =	ssyncadd.s32 $0xFFFFC000;
	p0 =	sne.s32 s14, s9  }
.Ltmp1:
0x28: {  	[bflag:$0x0] =	sbarrier.arrive $0xFFFF;
	(pc) =	sbr.rel @p0 .LBB2_1-.Ltmp1, $4  }
0x29: {  	[hbm:s8], [sflag:s6] =	dma.local [spmem:s10], $0x2800  }
0x2a: {  	_ =	swait.ge [sflag:s11], $0x2800  }
0x2b: {  	[sflag:s11] =	ssyncset.done $0x0  }
0x2c: {  	[sflag:s11] =	ssyncadd.s32 $0xFFFFD800  }
0x2d: {  	_ =	sfence.sel $0x180000  }
0x2e: {  	[bflag:$0x0] =	sbarrier.arrive $0xFFFF  }
0x2f: {  	p0 =	sne.s32 s1, $0x0;
	_ =	strace $0x9000004A  }
0x30: {  	s0 =	sadd.s32 @!p0 $0x100000, s0;
	[bflag:$0x2] =	sbarrier.arrive $0xFFFF  }
0x31: {  	[sflag:s0] =	ssyncadd.tile.s32 @!p0 $0x1;
	_ =	shalt  }
.Lfunc_end2:
_tile_overlayer_lowered:
.L_overlay_start_2:
0x32: {  	(tag) =	ssettag $0x2  }
0x33: {  	s0 =	rddreg [dreg:$0x0];
	s2 =	stileid.u32  }
0x34: {  	s1 =	rddreg [dreg:$0x1];
	p0 =	sne.s32 s2, $0x0  }
0x35: {  	s3 =	rddreg [dreg:$0x2];
	[bflag:$0x3] =	sbarrier.arrive $0xFFFF;
	s2 =	simm.s32 @!p0 $0x1C01  }
0x36: {  	[timem:s3], [sflag:s2] =	dma.local @!p0 [hbm:s0], s1  }
0x37: {  	s0 =	simm.s32 @!p0 $0x1  }
0x38: {  	_ =	swait.ge @!p0 [sflag:s0], s1  }
0x39: {  	s1 =	ssub.s32 @!p0 $0x0, s1;
	[sflag:s0] =	ssyncset.done @!p0 $0x0  }
0x3a: {  	[sflag:s0] =	ssyncadd.s32 @!p0 s1  }
0x3b: {  	[bflag:$0x3] =	sbarrier.arrive $0xFFFF  }
0x3c: {  	_ =	shalt  }

// kernel: kernel.19.cloned.1.call-start
scs
__scs_entry_jumppad:
0x0: {  	(pc) =	sbr.rel $0x88, $3  }
0x1: {  	(tag) =	ssettag $0x0;
	lr =	simm.s32 $0x1  }
0x2: {  	[smem:$0x3F94] =	sst lr;
	_ =	strace $0xD0000000  }
0x3: {  	_ = 	snop  }
0x4: {  	_ = 	snop  }
0x5: {  	_ = 	snop  }
0x6: {  	_ = 	snop  }
0x7: {  	_ = 	snop  }
__scs_overlays_trampoline_lowered:
0x8: {  	[smem:$0x3FA3] =	sst s0  }
0x9: {  	[smem:$0x3FA4] =	sst s1  }
0xa: {  	[smem:$0x3FA5] =	sst s2  }
0xb: {  	[smem:$0x3FA6] =	sst s3  }
0xc: {  	[smem:$0x3FA7] =	sst s4  }
0xd: {  	[smem:$0x3FA8] =	sst s5  }
0xe: {  	[smem:$0x3FA9] =	sst s6  }
0xf: {  	[smem:$0x3FAA] =	sst s7  }
0x10: {  	[smem:$0x3FAB] =	sst s8  }
0x11: {  	[smem:$0x3FAC] =	sst s9;
	s0 =	simm.s32 @!p0 $0x0  }
0x12: {  	s1 =	sld [smem:$0x3F92];
	s0 =	simm.s32 @p0 $0x1  }
0x13: {  	[smem:$0x3FAD] =	sst s0;
	s0 =	simm.s32 @!p1 $0x0  }
0x14: {  	s2 =	sld [smem:$0x3F91];
	s0 =	simm.s32 @p1 $0x1  }
0x15: {  	[smem:$0x3FAE] =	sst s0;
	s0 =	simm.s32 @!p2 $0x0  }
0x16: {  	s3 =	sld [smem:$0x3FDB];
	s0 =	simm.s32 @p2 $0x1  }
0x17: {  	s4 =	simm.s32 $0x1BF5;
	[smem:$0x3FB0] =	sst s0  }
0x18: {  	s0 =	sld [smem:$0x3F93];
	_ =	swait.ge [sflag:s4], $0x0  }
0x19: {  	s7 =	sld [smem:$0x3F94]  }
0x1a: {  	s8 =	sadd.s32 $0xFFFFE003, lr  }
0x1b: {  	s9 =	sadd.s32 $0xFFFFFEF7, lr;
	s5 =	simm.s32 $0xFFFFFFFF;
	p2 =	slt.u32 s8, $0xFFFFF086  }
0x1c: {  	p1 =	slt.u32 s9, $0xF7A;
	s5 =	simm.s32 @!p2 $0x0  }
0x1d: {  	s5 =	simm.s32 @p1 $0x1;
	p0 =	seq.s32 s7, s2  }
0x1e: {  	s7 =	smul.u32 @!p0 $0xF7A, s2;
	p2 =	seq.s32 @!p0 s5, $0x0  }
0x1f: {  	s9 =	smul.u32 $0xF7A, s1;
	s8 =	simm.s32 @!p0 $0x1BF5;
	p2 =	por !p2, p0  }
0x20: {  	[sflag:s8] =	ssyncset.s32 @!p0 $0xFFFFF086;
	s6 =	sadd.s32 @!p0 s3, s7;
	s7 =	simm.s32 @!p0 $0x108  }
0x21: {  	s3 =	sadd.s32 s3, s9;
	s6 =	sadd.s32 @!p0 $0x88, s6;
	s7 =	simm.s32 @p2 $0x1082  }
0x22: {  	[simem:s7], [sflag:s8] =	dma.local @!p0 [hbm:s6], $0xF7A  }
0x23: {  	s9 =	sor.u32 $0xD0000000, s2;
	s6 =	simm.s32 $0x108;
	_ =	swait.ge @!p0 [sflag:s8], $0x0  }
0x24: {  	s3 =	sadd.s32 $0x88, s3;
	s6 =	simm.s32 @!p1 $0x1082;
	[sflag:s4] =	ssyncset.s32 $0xFFFFF086  }
0x25: {  	[simem:s6], [sflag:s4] =	dma.local [hbm:s3], $0xF7A  }
0x26: {  	[smem:$0x3F94] =	sst s1;
	(tag) =	ssettag s2;
	_ =	strace s9  }
0x27: {  	s1 =	sld [smem:$0x3FA4]  }
0x28: {  	s2 =	sld [smem:$0x3FA5]  }
0x29: {  	s4 =	sld [smem:$0x3FA7]  }
0x2a: {  	p0 =	seq.s32 s5, $0x0;
	s5 =	sld [smem:$0x3FA8]  }
0x2b: {  	s6 =	sld [smem:$0x3FA9]  }
0x2c: {  	s7 =	sld [smem:$0x3FAA]  }
0x2d: {  	s3 =	simm.s32 $0x108;
	s8 =	sld [smem:$0x3FAB]  }
0x2e: {  	s3 =	simm.s32 @!p0 $0x1082;
	s9 =	sld [smem:$0x3FAC]  }
0x2f: {  	lr =	sadd.s32 s0, s3;
	s0 =	sld [smem:$0x3FA3]  }
0x30: {  	s3 =	sld [smem:$0x3FA6]  }
0x31: {  	[smem:$0x3FAF] =	sst s10  }
0x32: {  	s10 =	sld [smem:$0x3FAD];
	_ =	sdelay $0x3  }
0x33: {  	p0 =	seq.s32 s10, $0x1;
	s10 =	sld [smem:$0x3FAF];
	_ =	sdelay $0x3  }
0x34: {  	[smem:$0x3FAF] =	sst s10  }
0x35: {  	s10 =	sld [smem:$0x3FAE];
	_ =	sdelay $0x3  }
0x36: {  	p1 =	seq.s32 s10, $0x1;
	s10 =	sld [smem:$0x3FAF];
	_ =	sdelay $0x3  }
0x37: {  	[smem:$0x3FAF] =	sst s10  }
0x38: {  	s10 =	sld [smem:$0x3FB0]  }
0x39: {  	_ = 	snop;
	(pc) =	sbr.ind lr, $3  }
0x3a: {  	_ = 	snop  }
0x3b: {  	_ = 	snop  }
0x3c: {  	p2 =	seq.s32 s10, $0x1;
	s10 =	sld [smem:$0x3FAF]  }
0x3d: {  	_ =	shalt  }
0x3e: {  	_ =	shalt  }
0x3f: {  	_ =	shalt  }
0x40: {  	_ =	shalt  }
0x41: {  	_ =	shalt  }
0x42: {  	_ =	shalt  }
0x43: {  	_ =	shalt  }
0x44: {  	_ =	shalt  }
0x45: {  	_ =	shalt  }
0x46: {  	_ =	shalt  }
0x47: {  	_ =	shalt  }
0x48: {  	_ =	shalt  }
0x49: {  	_ =	shalt  }
0x4a: {  	_ =	shalt  }
0x4b: {  	_ =	shalt  }
0x4c: {  	_ =	shalt  }
0x4d: {  	_ =	shalt  }
0x4e: {  	_ =	shalt  }
0x4f: {  	_ =	shalt  }
0x50: {  	_ =	shalt  }
0x51: {  	_ =	shalt  }
0x52: {  	_ =	shalt  }
0x53: {  	_ =	shalt  }
0x54: {  	_ =	shalt  }
0x55: {  	_ =	shalt  }
0x56: {  	_ =	shalt  }
0x57: {  	_ =	shalt  }
0x58: {  	_ =	shalt  }
0x59: {  	_ =	shalt  }
0x5a: {  	_ =	shalt  }
0x5b: {  	_ =	shalt  }
0x5c: {  	_ =	shalt  }
0x5d: {  	_ =	shalt  }
0x5e: {  	_ =	shalt  }
0x5f: {  	_ =	shalt  }
0x60: {  	_ =	shalt  }
0x61: {  	_ =	shalt  }
0x62: {  	_ =	shalt  }
0x63: {  	_ =	shalt  }
0x64: {  	_ =	shalt  }
0x65: {  	_ =	shalt  }
0x66: {  	_ =	shalt  }
0x67: {  	_ =	shalt  }
0x68: {  	_ =	shalt  }
0x69: {  	_ =	shalt  }
0x6a: {  	_ =	shalt  }
0x6b: {  	_ =	shalt  }
0x6c: {  	_ =	shalt  }
0x6d: {  	_ =	shalt  }
0x6e: {  	_ =	shalt  }
0x6f: {  	_ =	shalt  }
0x70: {  	_ =	shalt  }
0x71: {  	_ =	shalt  }
0x72: {  	_ =	shalt  }
0x73: {  	_ =	shalt  }
0x74: {  	_ =	shalt  }
0x75: {  	_ =	shalt  }
0x76: {  	_ =	shalt  }
0x77: {  	_ =	shalt  }
0x78: {  	_ =	shalt  }
0x79: {  	_ =	shalt  }
0x7a: {  	_ =	shalt  }
0x7b: {  	_ =	shalt  }
0x7c: {  	_ =	shalt  }
0x7d: {  	_ =	shalt  }
0x7e: {  	_ =	shalt  }
0x7f: {  	_ =	shalt  }
0x80: {  	_ =	shalt  }
0x81: {  	_ =	shalt  }
0x82: {  	_ =	shalt  }
0x83: {  	_ =	shalt  }
0x84: {  	_ =	shalt  }
0x85: {  	_ =	shalt  }
0x86: {  	_ =	shalt  }
0x87: {  	_ =	shalt  }
.Lfunc_end0:
.L_simem_size_0:
called_computation.2_lowered:
.L_overlay_start_0:
0x88: {  	s2 =	sld [smem:$0x3FD9]  }
0x89: {  	s3 =	sld [smem:$0x3FFE];
	_ =	sdelay $0x1  }
0x8a: {  	s1 =	srdreg.scid  }
0x8b: {  	s0 =	sand.u32 $0x1, s1  }
0x8c: {  	s14 =	sshll.u32 s0, $0xA;
	s2 =	sadd.s32 s3, s2  }
0x8d: {  	s2 =	sadd.s32 s2, s14  }
0x8e: {  	[smem:$0x3FBB] =	sst s2  }
0x8f: {  	_ = 	snop  }
0x90: {  	s2 =	sld [smem:$0x3FD0];
	_ =	sdelay $0x2  }
0x91: {  	s15 =	simm.s32 $0xA;
	s4 =	simm.s32 $0x10  }
0x92: {  	[smem:s4], [sflag:s15] =	dma.local [hbm:s2], $0x1  }
0x93: {  	_ =	swait.eq [sflag:s15], $0x1  }
0x94: {  	[sflag:s15] =	ssyncset.done $0x0  }
0x95: {  	[sflag:s15] =	ssyncadd.s32 $0xFFFFFFFF  }
0x96: {  	s16 =	sld [smem:$0x10];
	(tm) =	ssettm $0x1  }
0x97: {  	s17 =	sld [smem:$0x3FFB];
	_ =	sdelay $0x3  }
0x98: {  	_ =	strace s17  }
0x99: {  	s3 =	sld [smem:$0x3FFC];
	_ =	sdelay $0x3  }
0x9a: {  	_ =	strace s3  }
0x9b: {  	s3 =	sld [smem:$0x3FFD];
	_ =	sdelay $0x3  }
0x9c: {  	_ =	strace s3  }
0x9d: {  	_ =	strace $0x8FFFFFFF  }
0x9e: {  	s18 =	sld [smem:$0x3FDB];
	_ =	sdelay $0x1  }
0x9f: {  	s19 =	simm.s32 $_scs_section_size  }
0xa0: {  	s5 =	simm.s32 $_size__tile_overlayer_lowered;
	s6 =	simm.s32 $_tile_overlayer_lowered  }
0xa1: {  	s22 =	simm.s32 $0x1BFF;
	s21 =	sshll.u32 s6, $0x1;
	s3 =	sadd.s32 s19, s18  }
0xa2: {  	s7 =	simm.s32 $0x0;
	s20 =	sshll.u32 s5, $0x1;
	s5 =	sadd.s32 s21, s3  }
0xa3: {  	[timem:s7], [sflag:s22] =	dma.local [hbm:s5], s20  }
0xa4: {  	_ =	swait.ge [sflag:s22], s20  }
0xa5: {  	s4 =	ssub.s32 $0x0, s20;
	[sflag:s22] =	ssyncset.done $0x0  }
0xa6: {  	[sflag:s22] =	ssyncadd.s32 s4;
	_ =	sdelay $0x1  }
0xa7: {  	s23 =	simm.s32 $0x1B8B  }
0xa8: {  	_ =	swait.ge [sflag:s23], $0x1  }
0xa9: {  	[sflag:s23] =	ssyncset.done $0x0  }
0xaa: {  	s25 =	simm.s32 $0x1B8E;
	s24 =	sld [smem:$0x3FFE];
	[sflag:s23] =	ssyncadd.s32 $0xFFFFFFFF  }
0xab: {  	s26 =	simm.s32 $execute0_lowered;
	[smem:$0x3FD2] =	sst s25  }
0xac: {  	s5 =	sshll.u32 s26, $0x1;
	_ =	strace $0x8000004C;
	[dreg:$0x1] =	wrdreg $0xFFFFFFFF  }
0xad: {  	s28 =	simm.s32 $_size_execute0_lowered;
	s3 =	sadd.s32 s3, s5;
	[dreg:$0x0] =	wrdreg $0x0  }
0xae: {  	s5 =	sshll.u32 s28, $0x1;
	[dreg:$0x2] =	wrdreg s3  }
0xaf: {  	[dreg:$0x3] =	wrdreg s5  }
0xb0: {  	[dreg:$0x4] =	wrdreg $0xC0  }
0xb1: {  	_ =	task [dreg:s7], $0x5FFFF  }
0xb2: {  	[dreg:$0x1] =	wrdreg $0xFFFFFFFF  }
0xb3: {  	[dreg:$0x0] =	wrdreg $0x60  }
0xb4: {  	[dreg:$0x2] =	wrdreg s16  }
0xb5: {  	[dreg:$0x3] =	wrdreg s24  }
0xb6: {  	[dreg:$0x4] =	wrdreg $0x54000  }
0xb7: {  	[dreg:$0x5] =	wrdreg $0x9  }
0xb8: {  	_ =	task.clear_ibuf [dreg:s7], $0x6FFFF;
	_ =	strace $0x9000004C  }
0xb9: {  	s29 =	simm.s32 $0x9;
	_ =	strace $0x8000004E  }
0xba: {  	_ =	swait.ge [sflag:s29], $0x1  }
0xbb: {  	[sflag:s29] =	ssyncadd.s32 $0xFFFFFFFF  }
0xbc: {  	_ =	strace $0x9000004E  }
0xbd: {  	_ =	sfence  }
0xbe: {  	s30 =	sld [smem:$0x0];
	_ =	sdelay $0x2  }
0xbf: {  	s31 =	sshll.u32 s1, $0xD;
	s1 =	sshrl.u32 s1, $0x2  }
0xc0: {  	s3 =	sand.u32 $0x4000, s31;
	s1 =	sadd.s32 s1, s30  }
0xc1: {  	s0 =	sor.u32 s3, s0;
	s1 =	sshll.u32 s1, $0x11  }
0xc2: {  	s0 =	sor.u32 s1, s0  }
0xc3: {  	s0 =	sadd.s32 $0x8F2B, s0  }
0xc4: {  	[sflag:s0] =	ssyncadd.remote.s32 $0x1  }
0xc5: {  	_ =	sfence.sel $0xFFFF  }
0xc6: {  	[dreg:$0x0] =	wrdreg $0xFFFFFFFF;
	(pc) =	sbr.abs _section_cstart, $3  }
0xc7: {  	[dreg:$0x1] =	wrdreg $0xFFFFFFFF  }
0xc8: {  	_ =	task.clear_ibuf [dreg:s7], $0x2FFFF;
	_ =	strace $0x9FFFFFFF  }
0xc9: {  	(tm) =	ssettm $0x7FFFFFFF  }
tec
execute0_lowered:
.L_overlay_start_1:
0x0: {  	(tag) =	ssettag $0x1  }
0x1: {  	s7 =	rddreg [dreg:$0x0]  }
0x2: {  	s5 =	rddreg [dreg:$0x1]  }
0x3: {  	s2 =	rddreg [dreg:$0x2]  }
0x4: {  	s0 =	rddreg [dreg:$0x3];
	s1 =	stileid.u32  }
0x5: {  	s6 =	srdreg.scid;
	s3 =	simm.s32 $0x0;
	s4 =	smul.u32 $0x2800, s1  }
0x6: {  	s13 =	simm.s32 $0x80;
	s14 =	simm.s32 $0x0;
	s8 =	smul.u32 $0x280, s1  }
0x7: {  	s6 =	sand.u32 $0x1, s6;
	[smem:$0x7FF] =	sst s3;
	s11 =	smul.u32 $0x50000, s1  }
0x8: {  	s31 =	sshll.u32 s1, $0x6;
	s9 =	smul.u32 $0x2800, s6;
	_ =	strace $0x8000004D  }
0x9: {  	s6 =	ssub.s32 $0x2, s6;
	s10 =	sadd.s32 s4, s5;
	s4 =	sadd.s32 $0x3C00, s5  }
0xa: {  	s12 =	sshrl.u32 s6, $0x1;
	s30 =	sshrl.u32 s11, $0x2;
	s9 =	sadd.s32 s8, s9  }
0xb: {  	s7 =	sadd.s32 s7, s8;
	s12 =	ssub.s32 s6, s12;
	s9 =	sshll.u32 s9, $0x4  }
0xc: {  	s11 =	sadd.s32 s30, s2;
	s6 =	sor.u32 $0x1C01, s31;
	s9 =	sadd.s32 s9, s5  }
0xd: {  	s5 =	sadd.s32 $0x4400, s10;
	s10 =	sshrl.u32 s11, $0x3;
	s11 =	simm.s32 $0x1  }
0xe: {  	s8 =	sadd.s32 $0xCC400, s9;
	s9 =	smax.u32 s12, $0x1;
	s12 =	simm.s32 $0x1400  }
.LBB2_1:
0xf: {  	[spmem:s10], [sflag:s6] =	dma.local [hbm:s5], $0x2800  }
0x10: {  	_ =	swait.ge [sflag:s11], $0x2800  }
0x11: {  	[sflag:s11] =	ssyncset.done $0x0  }
0x12: {  	[sflag:s11] =	ssyncadd.s32 $0xFFFFD800  }
0x13: {  	[tilespmem:s12], [sflag:$0x1] =	stream.linear.gather [hbm4b:s4+s3], $0x4000, $0x38;
	[tilespmem:$0x19400] =	vst v63  }
0x14: {  	_ =	swait.ge [sflag:s11], $0x4000  }
0x15: {  	[sflag:s11] =	ssyncset.done $0x0  }
0x16: {  	[sflag:s11] =	ssyncadd.s32 $0xFFFFC000  }
0x17: {  	[tilespmem:s3], [sflag:$0x1] =	stream.linear.gather [hbm4b:s7+s3], $0x1400, $0x38;
	[tilespmem:$0x19400] =	vst v63  }
0x18: {  	_ =	swait.ge [sflag:s11], $0x1400  }
0x19: {  	[sflag:s11] =	ssyncset.done $0x0  }
0x1a: {  	[sflag:s11] =	ssyncadd.s32 $0xFFFFEC00  }
0x1b: {  	s15 =	simm.s32 $0x0;
	[bflag:$0x0] =	sbarrier.arrive $0xFFFF  }
0x1c: {  	[spmem:s2] =	stream.indirect.scatter.add.f32 [tilespmem:s12], [sflag:$0x1], $0x80, s15, s13, $0xb8;
	[tilespmem:$0x19400] =	vst v63  }
0x1d: {  	_ =	swait.ge [sflag:s11], $0x4000  }
0x1e: {  	s15 =	simm.s32 $0x200;
	[sflag:s11] =	ssyncset.done $0x0  }
.LBB2_2:
0x1f: {  	s16 =	sshra.s32 s15, $0x2;
	[sflag:s11] =	ssyncadd.s32 $0xFFFFC000;
	p0 =	sne.s32 s15, $0x4E00  }
0x20: {  	[spmem:s2] =	stream.indirect.scatter.add.f32 [tilespmem:s12], [sflag:$0x1], $0x80, s16, s13, $0xb8;
	[tilespmem:$0x19400] =	vst v63  }
.Ltmp0:
0x21: {  	_ = 	snop;
	(pc) =	sbr.rel @p0 .LBB2_2-.Ltmp0, $4  }
0x22: {  	_ = 	snop  }
0x23: {  	s15 =	sadd.s32 $0x200, s15  }
0x24: {  	_ =	swait.ge [sflag:s11], $0x4000  }
0x25: {  	[sflag:s11] =	ssyncset.done $0x0  }
0x26: {  	s14 =	sadd.s32 $0x1, s14  }
0x27: {  	[sflag:s11] =	ssyncadd.s32 $0xFFFFC000;
	p0 =	sne.s32 s14, s9  }
.Ltmp1:
0x28: {  	[bflag:$0x0] =	sbarrier.arrive $0xFFFF;
	(pc) =	sbr.rel @p0 .LBB2_1-.Ltmp1, $4  }
0x29: {  	[hbm:s8], [sflag:s6] =	dma.local [spmem:s10], $0x2800  }
0x2a: {  	_ =	swait.ge [sflag:s11], $0x2800  }
0x2b: {  	[sflag:s11] =	ssyncset.done $0x0  }
0x2c: {  	[sflag:s11] =	ssyncadd.s32 $0xFFFFD800  }
0x2d: {  	_ =	sfence.sel $0x180000  }
0x2e: {  	[bflag:$0x0] =	sbarrier.arrive $0xFFFF  }
0x2f: {  	p0 =	sne.s32 s1, $0x0;
	_ =	strace $0x9000004D  }
0x30: {  	s0 =	sadd.s32 @!p0 $0x100000, s0;
	[bflag:$0x2] =	sbarrier.arrive $0xFFFF  }
0x31: {  	[sflag:s0] =	ssyncadd.tile.s32 @!p0 $0x1;
	_ =	shalt  }
.Lfunc_end2:
_tile_overlayer_lowered:
.L_overlay_start_2:
0x32: {  	(tag) =	ssettag $0x2  }
0x33: {  	s0 =	rddreg [dreg:$0x0];
	s2 =	stileid.u32  }
0x34: {  	s1 =	rddreg [dreg:$0x1];
	p0 =	sne.s32 s2, $0x0  }
0x35: {  	s3 =	rddreg [dreg:$0x2];
	[bflag:$0x3] =	sbarrier.arrive $0xFFFF;
	s2 =	simm.s32 @!p0 $0x1C01  }
0x36: {  	[timem:s3], [sflag:s2] =	dma.local @!p0 [hbm:s0], s1  }
0x37: {  	s0 =	simm.s32 @!p0 $0x1  }
0x38: {  	_ =	swait.ge @!p0 [sflag:s0], s1  }
0x39: {  	s1 =	ssub.s32 @!p0 $0x0, s1;
	[sflag:s0] =	ssyncset.done @!p0 $0x0  }
0x3a: {  	[sflag:s0] =	ssyncadd.s32 @!p0 s1  }
0x3b: {  	[bflag:$0x3] =	sbarrier.arrive $0xFFFF  }
0x3c: {  	_ =	shalt  }

// kernel: kernel.22.cloned.1.call-start
scs
__scs_entry_jumppad:
0x0: {  	(pc) =	sbr.rel $0x88, $3  }
0x1: {  	(tag) =	ssettag $0x0;
	lr =	simm.s32 $0x1  }
0x2: {  	[smem:$0x3F94] =	sst lr;
	_ =	strace $0xD0000000  }
0x3: {  	_ = 	snop  }
0x4: {  	_ = 	snop  }
0x5: {  	_ = 	snop  }
0x6: {  	_ = 	snop  }
0x7: {  	_ = 	snop  }
__scs_overlays_trampoline_lowered:
0x8: {  	[smem:$0x3FA3] =	sst s0  }
0x9: {  	[smem:$0x3FA4] =	sst s1  }
0xa: {  	[smem:$0x3FA5] =	sst s2  }
0xb: {  	[smem:$0x3FA6] =	sst s3  }
0xc: {  	[smem:$0x3FA7] =	sst s4  }
0xd: {  	[smem:$0x3FA8] =	sst s5  }
0xe: {  	[smem:$0x3FA9] =	sst s6  }
0xf: {  	[smem:$0x3FAA] =	sst s7  }
0x10: {  	[smem:$0x3FAB] =	sst s8  }
0x11: {  	[smem:$0x3FAC] =	sst s9;
	s0 =	simm.s32 @!p0 $0x0  }
0x12: {  	s1 =	sld [smem:$0x3F92];
	s0 =	simm.s32 @p0 $0x1  }
0x13: {  	[smem:$0x3FAD] =	sst s0;
	s0 =	simm.s32 @!p1 $0x0  }
0x14: {  	s2 =	sld [smem:$0x3F91];
	s0 =	simm.s32 @p1 $0x1  }
0x15: {  	[smem:$0x3FAE] =	sst s0;
	s0 =	simm.s32 @!p2 $0x0  }
0x16: {  	s3 =	sld [smem:$0x3FDB];
	s0 =	simm.s32 @p2 $0x1  }
0x17: {  	s4 =	simm.s32 $0x1BF5;
	[smem:$0x3FB0] =	sst s0  }
0x18: {  	s0 =	sld [smem:$0x3F93];
	_ =	swait.ge [sflag:s4], $0x0  }
0x19: {  	s7 =	sld [smem:$0x3F94]  }
0x1a: {  	s8 =	sadd.s32 $0xFFFFE003, lr  }
0x1b: {  	s9 =	sadd.s32 $0xFFFFFEF7, lr;
	s5 =	simm.s32 $0xFFFFFFFF;
	p2 =	slt.u32 s8, $0xFFFFF086  }
0x1c: {  	p1 =	slt.u32 s9, $0xF7A;
	s5 =	simm.s32 @!p2 $0x0  }
0x1d: {  	s5 =	simm.s32 @p1 $0x1;
	p0 =	seq.s32 s7, s2  }
0x1e: {  	s7 =	smul.u32 @!p0 $0xF7A, s2;
	p2 =	seq.s32 @!p0 s5, $0x0  }
0x1f: {  	s9 =	smul.u32 $0xF7A, s1;
	s8 =	simm.s32 @!p0 $0x1BF5;
	p2 =	por !p2, p0  }
0x20: {  	[sflag:s8] =	ssyncset.s32 @!p0 $0xFFFFF086;
	s6 =	sadd.s32 @!p0 s3, s7;
	s7 =	simm.s32 @!p0 $0x108  }
0x21: {  	s3 =	sadd.s32 s3, s9;
	s6 =	sadd.s32 @!p0 $0x88, s6;
	s7 =	simm.s32 @p2 $0x1082  }
0x22: {  	[simem:s7], [sflag:s8] =	dma.local @!p0 [hbm:s6], $0xF7A  }
0x23: {  	s9 =	sor.u32 $0xD0000000, s2;
	s6 =	simm.s32 $0x108;
	_ =	swait.ge @!p0 [sflag:s8], $0x0  }
0x24: {  	s3 =	sadd.s32 $0x88, s3;
	s6 =	simm.s32 @!p1 $0x1082;
	[sflag:s4] =	ssyncset.s32 $0xFFFFF086  }
0x25: {  	[simem:s6], [sflag:s4] =	dma.local [hbm:s3], $0xF7A  }
0x26: {  	[smem:$0x3F94] =	sst s1;
	(tag) =	ssettag s2;
	_ =	strace s9  }
0x27: {  	s1 =	sld [smem:$0x3FA4]  }
0x28: {  	s2 =	sld [smem:$0x3FA5]  }
0x29: {  	s4 =	sld [smem:$0x3FA7]  }
0x2a: {  	p0 =	seq.s32 s5, $0x0;
	s5 =	sld [smem:$0x3FA8]  }
0x2b: {  	s6 =	sld [smem:$0x3FA9]  }
0x2c: {  	s7 =	sld [smem:$0x3FAA]  }
0x2d: {  	s3 =	simm.s32 $0x108;
	s8 =	sld [smem:$0x3FAB]  }
0x2e: {  	s3 =	simm.s32 @!p0 $0x1082;
	s9 =	sld [smem:$0x3FAC]  }
0x2f: {  	lr =	sadd.s32 s0, s3;
	s0 =	sld [smem:$0x3FA3]  }
0x30: {  	s3 =	sld [smem:$0x3FA6]  }
0x31: {  	[smem:$0x3FAF] =	sst s10  }
0x32: {  	s10 =	sld [smem:$0x3FAD];
	_ =	sdelay $0x3  }
0x33: {  	p0 =	seq.s32 s10, $0x1;
	s10 =	sld [smem:$0x3FAF];
	_ =	sdelay $0x3  }
0x34: {  	[smem:$0x3FAF] =	sst s10  }
0x35: {  	s10 =	sld [smem:$0x3FAE];
	_ =	sdelay $0x3  }
0x36: {  	p1 =	seq.s32 s10, $0x1;
	s10 =	sld [smem:$0x3FAF];
	_ =	sdelay $0x3  }
0x37: {  	[smem:$0x3FAF] =	sst s10  }
0x38: {  	s10 =	sld [smem:$0x3FB0]  }
0x39: {  	_ = 	snop;
	(pc) =	sbr.ind lr, $3  }
0x3a: {  	_ = 	snop  }
0x3b: {  	_ = 	snop  }
0x3c: {  	p2 =	seq.s32 s10, $0x1;
	s10 =	sld [smem:$0x3FAF]  }
0x3d: {  	_ =	shalt  }
0x3e: {  	_ =	shalt  }
0x3f: {  	_ =	shalt  }
0x40: {  	_ =	shalt  }
0x41: {  	_ =	shalt  }
0x42: {  	_ =	shalt  }
0x43: {  	_ =	shalt  }
0x44: {  	_ =	shalt  }
0x45: {  	_ =	shalt  }
0x46: {  	_ =	shalt  }
0x47: {  	_ =	shalt  }
0x48: {  	_ =	shalt  }
0x49: {  	_ =	shalt  }
0x4a: {  	_ =	shalt  }
0x4b: {  	_ =	shalt  }
0x4c: {  	_ =	shalt  }
0x4d: {  	_ =	shalt  }
0x4e: {  	_ =	shalt  }
0x4f: {  	_ =	shalt  }
0x50: {  	_ =	shalt  }
0x51: {  	_ =	shalt  }
0x52: {  	_ =	shalt  }
0x53: {  	_ =	shalt  }
0x54: {  	_ =	shalt  }
0x55: {  	_ =	shalt  }
0x56: {  	_ =	shalt  }
0x57: {  	_ =	shalt  }
0x58: {  	_ =	shalt  }
0x59: {  	_ =	shalt  }
0x5a: {  	_ =	shalt  }
0x5b: {  	_ =	shalt  }
0x5c: {  	_ =	shalt  }
0x5d: {  	_ =	shalt  }
0x5e: {  	_ =	shalt  }
0x5f: {  	_ =	shalt  }
0x60: {  	_ =	shalt  }
0x61: {  	_ =	shalt  }
0x62: {  	_ =	shalt  }
0x63: {  	_ =	shalt  }
0x64: {  	_ =	shalt  }
0x65: {  	_ =	shalt  }
0x66: {  	_ =	shalt  }
0x67: {  	_ =	shalt  }
0x68: {  	_ =	shalt  }
0x69: {  	_ =	shalt  }
0x6a: {  	_ =	shalt  }
0x6b: {  	_ =	shalt  }
0x6c: {  	_ =	shalt  }
0x6d: {  	_ =	shalt  }
0x6e: {  	_ =	shalt  }
0x6f: {  	_ =	shalt  }
0x70: {  	_ =	shalt  }
0x71: {  	_ =	shalt  }
0x72: {  	_ =	shalt  }
0x73: {  	_ =	shalt  }
0x74: {  	_ =	shalt  }
0x75: {  	_ =	shalt  }
0x76: {  	_ =	shalt  }
0x77: {  	_ =	shalt  }
0x78: {  	_ =	shalt  }
0x79: {  	_ =	shalt  }
0x7a: {  	_ =	shalt  }
0x7b: {  	_ =	shalt  }
0x7c: {  	_ =	shalt  }
0x7d: {  	_ =	shalt  }
0x7e: {  	_ =	shalt  }
0x7f: {  	_ =	shalt  }
0x80: {  	_ =	shalt  }
0x81: {  	_ =	shalt  }
0x82: {  	_ =	shalt  }
0x83: {  	_ =	shalt  }
0x84: {  	_ =	shalt  }
0x85: {  	_ =	shalt  }
0x86: {  	_ =	shalt  }
0x87: {  	_ =	shalt  }
.Lfunc_end0:
.L_simem_size_0:
called_computation.3_lowered:
.L_overlay_start_0:
0x88: {  	s2 =	sld [smem:$0x3FD9]  }
0x89: {  	s3 =	sld [smem:$0x3FFE];
	_ =	sdelay $0x1  }
0x8a: {  	s1 =	srdreg.scid  }
0x8b: {  	s0 =	sand.u32 $0x1, s1  }
0x8c: {  	s14 =	sshll.u32 s0, $0xA;
	s2 =	sadd.s32 s3, s2  }
0x8d: {  	s2 =	sadd.s32 s2, s14  }
0x8e: {  	[smem:$0x3FBB] =	sst s2  }
0x8f: {  	_ = 	snop  }
0x90: {  	s2 =	sld [smem:$0x3FD0];
	_ =	sdelay $0x2  }
0x91: {  	s15 =	simm.s32 $0xA;
	s4 =	simm.s32 $0x10  }
0x92: {  	[smem:s4], [sflag:s15] =	dma.local [hbm:s2], $0x1  }
0x93: {  	_ =	swait.eq [sflag:s15], $0x1  }
0x94: {  	[sflag:s15] =	ssyncset.done $0x0  }
0x95: {  	[sflag:s15] =	ssyncadd.s32 $0xFFFFFFFF  }
0x96: {  	s16 =	sld [smem:$0x10];
	(tm) =	ssettm $0x1  }
0x97: {  	s17 =	sld [smem:$0x3FFB];
	_ =	sdelay $0x3  }
0x98: {  	_ =	strace s17  }
0x99: {  	s3 =	sld [smem:$0x3FFC];
	_ =	sdelay $0x3  }
0x9a: {  	_ =	strace s3  }
0x9b: {  	s3 =	sld [smem:$0x3FFD];
	_ =	sdelay $0x3  }
0x9c: {  	_ =	strace s3  }
0x9d: {  	_ =	strace $0x8FFFFFFF  }
0x9e: {  	s18 =	sld [smem:$0x3FDB];
	_ =	sdelay $0x1  }
0x9f: {  	s19 =	simm.s32 $_scs_section_size  }
0xa0: {  	s5 =	simm.s32 $_size__tile_overlayer_lowered;
	s6 =	simm.s32 $_tile_overlayer_lowered  }
0xa1: {  	s22 =	simm.s32 $0x1BFF;
	s21 =	sshll.u32 s6, $0x1;
	s3 =	sadd.s32 s19, s18  }
0xa2: {  	s7 =	simm.s32 $0x0;
	s20 =	sshll.u32 s5, $0x1;
	s5 =	sadd.s32 s21, s3  }
0xa3: {  	[timem:s7], [sflag:s22] =	dma.local [hbm:s5], s20  }
0xa4: {  	_ =	swait.ge [sflag:s22], s20  }
0xa5: {  	s4 =	ssub.s32 $0x0, s20;
	[sflag:s22] =	ssyncset.done $0x0  }
0xa6: {  	[sflag:s22] =	ssyncadd.s32 s4;
	_ =	sdelay $0x1  }
0xa7: {  	s23 =	simm.s32 $0x1B8B  }
0xa8: {  	_ =	swait.ge [sflag:s23], $0x1  }
0xa9: {  	[sflag:s23] =	ssyncset.done $0x0  }
0xaa: {  	s25 =	simm.s32 $0x1B8E;
	s24 =	sld [smem:$0x3FFE];
	[sflag:s23] =	ssyncadd.s32 $0xFFFFFFFF  }
0xab: {  	s26 =	simm.s32 $execute0_lowered;
	[smem:$0x3FD2] =	sst s25  }
0xac: {  	s5 =	sshll.u32 s26, $0x1;
	_ =	strace $0x8000004F;
	[dreg:$0x1] =	wrdreg $0xFFFFFFFF  }
0xad: {  	s28 =	simm.s32 $_size_execute0_lowered;
	s3 =	sadd.s32 s3, s5;
	[dreg:$0x0] =	wrdreg $0x0  }
0xae: {  	s5 =	sshll.u32 s28, $0x1;
	[dreg:$0x2] =	wrdreg s3  }
0xaf: {  	[dreg:$0x3] =	wrdreg s5  }
0xb0: {  	[dreg:$0x4] =	wrdreg $0xC0  }
0xb1: {  	_ =	task [dreg:s7], $0x5FFFF  }
0xb2: {  	[dreg:$0x1] =	wrdreg $0xFFFFFFFF  }
0xb3: {  	[dreg:$0x0] =	wrdreg $0x60  }
0xb4: {  	[dreg:$0x2] =	wrdreg s16  }
0xb5: {  	[dreg:$0x3] =	wrdreg s24  }
0xb6: {  	[dreg:$0x4] =	wrdreg $0x54000  }
0xb7: {  	[dreg:$0x5] =	wrdreg $0x9  }
0xb8: {  	_ =	task.clear_ibuf [dreg:s7], $0x6FFFF;
	_ =	strace $0x9000004F  }
0xb9: {  	s29 =	simm.s32 $0x9;
	_ =	strace $0x80000051  }
0xba: {  	_ =	swait.ge [sflag:s29], $0x1  }
0xbb: {  	[sflag:s29] =	ssyncadd.s32 $0xFFFFFFFF  }
0xbc: {  	_ =	strace $0x90000051  }
0xbd: {  	_ =	sfence  }
0xbe: {  	s30 =	sld [smem:$0x0];
	_ =	sdelay $0x2  }
0xbf: {  	s31 =	sshll.u32 s1, $0xD;
	s1 =	sshrl.u32 s1, $0x2  }
0xc0: {  	s3 =	sand.u32 $0x4000, s31;
	s1 =	sadd.s32 s1, s30  }
0xc1: {  	s0 =	sor.u32 s3, s0;
	s1 =	sshll.u32 s1, $0x11  }
0xc2: {  	s0 =	sor.u32 s1, s0  }
0xc3: {  	s0 =	sadd.s32 $0x8F2B, s0  }
0xc4: {  	[sflag:s0] =	ssyncadd.remote.s32 $0x1  }
0xc5: {  	_ =	sfence.sel $0xFFFF  }
0xc6: {  	[dreg:$0x0] =	wrdreg $0xFFFFFFFF;
	(pc) =	sbr.abs _section_cstart, $3  }
0xc7: {  	[dreg:$0x1] =	wrdreg $0xFFFFFFFF  }
0xc8: {  	_ =	task.clear_ibuf [dreg:s7], $0x2FFFF;
	_ =	strace $0x9FFFFFFF  }
0xc9: {  	(tm) =	ssettm $0x7FFFFFFF  }
tec
execute0_lowered:
.L_overlay_start_1:
0x0: {  	(tag) =	ssettag $0x1  }
0x1: {  	s7 =	rddreg [dreg:$0x0]  }
0x2: {  	s5 =	rddreg [dreg:$0x1]  }
0x3: {  	s2 =	rddreg [dreg:$0x2]  }
0x4: {  	s0 =	rddreg [dreg:$0x3];
	s1 =	stileid.u32  }
0x5: {  	s6 =	srdreg.scid;
	s3 =	simm.s32 $0x0;
	s4 =	smul.u32 $0x2800, s1  }
0x6: {  	s13 =	simm.s32 $0x80;
	s14 =	simm.s32 $0x0;
	s8 =	smul.u32 $0x280, s1  }
0x7: {  	s6 =	sand.u32 $0x1, s6;
	[smem:$0x7FF] =	sst s3;
	s11 =	smul.u32 $0x50000, s1  }
0x8: {  	s31 =	sshll.u32 s1, $0x6;
	s9 =	smul.u32 $0x2800, s6;
	_ =	strace $0x80000050  }
0x9: {  	s6 =	ssub.s32 $0x2, s6;
	s10 =	sadd.s32 s4, s5;
	s4 =	sadd.s32 $0x3C00, s5  }
0xa: {  	s12 =	sshrl.u32 s6, $0x1;
	s30 =	sshrl.u32 s11, $0x2;
	s9 =	sadd.s32 s8, s9  }
0xb: {  	s7 =	sadd.s32 s7, s8;
	s12 =	ssub.s32 s6, s12;
	s9 =	sshll.u32 s9, $0x4  }
0xc: {  	s11 =	sadd.s32 s30, s2;
	s6 =	sor.u32 $0x1C01, s31;
	s9 =	sadd.s32 s9, s5  }
0xd: {  	s5 =	sadd.s32 $0x4400, s10;
	s10 =	sshrl.u32 s11, $0x3;
	s11 =	simm.s32 $0x1  }
0xe: {  	s8 =	sadd.s32 $0x11C400, s9;
	s9 =	smax.u32 s12, $0x1;
	s12 =	simm.s32 $0x1400  }
.LBB2_1:
0xf: {  	[spmem:s10], [sflag:s6] =	dma.local [hbm:s5], $0x2800  }
0x10: {  	_ =	swait.ge [sflag:s11], $0x2800  }
0x11: {  	[sflag:s11] =	ssyncset.done $0x0  }
0x12: {  	[sflag:s11] =	ssyncadd.s32 $0xFFFFD800  }
0x13: {  	[tilespmem:s12], [sflag:$0x1] =	stream.linear.gather [hbm4b:s4+s3], $0x4000, $0x38;
	[tilespmem:$0x19400] =	vst v63  }
0x14: {  	_ =	swait.ge [sflag:s11], $0x4000  }
0x15: {  	[sflag:s11] =	ssyncset.done $0x0  }
0x16: {  	[sflag:s11] =	ssyncadd.s32 $0xFFFFC000  }
0x17: {  	[tilespmem:s3], [sflag:$0x1] =	stream.linear.gather [hbm4b:s7+s3], $0x1400, $0x38;
	[tilespmem:$0x19400] =	vst v63  }
0x18: {  	_ =	swait.ge [sflag:s11], $0x1400  }
0x19: {  	[sflag:s11] =	ssyncset.done $0x0  }
0x1a: {  	[sflag:s11] =	ssyncadd.s32 $0xFFFFEC00  }
0x1b: {  	s15 =	simm.s32 $0x0;
	[bflag:$0x0] =	sbarrier.arrive $0xFFFF  }
0x1c: {  	[spmem:s2] =	stream.indirect.scatter.add.f32 [tilespmem:s12], [sflag:$0x1], $0x80, s15, s13, $0xb8;
	[tilespmem:$0x19400] =	vst v63  }
0x1d: {  	_ =	swait.ge [sflag:s11], $0x4000  }
0x1e: {  	s15 =	simm.s32 $0x200;
	[sflag:s11] =	ssyncset.done $0x0  }
.LBB2_2:
0x1f: {  	s16 =	sshra.s32 s15, $0x2;
	[sflag:s11] =	ssyncadd.s32 $0xFFFFC000;
	p0 =	sne.s32 s15, $0x4E00  }
0x20: {  	[spmem:s2] =	stream.indirect.scatter.add.f32 [tilespmem:s12], [sflag:$0x1], $0x80, s16, s13, $0xb8;
	[tilespmem:$0x19400] =	vst v63  }
.Ltmp0:
0x21: {  	_ = 	snop;
	(pc) =	sbr.rel @p0 .LBB2_2-.Ltmp0, $4  }
0x22: {  	_ = 	snop  }
0x23: {  	s15 =	sadd.s32 $0x200, s15  }
0x24: {  	_ =	swait.ge [sflag:s11], $0x4000  }
0x25: {  	[sflag:s11] =	ssyncset.done $0x0  }
0x26: {  	s14 =	sadd.s32 $0x1, s14  }
0x27: {  	[sflag:s11] =	ssyncadd.s32 $0xFFFFC000;
	p0 =	sne.s32 s14, s9  }
.Ltmp1:
0x28: {  	[bflag:$0x0] =	sbarrier.arrive $0xFFFF;
	(pc) =	sbr.rel @p0 .LBB2_1-.Ltmp1, $4  }
0x29: {  	[hbm:s8], [sflag:s6] =	dma.local [spmem:s10], $0x2800  }
0x2a: {  	_ =	swait.ge [sflag:s11], $0x2800  }
0x2b: {  	[sflag:s11] =	ssyncset.done $0x0  }
0x2c: {  	[sflag:s11] =	ssyncadd.s32 $0xFFFFD800  }
0x2d: {  	_ =	sfence.sel $0x180000  }
0x2e: {  	[bflag:$0x0] =	sbarrier.arrive $0xFFFF  }
0x2f: {  	p0 =	sne.s32 s1, $0x0;
	_ =	strace $0x90000050  }
0x30: {  	s0 =	sadd.s32 @!p0 $0x100000, s0;
	[bflag:$0x2] =	sbarrier.arrive $0xFFFF  }
0x31: {  	[sflag:s0] =	ssyncadd.tile.s32 @!p0 $0x1;
	_ =	shalt  }
.Lfunc_end2:
_tile_overlayer_lowered:
.L_overlay_start_2:
0x32: {  	(tag) =	ssettag $0x2  }
0x33: {  	s0 =	rddreg [dreg:$0x0];
	s2 =	stileid.u32  }
0x34: {  	s1 =	rddreg [dreg:$0x1];
	p0 =	sne.s32 s2, $0x0  }
0x35: {  	s3 =	rddreg [dreg:$0x2];
	[bflag:$0x3] =	sbarrier.arrive $0xFFFF;
	s2 =	simm.s32 @!p0 $0x1C01  }
0x36: {  	[timem:s3], [sflag:s2] =	dma.local @!p0 [hbm:s0], s1  }
0x37: {  	s0 =	simm.s32 @!p0 $0x1  }
0x38: {  	_ =	swait.ge @!p0 [sflag:s0], s1  }
0x39: {  	s1 =	ssub.s32 @!p0 $0x0, s1;
	[sflag:s0] =	ssyncset.done @!p0 $0x0  }
0x3a: {  	[sflag:s0] =	ssyncadd.s32 @!p0 s1  }
0x3b: {  	[bflag:$0x3] =	sbarrier.arrive $0xFFFF  }
0x3c: {  	_ =	shalt  }

// kernel: kernel.25.cloned.1.call-start
scs
__scs_entry_jumppad:
0x0: {  	(pc) =	sbr.rel $0x88, $3  }
0x1: {  	(tag) =	ssettag $0x0;
	lr =	simm.s32 $0x1  }
0x2: {  	[smem:$0x3F94] =	sst lr;
	_ =	strace $0xD0000000  }
0x3: {  	_ = 	snop  }
0x4: {  	_ = 	snop  }
0x5: {  	_ = 	snop  }
0x6: {  	_ = 	snop  }
0x7: {  	_ = 	snop  }
__scs_overlays_trampoline_lowered:
0x8: {  	[smem:$0x3FA3] =	sst s0  }
0x9: {  	[smem:$0x3FA4] =	sst s1  }
0xa: {  	[smem:$0x3FA5] =	sst s2  }
0xb: {  	[smem:$0x3FA6] =	sst s3  }
0xc: {  	[smem:$0x3FA7] =	sst s4  }
0xd: {  	[smem:$0x3FA8] =	sst s5  }
0xe: {  	[smem:$0x3FA9] =	sst s6  }
0xf: {  	[smem:$0x3FAA] =	sst s7  }
0x10: {  	[smem:$0x3FAB] =	sst s8  }
0x11: {  	[smem:$0x3FAC] =	sst s9;
	s0 =	simm.s32 @!p0 $0x0  }
0x12: {  	s1 =	sld [smem:$0x3F92];
	s0 =	simm.s32 @p0 $0x1  }
0x13: {  	[smem:$0x3FAD] =	sst s0;
	s0 =	simm.s32 @!p1 $0x0  }
0x14: {  	s2 =	sld [smem:$0x3F91];
	s0 =	simm.s32 @p1 $0x1  }
0x15: {  	[smem:$0x3FAE] =	sst s0;
	s0 =	simm.s32 @!p2 $0x0  }
0x16: {  	s3 =	sld [smem:$0x3FDB];
	s0 =	simm.s32 @p2 $0x1  }
0x17: {  	s4 =	simm.s32 $0x1BF5;
	[smem:$0x3FB0] =	sst s0  }
0x18: {  	s0 =	sld [smem:$0x3F93];
	_ =	swait.ge [sflag:s4], $0x0  }
0x19: {  	s7 =	sld [smem:$0x3F94]  }
0x1a: {  	s8 =	sadd.s32 $0xFFFFE003, lr  }
0x1b: {  	s9 =	sadd.s32 $0xFFFFFEF7, lr;
	s5 =	simm.s32 $0xFFFFFFFF;
	p2 =	slt.u32 s8, $0xFFFFF086  }
0x1c: {  	p1 =	slt.u32 s9, $0xF7A;
	s5 =	simm.s32 @!p2 $0x0  }
0x1d: {  	s5 =	simm.s32 @p1 $0x1;
	p0 =	seq.s32 s7, s2  }
0x1e: {  	s7 =	smul.u32 @!p0 $0xF7A, s2;
	p2 =	seq.s32 @!p0 s5, $0x0  }
0x1f: {  	s9 =	smul.u32 $0xF7A, s1;
	s8 =	simm.s32 @!p0 $0x1BF5;
	p2 =	por !p2, p0  }
0x20: {  	[sflag:s8] =	ssyncset.s32 @!p0 $0xFFFFF086;
	s6 =	sadd.s32 @!p0 s3, s7;
	s7 =	simm.s32 @!p0 $0x108  }
0x21: {  	s3 =	sadd.s32 s3, s9;
	s6 =	sadd.s32 @!p0 $0x88, s6;
	s7 =	simm.s32 @p2 $0x1082  }
0x22: {  	[simem:s7], [sflag:s8] =	dma.local @!p0 [hbm:s6], $0xF7A  }
0x23: {  	s9 =	sor.u32 $0xD0000000, s2;
	s6 =	simm.s32 $0x108;
	_ =	swait.ge @!p0 [sflag:s8], $0x0  }
0x24: {  	s3 =	sadd.s32 $0x88, s3;
	s6 =	simm.s32 @!p1 $0x1082;
	[sflag:s4] =	ssyncset.s32 $0xFFFFF086  }
0x25: {  	[simem:s6], [sflag:s4] =	dma.local [hbm:s3], $0xF7A  }
0x26: {  	[smem:$0x3F94] =	sst s1;
	(tag) =	ssettag s2;
	_ =	strace s9  }
0x27: {  	s1 =	sld [smem:$0x3FA4]  }
0x28: {  	s2 =	sld [smem:$0x3FA5]  }
0x29: {  	s4 =	sld [smem:$0x3FA7]  }
0x2a: {  	p0 =	seq.s32 s5, $0x0;
	s5 =	sld [smem:$0x3FA8]  }
0x2b: {  	s6 =	sld [smem:$0x3FA9]  }
0x2c: {  	s7 =	sld [smem:$0x3FAA]  }
0x2d: {  	s3 =	simm.s32 $0x108;
	s8 =	sld [smem:$0x3FAB]  }
0x2e: {  	s3 =	simm.s32 @!p0 $0x1082;
	s9 =	sld [smem:$0x3FAC]  }
0x2f: {  	lr =	sadd.s32 s0, s3;
	s0 =	sld [smem:$0x3FA3]  }
0x30: {  	s3 =	sld [smem:$0x3FA6]  }
0x31: {  	[smem:$0x3FAF] =	sst s10  }
0x32: {  	s10 =	sld [smem:$0x3FAD];
	_ =	sdelay $0x3  }
0x33: {  	p0 =	seq.s32 s10, $0x1;
	s10 =	sld [smem:$0x3FAF];
	_ =	sdelay $0x3  }
0x34: {  	[smem:$0x3FAF] =	sst s10  }
0x35: {  	s10 =	sld [smem:$0x3FAE];
	_ =	sdelay $0x3  }
0x36: {  	p1 =	seq.s32 s10, $0x1;
	s10 =	sld [smem:$0x3FAF];
	_ =	sdelay $0x3  }
0x37: {  	[smem:$0x3FAF] =	sst s10  }
0x38: {  	s10 =	sld [smem:$0x3FB0]  }
0x39: {  	_ = 	snop;
	(pc) =	sbr.ind lr, $3  }
0x3a: {  	_ = 	snop  }
0x3b: {  	_ = 	snop  }
0x3c: {  	p2 =	seq.s32 s10, $0x1;
	s10 =	sld [smem:$0x3FAF]  }
0x3d: {  	_ =	shalt  }
0x3e: {  	_ =	shalt  }
0x3f: {  	_ =	shalt  }
0x40: {  	_ =	shalt  }
0x41: {  	_ =	shalt  }
0x42: {  	_ =	shalt  }
0x43: {  	_ =	shalt  }
0x44: {  	_ =	shalt  }
0x45: {  	_ =	shalt  }
0x46: {  	_ =	shalt  }
0x47: {  	_ =	shalt  }
0x48: {  	_ =	shalt  }
0x49: {  	_ =	shalt  }
0x4a: {  	_ =	shalt  }
0x4b: {  	_ =	shalt  }
0x4c: {  	_ =	shalt  }
0x4d: {  	_ =	shalt  }
0x4e: {  	_ =	shalt  }
0x4f: {  	_ =	shalt  }
0x50: {  	_ =	shalt  }
0x51: {  	_ =	shalt  }
0x52: {  	_ =	shalt  }
0x53: {  	_ =	shalt  }
0x54: {  	_ =	shalt  }
0x55: {  	_ =	shalt  }
0x56: {  	_ =	shalt  }
0x57: {  	_ =	shalt  }
0x58: {  	_ =	shalt  }
0x59: {  	_ =	shalt  }
0x5a: {  	_ =	shalt  }
0x5b: {  	_ =	shalt  }
0x5c: {  	_ =	shalt  }
0x5d: {  	_ =	shalt  }
0x5e: {  	_ =	shalt  }
0x5f: {  	_ =	shalt  }
0x60: {  	_ =	shalt  }
0x61: {  	_ =	shalt  }
0x62: {  	_ =	shalt  }
0x63: {  	_ =	shalt  }
0x64: {  	_ =	shalt  }
0x65: {  	_ =	shalt  }
0x66: {  	_ =	shalt  }
0x67: {  	_ =	shalt  }
0x68: {  	_ =	shalt  }
0x69: {  	_ =	shalt  }
0x6a: {  	_ =	shalt  }
0x6b: {  	_ =	shalt  }
0x6c: {  	_ =	shalt  }
0x6d: {  	_ =	shalt  }
0x6e: {  	_ =	shalt  }
0x6f: {  	_ =	shalt  }
0x70: {  	_ =	shalt  }
0x71: {  	_ =	shalt  }
0x72: {  	_ =	shalt  }
0x73: {  	_ =	shalt  }
0x74: {  	_ =	shalt  }
0x75: {  	_ =	shalt  }
0x76: {  	_ =	shalt  }
0x77: {  	_ =	shalt  }
0x78: {  	_ =	shalt  }
0x79: {  	_ =	shalt  }
0x7a: {  	_ =	shalt  }
0x7b: {  	_ =	shalt  }
0x7c: {  	_ =	shalt  }
0x7d: {  	_ =	shalt  }
0x7e: {  	_ =	shalt  }
0x7f: {  	_ =	shalt  }
0x80: {  	_ =	shalt  }
0x81: {  	_ =	shalt  }
0x82: {  	_ =	shalt  }
0x83: {  	_ =	shalt  }
0x84: {  	_ =	shalt  }
0x85: {  	_ =	shalt  }
0x86: {  	_ =	shalt  }
0x87: {  	_ =	shalt  }
.Lfunc_end0:
.L_simem_size_0:
called_computation.4_lowered:
.L_overlay_start_0:
0x88: {  	s2 =	sld [smem:$0x3FD9]  }
0x89: {  	s3 =	sld [smem:$0x3FFE];
	_ =	sdelay $0x1  }
0x8a: {  	s1 =	srdreg.scid  }
0x8b: {  	s0 =	sand.u32 $0x1, s1  }
0x8c: {  	s14 =	sshll.u32 s0, $0xA;
	s2 =	sadd.s32 s3, s2  }
0x8d: {  	s2 =	sadd.s32 s2, s14  }
0x8e: {  	[smem:$0x3FBB] =	sst s2  }
0x8f: {  	_ = 	snop  }
0x90: {  	s2 =	sld [smem:$0x3FD0];
	_ =	sdelay $0x2  }
0x91: {  	s15 =	simm.s32 $0xA;
	s4 =	simm.s32 $0x10  }
0x92: {  	[smem:s4], [sflag:s15] =	dma.local [hbm:s2], $0x1  }
0x93: {  	_ =	swait.eq [sflag:s15], $0x1  }
0x94: {  	[sflag:s15] =	ssyncset.done $0x0  }
0x95: {  	[sflag:s15] =	ssyncadd.s32 $0xFFFFFFFF  }
0x96: {  	s16 =	sld [smem:$0x11];
	(tm) =	ssettm $0x1  }
0x97: {  	s17 =	sld [smem:$0x3FFB];
	_ =	sdelay $0x3  }
0x98: {  	_ =	strace s17  }
0x99: {  	s3 =	sld [smem:$0x3FFC];
	_ =	sdelay $0x3  }
0x9a: {  	_ =	strace s3  }
0x9b: {  	s3 =	sld [smem:$0x3FFD];
	_ =	sdelay $0x3  }
0x9c: {  	_ =	strace s3  }
0x9d: {  	_ =	strace $0x8FFFFFFF  }
0x9e: {  	s18 =	sld [smem:$0x3FDB];
	_ =	sdelay $0x1  }
0x9f: {  	s19 =	simm.s32 $_scs_section_size  }
0xa0: {  	s5 =	simm.s32 $_size__tile_overlayer_lowered;
	s6 =	simm.s32 $_tile_overlayer_lowered  }
0xa1: {  	s22 =	simm.s32 $0x1BFF;
	s21 =	sshll.u32 s6, $0x1;
	s3 =	sadd.s32 s19, s18  }
0xa2: {  	s7 =	simm.s32 $0x0;
	s20 =	sshll.u32 s5, $0x1;
	s5 =	sadd.s32 s21, s3  }
0xa3: {  	[timem:s7], [sflag:s22] =	dma.local [hbm:s5], s20  }
0xa4: {  	_ =	swait.ge [sflag:s22], s20  }
0xa5: {  	s4 =	ssub.s32 $0x0, s20;
	[sflag:s22] =	ssyncset.done $0x0  }
0xa6: {  	[sflag:s22] =	ssyncadd.s32 s4;
	_ =	sdelay $0x1  }
0xa7: {  	s23 =	simm.s32 $0x1B8B  }
0xa8: {  	_ =	swait.ge [sflag:s23], $0x1  }
0xa9: {  	[sflag:s23] =	ssyncset.done $0x0  }
0xaa: {  	s25 =	simm.s32 $0x1B8E;
	s24 =	sld [smem:$0x3FFE];
	[sflag:s23] =	ssyncadd.s32 $0xFFFFFFFF  }
0xab: {  	s26 =	simm.s32 $execute0_lowered;
	[smem:$0x3FD2] =	sst s25  }
0xac: {  	s5 =	sshll.u32 s26, $0x1;
	_ =	strace $0x80000052;
	[dreg:$0x1] =	wrdreg $0xFFFFFFFF  }
0xad: {  	s28 =	simm.s32 $_size_execute0_lowered;
	s3 =	sadd.s32 s3, s5;
	[dreg:$0x0] =	wrdreg $0x0  }
0xae: {  	s5 =	sshll.u32 s28, $0x1;
	[dreg:$0x2] =	wrdreg s3  }
0xaf: {  	[dreg:$0x3] =	wrdreg s5  }
0xb0: {  	[dreg:$0x4] =	wrdreg $0xC0  }
0xb1: {  	_ =	task [dreg:s7], $0x5FFFF  }
0xb2: {  	[dreg:$0x1] =	wrdreg $0xFFFFFFFF  }
0xb3: {  	[dreg:$0x0] =	wrdreg $0x60  }
0xb4: {  	[dreg:$0x2] =	wrdreg s24  }
0xb5: {  	[dreg:$0x3] =	wrdreg s16  }
0xb6: {  	[dreg:$0x4] =	wrdreg $0xA8000  }
0xb7: {  	[dreg:$0x5] =	wrdreg $0x9  }
0xb8: {  	_ =	task.clear_ibuf [dreg:s7], $0x6FFFF;
	_ =	strace $0x90000052  }
0xb9: {  	s29 =	simm.s32 $0x9;
	_ =	strace $0x80000054  }
0xba: {  	_ =	swait.ge [sflag:s29], $0x1  }
0xbb: {  	[sflag:s29] =	ssyncadd.s32 $0xFFFFFFFF  }
0xbc: {  	_ =	strace $0x90000054  }
0xbd: {  	_ =	sfence  }
0xbe: {  	s30 =	sld [smem:$0x0];
	_ =	sdelay $0x2  }
0xbf: {  	s31 =	sshll.u32 s1, $0xD;
	s1 =	sshrl.u32 s1, $0x2  }
0xc0: {  	s3 =	sand.u32 $0x4000, s31;
	s1 =	sadd.s32 s1, s30  }
0xc1: {  	s0 =	sor.u32 s3, s0;
	s1 =	sshll.u32 s1, $0x11  }
0xc2: {  	s0 =	sor.u32 s1, s0  }
0xc3: {  	s0 =	sadd.s32 $0x8F2B, s0  }
0xc4: {  	[sflag:s0] =	ssyncadd.remote.s32 $0x1  }
0xc5: {  	_ =	sfence.sel $0xFFFF  }
0xc6: {  	[dreg:$0x0] =	wrdreg $0xFFFFFFFF;
	(pc) =	sbr.abs _section_cstart, $3  }
0xc7: {  	[dreg:$0x1] =	wrdreg $0xFFFFFFFF  }
0xc8: {  	_ =	task.clear_ibuf [dreg:s7], $0x2FFFF;
	_ =	strace $0x9FFFFFFF  }
0xc9: {  	(tm) =	ssettm $0x7FFFFFFF  }
tec
execute0_lowered:
.L_overlay_start_1:
0x0: {  	(tag) =	ssettag $0x1  }
0x1: {  	s6 =	rddreg [dreg:$0x0]  }
0x2: {  	s8 =	rddreg [dreg:$0x1]  }
0x3: {  	s0 =	srdreg.scid;
	s2 =	rddreg [dreg:$0x2]  }
0x4: {  	s3 =	simm.s32 $0x0;
	s14 =	simm.s32 $0x80;
	s15 =	simm.s32 $0x2800  }
0x5: {  	s16 =	simm.s32 $0x6800;
	s17 =	simm.s32 $0x1;
	s18 =	simm.s32 $0x2  }
0x6: {  	s19 =	simm.s32 $0x2700;
	s5 =	sand.u32 $0x1, s0;
	s0 =	stileid.u32  }
0x7: {  	s20 =	simm.s32 $0x2780;
	s21 =	simm.s32 $0x0;
	s9 =	smul.u32 $0x280, s0  }
0x8: {  	[smem:$0x7FF] =	sst s3;
	s4 =	sadd.s32 $0x16C400, s6;
	s10 =	smul.u32 $0x2800, s5  }
0x9: {  	s1 =	sshll.u32 s5, $0x4;
	s11 =	smul.u32 $0x2800, s0;
	s5 =	ssub.s32 $0x2, s5  }
0xa: {  	s12 =	smul.u32 $0x50000, s0;
	s31 =	sshll.u32 s0, $0x6;
	s1 =	sor.u32 s0, s1  }
0xb: {  	s29 =	sshrl.u32 s5, $0x1;
	s7 =	smul.u32 $0x280, s1;
	s1 =	rddreg [dreg:$0x3]  }
0xc: {  	_ =	strace $0x80000053;
	s10 =	sadd.s32 s9, s10;
	s11 =	sadd.s32 s11, s6  }
0xd: {  	s13 =	ssub.s32 s5, s29;
	s30 =	sshrl.u32 s12, $0x2;
	s8 =	sadd.s32 s8, s9  }
0xe: {  	s10 =	sshll.u32 s10, $0x4;
	s12 =	sadd.s32 s30, s2;
	s5 =	sadd.s32 $0x4400, s11  }
0xf: {  	s7 =	sadd.s32 s7, s6;
	s10 =	sadd.s32 s10, s6;
	s6 =	sor.u32 $0x1C03, s31  }
0x10: {  	s11 =	sshrl.u32 s12, $0x3;
	s12 =	simm.s32 $0x3;
	s7 =	sadd.s32 $0x1BC400, s7  }
0x11: {  	s9 =	sadd.s32 $0x1C1400, s10;
	s10 =	smax.u32 s13, $0x1;
	s13 =	simm.s32 $0x1400  }
.LBB2_1:
0x12: {  	[spmem:s11], [sflag:s6] =	dma.local [hbm:s5], $0x2800  }
0x13: {  	_ =	swait.ge [sflag:s12], $0x2800  }
0x14: {  	[sflag:s12] =	ssyncset.done $0x0  }
0x15: {  	[sflag:s12] =	ssyncadd.s32 $0xFFFFD800  }
0x16: {  	[tilespmem:s3], [sflag:$0x3] =	stream.linear.gather [hbm4b:s7+s3], $0x1400, $0x38;
	[tilespmem:$0x1E800] =	vst v63  }
0x17: {  	_ =	swait.ge [sflag:s12], $0x1400  }
0x18: {  	[sflag:s12] =	ssyncset.done $0x0  }
0x19: {  	[sflag:s12] =	ssyncadd.s32 $0xFFFFEC00  }
0x1a: {  	[tilespmem:s13], [sflag:$0x3] =	stream.linear.gather [hbm4b:s8+s3], $0x1400, $0x38;
	[tilespmem:$0x1E800] =	vst v63  }
0x1b: {  	_ =	swait.ge [sflag:s12], $0x1400  }
0x1c: {  	[sflag:s12] =	ssyncset.done $0x0  }
0x1d: {  	[sflag:s12] =	ssyncadd.s32 $0xFFFFEC00  }
0x1e: {  	[bflag:$0x0] =	sbarrier.arrive $0xFFFF  }
0x1f: {  	[tilespmem:s15], [sflag:$0x1] =	stream.indirect.gather [hbm4b:s4+s14], $0x80, s3, s14, $0xb8;
	[tilespmem:$0x1E800] =	vst v63  }
0x20: {  	_ = 	snop  }
0x21: {  	[tilespmem:s16], [sflag:$0x2] =	stream.indirect.gather [hbm4b:s4+s14], $0x80, s14, s14, $0xb8;
	[tilespmem:$0x1E800] =	vst v63  }
0x22: {  	_ =	swait.ge [sflag:s17], $0x4000  }
0x23: {  	[sflag:s17] =	ssyncset.done $0x0  }
0x24: {  	s22 =	simm.s32 $0x1400;
	[sflag:s17] =	ssyncadd.s32 $0xFFFFC000  }
0x25: {  	[spmem:s2] =	stream.indirect.scatter.add.f32 [tilespmem:s15], [sflag:$0x3], $0x80, s22, s14, $0xb8;
	[tilespmem:$0x1E800] =	vst v63  }
0x26: {  	_ =	swait.ge [sflag:s12], $0x4000  }
0x27: {  	[sflag:s12] =	ssyncset.done $0x0  }
0x28: {  	s30 =	simm.s32 $0x100;
	[sflag:s12] =	ssyncadd.s32 $0xFFFFC000  }
0x29: {  	[tilespmem:s15], [sflag:$0x1] =	stream.indirect.gather [hbm4b:s4+s14], $0x80, s30, s14, $0xb8;
	[tilespmem:$0x1E800] =	vst v63  }
0x2a: {  	_ =	swait.ge [sflag:s18], $0x4000  }
0x2b: {  	[sflag:s18] =	ssyncset.done $0x0  }
0x2c: {  	s31 =	simm.s32 $0x1480;
	[sflag:s18] =	ssyncadd.s32 $0xFFFFC000  }
0x2d: {  	[spmem:s2] =	stream.indirect.scatter.add.f32 [tilespmem:s16], [sflag:$0x3], $0x80, s31, s14, $0xb8;
	[tilespmem:$0x1E800] =	vst v63  }
0x2e: {  	_ =	swait.ge [sflag:s12], $0x4000  }
0x2f: {  	[sflag:s12] =	ssyncset.done $0x0  }
0x30: {  	s23 =	simm.s32 $0x180;
	s22 =	simm.s32 $0x400;
	[sflag:s12] =	ssyncadd.s32 $0xFFFFC000  }
.LBB2_2:
0x31: {  	[tilespmem:s16], [sflag:$0x2] =	stream.indirect.gather [hbm4b:s4+s14], $0x80, s23, s14, $0xb8;
	[tilespmem:$0x1E800] =	vst v63  }
0x32: {  	s23 =	smov.u32 s22  }
0x33: {  	p0 =	sne.s32 s22, $0x4800;
	s22 =	sadd.s32 $0x400, s22;
	_ =	swait.ge [sflag:s17], $0x4000  }
0x34: {  	s23 =	sshra.s32 s23, $0x2;
	[sflag:s17] =	ssyncset.done $0x0  }
0x35: {  	s24 =	sadd.s32 $0x1400, s23;
	[sflag:s17] =	ssyncadd.s32 $0xFFFFC000  }
0x36: {  	[spmem:s2] =	stream.indirect.scatter.add.f32 [tilespmem:s15], [sflag:$0x3], $0x80, s24, s14, $0xb8;
	[tilespmem:$0x1E800] =	vst v63  }
0x37: {  	_ =	swait.ge [sflag:s12], $0x4000  }
0x38: {  	[sflag:s12] =	ssyncset.done $0x0  }
0x39: {  	s24 =	sadd.s32 $0x100, s23;
	[sflag:s12] =	ssyncadd.s32 $0xFFFFC000  }
0x3a: {  	[tilespmem:s15], [sflag:$0x1] =	stream.indirect.gather [hbm4b:s4+s14], $0x80, s24, s14, $0xb8;
	[tilespmem:$0x1E800] =	vst v63  }
0x3b: {  	_ =	swait.ge [sflag:s18], $0x4000  }
0x3c: {  	[sflag:s18] =	ssyncset.done $0x0  }
.Ltmp0:
0x3d: {  	s24 =	sadd.s32 $0x1480, s23;
	[sflag:s18] =	ssyncadd.s32 $0xFFFFC000;
	(pc) =	sbr.rel @p0 .LBB2_2-.Ltmp0, $4  }
0x3e: {  	[spmem:s2] =	stream.indirect.scatter.add.f32 [tilespmem:s16], [sflag:$0x3], $0x80, s24, s14, $0xb8;
	[tilespmem:$0x1E800] =	vst v63  }
0x3f: {  	_ =	swait.ge [sflag:s12], $0x4000  }
0x40: {  	[sflag:s12] =	ssyncset.done $0x0  }
0x41: {  	s23 =	sadd.s32 $0x180, s23;
	[sflag:s12] =	ssyncadd.s32 $0xFFFFC000  }
0x42: {  	[tilespmem:s16], [sflag:$0x2] =	stream.indirect.gather [hbm4b:s4+s14], $0x80, s23, s14, $0xb8;
	[tilespmem:$0x1E800] =	vst v63  }
0x43: {  	_ =	swait.ge [sflag:s17], $0x4000  }
0x44: {  	[sflag:s17] =	ssyncset.done $0x0  }
0x45: {  	[sflag:s17] =	ssyncadd.s32 $0xFFFFC000  }
0x46: {  	[spmem:s2] =	stream.indirect.scatter.add.f32 [tilespmem:s15], [sflag:$0x3], $0x80, s19, s14, $0xb8;
	[tilespmem:$0x1E800] =	vst v63  }
0x47: {  	_ =	swait.ge [sflag:s12], $0x4000  }
0x48: {  	[sflag:s12] =	ssyncset.done $0x0  }
0x49: {  	[sflag:s12] =	ssyncadd.s32 $0xFFFFC000  }
0x4a: {  	_ =	swait.ge [sflag:s18], $0x4000  }
0x4b: {  	[sflag:s18] =	ssyncset.done $0x0  }
0x4c: {  	[sflag:s18] =	ssyncadd.s32 $0xFFFFC000  }
0x4d: {  	[spmem:s2] =	stream.indirect.scatter.add.f32 [tilespmem:s16], [sflag:$0x3], $0x80, s20, s14, $0xb8;
	[tilespmem:$0x1E800] =	vst v63  }
0x4e: {  	_ =	swait.ge [sflag:s12], $0x4000  }
0x4f: {  	s21 =	sadd.s32 $0x1, s21;
	[sflag:s12] =	ssyncset.done $0x0  }
0x50: {  	p0 =	sne.s32 s21, s10;
	[sflag:s12] =	ssyncadd.s32 $0xFFFFC000  }
.Ltmp1:
0x51: {  	[bflag:$0x0] =	sbarrier.arrive $0xFFFF;
	(pc) =	sbr.rel @p0 .LBB2_1-.Ltmp1, $4  }
0x52: {  	[hbm:s9], [sflag:s6] =	dma.local [spmem:s11], $0x2800  }
0x53: {  	_ =	swait.ge [sflag:s12], $0x2800  }
0x54: {  	[sflag:s12] =	ssyncset.done $0x0  }
0x55: {  	[sflag:s12] =	ssyncadd.s32 $0xFFFFD800  }
0x56: {  	_ =	sfence.sel $0x180000  }
0x57: {  	[bflag:$0x0] =	sbarrier.arrive $0xFFFF  }
0x58: {  	p0 =	sne.s32 s0, $0x0;
	_ =	strace $0x90000053  }
0x59: {  	s0 =	sadd.s32 @!p0 $0x100000, s1;
	[bflag:$0x2] =	sbarrier.arrive $0xFFFF  }
0x5a: {  	[sflag:s0] =	ssyncadd.tile.s32 @!p0 $0x1;
	_ =	shalt  }
.Lfunc_end2:
_tile_overlayer_lowered:
.L_overlay_start_2:
0x5b: {  	(tag) =	ssettag $0x2  }
0x5c: {  	s0 =	rddreg [dreg:$0x0];
	s2 =	stileid.u32  }
0x5d: {  	s1 =	rddreg [dreg:$0x1];
	p0 =	sne.s32 s2, $0x0  }
0x5e: {  	s3 =	rddreg [dreg:$0x2];
	[bflag:$0x3] =	sbarrier.arrive $0xFFFF;
	s2 =	simm.s32 @!p0 $0x1C03  }
0x5f: {  	[timem:s3], [sflag:s2] =	dma.local @!p0 [hbm:s0], s1  }
0x60: {  	s0 =	simm.s32 @!p0 $0x3  }
0x61: {  	_ =	swait.ge @!p0 [sflag:s0], s1  }
0x62: {  	s1 =	ssub.s32 @!p0 $0x0, s1;
	[sflag:s0] =	ssyncset.done @!p0 $0x0  }
0x63: {  	[sflag:s0] =	ssyncadd.s32 @!p0 s1  }
0x64: {  	[bflag:$0x3] =	sbarrier.arrive $0xFFFF  }
0x65: {  	_ =	shalt  }

// kernel: kernel.28.cloned.1.call-start
scs
__scs_entry_jumppad:
0x0: {  	(pc) =	sbr.rel $0x88, $3  }
0x1: {  	(tag) =	ssettag $0x0;
	lr =	simm.s32 $0x1  }
0x2: {  	[smem:$0x3F94] =	sst lr;
	_ =	strace $0xD0000000  }
0x3: {  	_ = 	snop  }
0x4: {  	_ = 	snop  }
0x5: {  	_ = 	snop  }
0x6: {  	_ = 	snop  }
0x7: {  	_ = 	snop  }
__scs_overlays_trampoline_lowered:
0x8: {  	[smem:$0x3FA3] =	sst s0  }
0x9: {  	[smem:$0x3FA4] =	sst s1  }
0xa: {  	[smem:$0x3FA5] =	sst s2  }
0xb: {  	[smem:$0x3FA6] =	sst s3  }
0xc: {  	[smem:$0x3FA7] =	sst s4  }
0xd: {  	[smem:$0x3FA8] =	sst s5  }
0xe: {  	[smem:$0x3FA9] =	sst s6  }
0xf: {  	[smem:$0x3FAA] =	sst s7  }
0x10: {  	[smem:$0x3FAB] =	sst s8  }
0x11: {  	[smem:$0x3FAC] =	sst s9;
	s0 =	simm.s32 @!p0 $0x0  }
0x12: {  	s1 =	sld [smem:$0x3F92];
	s0 =	simm.s32 @p0 $0x1  }
0x13: {  	[smem:$0x3FAD] =	sst s0;
	s0 =	simm.s32 @!p1 $0x0  }
0x14: {  	s2 =	sld [smem:$0x3F91];
	s0 =	simm.s32 @p1 $0x1  }
0x15: {  	[smem:$0x3FAE] =	sst s0;
	s0 =	simm.s32 @!p2 $0x0  }
0x16: {  	s3 =	sld [smem:$0x3FDB];
	s0 =	simm.s32 @p2 $0x1  }
0x17: {  	s4 =	simm.s32 $0x1BF5;
	[smem:$0x3FB0] =	sst s0  }
0x18: {  	s0 =	sld [smem:$0x3F93];
	_ =	swait.ge [sflag:s4], $0x0  }
0x19: {  	s7 =	sld [smem:$0x3F94]  }
0x1a: {  	s8 =	sadd.s32 $0xFFFFE003, lr  }
0x1b: {  	s9 =	sadd.s32 $0xFFFFFEF7, lr;
	s5 =	simm.s32 $0xFFFFFFFF;
	p2 =	slt.u32 s8, $0xFFFFF086  }
0x1c: {  	p1 =	slt.u32 s9, $0xF7A;
	s5 =	simm.s32 @!p2 $0x0  }
0x1d: {  	s5 =	simm.s32 @p1 $0x1;
	p0 =	seq.s32 s7, s2  }
0x1e: {  	s7 =	smul.u32 @!p0 $0xF7A, s2;
	p2 =	seq.s32 @!p0 s5, $0x0  }
0x1f: {  	s9 =	smul.u32 $0xF7A, s1;
	s8 =	simm.s32 @!p0 $0x1BF5;
	p2 =	por !p2, p0  }
0x20: {  	[sflag:s8] =	ssyncset.s32 @!p0 $0xFFFFF086;
	s6 =	sadd.s32 @!p0 s3, s7;
	s7 =	simm.s32 @!p0 $0x108  }
0x21: {  	s3 =	sadd.s32 s3, s9;
	s6 =	sadd.s32 @!p0 $0x88, s6;
	s7 =	simm.s32 @p2 $0x1082  }
0x22: {  	[simem:s7], [sflag:s8] =	dma.local @!p0 [hbm:s6], $0xF7A  }
0x23: {  	s9 =	sor.u32 $0xD0000000, s2;
	s6 =	simm.s32 $0x108;
	_ =	swait.ge @!p0 [sflag:s8], $0x0  }
0x24: {  	s3 =	sadd.s32 $0x88, s3;
	s6 =	simm.s32 @!p1 $0x1082;
	[sflag:s4] =	ssyncset.s32 $0xFFFFF086  }
0x25: {  	[simem:s6], [sflag:s4] =	dma.local [hbm:s3], $0xF7A  }
0x26: {  	[smem:$0x3F94] =	sst s1;
	(tag) =	ssettag s2;
	_ =	strace s9  }
0x27: {  	s1 =	sld [smem:$0x3FA4]  }
0x28: {  	s2 =	sld [smem:$0x3FA5]  }
0x29: {  	s4 =	sld [smem:$0x3FA7]  }
0x2a: {  	p0 =	seq.s32 s5, $0x0;
	s5 =	sld [smem:$0x3FA8]  }
0x2b: {  	s6 =	sld [smem:$0x3FA9]  }
0x2c: {  	s7 =	sld [smem:$0x3FAA]  }
0x2d: {  	s3 =	simm.s32 $0x108;
	s8 =	sld [smem:$0x3FAB]  }
0x2e: {  	s3 =	simm.s32 @!p0 $0x1082;
	s9 =	sld [smem:$0x3FAC]  }
0x2f: {  	lr =	sadd.s32 s0, s3;
	s0 =	sld [smem:$0x3FA3]  }
0x30: {  	s3 =	sld [smem:$0x3FA6]  }
0x31: {  	[smem:$0x3FAF] =	sst s10  }
0x32: {  	s10 =	sld [smem:$0x3FAD];
	_ =	sdelay $0x3  }
0x33: {  	p0 =	seq.s32 s10, $0x1;
	s10 =	sld [smem:$0x3FAF];
	_ =	sdelay $0x3  }
0x34: {  	[smem:$0x3FAF] =	sst s10  }
0x35: {  	s10 =	sld [smem:$0x3FAE];
	_ =	sdelay $0x3  }
0x36: {  	p1 =	seq.s32 s10, $0x1;
	s10 =	sld [smem:$0x3FAF];
	_ =	sdelay $0x3  }
0x37: {  	[smem:$0x3FAF] =	sst s10  }
0x38: {  	s10 =	sld [smem:$0x3FB0]  }
0x39: {  	_ = 	snop;
	(pc) =	sbr.ind lr, $3  }
0x3a: {  	_ = 	snop  }
0x3b: {  	_ = 	snop  }
0x3c: {  	p2 =	seq.s32 s10, $0x1;
	s10 =	sld [smem:$0x3FAF]  }
0x3d: {  	_ =	shalt  }
0x3e: {  	_ =	shalt  }
0x3f: {  	_ =	shalt  }
0x40: {  	_ =	shalt  }
0x41: {  	_ =	shalt  }
0x42: {  	_ =	shalt  }
0x43: {  	_ =	shalt  }
0x44: {  	_ =	shalt  }
0x45: {  	_ =	shalt  }
0x46: {  	_ =	shalt  }
0x47: {  	_ =	shalt  }
0x48: {  	_ =	shalt  }
0x49: {  	_ =	shalt  }
0x4a: {  	_ =	shalt  }
0x4b: {  	_ =	shalt  }
0x4c: {  	_ =	shalt  }
0x4d: {  	_ =	shalt  }
0x4e: {  	_ =	shalt  }
0x4f: {  	_ =	shalt  }
0x50: {  	_ =	shalt  }
0x51: {  	_ =	shalt  }
0x52: {  	_ =	shalt  }
0x53: {  	_ =	shalt  }
0x54: {  	_ =	shalt  }
0x55: {  	_ =	shalt  }
0x56: {  	_ =	shalt  }
0x57: {  	_ =	shalt  }
0x58: {  	_ =	shalt  }
0x59: {  	_ =	shalt  }
0x5a: {  	_ =	shalt  }
0x5b: {  	_ =	shalt  }
0x5c: {  	_ =	shalt  }
0x5d: {  	_ =	shalt  }
0x5e: {  	_ =	shalt  }
0x5f: {  	_ =	shalt  }
0x60: {  	_ =	shalt  }
0x61: {  	_ =	shalt  }
0x62: {  	_ =	shalt  }
0x63: {  	_ =	shalt  }
0x64: {  	_ =	shalt  }
0x65: {  	_ =	shalt  }
0x66: {  	_ =	shalt  }
0x67: {  	_ =	shalt  }
0x68: {  	_ =	shalt  }
0x69: {  	_ =	shalt  }
0x6a: {  	_ =	shalt  }
0x6b: {  	_ =	shalt  }
0x6c: {  	_ =	shalt  }
0x6d: {  	_ =	shalt  }
0x6e: {  	_ =	shalt  }
0x6f: {  	_ =	shalt  }
0x70: {  	_ =	shalt  }
0x71: {  	_ =	shalt  }
0x72: {  	_ =	shalt  }
0x73: {  	_ =	shalt  }
0x74: {  	_ =	shalt  }
0x75: {  	_ =	shalt  }
0x76: {  	_ =	shalt  }
0x77: {  	_ =	shalt  }
0x78: {  	_ =	shalt  }
0x79: {  	_ =	shalt  }
0x7a: {  	_ =	shalt  }
0x7b: {  	_ =	shalt  }
0x7c: {  	_ =	shalt  }
0x7d: {  	_ =	shalt  }
0x7e: {  	_ =	shalt  }
0x7f: {  	_ =	shalt  }
0x80: {  	_ =	shalt  }
0x81: {  	_ =	shalt  }
0x82: {  	_ =	shalt  }
0x83: {  	_ =	shalt  }
0x84: {  	_ =	shalt  }
0x85: {  	_ =	shalt  }
0x86: {  	_ =	shalt  }
0x87: {  	_ =	shalt  }
.Lfunc_end0:
.L_simem_size_0:
called_computation.5_lowered:
.L_overlay_start_0:
0x88: {  	s2 =	sld [smem:$0x3FD9]  }
0x89: {  	s3 =	sld [smem:$0x3FFE];
	_ =	sdelay $0x1  }
0x8a: {  	s1 =	srdreg.scid  }
0x8b: {  	s0 =	sand.u32 $0x1, s1  }
0x8c: {  	s14 =	sshll.u32 s0, $0xA;
	s2 =	sadd.s32 s3, s2  }
0x8d: {  	s2 =	sadd.s32 s2, s14  }
0x8e: {  	[smem:$0x3FBB] =	sst s2  }
0x8f: {  	_ = 	snop  }
0x90: {  	s2 =	sld [smem:$0x3FD0];
	_ =	sdelay $0x2  }
0x91: {  	s15 =	simm.s32 $0xA;
	s4 =	simm.s32 $0x10  }
0x92: {  	[smem:s4], [sflag:s15] =	dma.local [hbm:s2], $0x1  }
0x93: {  	_ =	swait.eq [sflag:s15], $0x1  }
0x94: {  	[sflag:s15] =	ssyncset.done $0x0  }
0x95: {  	[sflag:s15] =	ssyncadd.s32 $0xFFFFFFFF  }
0x96: {  	s16 =	sld [smem:$0x10];
	(tm) =	ssettm $0x1  }
0x97: {  	s17 =	sld [smem:$0x3FFB];
	_ =	sdelay $0x3  }
0x98: {  	_ =	strace s17  }
0x99: {  	s3 =	sld [smem:$0x3FFC];
	_ =	sdelay $0x3  }
0x9a: {  	_ =	strace s3  }
0x9b: {  	s3 =	sld [smem:$0x3FFD];
	_ =	sdelay $0x3  }
0x9c: {  	_ =	strace s3  }
0x9d: {  	_ =	strace $0x8FFFFFFF  }
0x9e: {  	s18 =	sld [smem:$0x3FDB];
	_ =	sdelay $0x1  }
0x9f: {  	s19 =	simm.s32 $_scs_section_size  }
0xa0: {  	s5 =	simm.s32 $_size__tile_overlayer_lowered;
	s6 =	simm.s32 $_tile_overlayer_lowered  }
0xa1: {  	s22 =	simm.s32 $0x1BFF;
	s21 =	sshll.u32 s6, $0x1;
	s3 =	sadd.s32 s19, s18  }
0xa2: {  	s7 =	simm.s32 $0x0;
	s20 =	sshll.u32 s5, $0x1;
	s5 =	sadd.s32 s21, s3  }
0xa3: {  	[timem:s7], [sflag:s22] =	dma.local [hbm:s5], s20  }
0xa4: {  	_ =	swait.ge [sflag:s22], s20  }
0xa5: {  	s4 =	ssub.s32 $0x0, s20;
	[sflag:s22] =	ssyncset.done $0x0  }
0xa6: {  	[sflag:s22] =	ssyncadd.s32 s4;
	_ =	sdelay $0x1  }
0xa7: {  	s23 =	simm.s32 $0x1B8B  }
0xa8: {  	_ =	swait.ge [sflag:s23], $0x1  }
0xa9: {  	[sflag:s23] =	ssyncset.done $0x0  }
0xaa: {  	s25 =	simm.s32 $0x1B8E;
	s24 =	sld [smem:$0x3FFE];
	[sflag:s23] =	ssyncadd.s32 $0xFFFFFFFF  }
0xab: {  	s26 =	simm.s32 $execute0_lowered;
	[smem:$0x3FD2] =	sst s25  }
0xac: {  	s5 =	sshll.u32 s26, $0x1;
	_ =	strace $0x80000055;
	[dreg:$0x1] =	wrdreg $0xFFFFFFFF  }
0xad: {  	s28 =	simm.s32 $_size_execute0_lowered;
	s3 =	sadd.s32 s3, s5;
	[dreg:$0x0] =	wrdreg $0x0  }
0xae: {  	s5 =	sshll.u32 s28, $0x1;
	[dreg:$0x2] =	wrdreg s3  }
0xaf: {  	[dreg:$0x3] =	wrdreg s5  }
0xb0: {  	[dreg:$0x4] =	wrdreg $0xC0  }
0xb1: {  	_ =	task [dreg:s7], $0x5FFFF  }
0xb2: {  	[dreg:$0x1] =	wrdreg $0xFFFFFFFF  }
0xb3: {  	[dreg:$0x0] =	wrdreg $0x60  }
0xb4: {  	[dreg:$0x2] =	wrdreg s24  }
0xb5: {  	[dreg:$0x3] =	wrdreg s16  }
0xb6: {  	[dreg:$0x4] =	wrdreg $0xA8000  }
0xb7: {  	[dreg:$0x5] =	wrdreg $0x9  }
0xb8: {  	_ =	task.clear_ibuf [dreg:s7], $0x6FFFF;
	_ =	strace $0x90000055  }
0xb9: {  	s29 =	simm.s32 $0x9;
	_ =	strace $0x80000057  }
0xba: {  	_ =	swait.ge [sflag:s29], $0x1  }
0xbb: {  	[sflag:s29] =	ssyncadd.s32 $0xFFFFFFFF  }
0xbc: {  	_ =	strace $0x90000057  }
0xbd: {  	_ =	sfence  }
0xbe: {  	s30 =	sld [smem:$0x0];
	_ =	sdelay $0x2  }
0xbf: {  	s31 =	sshll.u32 s1, $0xD;
	s1 =	sshrl.u32 s1, $0x2  }
0xc0: {  	s3 =	sand.u32 $0x4000, s31;
	s1 =	sadd.s32 s1, s30  }
0xc1: {  	s0 =	sor.u32 s3, s0;
	s1 =	sshll.u32 s1, $0x11  }
0xc2: {  	s0 =	sor.u32 s1, s0  }
0xc3: {  	s0 =	sadd.s32 $0x8F2B, s0  }
0xc4: {  	[sflag:s0] =	ssyncadd.remote.s32 $0x1  }
0xc5: {  	_ =	sfence.sel $0xFFFF  }
0xc6: {  	[dreg:$0x0] =	wrdreg $0xFFFFFFFF;
	(pc) =	sbr.abs _section_cstart, $3  }
0xc7: {  	[dreg:$0x1] =	wrdreg $0xFFFFFFFF  }
0xc8: {  	_ =	task.clear_ibuf [dreg:s7], $0x2FFFF;
	_ =	strace $0x9FFFFFFF  }
0xc9: {  	(tm) =	ssettm $0x7FFFFFFF  }
tec
execute0_lowered:
.L_overlay_start_1:
0x0: {  	(tag) =	ssettag $0x1  }
0x1: {  	s6 =	rddreg [dreg:$0x0]  }
0x2: {  	s8 =	rddreg [dreg:$0x1]  }
0x3: {  	s0 =	srdreg.scid;
	s2 =	rddreg [dreg:$0x2]  }
0x4: {  	s3 =	simm.s32 $0x0;
	s14 =	simm.s32 $0x80;
	s15 =	simm.s32 $0x2800  }
0x5: {  	s16 =	simm.s32 $0x6800;
	s17 =	simm.s32 $0x1;
	s18 =	simm.s32 $0x2  }
0x6: {  	s19 =	simm.s32 $0x2700;
	s5 =	sand.u32 $0x1, s0;
	s0 =	stileid.u32  }
0x7: {  	s20 =	simm.s32 $0x2780;
	s21 =	simm.s32 $0x0;
	s9 =	smul.u32 $0x280, s0  }
0x8: {  	[smem:$0x7FF] =	sst s3;
	s4 =	sadd.s32 $0x16C400, s6;
	s10 =	smul.u32 $0x2800, s5  }
0x9: {  	s1 =	sshll.u32 s5, $0x4;
	s11 =	smul.u32 $0x2800, s0;
	s5 =	ssub.s32 $0x2, s5  }
0xa: {  	s12 =	smul.u32 $0x50000, s0;
	s31 =	sshll.u32 s0, $0x6;
	s1 =	sor.u32 s0, s1  }
0xb: {  	s29 =	sshrl.u32 s5, $0x1;
	s7 =	smul.u32 $0x280, s1;
	s1 =	rddreg [dreg:$0x3]  }
0xc: {  	_ =	strace $0x80000056;
	s10 =	sadd.s32 s9, s10;
	s11 =	sadd.s32 s11, s6  }
0xd: {  	s13 =	ssub.s32 s5, s29;
	s30 =	sshrl.u32 s12, $0x2;
	s8 =	sadd.s32 s8, s9  }
0xe: {  	s10 =	sshll.u32 s10, $0x4;
	s12 =	sadd.s32 s30, s2;
	s5 =	sadd.s32 $0x4400, s11  }
0xf: {  	s7 =	sadd.s32 s7, s6;
	s10 =	sadd.s32 s10, s6;
	s6 =	sor.u32 $0x1C03, s31  }
0x10: {  	s11 =	sshrl.u32 s12, $0x3;
	s12 =	simm.s32 $0x3;
	s7 =	sadd.s32 $0x1BC400, s7  }
0x11: {  	s9 =	sadd.s32 $0x211400, s10;
	s10 =	smax.u32 s13, $0x1;
	s13 =	simm.s32 $0x1400  }
.LBB2_1:
0x12: {  	[spmem:s11], [sflag:s6] =	dma.local [hbm:s5], $0x2800  }
0x13: {  	_ =	swait.ge [sflag:s12], $0x2800  }
0x14: {  	[sflag:s12] =	ssyncset.done $0x0  }
0x15: {  	[sflag:s12] =	ssyncadd.s32 $0xFFFFD800  }
0x16: {  	[tilespmem:s3], [sflag:$0x3] =	stream.linear.gather [hbm4b:s7+s3], $0x1400, $0x38;
	[tilespmem:$0x1E800] =	vst v63  }
0x17: {  	_ =	swait.ge [sflag:s12], $0x1400  }
0x18: {  	[sflag:s12] =	ssyncset.done $0x0  }
0x19: {  	[sflag:s12] =	ssyncadd.s32 $0xFFFFEC00  }
0x1a: {  	[tilespmem:s13], [sflag:$0x3] =	stream.linear.gather [hbm4b:s8+s3], $0x1400, $0x38;
	[tilespmem:$0x1E800] =	vst v63  }
0x1b: {  	_ =	swait.ge [sflag:s12], $0x1400  }
0x1c: {  	[sflag:s12] =	ssyncset.done $0x0  }
0x1d: {  	[sflag:s12] =	ssyncadd.s32 $0xFFFFEC00  }
0x1e: {  	[bflag:$0x0] =	sbarrier.arrive $0xFFFF  }
0x1f: {  	[tilespmem:s15], [sflag:$0x1] =	stream.indirect.gather [hbm4b:s4+s14], $0x80, s3, s14, $0xb8;
	[tilespmem:$0x1E800] =	vst v63  }
0x20: {  	_ = 	snop  }
0x21: {  	[tilespmem:s16], [sflag:$0x2] =	stream.indirect.gather [hbm4b:s4+s14], $0x80, s14, s14, $0xb8;
	[tilespmem:$0x1E800] =	vst v63  }
0x22: {  	_ =	swait.ge [sflag:s17], $0x4000  }
0x23: {  	[sflag:s17] =	ssyncset.done $0x0  }
0x24: {  	s22 =	simm.s32 $0x1400;
	[sflag:s17] =	ssyncadd.s32 $0xFFFFC000  }
0x25: {  	[spmem:s2] =	stream.indirect.scatter.add.f32 [tilespmem:s15], [sflag:$0x3], $0x80, s22, s14, $0xb8;
	[tilespmem:$0x1E800] =	vst v63  }
0x26: {  	_ =	swait.ge [sflag:s12], $0x4000  }
0x27: {  	[sflag:s12] =	ssyncset.done $0x0  }
0x28: {  	s30 =	simm.s32 $0x100;
	[sflag:s12] =	ssyncadd.s32 $0xFFFFC000  }
0x29: {  	[tilespmem:s15], [sflag:$0x1] =	stream.indirect.gather [hbm4b:s4+s14], $0x80, s30, s14, $0xb8;
	[tilespmem:$0x1E800] =	vst v63  }
0x2a: {  	_ =	swait.ge [sflag:s18], $0x4000  }
0x2b: {  	[sflag:s18] =	ssyncset.done $0x0  }
0x2c: {  	s31 =	simm.s32 $0x1480;
	[sflag:s18] =	ssyncadd.s32 $0xFFFFC000  }
0x2d: {  	[spmem:s2] =	stream.indirect.scatter.add.f32 [tilespmem:s16], [sflag:$0x3], $0x80, s31, s14, $0xb8;
	[tilespmem:$0x1E800] =	vst v63  }
0x2e: {  	_ =	swait.ge [sflag:s12], $0x4000  }
0x2f: {  	[sflag:s12] =	ssyncset.done $0x0  }
0x30: {  	s23 =	simm.s32 $0x180;
	s22 =	simm.s32 $0x400;
	[sflag:s12] =	ssyncadd.s32 $0xFFFFC000  }
.LBB2_2:
0x31: {  	[tilespmem:s16], [sflag:$0x2] =	stream.indirect.gather [hbm4b:s4+s14], $0x80, s23, s14, $0xb8;
	[tilespmem:$0x1E800] =	vst v63  }
0x32: {  	s23 =	smov.u32 s22  }
0x33: {  	p0 =	sne.s32 s22, $0x4800;
	s22 =	sadd.s32 $0x400, s22;
	_ =	swait.ge [sflag:s17], $0x4000  }
0x34: {  	s23 =	sshra.s32 s23, $0x2;
	[sflag:s17] =	ssyncset.done $0x0  }
0x35: {  	s24 =	sadd.s32 $0x1400, s23;
	[sflag:s17] =	ssyncadd.s32 $0xFFFFC000  }
0x36: {  	[spmem:s2] =	stream.indirect.scatter.add.f32 [tilespmem:s15], [sflag:$0x3], $0x80, s24, s14, $0xb8;
	[tilespmem:$0x1E800] =	vst v63  }
0x37: {  	_ =	swait.ge [sflag:s12], $0x4000  }
0x38: {  	[sflag:s12] =	ssyncset.done $0x0  }
0x39: {  	s24 =	sadd.s32 $0x100, s23;
	[sflag:s12] =	ssyncadd.s32 $0xFFFFC000  }
0x3a: {  	[tilespmem:s15], [sflag:$0x1] =	stream.indirect.gather [hbm4b:s4+s14], $0x80, s24, s14, $0xb8;
	[tilespmem:$0x1E800] =	vst v63  }
0x3b: {  	_ =	swait.ge [sflag:s18], $0x4000  }
0x3c: {  	[sflag:s18] =	ssyncset.done $0x0  }
.Ltmp0:
0x3d: {  	s24 =	sadd.s32 $0x1480, s23;
	[sflag:s18] =	ssyncadd.s32 $0xFFFFC000;
	(pc) =	sbr.rel @p0 .LBB2_2-.Ltmp0, $4  }
0x3e: {  	[spmem:s2] =	stream.indirect.scatter.add.f32 [tilespmem:s16], [sflag:$0x3], $0x80, s24, s14, $0xb8;
	[tilespmem:$0x1E800] =	vst v63  }
0x3f: {  	_ =	swait.ge [sflag:s12], $0x4000  }
0x40: {  	[sflag:s12] =	ssyncset.done $0x0  }
0x41: {  	s23 =	sadd.s32 $0x180, s23;
	[sflag:s12] =	ssyncadd.s32 $0xFFFFC000  }
0x42: {  	[tilespmem:s16], [sflag:$0x2] =	stream.indirect.gather [hbm4b:s4+s14], $0x80, s23, s14, $0xb8;
	[tilespmem:$0x1E800] =	vst v63  }
0x43: {  	_ =	swait.ge [sflag:s17], $0x4000  }
0x44: {  	[sflag:s17] =	ssyncset.done $0x0  }
0x45: {  	[sflag:s17] =	ssyncadd.s32 $0xFFFFC000  }
0x46: {  	[spmem:s2] =	stream.indirect.scatter.add.f32 [tilespmem:s15], [sflag:$0x3], $0x80, s19, s14, $0xb8;
	[tilespmem:$0x1E800] =	vst v63  }
0x47: {  	_ =	swait.ge [sflag:s12], $0x4000  }
0x48: {  	[sflag:s12] =	ssyncset.done $0x0  }
0x49: {  	[sflag:s12] =	ssyncadd.s32 $0xFFFFC000  }
0x4a: {  	_ =	swait.ge [sflag:s18], $0x4000  }
0x4b: {  	[sflag:s18] =	ssyncset.done $0x0  }
0x4c: {  	[sflag:s18] =	ssyncadd.s32 $0xFFFFC000  }
0x4d: {  	[spmem:s2] =	stream.indirect.scatter.add.f32 [tilespmem:s16], [sflag:$0x3], $0x80, s20, s14, $0xb8;
	[tilespmem:$0x1E800] =	vst v63  }
0x4e: {  	_ =	swait.ge [sflag:s12], $0x4000  }
0x4f: {  	s21 =	sadd.s32 $0x1, s21;
	[sflag:s12] =	ssyncset.done $0x0  }
0x50: {  	p0 =	sne.s32 s21, s10;
	[sflag:s12] =	ssyncadd.s32 $0xFFFFC000  }
.Ltmp1:
0x51: {  	[bflag:$0x0] =	sbarrier.arrive $0xFFFF;
	(pc) =	sbr.rel @p0 .LBB2_1-.Ltmp1, $4  }
0x52: {  	[hbm:s9], [sflag:s6] =	dma.local [spmem:s11], $0x2800  }
0x53: {  	_ =	swait.ge [sflag:s12], $0x2800  }
0x54: {  	[sflag:s12] =	ssyncset.done $0x0  }
0x55: {  	[sflag:s12] =	ssyncadd.s32 $0xFFFFD800  }
0x56: {  	_ =	sfence.sel $0x180000  }
0x57: {  	[bflag:$0x0] =	sbarrier.arrive $0xFFFF  }
0x58: {  	p0 =	sne.s32 s0, $0x0;
	_ =	strace $0x90000056  }
0x59: {  	s0 =	sadd.s32 @!p0 $0x100000, s1;
	[bflag:$0x2] =	sbarrier.arrive $0xFFFF  }
0x5a: {  	[sflag:s0] =	ssyncadd.tile.s32 @!p0 $0x1;
	_ =	shalt  }
.Lfunc_end2:
_tile_overlayer_lowered:
.L_overlay_start_2:
0x5b: {  	(tag) =	ssettag $0x2  }
0x5c: {  	s0 =	rddreg [dreg:$0x0];
	s2 =	stileid.u32  }
0x5d: {  	s1 =	rddreg [dreg:$0x1];
	p0 =	sne.s32 s2, $0x0  }
0x5e: {  	s3 =	rddreg [dreg:$0x2];
	[bflag:$0x3] =	sbarrier.arrive $0xFFFF;
	s2 =	simm.s32 @!p0 $0x1C03  }
0x5f: {  	[timem:s3], [sflag:s2] =	dma.local @!p0 [hbm:s0], s1  }
0x60: {  	s0 =	simm.s32 @!p0 $0x3  }
0x61: {  	_ =	swait.ge @!p0 [sflag:s0], s1  }
0x62: {  	s1 =	ssub.s32 @!p0 $0x0, s1;
	[sflag:s0] =	ssyncset.done @!p0 $0x0  }
0x63: {  	[sflag:s0] =	ssyncadd.s32 @!p0 s1  }
0x64: {  	[bflag:$0x3] =	sbarrier.arrive $0xFFFF  }
0x65: {  	_ =	shalt  }

// kernel: kernel.31.cloned.1.call-start
scs
__scs_entry_jumppad:
0x0: {  	(pc) =	sbr.rel $0x88, $3  }
0x1: {  	(tag) =	ssettag $0x0;
	lr =	simm.s32 $0x1  }
0x2: {  	[smem:$0x3F94] =	sst lr;
	_ =	strace $0xD0000000  }
0x3: {  	_ = 	snop  }
0x4: {  	_ = 	snop  }
0x5: {  	_ = 	snop  }
0x6: {  	_ = 	snop  }
0x7: {  	_ = 	snop  }
__scs_overlays_trampoline_lowered:
0x8: {  	[smem:$0x3FA3] =	sst s0  }
0x9: {  	[smem:$0x3FA4] =	sst s1  }
0xa: {  	[smem:$0x3FA5] =	sst s2  }
0xb: {  	[smem:$0x3FA6] =	sst s3  }
0xc: {  	[smem:$0x3FA7] =	sst s4  }
0xd: {  	[smem:$0x3FA8] =	sst s5  }
0xe: {  	[smem:$0x3FA9] =	sst s6  }
0xf: {  	[smem:$0x3FAA] =	sst s7  }
0x10: {  	[smem:$0x3FAB] =	sst s8  }
0x11: {  	[smem:$0x3FAC] =	sst s9;
	s0 =	simm.s32 @!p0 $0x0  }
0x12: {  	s1 =	sld [smem:$0x3F92];
	s0 =	simm.s32 @p0 $0x1  }
0x13: {  	[smem:$0x3FAD] =	sst s0;
	s0 =	simm.s32 @!p1 $0x0  }
0x14: {  	s2 =	sld [smem:$0x3F91];
	s0 =	simm.s32 @p1 $0x1  }
0x15: {  	[smem:$0x3FAE] =	sst s0;
	s0 =	simm.s32 @!p2 $0x0  }
0x16: {  	s3 =	sld [smem:$0x3FDB];
	s0 =	simm.s32 @p2 $0x1  }
0x17: {  	s4 =	simm.s32 $0x1BF5;
	[smem:$0x3FB0] =	sst s0  }
0x18: {  	s0 =	sld [smem:$0x3F93];
	_ =	swait.ge [sflag:s4], $0x0  }
0x19: {  	s7 =	sld [smem:$0x3F94]  }
0x1a: {  	s8 =	sadd.s32 $0xFFFFE003, lr  }
0x1b: {  	s9 =	sadd.s32 $0xFFFFFEF7, lr;
	s5 =	simm.s32 $0xFFFFFFFF;
	p2 =	slt.u32 s8, $0xFFFFF086  }
0x1c: {  	p1 =	slt.u32 s9, $0xF7A;
	s5 =	simm.s32 @!p2 $0x0  }
0x1d: {  	s5 =	simm.s32 @p1 $0x1;
	p0 =	seq.s32 s7, s2  }
0x1e: {  	s7 =	smul.u32 @!p0 $0xF7A, s2;
	p2 =	seq.s32 @!p0 s5, $0x0  }
0x1f: {  	s9 =	smul.u32 $0xF7A, s1;
	s8 =	simm.s32 @!p0 $0x1BF5;
	p2 =	por !p2, p0  }
0x20: {  	[sflag:s8] =	ssyncset.s32 @!p0 $0xFFFFF086;
	s6 =	sadd.s32 @!p0 s3, s7;
	s7 =	simm.s32 @!p0 $0x108  }
0x21: {  	s3 =	sadd.s32 s3, s9;
	s6 =	sadd.s32 @!p0 $0x88, s6;
	s7 =	simm.s32 @p2 $0x1082  }
0x22: {  	[simem:s7], [sflag:s8] =	dma.local @!p0 [hbm:s6], $0xF7A  }
0x23: {  	s9 =	sor.u32 $0xD0000000, s2;
	s6 =	simm.s32 $0x108;
	_ =	swait.ge @!p0 [sflag:s8], $0x0  }
0x24: {  	s3 =	sadd.s32 $0x88, s3;
	s6 =	simm.s32 @!p1 $0x1082;
	[sflag:s4] =	ssyncset.s32 $0xFFFFF086  }
0x25: {  	[simem:s6], [sflag:s4] =	dma.local [hbm:s3], $0xF7A  }
0x26: {  	[smem:$0x3F94] =	sst s1;
	(tag) =	ssettag s2;
	_ =	strace s9  }
0x27: {  	s1 =	sld [smem:$0x3FA4]  }
0x28: {  	s2 =	sld [smem:$0x3FA5]  }
0x29: {  	s4 =	sld [smem:$0x3FA7]  }
0x2a: {  	p0 =	seq.s32 s5, $0x0;
	s5 =	sld [smem:$0x3FA8]  }
0x2b: {  	s6 =	sld [smem:$0x3FA9]  }
0x2c: {  	s7 =	sld [smem:$0x3FAA]  }
0x2d: {  	s3 =	simm.s32 $0x108;
	s8 =	sld [smem:$0x3FAB]  }
0x2e: {  	s3 =	simm.s32 @!p0 $0x1082;
	s9 =	sld [smem:$0x3FAC]  }
0x2f: {  	lr =	sadd.s32 s0, s3;
	s0 =	sld [smem:$0x3FA3]  }
0x30: {  	s3 =	sld [smem:$0x3FA6]  }
0x31: {  	[smem:$0x3FAF] =	sst s10  }
0x32: {  	s10 =	sld [smem:$0x3FAD];
	_ =	sdelay $0x3  }
0x33: {  	p0 =	seq.s32 s10, $0x1;
	s10 =	sld [smem:$0x3FAF];
	_ =	sdelay $0x3  }
0x34: {  	[smem:$0x3FAF] =	sst s10  }
0x35: {  	s10 =	sld [smem:$0x3FAE];
	_ =	sdelay $0x3  }
0x36: {  	p1 =	seq.s32 s10, $0x1;
	s10 =	sld [smem:$0x3FAF];
	_ =	sdelay $0x3  }
0x37: {  	[smem:$0x3FAF] =	sst s10  }
0x38: {  	s10 =	sld [smem:$0x3FB0]  }
0x39: {  	_ = 	snop;
	(pc) =	sbr.ind lr, $3  }
0x3a: {  	_ = 	snop  }
0x3b: {  	_ = 	snop  }
0x3c: {  	p2 =	seq.s32 s10, $0x1;
	s10 =	sld [smem:$0x3FAF]  }
0x3d: {  	_ =	shalt  }
0x3e: {  	_ =	shalt  }
0x3f: {  	_ =	shalt  }
0x40: {  	_ =	shalt  }
0x41: {  	_ =	shalt  }
0x42: {  	_ =	shalt  }
0x43: {  	_ =	shalt  }
0x44: {  	_ =	shalt  }
0x45: {  	_ =	shalt  }
0x46: {  	_ =	shalt  }
0x47: {  	_ =	shalt  }
0x48: {  	_ =	shalt  }
0x49: {  	_ =	shalt  }
0x4a: {  	_ =	shalt  }
0x4b: {  	_ =	shalt  }
0x4c: {  	_ =	shalt  }
0x4d: {  	_ =	shalt  }
0x4e: {  	_ =	shalt  }
0x4f: {  	_ =	shalt  }
0x50: {  	_ =	shalt  }
0x51: {  	_ =	shalt  }
0x52: {  	_ =	shalt  }
0x53: {  	_ =	shalt  }
0x54: {  	_ =	shalt  }
0x55: {  	_ =	shalt  }
0x56: {  	_ =	shalt  }
0x57: {  	_ =	shalt  }
0x58: {  	_ =	shalt  }
0x59: {  	_ =	shalt  }
0x5a: {  	_ =	shalt  }
0x5b: {  	_ =	shalt  }
0x5c: {  	_ =	shalt  }
0x5d: {  	_ =	shalt  }
0x5e: {  	_ =	shalt  }
0x5f: {  	_ =	shalt  }
0x60: {  	_ =	shalt  }
0x61: {  	_ =	shalt  }
0x62: {  	_ =	shalt  }
0x63: {  	_ =	shalt  }
0x64: {  	_ =	shalt  }
0x65: {  	_ =	shalt  }
0x66: {  	_ =	shalt  }
0x67: {  	_ =	shalt  }
0x68: {  	_ =	shalt  }
0x69: {  	_ =	shalt  }
0x6a: {  	_ =	shalt  }
0x6b: {  	_ =	shalt  }
0x6c: {  	_ =	shalt  }
0x6d: {  	_ =	shalt  }
0x6e: {  	_ =	shalt  }
0x6f: {  	_ =	shalt  }
0x70: {  	_ =	shalt  }
0x71: {  	_ =	shalt  }
0x72: {  	_ =	shalt  }
0x73: {  	_ =	shalt  }
0x74: {  	_ =	shalt  }
0x75: {  	_ =	shalt  }
0x76: {  	_ =	shalt  }
0x77: {  	_ =	shalt  }
0x78: {  	_ =	shalt  }
0x79: {  	_ =	shalt  }
0x7a: {  	_ =	shalt  }
0x7b: {  	_ =	shalt  }
0x7c: {  	_ =	shalt  }
0x7d: {  	_ =	shalt  }
0x7e: {  	_ =	shalt  }
0x7f: {  	_ =	shalt  }
0x80: {  	_ =	shalt  }
0x81: {  	_ =	shalt  }
0x82: {  	_ =	shalt  }
0x83: {  	_ =	shalt  }
0x84: {  	_ =	shalt  }
0x85: {  	_ =	shalt  }
0x86: {  	_ =	shalt  }
0x87: {  	_ =	shalt  }
.Lfunc_end0:
.L_simem_size_0:
called_computation.6_lowered:
.L_overlay_start_0:
0x88: {  	s2 =	sld [smem:$0x3FD9]  }
0x89: {  	s3 =	sld [smem:$0x3FFE];
	_ =	sdelay $0x1  }
0x8a: {  	s1 =	srdreg.scid  }
0x8b: {  	s0 =	sand.u32 $0x1, s1  }
0x8c: {  	s14 =	sshll.u32 s0, $0xA;
	s2 =	sadd.s32 s3, s2  }
0x8d: {  	s2 =	sadd.s32 s2, s14  }
0x8e: {  	[smem:$0x3FBB] =	sst s2  }
0x8f: {  	_ = 	snop  }
0x90: {  	s2 =	sld [smem:$0x3FD0];
	_ =	sdelay $0x2  }
0x91: {  	s15 =	simm.s32 $0xA;
	s4 =	simm.s32 $0x10  }
0x92: {  	[smem:s4], [sflag:s15] =	dma.local [hbm:s2], $0x1  }
0x93: {  	_ =	swait.eq [sflag:s15], $0x1  }
0x94: {  	[sflag:s15] =	ssyncset.done $0x0  }
0x95: {  	[sflag:s15] =	ssyncadd.s32 $0xFFFFFFFF  }
0x96: {  	s16 =	sld [smem:$0x11];
	(tm) =	ssettm $0x1  }
0x97: {  	s17 =	sld [smem:$0x3FFB];
	_ =	sdelay $0x3  }
0x98: {  	_ =	strace s17  }
0x99: {  	s3 =	sld [smem:$0x3FFC];
	_ =	sdelay $0x3  }
0x9a: {  	_ =	strace s3  }
0x9b: {  	s3 =	sld [smem:$0x3FFD];
	_ =	sdelay $0x3  }
0x9c: {  	_ =	strace s3  }
0x9d: {  	_ =	strace $0x8FFFFFFF  }
0x9e: {  	s18 =	sld [smem:$0x3FDB];
	_ =	sdelay $0x1  }
0x9f: {  	s19 =	simm.s32 $_scs_section_size  }
0xa0: {  	s5 =	simm.s32 $_size__tile_overlayer_lowered;
	s6 =	simm.s32 $_tile_overlayer_lowered  }
0xa1: {  	s22 =	simm.s32 $0x1BFF;
	s21 =	sshll.u32 s6, $0x1;
	s3 =	sadd.s32 s19, s18  }
0xa2: {  	s7 =	simm.s32 $0x0;
	s20 =	sshll.u32 s5, $0x1;
	s5 =	sadd.s32 s21, s3  }
0xa3: {  	[timem:s7], [sflag:s22] =	dma.local [hbm:s5], s20  }
0xa4: {  	_ =	swait.ge [sflag:s22], s20  }
0xa5: {  	s4 =	ssub.s32 $0x0, s20;
	[sflag:s22] =	ssyncset.done $0x0  }
0xa6: {  	[sflag:s22] =	ssyncadd.s32 s4;
	_ =	sdelay $0x1  }
0xa7: {  	s23 =	simm.s32 $0x1B8B  }
0xa8: {  	_ =	swait.ge [sflag:s23], $0x1  }
0xa9: {  	[sflag:s23] =	ssyncset.done $0x0  }
0xaa: {  	s25 =	simm.s32 $0x1B8E;
	s24 =	sld [smem:$0x3FFE];
	[sflag:s23] =	ssyncadd.s32 $0xFFFFFFFF  }
0xab: {  	s26 =	simm.s32 $execute0_lowered;
	[smem:$0x3FD2] =	sst s25  }
0xac: {  	s5 =	sshll.u32 s26, $0x1;
	_ =	strace $0x80000058;
	[dreg:$0x1] =	wrdreg $0xFFFFFFFF  }
0xad: {  	s28 =	simm.s32 $_size_execute0_lowered;
	s3 =	sadd.s32 s3, s5;
	[dreg:$0x0] =	wrdreg $0x0  }
0xae: {  	s5 =	sshll.u32 s28, $0x1;
	[dreg:$0x2] =	wrdreg s3  }
0xaf: {  	[dreg:$0x3] =	wrdreg s5  }
0xb0: {  	[dreg:$0x4] =	wrdreg $0xC0  }
0xb1: {  	_ =	task [dreg:s7], $0x5FFFF  }
0xb2: {  	[dreg:$0x1] =	wrdreg $0xFFFFFFFF  }
0xb3: {  	[dreg:$0x0] =	wrdreg $0x60  }
0xb4: {  	[dreg:$0x2] =	wrdreg s24  }
0xb5: {  	[dreg:$0x3] =	wrdreg s16  }
0xb6: {  	[dreg:$0x4] =	wrdreg $0xA8000  }
0xb7: {  	[dreg:$0x5] =	wrdreg $0x9  }
0xb8: {  	_ =	task.clear_ibuf [dreg:s7], $0x6FFFF;
	_ =	strace $0x90000058  }
0xb9: {  	s29 =	simm.s32 $0x9;
	_ =	strace $0x8000005A  }
0xba: {  	_ =	swait.ge [sflag:s29], $0x1  }
0xbb: {  	[sflag:s29] =	ssyncadd.s32 $0xFFFFFFFF  }
0xbc: {  	_ =	strace $0x9000005A  }
0xbd: {  	_ =	sfence  }
0xbe: {  	s30 =	sld [smem:$0x0];
	_ =	sdelay $0x2  }
0xbf: {  	s31 =	sshll.u32 s1, $0xD;
	s1 =	sshrl.u32 s1, $0x2  }
0xc0: {  	s3 =	sand.u32 $0x4000, s31;
	s1 =	sadd.s32 s1, s30  }
0xc1: {  	s0 =	sor.u32 s3, s0;
	s1 =	sshll.u32 s1, $0x11  }
0xc2: {  	s0 =	sor.u32 s1, s0  }
0xc3: {  	s0 =	sadd.s32 $0x8F2B, s0  }
0xc4: {  	[sflag:s0] =	ssyncadd.remote.s32 $0x1  }
0xc5: {  	_ =	sfence.sel $0xFFFF  }
0xc6: {  	[dreg:$0x0] =	wrdreg $0xFFFFFFFF;
	(pc) =	sbr.abs _section_cstart, $3  }
0xc7: {  	[dreg:$0x1] =	wrdreg $0xFFFFFFFF  }
0xc8: {  	_ =	task.clear_ibuf [dreg:s7], $0x2FFFF;
	_ =	strace $0x9FFFFFFF  }
0xc9: {  	(tm) =	ssettm $0x7FFFFFFF  }
tec
execute0_lowered:
.L_overlay_start_1:
0x0: {  	(tag) =	ssettag $0x1  }
0x1: {  	s6 =	rddreg [dreg:$0x0]  }
0x2: {  	s8 =	rddreg [dreg:$0x1]  }
0x3: {  	s0 =	srdreg.scid;
	s2 =	rddreg [dreg:$0x2]  }
0x4: {  	s3 =	simm.s32 $0x0;
	s14 =	simm.s32 $0x80;
	s15 =	simm.s32 $0x2800  }
0x5: {  	s16 =	simm.s32 $0x6800;
	s17 =	simm.s32 $0x1;
	s18 =	simm.s32 $0x2  }
0x6: {  	s19 =	simm.s32 $0x2700;
	s5 =	sand.u32 $0x1, s0;
	s0 =	stileid.u32  }
0x7: {  	s20 =	simm.s32 $0x2780;
	s21 =	simm.s32 $0x0;
	s9 =	smul.u32 $0x280, s0  }
0x8: {  	[smem:$0x7FF] =	sst s3;
	s4 =	sadd.s32 $0x2C400, s6;
	s10 =	smul.u32 $0x2800, s5  }
0x9: {  	s1 =	sshll.u32 s5, $0x4;
	s11 =	smul.u32 $0x2800, s0;
	s5 =	ssub.s32 $0x2, s5  }
0xa: {  	s12 =	smul.u32 $0x50000, s0;
	s31 =	sshll.u32 s0, $0x6;
	s1 =	sor.u32 s0, s1  }
0xb: {  	s29 =	sshrl.u32 s5, $0x1;
	s7 =	smul.u32 $0x280, s1;
	s1 =	rddreg [dreg:$0x3]  }
0xc: {  	_ =	strace $0x80000059;
	s10 =	sadd.s32 s9, s10;
	s11 =	sadd.s32 s11, s6  }
0xd: {  	s13 =	ssub.s32 s5, s29;
	s30 =	sshrl.u32 s12, $0x2;
	s8 =	sadd.s32 s8, s9  }
0xe: {  	s10 =	sshll.u32 s10, $0x4;
	s12 =	sadd.s32 s30, s2;
	s5 =	sadd.s32 $0x4400, s11  }
0xf: {  	s7 =	sadd.s32 s7, s6;
	s10 =	sadd.s32 s10, s6;
	s6 =	sor.u32 $0x1C03, s31  }
0x10: {  	s11 =	sshrl.u32 s12, $0x3;
	s12 =	simm.s32 $0x3;
	s7 =	sadd.s32 $0x7C400, s7  }
0x11: {  	s9 =	sadd.s32 $0x16C400, s10;
	s10 =	smax.u32 s13, $0x1;
	s13 =	simm.s32 $0x1400  }
.LBB2_1:
0x12: {  	[spmem:s11], [sflag:s6] =	dma.local [hbm:s5], $0x2800  }
0x13: {  	_ =	swait.ge [sflag:s12], $0x2800  }
0x14: {  	[sflag:s12] =	ssyncset.done $0x0  }
0x15: {  	[sflag:s12] =	ssyncadd.s32 $0xFFFFD800  }
0x16: {  	[tilespmem:s3], [sflag:$0x3] =	stream.linear.gather [hbm4b:s7+s3], $0x1400, $0x38;
	[tilespmem:$0x1E800] =	vst v63  }
0x17: {  	_ =	swait.ge [sflag:s12], $0x1400  }
0x18: {  	[sflag:s12] =	ssyncset.done $0x0  }
0x19: {  	[sflag:s12] =	ssyncadd.s32 $0xFFFFEC00  }
0x1a: {  	[tilespmem:s13], [sflag:$0x3] =	stream.linear.gather [hbm4b:s8+s3], $0x1400, $0x38;
	[tilespmem:$0x1E800] =	vst v63  }
0x1b: {  	_ =	swait.ge [sflag:s12], $0x1400  }
0x1c: {  	[sflag:s12] =	ssyncset.done $0x0  }
0x1d: {  	[sflag:s12] =	ssyncadd.s32 $0xFFFFEC00  }
0x1e: {  	[bflag:$0x0] =	sbarrier.arrive $0xFFFF  }
0x1f: {  	[tilespmem:s15], [sflag:$0x1] =	stream.indirect.gather [hbm4b:s4+s14], $0x80, s3, s14, $0xb8;
	[tilespmem:$0x1E800] =	vst v63  }
0x20: {  	_ = 	snop  }
0x21: {  	[tilespmem:s16], [sflag:$0x2] =	stream.indirect.gather [hbm4b:s4+s14], $0x80, s14, s14, $0xb8;
	[tilespmem:$0x1E800] =	vst v63  }
0x22: {  	_ =	swait.ge [sflag:s17], $0x4000  }
0x23: {  	[sflag:s17] =	ssyncset.done $0x0  }
0x24: {  	s22 =	simm.s32 $0x1400;
	[sflag:s17] =	ssyncadd.s32 $0xFFFFC000  }
0x25: {  	[spmem:s2] =	stream.indirect.scatter.add.f32 [tilespmem:s15], [sflag:$0x3], $0x80, s22, s14, $0xb8;
	[tilespmem:$0x1E800] =	vst v63  }
0x26: {  	_ =	swait.ge [sflag:s12], $0x4000  }
0x27: {  	[sflag:s12] =	ssyncset.done $0x0  }
0x28: {  	s30 =	simm.s32 $0x100;
	[sflag:s12] =	ssyncadd.s32 $0xFFFFC000  }
0x29: {  	[tilespmem:s15], [sflag:$0x1] =	stream.indirect.gather [hbm4b:s4+s14], $0x80, s30, s14, $0xb8;
	[tilespmem:$0x1E800] =	vst v63  }
0x2a: {  	_ =	swait.ge [sflag:s18], $0x4000  }
0x2b: {  	[sflag:s18] =	ssyncset.done $0x0  }
0x2c: {  	s31 =	simm.s32 $0x1480;
	[sflag:s18] =	ssyncadd.s32 $0xFFFFC000  }
0x2d: {  	[spmem:s2] =	stream.indirect.scatter.add.f32 [tilespmem:s16], [sflag:$0x3], $0x80, s31, s14, $0xb8;
	[tilespmem:$0x1E800] =	vst v63  }
0x2e: {  	_ =	swait.ge [sflag:s12], $0x4000  }
0x2f: {  	[sflag:s12] =	ssyncset.done $0x0  }
0x30: {  	s23 =	simm.s32 $0x180;
	s22 =	simm.s32 $0x400;
	[sflag:s12] =	ssyncadd.s32 $0xFFFFC000  }
.LBB2_2:
0x31: {  	[tilespmem:s16], [sflag:$0x2] =	stream.indirect.gather [hbm4b:s4+s14], $0x80, s23, s14, $0xb8;
	[tilespmem:$0x1E800] =	vst v63  }
0x32: {  	s23 =	smov.u32 s22  }
0x33: {  	p0 =	sne.s32 s22, $0x4800;
	s22 =	sadd.s32 $0x400, s22;
	_ =	swait.ge [sflag:s17], $0x4000  }
0x34: {  	s23 =	sshra.s32 s23, $0x2;
	[sflag:s17] =	ssyncset.done $0x0  }
0x35: {  	s24 =	sadd.s32 $0x1400, s23;
	[sflag:s17] =	ssyncadd.s32 $0xFFFFC000  }
0x36: {  	[spmem:s2] =	stream.indirect.scatter.add.f32 [tilespmem:s15], [sflag:$0x3], $0x80, s24, s14, $0xb8;
	[tilespmem:$0x1E800] =	vst v63  }
0x37: {  	_ =	swait.ge [sflag:s12], $0x4000  }
0x38: {  	[sflag:s12] =	ssyncset.done $0x0  }
0x39: {  	s24 =	sadd.s32 $0x100, s23;
	[sflag:s12] =	ssyncadd.s32 $0xFFFFC000  }
0x3a: {  	[tilespmem:s15], [sflag:$0x1] =	stream.indirect.gather [hbm4b:s4+s14], $0x80, s24, s14, $0xb8;
	[tilespmem:$0x1E800] =	vst v63  }
0x3b: {  	_ =	swait.ge [sflag:s18], $0x4000  }
0x3c: {  	[sflag:s18] =	ssyncset.done $0x0  }
.Ltmp0:
0x3d: {  	s24 =	sadd.s32 $0x1480, s23;
	[sflag:s18] =	ssyncadd.s32 $0xFFFFC000;
	(pc) =	sbr.rel @p0 .LBB2_2-.Ltmp0, $4  }
0x3e: {  	[spmem:s2] =	stream.indirect.scatter.add.f32 [tilespmem:s16], [sflag:$0x3], $0x80, s24, s14, $0xb8;
	[tilespmem:$0x1E800] =	vst v63  }
0x3f: {  	_ =	swait.ge [sflag:s12], $0x4000  }
0x40: {  	[sflag:s12] =	ssyncset.done $0x0  }
0x41: {  	s23 =	sadd.s32 $0x180, s23;
	[sflag:s12] =	ssyncadd.s32 $0xFFFFC000  }
0x42: {  	[tilespmem:s16], [sflag:$0x2] =	stream.indirect.gather [hbm4b:s4+s14], $0x80, s23, s14, $0xb8;
	[tilespmem:$0x1E800] =	vst v63  }
0x43: {  	_ =	swait.ge [sflag:s17], $0x4000  }
0x44: {  	[sflag:s17] =	ssyncset.done $0x0  }
0x45: {  	[sflag:s17] =	ssyncadd.s32 $0xFFFFC000  }
0x46: {  	[spmem:s2] =	stream.indirect.scatter.add.f32 [tilespmem:s15], [sflag:$0x3], $0x80, s19, s14, $0xb8;
	[tilespmem:$0x1E800] =	vst v63  }
0x47: {  	_ =	swait.ge [sflag:s12], $0x4000  }
0x48: {  	[sflag:s12] =	ssyncset.done $0x0  }
0x49: {  	[sflag:s12] =	ssyncadd.s32 $0xFFFFC000  }
0x4a: {  	_ =	swait.ge [sflag:s18], $0x4000  }
0x4b: {  	[sflag:s18] =	ssyncset.done $0x0  }
0x4c: {  	[sflag:s18] =	ssyncadd.s32 $0xFFFFC000  }
0x4d: {  	[spmem:s2] =	stream.indirect.scatter.add.f32 [tilespmem:s16], [sflag:$0x3], $0x80, s20, s14, $0xb8;
	[tilespmem:$0x1E800] =	vst v63  }
0x4e: {  	_ =	swait.ge [sflag:s12], $0x4000  }
0x4f: {  	s21 =	sadd.s32 $0x1, s21;
	[sflag:s12] =	ssyncset.done $0x0  }
0x50: {  	p0 =	sne.s32 s21, s10;
	[sflag:s12] =	ssyncadd.s32 $0xFFFFC000  }
.Ltmp1:
0x51: {  	[bflag:$0x0] =	sbarrier.arrive $0xFFFF;
	(pc) =	sbr.rel @p0 .LBB2_1-.Ltmp1, $4  }
0x52: {  	[hbm:s9], [sflag:s6] =	dma.local [spmem:s11], $0x2800  }
0x53: {  	_ =	swait.ge [sflag:s12], $0x2800  }
0x54: {  	[sflag:s12] =	ssyncset.done $0x0  }
0x55: {  	[sflag:s12] =	ssyncadd.s32 $0xFFFFD800  }
0x56: {  	_ =	sfence.sel $0x180000  }
0x57: {  	[bflag:$0x0] =	sbarrier.arrive $0xFFFF  }
0x58: {  	p0 =	sne.s32 s0, $0x0;
	_ =	strace $0x90000059  }
0x59: {  	s0 =	sadd.s32 @!p0 $0x100000, s1;
	[bflag:$0x2] =	sbarrier.arrive $0xFFFF  }
0x5a: {  	[sflag:s0] =	ssyncadd.tile.s32 @!p0 $0x1;
	_ =	shalt  }
.Lfunc_end2:
_tile_overlayer_lowered:
.L_overlay_start_2:
0x5b: {  	(tag) =	ssettag $0x2  }
0x5c: {  	s0 =	rddreg [dreg:$0x0];
	s2 =	stileid.u32  }
0x5d: {  	s1 =	rddreg [dreg:$0x1];
	p0 =	sne.s32 s2, $0x0  }
0x5e: {  	s3 =	rddreg [dreg:$0x2];
	[bflag:$0x3] =	sbarrier.arrive $0xFFFF;
	s2 =	simm.s32 @!p0 $0x1C03  }
0x5f: {  	[timem:s3], [sflag:s2] =	dma.local @!p0 [hbm:s0], s1  }
0x60: {  	s0 =	simm.s32 @!p0 $0x3  }
0x61: {  	_ =	swait.ge @!p0 [sflag:s0], s1  }
0x62: {  	s1 =	ssub.s32 @!p0 $0x0, s1;
	[sflag:s0] =	ssyncset.done @!p0 $0x0  }
0x63: {  	[sflag:s0] =	ssyncadd.s32 @!p0 s1  }
0x64: {  	[bflag:$0x3] =	sbarrier.arrive $0xFFFF  }
0x65: {  	_ =	shalt  }

// kernel: kernel.34.cloned.1.call-start
scs
__scs_entry_jumppad:
0x0: {  	(pc) =	sbr.rel $0x88, $3  }
0x1: {  	(tag) =	ssettag $0x0;
	lr =	simm.s32 $0x1  }
0x2: {  	[smem:$0x3F94] =	sst lr;
	_ =	strace $0xD0000000  }
0x3: {  	_ = 	snop  }
0x4: {  	_ = 	snop  }
0x5: {  	_ = 	snop  }
0x6: {  	_ = 	snop  }
0x7: {  	_ = 	snop  }
__scs_overlays_trampoline_lowered:
0x8: {  	[smem:$0x3FA3] =	sst s0  }
0x9: {  	[smem:$0x3FA4] =	sst s1  }
0xa: {  	[smem:$0x3FA5] =	sst s2  }
0xb: {  	[smem:$0x3FA6] =	sst s3  }
0xc: {  	[smem:$0x3FA7] =	sst s4  }
0xd: {  	[smem:$0x3FA8] =	sst s5  }
0xe: {  	[smem:$0x3FA9] =	sst s6  }
0xf: {  	[smem:$0x3FAA] =	sst s7  }
0x10: {  	[smem:$0x3FAB] =	sst s8  }
0x11: {  	[smem:$0x3FAC] =	sst s9;
	s0 =	simm.s32 @!p0 $0x0  }
0x12: {  	s1 =	sld [smem:$0x3F92];
	s0 =	simm.s32 @p0 $0x1  }
0x13: {  	[smem:$0x3FAD] =	sst s0;
	s0 =	simm.s32 @!p1 $0x0  }
0x14: {  	s2 =	sld [smem:$0x3F91];
	s0 =	simm.s32 @p1 $0x1  }
0x15: {  	[smem:$0x3FAE] =	sst s0;
	s0 =	simm.s32 @!p2 $0x0  }
0x16: {  	s3 =	sld [smem:$0x3FDB];
	s0 =	simm.s32 @p2 $0x1  }
0x17: {  	s4 =	simm.s32 $0x1BF5;
	[smem:$0x3FB0] =	sst s0  }
0x18: {  	s0 =	sld [smem:$0x3F93];
	_ =	swait.ge [sflag:s4], $0x0  }
0x19: {  	s7 =	sld [smem:$0x3F94]  }
0x1a: {  	s8 =	sadd.s32 $0xFFFFE003, lr  }
0x1b: {  	s9 =	sadd.s32 $0xFFFFFEF7, lr;
	s5 =	simm.s32 $0xFFFFFFFF;
	p2 =	slt.u32 s8, $0xFFFFF086  }
0x1c: {  	p1 =	slt.u32 s9, $0xF7A;
	s5 =	simm.s32 @!p2 $0x0  }
0x1d: {  	s5 =	simm.s32 @p1 $0x1;
	p0 =	seq.s32 s7, s2  }
0x1e: {  	s7 =	smul.u32 @!p0 $0xF7A, s2;
	p2 =	seq.s32 @!p0 s5, $0x0  }
0x1f: {  	s9 =	smul.u32 $0xF7A, s1;
	s8 =	simm.s32 @!p0 $0x1BF5;
	p2 =	por !p2, p0  }
0x20: {  	[sflag:s8] =	ssyncset.s32 @!p0 $0xFFFFF086;
	s6 =	sadd.s32 @!p0 s3, s7;
	s7 =	simm.s32 @!p0 $0x108  }
0x21: {  	s3 =	sadd.s32 s3, s9;
	s6 =	sadd.s32 @!p0 $0x88, s6;
	s7 =	simm.s32 @p2 $0x1082  }
0x22: {  	[simem:s7], [sflag:s8] =	dma.local @!p0 [hbm:s6], $0xF7A  }
0x23: {  	s9 =	sor.u32 $0xD0000000, s2;
	s6 =	simm.s32 $0x108;
	_ =	swait.ge @!p0 [sflag:s8], $0x0  }
0x24: {  	s3 =	sadd.s32 $0x88, s3;
	s6 =	simm.s32 @!p1 $0x1082;
	[sflag:s4] =	ssyncset.s32 $0xFFFFF086  }
0x25: {  	[simem:s6], [sflag:s4] =	dma.local [hbm:s3], $0xF7A  }
0x26: {  	[smem:$0x3F94] =	sst s1;
	(tag) =	ssettag s2;
	_ =	strace s9  }
0x27: {  	s1 =	sld [smem:$0x3FA4]  }
0x28: {  	s2 =	sld [smem:$0x3FA5]  }
0x29: {  	s4 =	sld [smem:$0x3FA7]  }
0x2a: {  	p0 =	seq.s32 s5, $0x0;
	s5 =	sld [smem:$0x3FA8]  }
0x2b: {  	s6 =	sld [smem:$0x3FA9]  }
0x2c: {  	s7 =	sld [smem:$0x3FAA]  }
0x2d: {  	s3 =	simm.s32 $0x108;
	s8 =	sld [smem:$0x3FAB]  }
0x2e: {  	s3 =	simm.s32 @!p0 $0x1082;
	s9 =	sld [smem:$0x3FAC]  }
0x2f: {  	lr =	sadd.s32 s0, s3;
	s0 =	sld [smem:$0x3FA3]  }
0x30: {  	s3 =	sld [smem:$0x3FA6]  }
0x31: {  	[smem:$0x3FAF] =	sst s10  }
0x32: {  	s10 =	sld [smem:$0x3FAD];
	_ =	sdelay $0x3  }
0x33: {  	p0 =	seq.s32 s10, $0x1;
	s10 =	sld [smem:$0x3FAF];
	_ =	sdelay $0x3  }
0x34: {  	[smem:$0x3FAF] =	sst s10  }
0x35: {  	s10 =	sld [smem:$0x3FAE];
	_ =	sdelay $0x3  }
0x36: {  	p1 =	seq.s32 s10, $0x1;
	s10 =	sld [smem:$0x3FAF];
	_ =	sdelay $0x3  }
0x37: {  	[smem:$0x3FAF] =	sst s10  }
0x38: {  	s10 =	sld [smem:$0x3FB0]  }
0x39: {  	_ = 	snop;
	(pc) =	sbr.ind lr, $3  }
0x3a: {  	_ = 	snop  }
0x3b: {  	_ = 	snop  }
0x3c: {  	p2 =	seq.s32 s10, $0x1;
	s10 =	sld [smem:$0x3FAF]  }
0x3d: {  	_ =	shalt  }
0x3e: {  	_ =	shalt  }
0x3f: {  	_ =	shalt  }
0x40: {  	_ =	shalt  }
0x41: {  	_ =	shalt  }
0x42: {  	_ =	shalt  }
0x43: {  	_ =	shalt  }
0x44: {  	_ =	shalt  }
0x45: {  	_ =	shalt  }
0x46: {  	_ =	shalt  }
0x47: {  	_ =	shalt  }
0x48: {  	_ =	shalt  }
0x49: {  	_ =	shalt  }
0x4a: {  	_ =	shalt  }
0x4b: {  	_ =	shalt  }
0x4c: {  	_ =	shalt  }
0x4d: {  	_ =	shalt  }
0x4e: {  	_ =	shalt  }
0x4f: {  	_ =	shalt  }
0x50: {  	_ =	shalt  }
0x51: {  	_ =	shalt  }
0x52: {  	_ =	shalt  }
0x53: {  	_ =	shalt  }
0x54: {  	_ =	shalt  }
0x55: {  	_ =	shalt  }
0x56: {  	_ =	shalt  }
0x57: {  	_ =	shalt  }
0x58: {  	_ =	shalt  }
0x59: {  	_ =	shalt  }
0x5a: {  	_ =	shalt  }
0x5b: {  	_ =	shalt  }
0x5c: {  	_ =	shalt  }
0x5d: {  	_ =	shalt  }
0x5e: {  	_ =	shalt  }
0x5f: {  	_ =	shalt  }
0x60: {  	_ =	shalt  }
0x61: {  	_ =	shalt  }
0x62: {  	_ =	shalt  }
0x63: {  	_ =	shalt  }
0x64: {  	_ =	shalt  }
0x65: {  	_ =	shalt  }
0x66: {  	_ =	shalt  }
0x67: {  	_ =	shalt  }
0x68: {  	_ =	shalt  }
0x69: {  	_ =	shalt  }
0x6a: {  	_ =	shalt  }
0x6b: {  	_ =	shalt  }
0x6c: {  	_ =	shalt  }
0x6d: {  	_ =	shalt  }
0x6e: {  	_ =	shalt  }
0x6f: {  	_ =	shalt  }
0x70: {  	_ =	shalt  }
0x71: {  	_ =	shalt  }
0x72: {  	_ =	shalt  }
0x73: {  	_ =	shalt  }
0x74: {  	_ =	shalt  }
0x75: {  	_ =	shalt  }
0x76: {  	_ =	shalt  }
0x77: {  	_ =	shalt  }
0x78: {  	_ =	shalt  }
0x79: {  	_ =	shalt  }
0x7a: {  	_ =	shalt  }
0x7b: {  	_ =	shalt  }
0x7c: {  	_ =	shalt  }
0x7d: {  	_ =	shalt  }
0x7e: {  	_ =	shalt  }
0x7f: {  	_ =	shalt  }
0x80: {  	_ =	shalt  }
0x81: {  	_ =	shalt  }
0x82: {  	_ =	shalt  }
0x83: {  	_ =	shalt  }
0x84: {  	_ =	shalt  }
0x85: {  	_ =	shalt  }
0x86: {  	_ =	shalt  }
0x87: {  	_ =	shalt  }
.Lfunc_end0:
.L_simem_size_0:
called_computation.7_lowered:
.L_overlay_start_0:
0x88: {  	s2 =	sld [smem:$0x3FD9]  }
0x89: {  	s3 =	sld [smem:$0x3FFE];
	_ =	sdelay $0x1  }
0x8a: {  	s1 =	srdreg.scid  }
0x8b: {  	s0 =	sand.u32 $0x1, s1  }
0x8c: {  	s14 =	sshll.u32 s0, $0xA;
	s2 =	sadd.s32 s3, s2  }
0x8d: {  	s2 =	sadd.s32 s2, s14  }
0x8e: {  	[smem:$0x3FBB] =	sst s2  }
0x8f: {  	_ = 	snop  }
0x90: {  	s2 =	sld [smem:$0x3FD0];
	_ =	sdelay $0x2  }
0x91: {  	s15 =	simm.s32 $0xA;
	s4 =	simm.s32 $0x10  }
0x92: {  	[smem:s4], [sflag:s15] =	dma.local [hbm:s2], $0x1  }
0x93: {  	_ =	swait.eq [sflag:s15], $0x1  }
0x94: {  	[sflag:s15] =	ssyncset.done $0x0  }
0x95: {  	[sflag:s15] =	ssyncadd.s32 $0xFFFFFFFF  }
0x96: {  	s16 =	sld [smem:$0x10];
	(tm) =	ssettm $0x1  }
0x97: {  	s17 =	sld [smem:$0x3FFB];
	_ =	sdelay $0x3  }
0x98: {  	_ =	strace s17  }
0x99: {  	s3 =	sld [smem:$0x3FFC];
	_ =	sdelay $0x3  }
0x9a: {  	_ =	strace s3  }
0x9b: {  	s3 =	sld [smem:$0x3FFD];
	_ =	sdelay $0x3  }
0x9c: {  	_ =	strace s3  }
0x9d: {  	_ =	strace $0x8FFFFFFF  }
0x9e: {  	s18 =	sld [smem:$0x3FDB];
	_ =	sdelay $0x1  }
0x9f: {  	s19 =	simm.s32 $_scs_section_size  }
0xa0: {  	s5 =	simm.s32 $_size__tile_overlayer_lowered;
	s6 =	simm.s32 $_tile_overlayer_lowered  }
0xa1: {  	s22 =	simm.s32 $0x1BFF;
	s21 =	sshll.u32 s6, $0x1;
	s3 =	sadd.s32 s19, s18  }
0xa2: {  	s7 =	simm.s32 $0x0;
	s20 =	sshll.u32 s5, $0x1;
	s5 =	sadd.s32 s21, s3  }
0xa3: {  	[timem:s7], [sflag:s22] =	dma.local [hbm:s5], s20  }
0xa4: {  	_ =	swait.ge [sflag:s22], s20  }
0xa5: {  	s4 =	ssub.s32 $0x0, s20;
	[sflag:s22] =	ssyncset.done $0x0  }
0xa6: {  	[sflag:s22] =	ssyncadd.s32 s4;
	_ =	sdelay $0x1  }
0xa7: {  	s23 =	simm.s32 $0x1B8B  }
0xa8: {  	_ =	swait.ge [sflag:s23], $0x1  }
0xa9: {  	[sflag:s23] =	ssyncset.done $0x0  }
0xaa: {  	s25 =	simm.s32 $0x1B8E;
	s24 =	sld [smem:$0x3FFE];
	[sflag:s23] =	ssyncadd.s32 $0xFFFFFFFF  }
0xab: {  	s26 =	simm.s32 $execute0_lowered;
	[smem:$0x3FD2] =	sst s25  }
0xac: {  	s5 =	sshll.u32 s26, $0x1;
	_ =	strace $0x8000005B;
	[dreg:$0x1] =	wrdreg $0xFFFFFFFF  }
0xad: {  	s28 =	simm.s32 $_size_execute0_lowered;
	s3 =	sadd.s32 s3, s5;
	[dreg:$0x0] =	wrdreg $0x0  }
0xae: {  	s5 =	sshll.u32 s28, $0x1;
	[dreg:$0x2] =	wrdreg s3  }
0xaf: {  	[dreg:$0x3] =	wrdreg s5  }
0xb0: {  	[dreg:$0x4] =	wrdreg $0xC0  }
0xb1: {  	_ =	task [dreg:s7], $0x5FFFF  }
0xb2: {  	[dreg:$0x1] =	wrdreg $0xFFFFFFFF  }
0xb3: {  	[dreg:$0x0] =	wrdreg $0x60  }
0xb4: {  	[dreg:$0x2] =	wrdreg s24  }
0xb5: {  	[dreg:$0x3] =	wrdreg s16  }
0xb6: {  	[dreg:$0x4] =	wrdreg $0xA8000  }
0xb7: {  	[dreg:$0x5] =	wrdreg $0x9  }
0xb8: {  	_ =	task.clear_ibuf [dreg:s7], $0x6FFFF;
	_ =	strace $0x9000005B  }
0xb9: {  	s29 =	simm.s32 $0x9;
	_ =	strace $0x8000005D  }
0xba: {  	_ =	swait.ge [sflag:s29], $0x1  }
0xbb: {  	[sflag:s29] =	ssyncadd.s32 $0xFFFFFFFF  }
0xbc: {  	_ =	strace $0x9000005D  }
0xbd: {  	_ =	sfence  }
0xbe: {  	s30 =	sld [smem:$0x0];
	_ =	sdelay $0x2  }
0xbf: {  	s31 =	sshll.u32 s1, $0xD;
	s1 =	sshrl.u32 s1, $0x2  }
0xc0: {  	s3 =	sand.u32 $0x4000, s31;
	s1 =	sadd.s32 s1, s30  }
0xc1: {  	s0 =	sor.u32 s3, s0;
	s1 =	sshll.u32 s1, $0x11  }
0xc2: {  	s0 =	sor.u32 s1, s0  }
0xc3: {  	s0 =	sadd.s32 $0x8F2B, s0  }
0xc4: {  	[sflag:s0] =	ssyncadd.remote.s32 $0x1  }
0xc5: {  	_ =	sfence.sel $0xFFFF  }
0xc6: {  	[dreg:$0x0] =	wrdreg $0xFFFFFFFF;
	(pc) =	sbr.abs _section_cstart, $3  }
0xc7: {  	[dreg:$0x1] =	wrdreg $0xFFFFFFFF  }
0xc8: {  	_ =	task.clear_ibuf [dreg:s7], $0x2FFFF;
	_ =	strace $0x9FFFFFFF  }
0xc9: {  	(tm) =	ssettm $0x7FFFFFFF  }
tec
execute0_lowered:
.L_overlay_start_1:
0x0: {  	(tag) =	ssettag $0x1  }
0x1: {  	s6 =	rddreg [dreg:$0x0]  }
0x2: {  	s8 =	rddreg [dreg:$0x1]  }
0x3: {  	s0 =	srdreg.scid;
	s2 =	rddreg [dreg:$0x2]  }
0x4: {  	s3 =	simm.s32 $0x0;
	s14 =	simm.s32 $0x80;
	s15 =	simm.s32 $0x2800  }
0x5: {  	s16 =	simm.s32 $0x6800;
	s17 =	simm.s32 $0x1;
	s18 =	simm.s32 $0x2  }
0x6: {  	s19 =	simm.s32 $0x2700;
	s5 =	sand.u32 $0x1, s0;
	s0 =	stileid.u32  }
0x7: {  	s20 =	simm.s32 $0x2780;
	s21 =	simm.s32 $0x0;
	s9 =	smul.u32 $0x280, s0  }
0x8: {  	[smem:$0x7FF] =	sst s3;
	s4 =	sadd.s32 $0x2C400, s6;
	s10 =	smul.u32 $0x2800, s5  }
0x9: {  	s1 =	sshll.u32 s5, $0x4;
	s11 =	smul.u32 $0x2800, s0;
	s5 =	ssub.s32 $0x2, s5  }
0xa: {  	s12 =	smul.u32 $0x50000, s0;
	s31 =	sshll.u32 s0, $0x6;
	s1 =	sor.u32 s0, s1  }
0xb: {  	s29 =	sshrl.u32 s5, $0x1;
	s7 =	smul.u32 $0x280, s1;
	s1 =	rddreg [dreg:$0x3]  }
0xc: {  	_ =	strace $0x8000005C;
	s10 =	sadd.s32 s9, s10;
	s11 =	sadd.s32 s11, s6  }
0xd: {  	s13 =	ssub.s32 s5, s29;
	s30 =	sshrl.u32 s12, $0x2;
	s8 =	sadd.s32 s8, s9  }
0xe: {  	s10 =	sshll.u32 s10, $0x4;
	s12 =	sadd.s32 s30, s2;
	s5 =	sadd.s32 $0x4400, s11  }
0xf: {  	s7 =	sadd.s32 s7, s6;
	s10 =	sadd.s32 s10, s6;
	s6 =	sor.u32 $0x1C03, s31  }
0x10: {  	s11 =	sshrl.u32 s12, $0x3;
	s12 =	simm.s32 $0x3;
	s7 =	sadd.s32 $0x7C400, s7  }
0x11: {  	s9 =	sadd.s32 $0x1BC400, s10;
	s10 =	smax.u32 s13, $0x1;
	s13 =	simm.s32 $0x1400  }
.LBB2_1:
0x12: {  	[spmem:s11], [sflag:s6] =	dma.local [hbm:s5], $0x2800  }
0x13: {  	_ =	swait.ge [sflag:s12], $0x2800  }
0x14: {  	[sflag:s12] =	ssyncset.done $0x0  }
0x15: {  	[sflag:s12] =	ssyncadd.s32 $0xFFFFD800  }
0x16: {  	[tilespmem:s3], [sflag:$0x3] =	stream.linear.gather [hbm4b:s7+s3], $0x1400, $0x38;
	[tilespmem:$0x1E800] =	vst v63  }
0x17: {  	_ =	swait.ge [sflag:s12], $0x1400  }
0x18: {  	[sflag:s12] =	ssyncset.done $0x0  }
0x19: {  	[sflag:s12] =	ssyncadd.s32 $0xFFFFEC00  }
0x1a: {  	[tilespmem:s13], [sflag:$0x3] =	stream.linear.gather [hbm4b:s8+s3], $0x1400, $0x38;
	[tilespmem:$0x1E800] =	vst v63  }
0x1b: {  	_ =	swait.ge [sflag:s12], $0x1400  }
0x1c: {  	[sflag:s12] =	ssyncset.done $0x0  }
0x1d: {  	[sflag:s12] =	ssyncadd.s32 $0xFFFFEC00  }
0x1e: {  	[bflag:$0x0] =	sbarrier.arrive $0xFFFF  }
0x1f: {  	[tilespmem:s15], [sflag:$0x1] =	stream.indirect.gather [hbm4b:s4+s14], $0x80, s3, s14, $0xb8;
	[tilespmem:$0x1E800] =	vst v63  }
0x20: {  	_ = 	snop  }
0x21: {  	[tilespmem:s16], [sflag:$0x2] =	stream.indirect.gather [hbm4b:s4+s14], $0x80, s14, s14, $0xb8;
	[tilespmem:$0x1E800] =	vst v63  }
0x22: {  	_ =	swait.ge [sflag:s17], $0x4000  }
0x23: {  	[sflag:s17] =	ssyncset.done $0x0  }
0x24: {  	s22 =	simm.s32 $0x1400;
	[sflag:s17] =	ssyncadd.s32 $0xFFFFC000  }
0x25: {  	[spmem:s2] =	stream.indirect.scatter.add.f32 [tilespmem:s15], [sflag:$0x3], $0x80, s22, s14, $0xb8;
	[tilespmem:$0x1E800] =	vst v63  }
0x26: {  	_ =	swait.ge [sflag:s12], $0x4000  }
0x27: {  	[sflag:s12] =	ssyncset.done $0x0  }
0x28: {  	s30 =	simm.s32 $0x100;
	[sflag:s12] =	ssyncadd.s32 $0xFFFFC000  }
0x29: {  	[tilespmem:s15], [sflag:$0x1] =	stream.indirect.gather [hbm4b:s4+s14], $0x80, s30, s14, $0xb8;
	[tilespmem:$0x1E800] =	vst v63  }
0x2a: {  	_ =	swait.ge [sflag:s18], $0x4000  }
0x2b: {  	[sflag:s18] =	ssyncset.done $0x0  }
0x2c: {  	s31 =	simm.s32 $0x1480;
	[sflag:s18] =	ssyncadd.s32 $0xFFFFC000  }
0x2d: {  	[spmem:s2] =	stream.indirect.scatter.add.f32 [tilespmem:s16], [sflag:$0x3], $0x80, s31, s14, $0xb8;
	[tilespmem:$0x1E800] =	vst v63  }
0x2e: {  	_ =	swait.ge [sflag:s12], $0x4000  }
0x2f: {  	[sflag:s12] =	ssyncset.done $0x0  }
0x30: {  	s23 =	simm.s32 $0x180;
	s22 =	simm.s32 $0x400;
	[sflag:s12] =	ssyncadd.s32 $0xFFFFC000  }
.LBB2_2:
0x31: {  	[tilespmem:s16], [sflag:$0x2] =	stream.indirect.gather [hbm4b:s4+s14], $0x80, s23, s14, $0xb8;
	[tilespmem:$0x1E800] =	vst v63  }
0x32: {  	s23 =	smov.u32 s22  }
0x33: {  	p0 =	sne.s32 s22, $0x4800;
	s22 =	sadd.s32 $0x400, s22;
	_ =	swait.ge [sflag:s17], $0x4000  }
0x34: {  	s23 =	sshra.s32 s23, $0x2;
	[sflag:s17] =	ssyncset.done $0x0  }
0x35: {  	s24 =	sadd.s32 $0x1400, s23;
	[sflag:s17] =	ssyncadd.s32 $0xFFFFC000  }
0x36: {  	[spmem:s2] =	stream.indirect.scatter.add.f32 [tilespmem:s15], [sflag:$0x3], $0x80, s24, s14, $0xb8;
	[tilespmem:$0x1E800] =	vst v63  }
0x37: {  	_ =	swait.ge [sflag:s12], $0x4000  }
0x38: {  	[sflag:s12] =	ssyncset.done $0x0  }
0x39: {  	s24 =	sadd.s32 $0x100, s23;
	[sflag:s12] =	ssyncadd.s32 $0xFFFFC000  }
0x3a: {  	[tilespmem:s15], [sflag:$0x1] =	stream.indirect.gather [hbm4b:s4+s14], $0x80, s24, s14, $0xb8;
	[tilespmem:$0x1E800] =	vst v63  }
0x3b: {  	_ =	swait.ge [sflag:s18], $0x4000  }
0x3c: {  	[sflag:s18] =	ssyncset.done $0x0  }
.Ltmp0:
0x3d: {  	s24 =	sadd.s32 $0x1480, s23;
	[sflag:s18] =	ssyncadd.s32 $0xFFFFC000;
	(pc) =	sbr.rel @p0 .LBB2_2-.Ltmp0, $4  }
0x3e: {  	[spmem:s2] =	stream.indirect.scatter.add.f32 [tilespmem:s16], [sflag:$0x3], $0x80, s24, s14, $0xb8;
	[tilespmem:$0x1E800] =	vst v63  }
0x3f: {  	_ =	swait.ge [sflag:s12], $0x4000  }
0x40: {  	[sflag:s12] =	ssyncset.done $0x0  }
0x41: {  	s23 =	sadd.s32 $0x180, s23;
	[sflag:s12] =	ssyncadd.s32 $0xFFFFC000  }
0x42: {  	[tilespmem:s16], [sflag:$0x2] =	stream.indirect.gather [hbm4b:s4+s14], $0x80, s23, s14, $0xb8;
	[tilespmem:$0x1E800] =	vst v63  }
0x43: {  	_ =	swait.ge [sflag:s17], $0x4000  }
0x44: {  	[sflag:s17] =	ssyncset.done $0x0  }
0x45: {  	[sflag:s17] =	ssyncadd.s32 $0xFFFFC000  }
0x46: {  	[spmem:s2] =	stream.indirect.scatter.add.f32 [tilespmem:s15], [sflag:$0x3], $0x80, s19, s14, $0xb8;
	[tilespmem:$0x1E800] =	vst v63  }
0x47: {  	_ =	swait.ge [sflag:s12], $0x4000  }
0x48: {  	[sflag:s12] =	ssyncset.done $0x0  }
0x49: {  	[sflag:s12] =	ssyncadd.s32 $0xFFFFC000  }
0x4a: {  	_ =	swait.ge [sflag:s18], $0x4000  }
0x4b: {  	[sflag:s18] =	ssyncset.done $0x0  }
0x4c: {  	[sflag:s18] =	ssyncadd.s32 $0xFFFFC000  }
0x4d: {  	[spmem:s2] =	stream.indirect.scatter.add.f32 [tilespmem:s16], [sflag:$0x3], $0x80, s20, s14, $0xb8;
	[tilespmem:$0x1E800] =	vst v63  }
0x4e: {  	_ =	swait.ge [sflag:s12], $0x4000  }
0x4f: {  	s21 =	sadd.s32 $0x1, s21;
	[sflag:s12] =	ssyncset.done $0x0  }
0x50: {  	p0 =	sne.s32 s21, s10;
	[sflag:s12] =	ssyncadd.s32 $0xFFFFC000  }
.Ltmp1:
0x51: {  	[bflag:$0x0] =	sbarrier.arrive $0xFFFF;
	(pc) =	sbr.rel @p0 .LBB2_1-.Ltmp1, $4  }
0x52: {  	[hbm:s9], [sflag:s6] =	dma.local [spmem:s11], $0x2800  }
0x53: {  	_ =	swait.ge [sflag:s12], $0x2800  }
0x54: {  	[sflag:s12] =	ssyncset.done $0x0  }
0x55: {  	[sflag:s12] =	ssyncadd.s32 $0xFFFFD800  }
0x56: {  	_ =	sfence.sel $0x180000  }
0x57: {  	[bflag:$0x0] =	sbarrier.arrive $0xFFFF  }
0x58: {  	p0 =	sne.s32 s0, $0x0;
	_ =	strace $0x9000005C  }
0x59: {  	s0 =	sadd.s32 @!p0 $0x100000, s1;
	[bflag:$0x2] =	sbarrier.arrive $0xFFFF  }
0x5a: {  	[sflag:s0] =	ssyncadd.tile.s32 @!p0 $0x1;
	_ =	shalt  }
.Lfunc_end2:
_tile_overlayer_lowered:
.L_overlay_start_2:
0x5b: {  	(tag) =	ssettag $0x2  }
0x5c: {  	s0 =	rddreg [dreg:$0x0];
	s2 =	stileid.u32  }
0x5d: {  	s1 =	rddreg [dreg:$0x1];
	p0 =	sne.s32 s2, $0x0  }
0x5e: {  	s3 =	rddreg [dreg:$0x2];
	[bflag:$0x3] =	sbarrier.arrive $0xFFFF;
	s2 =	simm.s32 @!p0 $0x1C03  }
0x5f: {  	[timem:s3], [sflag:s2] =	dma.local @!p0 [hbm:s0], s1  }
0x60: {  	s0 =	simm.s32 @!p0 $0x3  }
0x61: {  	_ =	swait.ge @!p0 [sflag:s0], s1  }
0x62: {  	s1 =	ssub.s32 @!p0 $0x0, s1;
	[sflag:s0] =	ssyncset.done @!p0 $0x0  }
0x63: {  	[sflag:s0] =	ssyncadd.s32 @!p0 s1  }
0x64: {  	[bflag:$0x3] =	sbarrier.arrive $0xFFFF  }
0x65: {  	_ =	shalt  }

// kernel: kernel.37.cloned.1.call-start
scs
__scs_entry_jumppad:
0x0: {  	(pc) =	sbr.rel $0x88, $3  }
0x1: {  	(tag) =	ssettag $0x0;
	lr =	simm.s32 $0x1  }
0x2: {  	[smem:$0x3F94] =	sst lr;
	_ =	strace $0xD0000000  }
0x3: {  	_ = 	snop  }
0x4: {  	_ = 	snop  }
0x5: {  	_ = 	snop  }
0x6: {  	_ = 	snop  }
0x7: {  	_ = 	snop  }
__scs_overlays_trampoline_lowered:
0x8: {  	[smem:$0x3FA3] =	sst s0  }
0x9: {  	[smem:$0x3FA4] =	sst s1  }
0xa: {  	[smem:$0x3FA5] =	sst s2  }
0xb: {  	[smem:$0x3FA6] =	sst s3  }
0xc: {  	[smem:$0x3FA7] =	sst s4  }
0xd: {  	[smem:$0x3FA8] =	sst s5  }
0xe: {  	[smem:$0x3FA9] =	sst s6  }
0xf: {  	[smem:$0x3FAA] =	sst s7  }
0x10: {  	[smem:$0x3FAB] =	sst s8  }
0x11: {  	[smem:$0x3FAC] =	sst s9;
	s0 =	simm.s32 @!p0 $0x0  }
0x12: {  	s1 =	sld [smem:$0x3F92];
	s0 =	simm.s32 @p0 $0x1  }
0x13: {  	[smem:$0x3FAD] =	sst s0;
	s0 =	simm.s32 @!p1 $0x0  }
0x14: {  	s2 =	sld [smem:$0x3F91];
	s0 =	simm.s32 @p1 $0x1  }
0x15: {  	[smem:$0x3FAE] =	sst s0;
	s0 =	simm.s32 @!p2 $0x0  }
0x16: {  	s3 =	sld [smem:$0x3FDB];
	s0 =	simm.s32 @p2 $0x1  }
0x17: {  	s4 =	simm.s32 $0x1BF5;
	[smem:$0x3FB0] =	sst s0  }
0x18: {  	s0 =	sld [smem:$0x3F93];
	_ =	swait.ge [sflag:s4], $0x0  }
0x19: {  	s7 =	sld [smem:$0x3F94]  }
0x1a: {  	s8 =	sadd.s32 $0xFFFFE003, lr  }
0x1b: {  	s9 =	sadd.s32 $0xFFFFFEF7, lr;
	s5 =	simm.s32 $0xFFFFFFFF;
	p2 =	slt.u32 s8, $0xFFFFF086  }
0x1c: {  	p1 =	slt.u32 s9, $0xF7A;
	s5 =	simm.s32 @!p2 $0x0  }
0x1d: {  	s5 =	simm.s32 @p1 $0x1;
	p0 =	seq.s32 s7, s2  }
0x1e: {  	s7 =	smul.u32 @!p0 $0xF7A, s2;
	p2 =	seq.s32 @!p0 s5, $0x0  }
0x1f: {  	s9 =	smul.u32 $0xF7A, s1;
	s8 =	simm.s32 @!p0 $0x1BF5;
	p2 =	por !p2, p0  }
0x20: {  	[sflag:s8] =	ssyncset.s32 @!p0 $0xFFFFF086;
	s6 =	sadd.s32 @!p0 s3, s7;
	s7 =	simm.s32 @!p0 $0x108  }
0x21: {  	s3 =	sadd.s32 s3, s9;
	s6 =	sadd.s32 @!p0 $0x88, s6;
	s7 =	simm.s32 @p2 $0x1082  }
0x22: {  	[simem:s7], [sflag:s8] =	dma.local @!p0 [hbm:s6], $0xF7A  }
0x23: {  	s9 =	sor.u32 $0xD0000000, s2;
	s6 =	simm.s32 $0x108;
	_ =	swait.ge @!p0 [sflag:s8], $0x0  }
0x24: {  	s3 =	sadd.s32 $0x88, s3;
	s6 =	simm.s32 @!p1 $0x1082;
	[sflag:s4] =	ssyncset.s32 $0xFFFFF086  }
0x25: {  	[simem:s6], [sflag:s4] =	dma.local [hbm:s3], $0xF7A  }
0x26: {  	[smem:$0x3F94] =	sst s1;
	(tag) =	ssettag s2;
	_ =	strace s9  }
0x27: {  	s1 =	sld [smem:$0x3FA4]  }
0x28: {  	s2 =	sld [smem:$0x3FA5]  }
0x29: {  	s4 =	sld [smem:$0x3FA7]  }
0x2a: {  	p0 =	seq.s32 s5, $0x0;
	s5 =	sld [smem:$0x3FA8]  }
0x2b: {  	s6 =	sld [smem:$0x3FA9]  }
0x2c: {  	s7 =	sld [smem:$0x3FAA]  }
0x2d: {  	s3 =	simm.s32 $0x108;
	s8 =	sld [smem:$0x3FAB]  }
0x2e: {  	s3 =	simm.s32 @!p0 $0x1082;
	s9 =	sld [smem:$0x3FAC]  }
0x2f: {  	lr =	sadd.s32 s0, s3;
	s0 =	sld [smem:$0x3FA3]  }
0x30: {  	s3 =	sld [smem:$0x3FA6]  }
0x31: {  	[smem:$0x3FAF] =	sst s10  }
0x32: {  	s10 =	sld [smem:$0x3FAD];
	_ =	sdelay $0x3  }
0x33: {  	p0 =	seq.s32 s10, $0x1;
	s10 =	sld [smem:$0x3FAF];
	_ =	sdelay $0x3  }
0x34: {  	[smem:$0x3FAF] =	sst s10  }
0x35: {  	s10 =	sld [smem:$0x3FAE];
	_ =	sdelay $0x3  }
0x36: {  	p1 =	seq.s32 s10, $0x1;
	s10 =	sld [smem:$0x3FAF];
	_ =	sdelay $0x3  }
0x37: {  	[smem:$0x3FAF] =	sst s10  }
0x38: {  	s10 =	sld [smem:$0x3FB0]  }
0x39: {  	_ = 	snop;
	(pc) =	sbr.ind lr, $3  }
0x3a: {  	_ = 	snop  }
0x3b: {  	_ = 	snop  }
0x3c: {  	p2 =	seq.s32 s10, $0x1;
	s10 =	sld [smem:$0x3FAF]  }
0x3d: {  	_ =	shalt  }
0x3e: {  	_ =	shalt  }
0x3f: {  	_ =	shalt  }
0x40: {  	_ =	shalt  }
0x41: {  	_ =	shalt  }
0x42: {  	_ =	shalt  }
0x43: {  	_ =	shalt  }
0x44: {  	_ =	shalt  }
0x45: {  	_ =	shalt  }
0x46: {  	_ =	shalt  }
0x47: {  	_ =	shalt  }
0x48: {  	_ =	shalt  }
0x49: {  	_ =	shalt  }
0x4a: {  	_ =	shalt  }
0x4b: {  	_ =	shalt  }
0x4c: {  	_ =	shalt  }
0x4d: {  	_ =	shalt  }
0x4e: {  	_ =	shalt  }
0x4f: {  	_ =	shalt  }
0x50: {  	_ =	shalt  }
0x51: {  	_ =	shalt  }
0x52: {  	_ =	shalt  }
0x53: {  	_ =	shalt  }
0x54: {  	_ =	shalt  }
0x55: {  	_ =	shalt  }
0x56: {  	_ =	shalt  }
0x57: {  	_ =	shalt  }
0x58: {  	_ =	shalt  }
0x59: {  	_ =	shalt  }
0x5a: {  	_ =	shalt  }
0x5b: {  	_ =	shalt  }
0x5c: {  	_ =	shalt  }
0x5d: {  	_ =	shalt  }
0x5e: {  	_ =	shalt  }
0x5f: {  	_ =	shalt  }
0x60: {  	_ =	shalt  }
0x61: {  	_ =	shalt  }
0x62: {  	_ =	shalt  }
0x63: {  	_ =	shalt  }
0x64: {  	_ =	shalt  }
0x65: {  	_ =	shalt  }
0x66: {  	_ =	shalt  }
0x67: {  	_ =	shalt  }
0x68: {  	_ =	shalt  }
0x69: {  	_ =	shalt  }
0x6a: {  	_ =	shalt  }
0x6b: {  	_ =	shalt  }
0x6c: {  	_ =	shalt  }
0x6d: {  	_ =	shalt  }
0x6e: {  	_ =	shalt  }
0x6f: {  	_ =	shalt  }
0x70: {  	_ =	shalt  }
0x71: {  	_ =	shalt  }
0x72: {  	_ =	shalt  }
0x73: {  	_ =	shalt  }
0x74: {  	_ =	shalt  }
0x75: {  	_ =	shalt  }
0x76: {  	_ =	shalt  }
0x77: {  	_ =	shalt  }
0x78: {  	_ =	shalt  }
0x79: {  	_ =	shalt  }
0x7a: {  	_ =	shalt  }
0x7b: {  	_ =	shalt  }
0x7c: {  	_ =	shalt  }
0x7d: {  	_ =	shalt  }
0x7e: {  	_ =	shalt  }
0x7f: {  	_ =	shalt  }
0x80: {  	_ =	shalt  }
0x81: {  	_ =	shalt  }
0x82: {  	_ =	shalt  }
0x83: {  	_ =	shalt  }
0x84: {  	_ =	shalt  }
0x85: {  	_ =	shalt  }
0x86: {  	_ =	shalt  }
0x87: {  	_ =	shalt  }
.Lfunc_end0:
.L_simem_size_0:
called_computation.8_lowered:
.L_overlay_start_0:
0x88: {  	s2 =	sld [smem:$0x3FD9]  }
0x89: {  	s3 =	sld [smem:$0x3FFE];
	_ =	sdelay $0x1  }
0x8a: {  	s1 =	srdreg.scid  }
0x8b: {  	s0 =	sand.u32 $0x1, s1  }
0x8c: {  	s14 =	sshll.u32 s0, $0xA;
	s2 =	sadd.s32 s3, s2  }
0x8d: {  	s2 =	sadd.s32 s2, s14  }
0x8e: {  	[smem:$0x3FBB] =	sst s2  }
0x8f: {  	_ = 	snop  }
0x90: {  	s2 =	sld [smem:$0x3FD0];
	_ =	sdelay $0x2  }
0x91: {  	s15 =	simm.s32 $0xA;
	s4 =	simm.s32 $0x10  }
0x92: {  	[smem:s4], [sflag:s15] =	dma.local [hbm:s2], $0x1  }
0x93: {  	_ =	swait.eq [sflag:s15], $0x1  }
0x94: {  	[sflag:s15] =	ssyncset.done $0x0  }
0x95: {  	[sflag:s15] =	ssyncadd.s32 $0xFFFFFFFF  }
0x96: {  	s16 =	sld [smem:$0x11];
	(tm) =	ssettm $0x1  }
0x97: {  	s17 =	sld [smem:$0x3FFB];
	_ =	sdelay $0x3  }
0x98: {  	_ =	strace s17  }
0x99: {  	s3 =	sld [smem:$0x3FFC];
	_ =	sdelay $0x3  }
0x9a: {  	_ =	strace s3  }
0x9b: {  	s3 =	sld [smem:$0x3FFD];
	_ =	sdelay $0x3  }
0x9c: {  	_ =	strace s3  }
0x9d: {  	_ =	strace $0x8FFFFFFF  }
0x9e: {  	s18 =	sld [smem:$0x3FDB];
	_ =	sdelay $0x1  }
0x9f: {  	s19 =	simm.s32 $_scs_section_size  }
0xa0: {  	s5 =	simm.s32 $_size__tile_overlayer_lowered;
	s6 =	simm.s32 $_tile_overlayer_lowered  }
0xa1: {  	s22 =	simm.s32 $0x1BFF;
	s21 =	sshll.u32 s6, $0x1;
	s3 =	sadd.s32 s19, s18  }
0xa2: {  	s7 =	simm.s32 $0x0;
	s20 =	sshll.u32 s5, $0x1;
	s5 =	sadd.s32 s21, s3  }
0xa3: {  	[timem:s7], [sflag:s22] =	dma.local [hbm:s5], s20  }
0xa4: {  	_ =	swait.ge [sflag:s22], s20  }
0xa5: {  	s4 =	ssub.s32 $0x0, s20;
	[sflag:s22] =	ssyncset.done $0x0  }
0xa6: {  	[sflag:s22] =	ssyncadd.s32 s4;
	_ =	sdelay $0x1  }
0xa7: {  	s23 =	simm.s32 $0x1B8B  }
0xa8: {  	_ =	swait.ge [sflag:s23], $0x1  }
0xa9: {  	[sflag:s23] =	ssyncset.done $0x0  }
0xaa: {  	s25 =	simm.s32 $0x1B8E;
	s24 =	sld [smem:$0x3FFE];
	[sflag:s23] =	ssyncadd.s32 $0xFFFFFFFF  }
0xab: {  	s26 =	simm.s32 $execute0_lowered;
	[smem:$0x3FD2] =	sst s25  }
0xac: {  	s5 =	sshll.u32 s26, $0x1;
	_ =	strace $0x8000005E;
	[dreg:$0x1] =	wrdreg $0xFFFFFFFF  }
0xad: {  	s28 =	simm.s32 $_size_execute0_lowered;
	s3 =	sadd.s32 s3, s5;
	[dreg:$0x0] =	wrdreg $0x0  }
0xae: {  	s5 =	sshll.u32 s28, $0x1;
	[dreg:$0x2] =	wrdreg s3  }
0xaf: {  	[dreg:$0x3] =	wrdreg s5  }
0xb0: {  	[dreg:$0x4] =	wrdreg $0xC0  }
0xb1: {  	_ =	task [dreg:s7], $0x5FFFF  }
0xb2: {  	[dreg:$0x1] =	wrdreg $0xFFFFFFFF  }
0xb3: {  	[dreg:$0x0] =	wrdreg $0x60  }
0xb4: {  	[dreg:$0x2] =	wrdreg s24  }
0xb5: {  	[dreg:$0x3] =	wrdreg s16  }
0xb6: {  	[dreg:$0x4] =	wrdreg $0x9  }
0xb7: {  	_ =	task.clear_ibuf [dreg:s7], $0x5FFFF;
	_ =	strace $0x9000005E  }
0xb8: {  	s29 =	simm.s32 $0x9;
	_ =	strace $0x80000060  }
0xb9: {  	_ =	swait.ge [sflag:s29], $0x1  }
0xba: {  	[sflag:s29] =	ssyncadd.s32 $0xFFFFFFFF  }
0xbb: {  	_ =	strace $0x90000060  }
0xbc: {  	_ =	sfence  }
0xbd: {  	s30 =	sld [smem:$0x0];
	_ =	sdelay $0x2  }
0xbe: {  	s31 =	sshll.u32 s1, $0xD;
	s1 =	sshrl.u32 s1, $0x2  }
0xbf: {  	s3 =	sand.u32 $0x4000, s31;
	s1 =	sadd.s32 s1, s30  }
0xc0: {  	s0 =	sor.u32 s3, s0;
	s1 =	sshll.u32 s1, $0x11  }
0xc1: {  	s0 =	sor.u32 s1, s0  }
0xc2: {  	s0 =	sadd.s32 $0x8F2B, s0  }
0xc3: {  	[sflag:s0] =	ssyncadd.remote.s32 $0x1  }
0xc4: {  	_ =	sfence.sel $0xFFFF  }
0xc5: {  	[dreg:$0x0] =	wrdreg $0xFFFFFFFF;
	(pc) =	sbr.abs _section_cstart, $3  }
0xc6: {  	[dreg:$0x1] =	wrdreg $0xFFFFFFFF  }
0xc7: {  	_ =	task.clear_ibuf [dreg:s7], $0x2FFFF;
	_ =	strace $0x9FFFFFFF  }
0xc8: {  	(tm) =	ssettm $0x7FFFFFFF  }
0xc9: {  	_ =	shalt  }
tec
execute0_lowered:
.L_overlay_start_1:
0x0: {  	(tag) =	ssettag $0x1  }
0x1: {  	s0 =	rddreg [dreg:$0x0]  }
0x2: {  	s1 =	srdreg.scid;
	s3 =	simm.s32 $0x0;
	s4 =	stileid.u32  }
0x3: {  	s12 =	simm.s32 $0xE800;
	s14 =	simm.s32 $0xF000;
	s11 =	simm.s32 $0x12800  }
0x4: {  	s13 =	simm.s32 $0x13000;
	s15 =	simm.s32 $0x13800;
	s16 =	simm.s32 $0x14000  }
0x5: {  	s17 =	simm.s32 $0x14800;
	s18 =	simm.s32 $0x1;
	s19 =	simm.s32 $0x2  }
0x6: {  	s20 =	simm.s32 $0x3;
	s21 =	simm.s32 $0x4;
	s1 =	sand.u32 $0x1, s1  }
0x7: {  	[smem:$0x7FF] =	sst s3;
	s5 =	sadd.s32 $0x81400, s0;
	s2 =	sshll.u32 s1, $0x4  }
0x8: {  	s8 =	sadd.s32 $0x95400, s0;
	_ =	strace $0x8000005F;
	s2 =	sor.u32 s4, s2  }
0x9: {  	s1 =	ssub.s32 $0x2, s1;
	s4 =	sadd.s32 $0x3C00, s0;
	s6 =	smul.u32 $0x500, s2  }
0xa: {  	s9 =	sshrl.u32 s1, $0x1;
	s7 =	smul.u32 $0x280, s2;
	s2 =	sor.u32 $0x20, s2  }
0xb: {  	s0 =	sadd.s32 $0x53C00, s0;
	s1 =	ssub.s32 s1, s9;
	s10 =	smul.u32 $0x500, s2  }
0xc: {  	s9 =	simm.s32 $0x11800;
	s2 =	smul.u32 $0x280, s2;
	s31 =	smax.u32 s1, $0x1  }
0xd: {  	s1 =	simm.s32 $0x0;
	s28 =	sadd.s32 s5, s6;
	[dreg:$0x9] =	wrdreg s31  }
0xe: {  	s6 =	sadd.s32 s8, s6;
	s29 =	sadd.s32 s0, s7;
	[dreg:$0x3] =	wrdreg s28  }
.Ltmp0:
0xf: {  	s7 =	simm.s32 $0x10800;
	[dreg:$0x4] =	wrdreg s6;
	(pc) =	sbr.rel .LBB2_1-.Ltmp0, $4  }
0x10: {  	[dreg:$0x5] =	wrdreg s29;
	s5 =	sadd.s32 s5, s10;
	s30 =	sadd.s32 s8, s10  }
0x11: {  	v0 =	vlaneseq.u32;
	s0 =	sadd.s32 s0, s2;
	s2 =	simm.s32 $0x5;
	[dreg:$0x6] =	wrdreg s5  }
0x12: {  	vm0 =	vmmov $0xffff;
	v2 =	vshrl.u32 v0, $0x3;
	s6 =	simm.s32 $0x10000;
	s8 =	simm.s32 $0x11000;
	[dreg:$0x7] =	wrdreg s30  }
0x13: {  	v1 =	vand.u32 $0x7, v0;
	v3 =	vor.u32 $0x8, v0;
	v2 =	vmul.u32 $0x8, v2;
	s10 =	simm.s32 $0x12000;
	[dreg:$0x8] =	wrdreg s0;
	s5 =	simm.s32 $0xF800  }
.LBB2_19:
0x14: {  	s0 =	rddreg [dreg:$0x8];
	s1 =	simm.s32 $0x15200;
	s2 =	simm.s32 $0x5  }
0x15: {  	[hbm4b:s0+s3] =	stream.linear.scatter [tilespmem:s1], [sflag:$0x5], $0x1400, $0x38;
	[tilespmem:$0x16600] =	vst v63  }
0x16: {  	_ =	swait.ge [sflag:s2], $0x1400  }
0x17: {  	s30 =	rddreg [dreg:$0xa]  }
0x18: {  	s31 =	rddreg [dreg:$0x9];
	s1 =	sadd.s32 $0x1, s30  }
0x19: {  	p0 =	sne.s32 s1, s31  }
.Ltmp1:
0x1a: {  	_ = 	snop;
	(pc) =	sbr.rel @!p0 .LBB2_20-.Ltmp1, $3  }
0x1b: {  	_ =	sdelay $0x1  }
0x1c: {  	[sflag:s2] =	ssyncset.done $0x0  }
0x1d: {  	[sflag:s2] =	ssyncadd.s32 $0xFFFFEC00  }
.LBB2_1:
0x1e: {  	[dreg:$0xa] =	wrdreg s1  }
0x1f: {  	s0 =	rddreg [dreg:$0x1];
	s30 =	simm.s32 $0x15000  }
0x20: {  	[tilespmem:s30], [sflag:$0x5] =	stream.linear.gather [hbm4b:s0+s3], $0x200, $0x38;
	[tilespmem:$0x16600] =	vst v63  }
0x21: {  	_ =	swait.ge [sflag:s2], $0x200  }
0x22: {  	[sflag:s2] =	ssyncset.done $0x0  }
0x23: {  	s31 =	rddreg [dreg:$0x3];
	[sflag:s2] =	ssyncadd.s32 $0xFFFFFE00  }
0x24: {  	[tilespmem:s3], [sflag:$0x5] =	stream.linear.gather [hbm4b:s31+s3], $0x2800, $0x38;
	[tilespmem:$0x16600] =	vst v63  }
0x25: {  	_ =	swait.ge [sflag:s2], $0x2800  }
0x26: {  	[sflag:s2] =	ssyncset.done $0x0  }
0x27: {  	s22 =	simm.s32 $0x2800;
	s1 =	rddreg [dreg:$0x4];
	[sflag:s2] =	ssyncadd.s32 $0xFFFFD800  }
0x28: {  	[tilespmem:s22], [sflag:$0x5] =	stream.linear.gather [hbm4b:s1+s3], $0x2800, $0x38;
	[tilespmem:$0x16600] =	vst v63  }
0x29: {  	_ =	swait.ge [sflag:s2], $0x2800  }
0x2a: {  	[sflag:s2] =	ssyncset.done $0x0  }
0x2b: {  	[sflag:s2] =	ssyncadd.s32 $0xFFFFD800  }
0x2c: {  	v4 =	vld [tilespmem:$0x0];
	_ =	sdelay $0x4  }
0x2d: {  	v5 =	vshll.u32 v4, $0x1  }
0x2e: {  	v4 =	vand.u32 $0x7, v4;
	v5 =	vand.u32 $0xFFFFFFF0, v5  }
0x2f: {  	v4 =	vor.u32 v4, v5  }
0x30: {  	v5 =	vperm.xlane v4, v1;
	_ =	sdelay $0x1  }
0x31: {  	v4 =	vperm.xlane v4, v3;
	v5 =	vadd.s32 v2, v5;
	_ =	sdelay $0x1  }
0x32: {  	v4 =	vadd.s32 v2, v4;
	_ =	sdelay $0x1  }
0x33: {  	s23 =	simm.s32 $0x5000  }
0x34: {  	[tilespmem:s23], [sflag:$0x1] =	stream.indirect_vreg.gather [hbm4b:s4+s3], $0x80, v5, vm0, $0xb8;
	[tilespmem:$0x16600] =	vst v63  }
0x35: {  	s24 =	simm.s32 $0x5800  }
0x36: {  	[tilespmem:s24], [sflag:$0x1] =	stream.indirect_vreg.gather [hbm4b:s4+s3], $0x80, v4, vm0, $0xb8;
	[tilespmem:$0x16600] =	vst v63  }
0x37: {  	v4 =	vld [tilespmem:$0x10];
	_ =	sdelay $0x4  }
0x38: {  	v5 =	vshll.u32 v4, $0x1  }
0x39: {  	v4 =	vand.u32 $0x7, v4;
	v5 =	vand.u32 $0xFFFFFFF0, v5  }
0x3a: {  	v4 =	vor.u32 v4, v5  }
0x3b: {  	v5 =	vperm.xlane v4, v1;
	_ =	sdelay $0x1  }
0x3c: {  	v4 =	vperm.xlane v4, v3;
	v5 =	vadd.s32 v2, v5;
	_ =	sdelay $0x1  }
0x3d: {  	v4 =	vadd.s32 v2, v4;
	_ =	sdelay $0x1  }
0x3e: {  	s25 =	simm.s32 $0x6000  }
0x3f: {  	[tilespmem:s25], [sflag:$0x1] =	stream.indirect_vreg.gather [hbm4b:s4+s3], $0x80, v5, vm0, $0xb8;
	[tilespmem:$0x16600] =	vst v63  }
0x40: {  	s26 =	simm.s32 $0x6800  }
0x41: {  	[tilespmem:s26], [sflag:$0x1] =	stream.indirect_vreg.gather [hbm4b:s4+s3], $0x80, v4, vm0, $0xb8;
	[tilespmem:$0x16600] =	vst v63  }
0x42: {  	v4 =	vld [tilespmem:$0x20];
	_ =	sdelay $0x4  }
0x43: {  	v5 =	vshll.u32 v4, $0x1  }
0x44: {  	v4 =	vand.u32 $0x7, v4;
	v5 =	vand.u32 $0xFFFFFFF0, v5  }
0x45: {  	v4 =	vor.u32 v4, v5  }
0x46: {  	v5 =	vperm.xlane v4, v1;
	_ =	sdelay $0x1  }
0x47: {  	v4 =	vperm.xlane v4, v3;
	v5 =	vadd.s32 v2, v5;
	_ =	sdelay $0x1  }
0x48: {  	v4 =	vadd.s32 v2, v4;
	_ =	sdelay $0x1  }
0x49: {  	s28 =	simm.s32 $0x7000  }
0x4a: {  	[tilespmem:s28], [sflag:$0x1] =	stream.indirect_vreg.gather [hbm4b:s4+s3], $0x80, v5, vm0, $0xb8;
	[tilespmem:$0x16600] =	vst v63  }
0x4b: {  	s29 =	simm.s32 $0x7800  }
0x4c: {  	[tilespmem:s29], [sflag:$0x1] =	stream.indirect_vreg.gather [hbm4b:s4+s3], $0x80, v4, vm0, $0xb8;
	[tilespmem:$0x16600] =	vst v63  }
0x4d: {  	v4 =	vld [tilespmem:$0x30];
	_ =	sdelay $0x4  }
0x4e: {  	v5 =	vshll.u32 v4, $0x1  }
0x4f: {  	v4 =	vand.u32 $0x7, v4;
	v5 =	vand.u32 $0xFFFFFFF0, v5  }
0x50: {  	v4 =	vor.u32 v4, v5  }
0x51: {  	v5 =	vperm.xlane v4, v1;
	_ =	sdelay $0x1  }
0x52: {  	v4 =	vperm.xlane v4, v3;
	v5 =	vadd.s32 v2, v5;
	_ =	sdelay $0x1  }
0x53: {  	v4 =	vadd.s32 v2, v4;
	_ =	sdelay $0x1  }
0x54: {  	s30 =	simm.s32 $0x8000  }
0x55: {  	[tilespmem:s30], [sflag:$0x1] =	stream.indirect_vreg.gather [hbm4b:s4+s3], $0x80, v5, vm0, $0xb8;
	[tilespmem:$0x16600] =	vst v63  }
0x56: {  	s31 =	simm.s32 $0x8800  }
0x57: {  	[tilespmem:s31], [sflag:$0x1] =	stream.indirect_vreg.gather [hbm4b:s4+s3], $0x80, v4, vm0, $0xb8;
	[tilespmem:$0x16600] =	vst v63  }
0x58: {  	v4 =	vld [tilespmem:$0x2800];
	_ =	sdelay $0x4  }
0x59: {  	v5 =	vshll.u32 v4, $0x1  }
0x5a: {  	v4 =	vand.u32 $0x7, v4;
	v5 =	vand.u32 $0xFFFFFFF0, v5  }
0x5b: {  	v4 =	vor.u32 v4, v5  }
0x5c: {  	v5 =	vperm.xlane v4, v1;
	_ =	sdelay $0x1  }
0x5d: {  	v4 =	vperm.xlane v4, v3;
	v5 =	vadd.s32 v2, v5;
	_ =	sdelay $0x1  }
0x5e: {  	v4 =	vadd.s32 v2, v4;
	_ =	sdelay $0x1  }
0x5f: {  	s1 =	simm.s32 $0x9000  }
0x60: {  	[tilespmem:s1], [sflag:$0x2] =	stream.indirect_vreg.gather [hbm4b:s4+s3], $0x80, v5, vm0, $0xb8;
	[tilespmem:$0x16600] =	vst v63  }
0x61: {  	s2 =	simm.s32 $0x9800  }
0x62: {  	[tilespmem:s2], [sflag:$0x2] =	stream.indirect_vreg.gather [hbm4b:s4+s3], $0x80, v4, vm0, $0xb8;
	[tilespmem:$0x16600] =	vst v63  }
0x63: {  	v4 =	vld [tilespmem:$0x2810];
	_ =	sdelay $0x4  }
0x64: {  	v5 =	vshll.u32 v4, $0x1  }
0x65: {  	v4 =	vand.u32 $0x7, v4;
	v5 =	vand.u32 $0xFFFFFFF0, v5  }
0x66: {  	v4 =	vor.u32 v4, v5  }
0x67: {  	v5 =	vperm.xlane v4, v1;
	_ =	sdelay $0x1  }
0x68: {  	v4 =	vperm.xlane v4, v3;
	v5 =	vadd.s32 v2, v5;
	_ =	sdelay $0x1  }
0x69: {  	v4 =	vadd.s32 v2, v4;
	_ =	sdelay $0x1  }
0x6a: {  	s22 =	simm.s32 $0xA000  }
0x6b: {  	[tilespmem:s22], [sflag:$0x2] =	stream.indirect_vreg.gather [hbm4b:s4+s3], $0x80, v5, vm0, $0xb8;
	[tilespmem:$0x16600] =	vst v63  }
0x6c: {  	s23 =	simm.s32 $0xA800  }
0x6d: {  	[tilespmem:s23], [sflag:$0x2] =	stream.indirect_vreg.gather [hbm4b:s4+s3], $0x80, v4, vm0, $0xb8;
	[tilespmem:$0x16600] =	vst v63  }
0x6e: {  	v4 =	vld [tilespmem:$0x2820];
	_ =	sdelay $0x4  }
0x6f: {  	v5 =	vshll.u32 v4, $0x1  }
0x70: {  	v4 =	vand.u32 $0x7, v4;
	v5 =	vand.u32 $0xFFFFFFF0, v5  }
0x71: {  	v4 =	vor.u32 v4, v5  }
0x72: {  	v5 =	vperm.xlane v4, v1;
	_ =	sdelay $0x1  }
0x73: {  	v4 =	vperm.xlane v4, v3;
	v5 =	vadd.s32 v2, v5;
	_ =	sdelay $0x1  }
0x74: {  	v4 =	vadd.s32 v2, v4;
	_ =	sdelay $0x1  }
0x75: {  	s24 =	simm.s32 $0xB000  }
0x76: {  	[tilespmem:s24], [sflag:$0x2] =	stream.indirect_vreg.gather [hbm4b:s4+s3], $0x80, v5, vm0, $0xb8;
	[tilespmem:$0x16600] =	vst v63  }
0x77: {  	s25 =	simm.s32 $0xB800  }
0x78: {  	[tilespmem:s25], [sflag:$0x2] =	stream.indirect_vreg.gather [hbm4b:s4+s3], $0x80, v4, vm0, $0xb8;
	[tilespmem:$0x16600] =	vst v63  }
0x79: {  	v4 =	vld [tilespmem:$0x2830];
	_ =	sdelay $0x4  }
0x7a: {  	v5 =	vshll.u32 v4, $0x1  }
0x7b: {  	v4 =	vand.u32 $0x7, v4;
	v5 =	vand.u32 $0xFFFFFFF0, v5  }
0x7c: {  	v4 =	vor.u32 v4, v5  }
0x7d: {  	v5 =	vperm.xlane v4, v1;
	_ =	sdelay $0x1  }
0x7e: {  	v4 =	vperm.xlane v4, v3;
	v5 =	vadd.s32 v2, v5;
	_ =	sdelay $0x1  }
0x7f: {  	v4 =	vadd.s32 v2, v4;
	_ =	sdelay $0x1  }
0x80: {  	s26 =	simm.s32 $0xC000  }
0x81: {  	[tilespmem:s26], [sflag:$0x2] =	stream.indirect_vreg.gather [hbm4b:s4+s3], $0x80, v5, vm0, $0xb8;
	[tilespmem:$0x16600] =	vst v63  }
0x82: {  	s28 =	simm.s32 $0xC800  }
0x83: {  	[tilespmem:s28], [sflag:$0x2] =	stream.indirect_vreg.gather [hbm4b:s4+s3], $0x80, v4, vm0, $0xb8;
	[tilespmem:$0x16600] =	vst v63  }
0x84: {  	v4 =	vld [tilespmem:$0x80];
	_ =	sdelay $0x4  }
0x85: {  	v5 =	vshll.u32 v4, $0x1  }
0x86: {  	v4 =	vand.u32 $0x7, v4;
	v5 =	vand.u32 $0xFFFFFFF0, v5  }
0x87: {  	v4 =	vor.u32 v4, v5  }
0x88: {  	v5 =	vperm.xlane v4, v1;
	_ =	sdelay $0x1  }
0x89: {  	v4 =	vperm.xlane v4, v3;
	v5 =	vadd.s32 v2, v5;
	_ =	sdelay $0x1  }
0x8a: {  	v4 =	vadd.s32 v2, v4;
	_ =	sdelay $0x1  }
0x8b: {  	s29 =	simm.s32 $0xD000  }
0x8c: {  	[tilespmem:s29], [sflag:$0x3] =	stream.indirect_vreg.gather [hbm4b:s4+s3], $0x80, v5, vm0, $0xb8;
	[tilespmem:$0x16600] =	vst v63  }
0x8d: {  	s30 =	simm.s32 $0xD800  }
0x8e: {  	[tilespmem:s30], [sflag:$0x3] =	stream.indirect_vreg.gather [hbm4b:s4+s3], $0x80, v4, vm0, $0xb8;
	[tilespmem:$0x16600] =	vst v63  }
0x8f: {  	v4 =	vld [tilespmem:$0x90];
	_ =	sdelay $0x4  }
0x90: {  	v5 =	vshll.u32 v4, $0x1  }
0x91: {  	v4 =	vand.u32 $0x7, v4;
	v5 =	vand.u32 $0xFFFFFFF0, v5  }
0x92: {  	v4 =	vor.u32 v4, v5  }
0x93: {  	v5 =	vperm.xlane v4, v1;
	_ =	sdelay $0x1  }
0x94: {  	v4 =	vperm.xlane v4, v3;
	v5 =	vadd.s32 v2, v5;
	_ =	sdelay $0x1  }
0x95: {  	v4 =	vadd.s32 v2, v4;
	_ =	sdelay $0x1  }
0x96: {  	s31 =	simm.s32 $0xE000  }
0x97: {  	[tilespmem:s31], [sflag:$0x3] =	stream.indirect_vreg.gather [hbm4b:s4+s3], $0x80, v5, vm0, $0xb8;
	[tilespmem:$0x16600] =	vst v63  }
0x98: {  	_ = 	snop  }
0x99: {  	[tilespmem:s12], [sflag:$0x3] =	stream.indirect_vreg.gather [hbm4b:s4+s3], $0x80, v4, vm0, $0xb8;
	[tilespmem:$0x16600] =	vst v63  }
0x9a: {  	v4 =	vld [tilespmem:$0xA0];
	_ =	sdelay $0x4  }
0x9b: {  	v5 =	vshll.u32 v4, $0x1  }
0x9c: {  	v4 =	vand.u32 $0x7, v4;
	v5 =	vand.u32 $0xFFFFFFF0, v5  }
0x9d: {  	v4 =	vor.u32 v4, v5  }
0x9e: {  	v5 =	vperm.xlane v4, v1;
	_ =	sdelay $0x1  }
0x9f: {  	v4 =	vperm.xlane v4, v3;
	v5 =	vadd.s32 v2, v5;
	_ =	sdelay $0x1  }
0xa0: {  	v4 =	vadd.s32 v2, v4;
	_ =	sdelay $0x2  }
0xa1: {  	[tilespmem:s14], [sflag:$0x3] =	stream.indirect_vreg.gather [hbm4b:s4+s3], $0x80, v5, vm0, $0xb8;
	[tilespmem:$0x16600] =	vst v63  }
0xa2: {  	_ = 	snop  }
0xa3: {  	[tilespmem:s5], [sflag:$0x3] =	stream.indirect_vreg.gather [hbm4b:s4+s3], $0x80, v4, vm0, $0xb8;
	[tilespmem:$0x16600] =	vst v63  }
0xa4: {  	v4 =	vld [tilespmem:$0xB0];
	_ =	sdelay $0x4  }
0xa5: {  	v5 =	vshll.u32 v4, $0x1  }
0xa6: {  	v4 =	vand.u32 $0x7, v4;
	v5 =	vand.u32 $0xFFFFFFF0, v5  }
0xa7: {  	v4 =	vor.u32 v4, v5  }
0xa8: {  	v5 =	vperm.xlane v4, v1;
	_ =	sdelay $0x1  }
0xa9: {  	v4 =	vperm.xlane v4, v3;
	v5 =	vadd.s32 v2, v5;
	_ =	sdelay $0x1  }
0xaa: {  	v4 =	vadd.s32 v2, v4;
	_ =	sdelay $0x2  }
0xab: {  	[tilespmem:s6], [sflag:$0x3] =	stream.indirect_vreg.gather [hbm4b:s4+s3], $0x80, v5, vm0, $0xb8;
	[tilespmem:$0x16600] =	vst v63  }
0xac: {  	_ = 	snop  }
0xad: {  	[tilespmem:s7], [sflag:$0x3] =	stream.indirect_vreg.gather [hbm4b:s4+s3], $0x80, v4, vm0, $0xb8;
	[tilespmem:$0x16600] =	vst v63  }
0xae: {  	v4 =	vld [tilespmem:$0x2880];
	_ =	sdelay $0x4  }
0xaf: {  	v5 =	vshll.u32 v4, $0x1  }
0xb0: {  	v4 =	vand.u32 $0x7, v4;
	v5 =	vand.u32 $0xFFFFFFF0, v5  }
0xb1: {  	v4 =	vor.u32 v4, v5  }
0xb2: {  	v5 =	vperm.xlane v4, v1;
	_ =	sdelay $0x1  }
0xb3: {  	v4 =	vperm.xlane v4, v3;
	v5 =	vadd.s32 v2, v5;
	_ =	sdelay $0x1  }
0xb4: {  	v4 =	vadd.s32 v2, v4;
	_ =	sdelay $0x2  }
0xb5: {  	[tilespmem:s8], [sflag:$0x4] =	stream.indirect_vreg.gather [hbm4b:s4+s3], $0x80, v5, vm0, $0xb8;
	[tilespmem:$0x16600] =	vst v63  }
0xb6: {  	_ = 	snop  }
0xb7: {  	[tilespmem:s9], [sflag:$0x4] =	stream.indirect_vreg.gather [hbm4b:s4+s3], $0x80, v4, vm0, $0xb8;
	[tilespmem:$0x16600] =	vst v63  }
0xb8: {  	v4 =	vld [tilespmem:$0x2890];
	_ =	sdelay $0x4  }
0xb9: {  	v5 =	vshll.u32 v4, $0x1  }
0xba: {  	v4 =	vand.u32 $0x7, v4;
	v5 =	vand.u32 $0xFFFFFFF0, v5  }
0xbb: {  	v4 =	vor.u32 v4, v5  }
0xbc: {  	v5 =	vperm.xlane v4, v1;
	_ =	sdelay $0x1  }
0xbd: {  	v4 =	vperm.xlane v4, v3;
	v5 =	vadd.s32 v2, v5;
	_ =	sdelay $0x1  }
0xbe: {  	v4 =	vadd.s32 v2, v4;
	_ =	sdelay $0x2  }
0xbf: {  	[tilespmem:s10], [sflag:$0x4] =	stream.indirect_vreg.gather [hbm4b:s4+s3], $0x80, v5, vm0, $0xb8;
	[tilespmem:$0x16600] =	vst v63  }
0xc0: {  	_ = 	snop  }
0xc1: {  	[tilespmem:s11], [sflag:$0x4] =	stream.indirect_vreg.gather [hbm4b:s4+s3], $0x80, v4, vm0, $0xb8;
	[tilespmem:$0x16600] =	vst v63  }
0xc2: {  	v4 =	vld [tilespmem:$0x28A0];
	_ =	sdelay $0x4  }
0xc3: {  	v5 =	vshll.u32 v4, $0x1  }
0xc4: {  	v4 =	vand.u32 $0x7, v4;
	v5 =	vand.u32 $0xFFFFFFF0, v5  }
0xc5: {  	v4 =	vor.u32 v4, v5  }
0xc6: {  	v5 =	vperm.xlane v4, v1;
	_ =	sdelay $0x1  }
0xc7: {  	v4 =	vperm.xlane v4, v3;
	v5 =	vadd.s32 v2, v5;
	_ =	sdelay $0x1  }
0xc8: {  	v4 =	vadd.s32 v2, v4;
	_ =	sdelay $0x1  }
0xc9: {  	s0 =	simm.s32 $0x28B0  }
0xca: {  	[tilespmem:s13], [sflag:$0x4] =	stream.indirect_vreg.gather [hbm4b:s4+s3], $0x80, v5, vm0, $0xb8;
	[tilespmem:$0x16600] =	vst v63  }
0xcb: {  	s22 =	simm.s32 $0x151F1;
	s23 =	simm.s32 $0x15231;
	s24 =	simm.s32 $0x0  }
0xcc: {  	[tilespmem:s15], [sflag:$0x4] =	stream.indirect_vreg.gather [hbm4b:s4+s3], $0x80, v4, vm0, $0xb8;
	[tilespmem:$0x16600] =	vst v63  }
.LBB2_2:
0xcd: {  	v4 =	vld [tilespmem:s0+$0x0];
	_ =	sdelay $0x4  }
0xce: {  	v5 =	vshll.u32 v4, $0x1  }
0xcf: {  	v4 =	vand.u32 $0x7, v4;
	v5 =	vand.u32 $0xFFFFFFF0, v5  }
0xd0: {  	v4 =	vor.u32 v4, v5  }
0xd1: {  	v5 =	vperm.xlane v4, v1;
	_ =	sdelay $0x1  }
0xd2: {  	v4 =	vperm.xlane v4, v3;
	v5 =	vadd.s32 v2, v5;
	_ =	sdelay $0x1  }
0xd3: {  	v4 =	vadd.s32 v2, v4;
	_ =	sdelay $0x1  }
0xd4: {  	s31 =	simm.s32 $0x0  }
0xd5: {  	[tilespmem:s16], [sflag:$0x4] =	stream.indirect_vreg.gather [hbm4b:s4+s31], $0x80, v5, vm0, $0xb8;
	[tilespmem:$0x16600] =	vst v63  }
0xd6: {  	_ = 	snop  }
0xd7: {  	[tilespmem:s17], [sflag:$0x4] =	stream.indirect_vreg.gather [hbm4b:s4+s31], $0x80, v4, vm0, $0xb8;
	[tilespmem:$0x16600] =	vst v63  }
0xd8: {  	_ =	swait.ge [sflag:s18], $0x4000  }
0xd9: {  	[sflag:s18] =	ssyncset.done $0x0  }
0xda: {  	[sflag:s18] =	ssyncadd.s32 $0xFFFFC000  }
0xdb: {  	_ =	swait.ge [sflag:s19], $0x4000  }
0xdc: {  	s2 =	sand.u32 $0x3800, s31;
	s25 =	sand.u32 $0x380, s31;
	[sflag:s19] =	ssyncset.done $0x0  }
0xdd: {  	s2 =	sor.u32 s25, s2;
	[sflag:s19] =	ssyncadd.s32 $0xFFFFC000  }
0xde: {  	v4 =	vld [tilespmem:s2+$0x5440]  }
0xdf: {  	v5 =	vld [tilespmem:s2+$0x9440]  }
0xe0: {  	v6 =	vld [tilespmem:s2+$0x5450]  }
0xe1: {  	v7 =	vld [tilespmem:s2+$0x9450]  }
0xe2: {  	v8 =	vld [tilespmem:s2+$0x5460]  }
0xe3: {  	v9 =	vld [tilespmem:s2+$0x9460]  }
0xe4: {  	v10 =	vld [tilespmem:s2+$0x5400]  }
0xe5: {  	v11 =	vld [tilespmem:s2+$0x9400]  }
0xe6: {  	v12 =	vld [tilespmem:s2+$0x5410]  }
0xe7: {  	v13 =	vld [tilespmem:s2+$0x9410]  }
0xe8: {  	v14 =	vld [tilespmem:s2+$0x5420]  }
0xe9: {  	v15 =	vld [tilespmem:s2+$0x9420]  }
0xea: {  	v16 =	vld [tilespmem:s2+$0x9000]  }
0xeb: {  	v17 =	vld [tilespmem:s2+$0x5000]  }
0xec: {  	v18 =	vld [tilespmem:s2+$0x5040]  }
0xed: {  	v19 =	vld [tilespmem:s2+$0x9040]  }
0xee: {  	v20 =	vld [tilespmem:s2+$0x5010]  }
0xef: {  	v21 =	vld [tilespmem:s2+$0x9010]  }
0xf0: {  	v22 =	vld [tilespmem:s2+$0x5050]  }
0xf1: {  	v23 =	vld [tilespmem:s2+$0x9050]  }
0xf2: {  	v24 =	vld [tilespmem:s2+$0x5020]  }
0xf3: {  	v25 =	vld [tilespmem:s2+$0x9020]  }
0xf4: {  	v26 =	vld [tilespmem:s2+$0x5060]  }
0xf5: {  	v27 =	vld [tilespmem:s2+$0x9060]  }
0xf6: {  	v28 =	vld [tilespmem:s2+$0x5030]  }
0xf7: {  	v29 =	vld [tilespmem:s2+$0x9030]  }
0xf8: {  	v30 =	vld [tilespmem:s2+$0x5070]  }
0xf9: {  	v31 =	vld [tilespmem:s2+$0x9070];
	v4 =	vmul.f32 v5, v4;
	v5 =	vmul.f32 v7, v6  }
0xfa: {  	v46 =	vld [tilespmem:s2+$0x5430];
	v6 =	vmul.f32 v11, v10;
	v7 =	vmul.f32 v13, v12  }
0xfb: {  	v49 =	vld [tilespmem:s2+$0x9430];
	v47 =	vmul.f32 v16, v17;
	v48 =	vmul.f32 v19, v18  }
0xfc: {  	v52 =	vld [tilespmem:s2+$0x5470];
	v50 =	vmul.f32 v21, v20;
	v51 =	vmul.f32 v23, v22  }
0xfd: {  	v55 =	vld [tilespmem:s2+$0x9470];
	v53 =	vmul.f32 v25, v24;
	v54 =	vmul.f32 v27, v26  }
0xfe: {  	v56 =	vmul.f32 v29, v28;
	v57 =	vmul.f32 v31, v30  }
0xff: {  	v14 =	vmul.f32 v15, v14;
	v11 =	vadd.f32 v48, v47;
	v58 =	vadd.f32 v51, v50  }
0x100: {  	v10 =	vmul.f32 v49, v46;
	v59 =	vadd.f32 v54, v53;
	v60 =	vadd.f32 v57, v56  }
0x101: {  	v8 =	vmul.f32 v9, v8;
	v6 =	vadd.f32 v6, v11;
	v7 =	vadd.f32 v7, v58  }
0x102: {  	v62 =	vmul.f32 v55, v52;
	v61 =	vadd.f32 v14, v59;
	v10 =	vadd.f32 v10, v60  }
0x103: {  	v4 =	vadd.f32 v4, v6;
	v5 =	vadd.f32 v5, v7  }
0x104: {  	v6 =	vadd.f32 v8, v61;
	v7 =	vadd.f32 v62, v10  }
0x105: {  	v63 =	vld [tilespmem:$0x15000]  }
0x106: {  	v4 =	vadd.f32 v5, v4;
	v5 =	vadd.f32 v7, v6;
	_ =	sdelay $0x1  }
0x107: {  	v4 =	vadd.f32 v5, v4  }
0x108: {  	v5 =	vld [tilespmem:$0x15080]  }
0x109: {  	v6 =	vperm.xlane v4, v63;
	_ =	sdelay $0x1  }
0x10a: {  	v4 =	vadd.f32 v4, v6  }
0x10b: {  	v6 =	vld [tilespmem:$0x15100]  }
0x10c: {  	v5 =	vperm.xlane v4, v5;
	_ =	sdelay $0x1  }
0x10d: {  	v4 =	vadd.f32 v4, v5  }
0x10e: {  	v5 =	vld [tilespmem:$0x15180]  }
0x10f: {  	v6 =	vperm.xlane v4, v6;
	_ =	sdelay $0x1  }
0x110: {  	v6 =	vadd.f32 v6, v4;
	_ =	sdelay $0x1  }
0x111: {  	v5 =	vperm.xlane v6, v5  }
0x112: {  	s0 =	sand.u32 $0xF, s31  }
0x113: {  	s28 =	simm.s32 $0x80;
	v7 =	vmov s0;
	v5 =	vadd.f32 v5, v6  }
0x114: {  	s29 =	simm.s32 $0x100;
	s26 =	smov.u32 s22;
	s25 =	simm.s32 $0x1;
	vm1 =	veq.s32 v7, v0;
	v4 =	vimm.f32 $0.0e+00  }
.LBB2_3:
0x115: {  	s2 =	sand.u32 $0x3800, s29;
	s30 =	sand.u32 $0x380, s28;
	v4 =	vsel vm1, v5, v4;
	p0 =	sne.s32 s0, $0xF  }
0x116: {  	s0 =	sor.u32 s30, s2;
	[tilespmem:s26+$0x0] =	vst @!p0 v4;
	s30 =	smov.u32 s25  }
0x117: {  	v5 =	vld [tilespmem:s0+$0x5440]  }
0x118: {  	v6 =	vld [tilespmem:s0+$0x9440]  }
0x119: {  	v7 =	vld [tilespmem:s0+$0x5450]  }
0x11a: {  	v8 =	vld [tilespmem:s0+$0x9450]  }
0x11b: {  	v9 =	vld [tilespmem:s0+$0x5460]  }
0x11c: {  	v10 =	vld [tilespmem:s0+$0x9460]  }
0x11d: {  	v11 =	vld [tilespmem:s0+$0x5400]  }
0x11e: {  	v12 =	vld [tilespmem:s0+$0x9400]  }
0x11f: {  	v13 =	vld [tilespmem:s0+$0x5410]  }
0x120: {  	v14 =	vld [tilespmem:s0+$0x9410]  }
0x121: {  	v15 =	vld [tilespmem:s0+$0x5420]  }
0x122: {  	v16 =	vld [tilespmem:s0+$0x9420]  }
0x123: {  	v17 =	vld [tilespmem:s0+$0x9000]  }
0x124: {  	v18 =	vld [tilespmem:s0+$0x5000]  }
0x125: {  	v19 =	vld [tilespmem:s0+$0x5040]  }
0x126: {  	v20 =	vld [tilespmem:s0+$0x9040]  }
0x127: {  	v21 =	vld [tilespmem:s0+$0x5010]  }
0x128: {  	v22 =	vld [tilespmem:s0+$0x9010]  }
0x129: {  	v23 =	vld [tilespmem:s0+$0x5050]  }
0x12a: {  	v24 =	vld [tilespmem:s0+$0x9050]  }
0x12b: {  	v25 =	vld [tilespmem:s0+$0x5020]  }
0x12c: {  	v26 =	vld [tilespmem:s0+$0x9020]  }
0x12d: {  	v27 =	vld [tilespmem:s0+$0x5060]  }
0x12e: {  	v28 =	vld [tilespmem:s0+$0x9060]  }
0x12f: {  	v29 =	vld [tilespmem:s0+$0x5030]  }
0x130: {  	s25 =	sadd.s32 $0x1, s25;
	v30 =	vld [tilespmem:s0+$0x9030]  }
0x131: {  	p0 =	sne.s32 s25, $0x40;
	v31 =	vld [tilespmem:s0+$0x5070]  }
0x132: {  	v5 =	vmul.f32 v6, v5;
	v6 =	vmul.f32 v8, v7;
	v32 =	vld [tilespmem:s0+$0x9070]  }
0x133: {  	v7 =	vmul.f32 v12, v11;
	v8 =	vmul.f32 v14, v13;
	v11 =	vld [tilespmem:s0+$0x5430]  }
0x134: {  	v12 =	vmul.f32 v17, v18;
	v13 =	vmul.f32 v20, v19;
	v14 =	vld [tilespmem:s0+$0x9430]  }
0x135: {  	v17 =	vmul.f32 v22, v21;
	v18 =	vmul.f32 v24, v23;
	v19 =	vld [tilespmem:s0+$0x5470]  }
0x136: {  	v20 =	vmul.f32 v26, v25;
	v21 =	vmul.f32 v28, v27;
	v22 =	vld [tilespmem:s0+$0x9470]  }
0x137: {  	v23 =	vmul.f32 v30, v29;
	v24 =	vmul.f32 v32, v31  }
0x138: {  	v15 =	vmul.f32 v16, v15;
	v12 =	vadd.f32 v13, v12;
	v13 =	vadd.f32 v18, v17  }
0x139: {  	v16 =	vadd.f32 v21, v20;
	v17 =	vadd.f32 v24, v23;
	v11 =	vmul.f32 v14, v11  }
0x13a: {  	v9 =	vmul.f32 v10, v9;
	v7 =	vadd.f32 v7, v12;
	v8 =	vadd.f32 v8, v13  }
0x13b: {  	v10 =	vadd.f32 v15, v16;
	v11 =	vadd.f32 v11, v17;
	v12 =	vmul.f32 v22, v19  }
0x13c: {  	v5 =	vadd.f32 v5, v7;
	v6 =	vadd.f32 v6, v8  }
0x13d: {  	v7 =	vadd.f32 v9, v10;
	v8 =	vadd.f32 v12, v11  }
0x13e: {  	v9 =	vld [tilespmem:$0x15000]  }
0x13f: {  	v5 =	vadd.f32 v6, v5;
	v6 =	vadd.f32 v8, v7;
	_ =	sdelay $0x1  }
0x140: {  	v5 =	vadd.f32 v6, v5  }
0x141: {  	v6 =	vld [tilespmem:$0x15080]  }
0x142: {  	v7 =	vperm.xlane v5, v9;
	_ =	sdelay $0x1  }
0x143: {  	v5 =	vadd.f32 v5, v7  }
0x144: {  	v7 =	vld [tilespmem:$0x15100]  }
0x145: {  	v6 =	vperm.xlane v5, v6;
	_ =	sdelay $0x1  }
0x146: {  	v5 =	vadd.f32 v5, v6  }
0x147: {  	v6 =	vld [tilespmem:$0x15180]  }
0x148: {  	v7 =	vperm.xlane v5, v7;
	_ =	sdelay $0x1  }
0x149: {  	v5 =	vadd.f32 v7, v5  }
.Ltmp2:
0x14a: {  	(pc) =	sbr.rel @p0 .LBB2_3-.Ltmp2, $4  }
0x14b: {  	v6 =	vperm.xlane v5, v6  }
0x14c: {  	s0 =	sand.u32 $0xF, s30  }
0x14d: {  	v5 =	vadd.f32 v6, v5;
	v6 =	vmov s0  }
0x14e: {  	s28 =	sadd.s32 $0x80, s28;
	s29 =	sadd.s32 $0x100, s29;
	s26 =	sadd.s32 $0x1, s26;
	vm1 =	veq.s32 v6, v0  }
0x14f: {  	p0 =	seq.s32 s24, $0x27  }
.Ltmp3:
0x150: {  	_ = 	snop;
	(pc) =	sbr.rel @p0 .LBB2_6-.Ltmp3, $3  }
0x151: {  	_ =	sdelay $0x1  }
0x152: {  	v4 =	vsel vm1, v5, v4;
	p1 =	sne.s32 s0, $0xF  }
0x153: {  	[tilespmem:s26+$0x0] =	vst @!p1 v4  }
0x154: {  	s0 =	sshll.u32 s24, $0x8  }
0x155: {  	v4 =	vld [tilespmem:s0+$0x100];
	_ =	sdelay $0x4  }
0x156: {  	v5 =	vshll.u32 v4, $0x1  }
0x157: {  	v4 =	vand.u32 $0x7, v4;
	v5 =	vand.u32 $0xFFFFFFF0, v5  }
0x158: {  	v4 =	vor.u32 v4, v5  }
0x159: {  	v5 =	vperm.xlane v4, v1;
	_ =	sdelay $0x1  }
0x15a: {  	v4 =	vperm.xlane v4, v3;
	v5 =	vadd.s32 v2, v5;
	_ =	sdelay $0x1  }
0x15b: {  	v4 =	vadd.s32 v2, v4;
	_ =	sdelay $0x1  }
0x15c: {  	s1 =	simm.s32 $0x5000  }
0x15d: {  	[tilespmem:s1], [sflag:$0x1] =	stream.indirect_vreg.gather [hbm4b:s4+s3], $0x80, v5, vm0, $0xb8;
	[tilespmem:$0x16600] =	vst v63  }
0x15e: {  	s31 =	simm.s32 $0x5800  }
0x15f: {  	[tilespmem:s31], [sflag:$0x1] =	stream.indirect_vreg.gather [hbm4b:s4+s3], $0x80, v4, vm0, $0xb8;
	[tilespmem:$0x16600] =	vst v63  }
0x160: {  	v4 =	vld [tilespmem:s0+$0x110];
	_ =	sdelay $0x4  }
0x161: {  	v5 =	vshll.u32 v4, $0x1  }
0x162: {  	v4 =	vand.u32 $0x7, v4;
	v5 =	vand.u32 $0xFFFFFFF0, v5  }
0x163: {  	v4 =	vor.u32 v4, v5  }
0x164: {  	v5 =	vperm.xlane v4, v1;
	_ =	sdelay $0x1  }
0x165: {  	v4 =	vperm.xlane v4, v3;
	v5 =	vadd.s32 v2, v5;
	_ =	sdelay $0x1  }
0x166: {  	v4 =	vadd.s32 v2, v4;
	_ =	sdelay $0x1  }
0x167: {  	s2 =	simm.s32 $0x6000  }
0x168: {  	[tilespmem:s2], [sflag:$0x1] =	stream.indirect_vreg.gather [hbm4b:s4+s3], $0x80, v5, vm0, $0xb8;
	[tilespmem:$0x16600] =	vst v63  }
0x169: {  	s25 =	simm.s32 $0x6800  }
0x16a: {  	[tilespmem:s25], [sflag:$0x1] =	stream.indirect_vreg.gather [hbm4b:s4+s3], $0x80, v4, vm0, $0xb8;
	[tilespmem:$0x16600] =	vst v63  }
0x16b: {  	v4 =	vld [tilespmem:s0+$0x120];
	_ =	sdelay $0x4  }
0x16c: {  	v5 =	vshll.u32 v4, $0x1  }
0x16d: {  	v4 =	vand.u32 $0x7, v4;
	v5 =	vand.u32 $0xFFFFFFF0, v5  }
0x16e: {  	v4 =	vor.u32 v4, v5  }
0x16f: {  	v5 =	vperm.xlane v4, v1;
	_ =	sdelay $0x1  }
0x170: {  	v4 =	vperm.xlane v4, v3;
	v5 =	vadd.s32 v2, v5;
	_ =	sdelay $0x1  }
0x171: {  	v4 =	vadd.s32 v2, v4;
	_ =	sdelay $0x1  }
0x172: {  	s26 =	simm.s32 $0x7000  }
0x173: {  	[tilespmem:s26], [sflag:$0x1] =	stream.indirect_vreg.gather [hbm4b:s4+s3], $0x80, v5, vm0, $0xb8;
	[tilespmem:$0x16600] =	vst v63  }
0x174: {  	s28 =	simm.s32 $0x7800  }
0x175: {  	[tilespmem:s28], [sflag:$0x1] =	stream.indirect_vreg.gather [hbm4b:s4+s3], $0x80, v4, vm0, $0xb8;
	[tilespmem:$0x16600] =	vst v63  }
0x176: {  	v4 =	vld [tilespmem:s0+$0x130];
	_ =	sdelay $0x4  }
0x177: {  	v5 =	vshll.u32 v4, $0x1  }
0x178: {  	v4 =	vand.u32 $0x7, v4;
	v5 =	vand.u32 $0xFFFFFFF0, v5  }
0x179: {  	v4 =	vor.u32 v4, v5  }
0x17a: {  	v5 =	vperm.xlane v4, v1;
	_ =	sdelay $0x1  }
0x17b: {  	v4 =	vperm.xlane v4, v3;
	v5 =	vadd.s32 v2, v5;
	_ =	sdelay $0x1  }
0x17c: {  	v4 =	vadd.s32 v2, v4;
	_ =	sdelay $0x1  }
0x17d: {  	s29 =	simm.s32 $0x8000  }
0x17e: {  	[tilespmem:s29], [sflag:$0x1] =	stream.indirect_vreg.gather [hbm4b:s4+s3], $0x80, v5, vm0, $0xb8;
	[tilespmem:$0x16600] =	vst v63  }
0x17f: {  	s30 =	simm.s32 $0x8800  }
0x180: {  	[tilespmem:s30], [sflag:$0x1] =	stream.indirect_vreg.gather [hbm4b:s4+s3], $0x80, v4, vm0, $0xb8;
	[tilespmem:$0x16600] =	vst v63  }
0x181: {  	v4 =	vld [tilespmem:s0+$0x2900];
	_ =	sdelay $0x4  }
0x182: {  	v5 =	vshll.u32 v4, $0x1  }
0x183: {  	v4 =	vand.u32 $0x7, v4;
	v5 =	vand.u32 $0xFFFFFFF0, v5  }
0x184: {  	v4 =	vor.u32 v4, v5  }
0x185: {  	v5 =	vperm.xlane v4, v1;
	_ =	sdelay $0x1  }
0x186: {  	v4 =	vperm.xlane v4, v3;
	v5 =	vadd.s32 v2, v5;
	_ =	sdelay $0x1  }
0x187: {  	v4 =	vadd.s32 v2, v4;
	_ =	sdelay $0x1  }
0x188: {  	s31 =	simm.s32 $0x9000  }
0x189: {  	[tilespmem:s31], [sflag:$0x2] =	stream.indirect_vreg.gather [hbm4b:s4+s3], $0x80, v5, vm0, $0xb8;
	[tilespmem:$0x16600] =	vst v63  }
0x18a: {  	s2 =	simm.s32 $0x9800  }
0x18b: {  	[tilespmem:s2], [sflag:$0x2] =	stream.indirect_vreg.gather [hbm4b:s4+s3], $0x80, v4, vm0, $0xb8;
	[tilespmem:$0x16600] =	vst v63  }
0x18c: {  	v4 =	vld [tilespmem:s0+$0x2910];
	_ =	sdelay $0x4  }
0x18d: {  	v5 =	vshll.u32 v4, $0x1  }
0x18e: {  	v4 =	vand.u32 $0x7, v4;
	v5 =	vand.u32 $0xFFFFFFF0, v5  }
0x18f: {  	v4 =	vor.u32 v4, v5  }
0x190: {  	v5 =	vperm.xlane v4, v1;
	_ =	sdelay $0x1  }
0x191: {  	v4 =	vperm.xlane v4, v3;
	v5 =	vadd.s32 v2, v5;
	_ =	sdelay $0x1  }
0x192: {  	v4 =	vadd.s32 v2, v4;
	_ =	sdelay $0x1  }
0x193: {  	s25 =	simm.s32 $0xA000  }
0x194: {  	[tilespmem:s25], [sflag:$0x2] =	stream.indirect_vreg.gather [hbm4b:s4+s3], $0x80, v5, vm0, $0xb8;
	[tilespmem:$0x16600] =	vst v63  }
0x195: {  	s26 =	simm.s32 $0xA800  }
0x196: {  	[tilespmem:s26], [sflag:$0x2] =	stream.indirect_vreg.gather [hbm4b:s4+s3], $0x80, v4, vm0, $0xb8;
	[tilespmem:$0x16600] =	vst v63  }
0x197: {  	v4 =	vld [tilespmem:s0+$0x2920];
	_ =	sdelay $0x4  }
0x198: {  	v5 =	vshll.u32 v4, $0x1  }
0x199: {  	v4 =	vand.u32 $0x7, v4;
	v5 =	vand.u32 $0xFFFFFFF0, v5  }
0x19a: {  	v4 =	vor.u32 v4, v5  }
0x19b: {  	v5 =	vperm.xlane v4, v1;
	_ =	sdelay $0x1  }
0x19c: {  	v4 =	vperm.xlane v4, v3;
	v5 =	vadd.s32 v2, v5;
	_ =	sdelay $0x1  }
0x19d: {  	v4 =	vadd.s32 v2, v4;
	_ =	sdelay $0x1  }
0x19e: {  	s28 =	simm.s32 $0xB000  }
0x19f: {  	[tilespmem:s28], [sflag:$0x2] =	stream.indirect_vreg.gather [hbm4b:s4+s3], $0x80, v5, vm0, $0xb8;
	[tilespmem:$0x16600] =	vst v63  }
0x1a0: {  	s29 =	simm.s32 $0xB800  }
0x1a1: {  	[tilespmem:s29], [sflag:$0x2] =	stream.indirect_vreg.gather [hbm4b:s4+s3], $0x80, v4, vm0, $0xb8;
	[tilespmem:$0x16600] =	vst v63  }
0x1a2: {  	v4 =	vld [tilespmem:s0+$0x2930];
	_ =	sdelay $0x4  }
0x1a3: {  	v5 =	vshll.u32 v4, $0x1  }
0x1a4: {  	v4 =	vand.u32 $0x7, v4;
	v5 =	vand.u32 $0xFFFFFFF0, v5  }
0x1a5: {  	v4 =	vor.u32 v4, v5  }
0x1a6: {  	v5 =	vperm.xlane v4, v1;
	_ =	sdelay $0x1  }
0x1a7: {  	v4 =	vperm.xlane v4, v3;
	v5 =	vadd.s32 v2, v5;
	_ =	sdelay $0x1  }
0x1a8: {  	v4 =	vadd.s32 v2, v4;
	_ =	sdelay $0x1  }
0x1a9: {  	s30 =	simm.s32 $0xC000  }
0x1aa: {  	[tilespmem:s30], [sflag:$0x2] =	stream.indirect_vreg.gather [hbm4b:s4+s3], $0x80, v5, vm0, $0xb8;
	[tilespmem:$0x16600] =	vst v63  }
0x1ab: {  	s31 =	simm.s32 $0xC800  }
0x1ac: {  	[tilespmem:s31], [sflag:$0x2] =	stream.indirect_vreg.gather [hbm4b:s4+s3], $0x80, v4, vm0, $0xb8;
	[tilespmem:$0x16600] =	vst v63  }
.LBB2_6:
0x1ad: {  	_ =	swait.ge [sflag:s20], $0x4000  }
0x1ae: {  	[sflag:s20] =	ssyncset.done $0x0  }
0x1af: {  	[sflag:s20] =	ssyncadd.s32 $0xFFFFC000  }
0x1b0: {  	s0 =	simm.s32 $0x0;
	_ =	swait.ge [sflag:s21], $0x4000  }
0x1b1: {  	s2 =	sand.u32 $0x3800, s0;
	s25 =	sand.u32 $0x380, s0;
	[sflag:s21] =	ssyncset.done $0x0  }
0x1b2: {  	s2 =	sor.u32 s25, s2;
	[sflag:s21] =	ssyncadd.s32 $0xFFFFC000  }
0x1b3: {  	v4 =	vld [tilespmem:s2+$0xD440]  }
0x1b4: {  	v5 =	vld [tilespmem:s2+$0x11440]  }
0x1b5: {  	v6 =	vld [tilespmem:s2+$0xD450]  }
0x1b6: {  	v7 =	vld [tilespmem:s2+$0x11450]  }
0x1b7: {  	v8 =	vld [tilespmem:s2+$0xD460]  }
0x1b8: {  	v9 =	vld [tilespmem:s2+$0x11460]  }
0x1b9: {  	v10 =	vld [tilespmem:s2+$0xD400]  }
0x1ba: {  	v11 =	vld [tilespmem:s2+$0x11400]  }
0x1bb: {  	v12 =	vld [tilespmem:s2+$0xD410]  }
0x1bc: {  	v13 =	vld [tilespmem:s2+$0x11410]  }
0x1bd: {  	v14 =	vld [tilespmem:s2+$0xD420]  }
0x1be: {  	v15 =	vld [tilespmem:s2+$0x11420]  }
0x1bf: {  	v16 =	vld [tilespmem:s2+$0x11000]  }
0x1c0: {  	v17 =	vld [tilespmem:s2+$0xD000]  }
0x1c1: {  	v18 =	vld [tilespmem:s2+$0xD040]  }
0x1c2: {  	v19 =	vld [tilespmem:s2+$0x11040]  }
0x1c3: {  	v20 =	vld [tilespmem:s2+$0xD010]  }
0x1c4: {  	v21 =	vld [tilespmem:s2+$0x11010]  }
0x1c5: {  	v22 =	vld [tilespmem:s2+$0xD050]  }
0x1c6: {  	v23 =	vld [tilespmem:s2+$0x11050]  }
0x1c7: {  	v24 =	vld [tilespmem:s2+$0xD020]  }
0x1c8: {  	v25 =	vld [tilespmem:s2+$0x11020]  }
0x1c9: {  	v26 =	vld [tilespmem:s2+$0xD060]  }
0x1ca: {  	v27 =	vld [tilespmem:s2+$0x11060]  }
0x1cb: {  	v28 =	vld [tilespmem:s2+$0xD030]  }
0x1cc: {  	v29 =	vld [tilespmem:s2+$0x11030]  }
0x1cd: {  	v30 =	vld [tilespmem:s2+$0xD070]  }
0x1ce: {  	v31 =	vld [tilespmem:s2+$0x11070];
	v4 =	vmul.f32 v5, v4;
	v5 =	vmul.f32 v7, v6  }
0x1cf: {  	v46 =	vld [tilespmem:s2+$0xD430];
	v6 =	vmul.f32 v11, v10;
	v7 =	vmul.f32 v13, v12  }
0x1d0: {  	v49 =	vld [tilespmem:s2+$0x11430];
	v47 =	vmul.f32 v16, v17;
	v48 =	vmul.f32 v19, v18  }
0x1d1: {  	v52 =	vld [tilespmem:s2+$0xD470];
	v50 =	vmul.f32 v21, v20;
	v51 =	vmul.f32 v23, v22  }
0x1d2: {  	v55 =	vld [tilespmem:s2+$0x11470];
	v53 =	vmul.f32 v25, v24;
	v54 =	vmul.f32 v27, v26  }
0x1d3: {  	v56 =	vmul.f32 v29, v28;
	v57 =	vmul.f32 v31, v30  }
0x1d4: {  	v14 =	vmul.f32 v15, v14;
	v11 =	vadd.f32 v48, v47;
	v58 =	vadd.f32 v51, v50  }
0x1d5: {  	v10 =	vmul.f32 v49, v46;
	v59 =	vadd.f32 v54, v53;
	v60 =	vadd.f32 v57, v56  }
0x1d6: {  	v8 =	vmul.f32 v9, v8;
	v6 =	vadd.f32 v6, v11;
	v7 =	vadd.f32 v7, v58  }
0x1d7: {  	v62 =	vmul.f32 v55, v52;
	v61 =	vadd.f32 v14, v59;
	v10 =	vadd.f32 v10, v60  }
0x1d8: {  	v4 =	vadd.f32 v4, v6;
	v5 =	vadd.f32 v5, v7  }
0x1d9: {  	v6 =	vadd.f32 v8, v61;
	v7 =	vadd.f32 v62, v10  }
0x1da: {  	v63 =	vld [tilespmem:$0x15000]  }
0x1db: {  	v4 =	vadd.f32 v5, v4;
	v5 =	vadd.f32 v7, v6;
	_ =	sdelay $0x1  }
0x1dc: {  	v4 =	vadd.f32 v5, v4  }
0x1dd: {  	v5 =	vld [tilespmem:$0x15080]  }
0x1de: {  	v6 =	vperm.xlane v4, v63;
	_ =	sdelay $0x1  }
0x1df: {  	v4 =	vadd.f32 v4, v6  }
0x1e0: {  	v6 =	vld [tilespmem:$0x15100]  }
0x1e1: {  	v5 =	vperm.xlane v4, v5;
	_ =	sdelay $0x1  }
0x1e2: {  	v4 =	vadd.f32 v4, v5  }
0x1e3: {  	v5 =	vld [tilespmem:$0x15180]  }
0x1e4: {  	v6 =	vperm.xlane v4, v6;
	_ =	sdelay $0x1  }
0x1e5: {  	v6 =	vadd.f32 v6, v4;
	_ =	sdelay $0x1  }
0x1e6: {  	v5 =	vperm.xlane v6, v5  }
0x1e7: {  	s0 =	sand.u32 $0xF, s0  }
0x1e8: {  	s26 =	simm.s32 $0x1;
	s29 =	simm.s32 $0x80;
	v7 =	vmov s0;
	v5 =	vadd.f32 v5, v6  }
0x1e9: {  	s30 =	simm.s32 $0x100;
	s28 =	smov.u32 s23;
	s25 =	sadd.s32 $0x1, s24;
	vm1 =	veq.s32 v7, v0;
	v4 =	vimm.f32 $0.0e+00  }
.LBB2_7:
0x1ea: {  	s2 =	sand.u32 $0x3800, s30;
	s31 =	sand.u32 $0x380, s29;
	v4 =	vsel vm1, v5, v4;
	p1 =	sne.s32 s0, $0xF  }
0x1eb: {  	s0 =	sor.u32 s31, s2;
	[tilespmem:s28+$0x0] =	vst @!p1 v4;
	s31 =	smov.u32 s26  }
0x1ec: {  	v5 =	vld [tilespmem:s0+$0xD440]  }
0x1ed: {  	v6 =	vld [tilespmem:s0+$0x11440]  }
0x1ee: {  	v7 =	vld [tilespmem:s0+$0xD450]  }
0x1ef: {  	v8 =	vld [tilespmem:s0+$0x11450]  }
0x1f0: {  	v9 =	vld [tilespmem:s0+$0xD460]  }
0x1f1: {  	v10 =	vld [tilespmem:s0+$0x11460]  }
0x1f2: {  	v11 =	vld [tilespmem:s0+$0xD400]  }
0x1f3: {  	v12 =	vld [tilespmem:s0+$0x11400]  }
0x1f4: {  	v13 =	vld [tilespmem:s0+$0xD410]  }
0x1f5: {  	v14 =	vld [tilespmem:s0+$0x11410]  }
0x1f6: {  	v15 =	vld [tilespmem:s0+$0xD420]  }
0x1f7: {  	v16 =	vld [tilespmem:s0+$0x11420]  }
0x1f8: {  	v17 =	vld [tilespmem:s0+$0x11000]  }
0x1f9: {  	v18 =	vld [tilespmem:s0+$0xD000]  }
0x1fa: {  	v19 =	vld [tilespmem:s0+$0xD040]  }
0x1fb: {  	v20 =	vld [tilespmem:s0+$0x11040]  }
0x1fc: {  	v21 =	vld [tilespmem:s0+$0xD010]  }
0x1fd: {  	v22 =	vld [tilespmem:s0+$0x11010]  }
0x1fe: {  	v23 =	vld [tilespmem:s0+$0xD050]  }
0x1ff: {  	v24 =	vld [tilespmem:s0+$0x11050]  }
0x200: {  	v25 =	vld [tilespmem:s0+$0xD020]  }
0x201: {  	v26 =	vld [tilespmem:s0+$0x11020]  }
0x202: {  	v27 =	vld [tilespmem:s0+$0xD060]  }
0x203: {  	v28 =	vld [tilespmem:s0+$0x11060]  }
0x204: {  	v29 =	vld [tilespmem:s0+$0xD030]  }
0x205: {  	s26 =	sadd.s32 $0x1, s26;
	v30 =	vld [tilespmem:s0+$0x11030]  }
0x206: {  	p1 =	sne.s32 s26, $0x40;
	v31 =	vld [tilespmem:s0+$0xD070]  }
0x207: {  	v5 =	vmul.f32 v6, v5;
	v6 =	vmul.f32 v8, v7;
	v32 =	vld [tilespmem:s0+$0x11070]  }
0x208: {  	v7 =	vmul.f32 v12, v11;
	v8 =	vmul.f32 v14, v13;
	v11 =	vld [tilespmem:s0+$0xD430]  }
0x209: {  	v12 =	vmul.f32 v17, v18;
	v13 =	vmul.f32 v20, v19;
	v14 =	vld [tilespmem:s0+$0x11430]  }
0x20a: {  	v17 =	vmul.f32 v22, v21;
	v18 =	vmul.f32 v24, v23;
	v19 =	vld [tilespmem:s0+$0xD470]  }
0x20b: {  	v20 =	vmul.f32 v26, v25;
	v21 =	vmul.f32 v28, v27;
	v22 =	vld [tilespmem:s0+$0x11470]  }
0x20c: {  	v23 =	vmul.f32 v30, v29;
	v24 =	vmul.f32 v32, v31  }
0x20d: {  	v15 =	vmul.f32 v16, v15;
	v12 =	vadd.f32 v13, v12;
	v13 =	vadd.f32 v18, v17  }
0x20e: {  	v16 =	vadd.f32 v21, v20;
	v17 =	vadd.f32 v24, v23;
	v11 =	vmul.f32 v14, v11  }
0x20f: {  	v9 =	vmul.f32 v10, v9;
	v7 =	vadd.f32 v7, v12;
	v8 =	vadd.f32 v8, v13  }
0x210: {  	v10 =	vadd.f32 v15, v16;
	v11 =	vadd.f32 v11, v17;
	v12 =	vmul.f32 v22, v19  }
0x211: {  	v5 =	vadd.f32 v5, v7;
	v6 =	vadd.f32 v6, v8  }
0x212: {  	v7 =	vadd.f32 v9, v10;
	v8 =	vadd.f32 v12, v11  }
0x213: {  	v9 =	vld [tilespmem:$0x15000]  }
0x214: {  	v5 =	vadd.f32 v6, v5;
	v6 =	vadd.f32 v8, v7;
	_ =	sdelay $0x1  }
0x215: {  	v5 =	vadd.f32 v6, v5  }
0x216: {  	v6 =	vld [tilespmem:$0x15080]  }
0x217: {  	v7 =	vperm.xlane v5, v9;
	_ =	sdelay $0x1  }
0x218: {  	v5 =	vadd.f32 v5, v7  }
0x219: {  	v7 =	vld [tilespmem:$0x15100]  }
0x21a: {  	v6 =	vperm.xlane v5, v6;
	_ =	sdelay $0x1  }
0x21b: {  	v5 =	vadd.f32 v5, v6  }
0x21c: {  	v6 =	vld [tilespmem:$0x15180]  }
0x21d: {  	v7 =	vperm.xlane v5, v7;
	_ =	sdelay $0x1  }
0x21e: {  	v5 =	vadd.f32 v7, v5  }
.Ltmp4:
0x21f: {  	(pc) =	sbr.rel @p1 .LBB2_7-.Ltmp4, $4  }
0x220: {  	v6 =	vperm.xlane v5, v6  }
0x221: {  	s0 =	sand.u32 $0xF, s31  }
0x222: {  	v5 =	vadd.f32 v6, v5;
	v6 =	vmov s0  }
0x223: {  	s29 =	sadd.s32 $0x80, s29;
	s30 =	sadd.s32 $0x100, s30;
	s28 =	sadd.s32 $0x1, s28;
	vm1 =	veq.s32 v6, v0  }
.Ltmp5:
0x224: {  	(pc) =	sbr.rel @p0 .LBB2_10-.Ltmp5, $3  }
0x225: {  	_ =	sdelay $0x1  }
0x226: {  	v4 =	vsel vm1, v5, v4;
	p1 =	sne.s32 s0, $0xF  }
0x227: {  	[tilespmem:s28+$0x0] =	vst @!p1 v4  }
0x228: {  	s0 =	sshll.u32 s24, $0x8  }
0x229: {  	v4 =	vld [tilespmem:s0+$0x180];
	_ =	sdelay $0x4  }
0x22a: {  	v5 =	vshll.u32 v4, $0x1  }
0x22b: {  	v4 =	vand.u32 $0x7, v4;
	v5 =	vand.u32 $0xFFFFFFF0, v5  }
0x22c: {  	v4 =	vor.u32 v4, v5  }
0x22d: {  	v5 =	vperm.xlane v4, v1;
	_ =	sdelay $0x1  }
0x22e: {  	v4 =	vperm.xlane v4, v3;
	v5 =	vadd.s32 v2, v5;
	_ =	sdelay $0x1  }
0x22f: {  	v4 =	vadd.s32 v2, v4;
	_ =	sdelay $0x1  }
0x230: {  	s1 =	simm.s32 $0xD000  }
0x231: {  	[tilespmem:s1], [sflag:$0x3] =	stream.indirect_vreg.gather [hbm4b:s4+s3], $0x80, v5, vm0, $0xb8;
	[tilespmem:$0x16600] =	vst v63  }
0x232: {  	s30 =	simm.s32 $0xD800  }
0x233: {  	[tilespmem:s30], [sflag:$0x3] =	stream.indirect_vreg.gather [hbm4b:s4+s3], $0x80, v4, vm0, $0xb8;
	[tilespmem:$0x16600] =	vst v63  }
0x234: {  	v4 =	vld [tilespmem:s0+$0x190];
	_ =	sdelay $0x4  }
0x235: {  	v5 =	vshll.u32 v4, $0x1  }
0x236: {  	v4 =	vand.u32 $0x7, v4;
	v5 =	vand.u32 $0xFFFFFFF0, v5  }
0x237: {  	v4 =	vor.u32 v4, v5  }
0x238: {  	v5 =	vperm.xlane v4, v1;
	_ =	sdelay $0x1  }
0x239: {  	v4 =	vperm.xlane v4, v3;
	v5 =	vadd.s32 v2, v5;
	_ =	sdelay $0x1  }
0x23a: {  	v4 =	vadd.s32 v2, v4;
	_ =	sdelay $0x1  }
0x23b: {  	s31 =	simm.s32 $0xE000  }
0x23c: {  	[tilespmem:s31], [sflag:$0x3] =	stream.indirect_vreg.gather [hbm4b:s4+s3], $0x80, v5, vm0, $0xb8;
	[tilespmem:$0x16600] =	vst v63  }
0x23d: {  	_ = 	snop  }
0x23e: {  	[tilespmem:s12], [sflag:$0x3] =	stream.indirect_vreg.gather [hbm4b:s4+s3], $0x80, v4, vm0, $0xb8;
	[tilespmem:$0x16600] =	vst v63  }
0x23f: {  	v4 =	vld [tilespmem:s0+$0x1A0];
	_ =	sdelay $0x4  }
0x240: {  	v5 =	vshll.u32 v4, $0x1  }
0x241: {  	v4 =	vand.u32 $0x7, v4;
	v5 =	vand.u32 $0xFFFFFFF0, v5  }
0x242: {  	v4 =	vor.u32 v4, v5  }
0x243: {  	v5 =	vperm.xlane v4, v1;
	_ =	sdelay $0x1  }
0x244: {  	v4 =	vperm.xlane v4, v3;
	v5 =	vadd.s32 v2, v5;
	_ =	sdelay $0x1  }
0x245: {  	v4 =	vadd.s32 v2, v4;
	_ =	sdelay $0x2  }
0x246: {  	[tilespmem:s14], [sflag:$0x3] =	stream.indirect_vreg.gather [hbm4b:s4+s3], $0x80, v5, vm0, $0xb8;
	[tilespmem:$0x16600] =	vst v63  }
0x247: {  	_ = 	snop  }
0x248: {  	[tilespmem:s5], [sflag:$0x3] =	stream.indirect_vreg.gather [hbm4b:s4+s3], $0x80, v4, vm0, $0xb8;
	[tilespmem:$0x16600] =	vst v63  }
0x249: {  	v4 =	vld [tilespmem:s0+$0x1B0];
	_ =	sdelay $0x4  }
0x24a: {  	v5 =	vshll.u32 v4, $0x1  }
0x24b: {  	v4 =	vand.u32 $0x7, v4;
	v5 =	vand.u32 $0xFFFFFFF0, v5  }
0x24c: {  	v4 =	vor.u32 v4, v5  }
0x24d: {  	v5 =	vperm.xlane v4, v1;
	_ =	sdelay $0x1  }
0x24e: {  	v4 =	vperm.xlane v4, v3;
	v5 =	vadd.s32 v2, v5;
	_ =	sdelay $0x1  }
0x24f: {  	v4 =	vadd.s32 v2, v4;
	_ =	sdelay $0x2  }
0x250: {  	[tilespmem:s6], [sflag:$0x3] =	stream.indirect_vreg.gather [hbm4b:s4+s3], $0x80, v5, vm0, $0xb8;
	[tilespmem:$0x16600] =	vst v63  }
0x251: {  	_ = 	snop  }
0x252: {  	[tilespmem:s7], [sflag:$0x3] =	stream.indirect_vreg.gather [hbm4b:s4+s3], $0x80, v4, vm0, $0xb8;
	[tilespmem:$0x16600] =	vst v63  }
0x253: {  	v4 =	vld [tilespmem:s0+$0x2980];
	_ =	sdelay $0x4  }
0x254: {  	v5 =	vshll.u32 v4, $0x1  }
0x255: {  	v4 =	vand.u32 $0x7, v4;
	v5 =	vand.u32 $0xFFFFFFF0, v5  }
0x256: {  	v4 =	vor.u32 v4, v5  }
0x257: {  	v5 =	vperm.xlane v4, v1;
	_ =	sdelay $0x1  }
0x258: {  	v4 =	vperm.xlane v4, v3;
	v5 =	vadd.s32 v2, v5;
	_ =	sdelay $0x1  }
0x259: {  	v4 =	vadd.s32 v2, v4;
	_ =	sdelay $0x2  }
0x25a: {  	[tilespmem:s8], [sflag:$0x4] =	stream.indirect_vreg.gather [hbm4b:s4+s3], $0x80, v5, vm0, $0xb8;
	[tilespmem:$0x16600] =	vst v63  }
0x25b: {  	_ = 	snop  }
0x25c: {  	[tilespmem:s9], [sflag:$0x4] =	stream.indirect_vreg.gather [hbm4b:s4+s3], $0x80, v4, vm0, $0xb8;
	[tilespmem:$0x16600] =	vst v63  }
0x25d: {  	v4 =	vld [tilespmem:s0+$0x2990];
	_ =	sdelay $0x4  }
0x25e: {  	v5 =	vshll.u32 v4, $0x1  }
0x25f: {  	v4 =	vand.u32 $0x7, v4;
	v5 =	vand.u32 $0xFFFFFFF0, v5  }
0x260: {  	v4 =	vor.u32 v4, v5  }
0x261: {  	v5 =	vperm.xlane v4, v1;
	_ =	sdelay $0x1  }
0x262: {  	v4 =	vperm.xlane v4, v3;
	v5 =	vadd.s32 v2, v5;
	_ =	sdelay $0x1  }
0x263: {  	v4 =	vadd.s32 v2, v4;
	_ =	sdelay $0x2  }
0x264: {  	[tilespmem:s10], [sflag:$0x4] =	stream.indirect_vreg.gather [hbm4b:s4+s3], $0x80, v5, vm0, $0xb8;
	[tilespmem:$0x16600] =	vst v63  }
0x265: {  	_ = 	snop  }
0x266: {  	[tilespmem:s11], [sflag:$0x4] =	stream.indirect_vreg.gather [hbm4b:s4+s3], $0x80, v4, vm0, $0xb8;
	[tilespmem:$0x16600] =	vst v63  }
0x267: {  	v4 =	vld [tilespmem:s0+$0x29A0];
	_ =	sdelay $0x4  }
0x268: {  	v5 =	vshll.u32 v4, $0x1  }
0x269: {  	v4 =	vand.u32 $0x7, v4;
	v5 =	vand.u32 $0xFFFFFFF0, v5  }
0x26a: {  	v4 =	vor.u32 v4, v5  }
0x26b: {  	v5 =	vperm.xlane v4, v1;
	_ =	sdelay $0x1  }
0x26c: {  	v4 =	vperm.xlane v4, v3;
	v5 =	vadd.s32 v2, v5;
	_ =	sdelay $0x1  }
0x26d: {  	v4 =	vadd.s32 v2, v4  }
.Ltmp6:
0x26e: {  	_ = 	snop;
	(pc) =	sbr.rel .LBB2_2-.Ltmp6, $4  }
0x26f: {  	s22 =	sadd.s32 $0x80, s22  }
0x270: {  	[tilespmem:s13], [sflag:$0x4] =	stream.indirect_vreg.gather [hbm4b:s4+s3], $0x80, v5, vm0, $0xb8;
	[tilespmem:$0x16600] =	vst v63  }
0x271: {  	s23 =	sadd.s32 $0x80, s23;
	s24 =	smov.u32 s25;
	s0 =	sadd.s32 $0x29B0, s0  }
0x272: {  	[tilespmem:s15], [sflag:$0x4] =	stream.indirect_vreg.gather [hbm4b:s4+s3], $0x80, v4, vm0, $0xb8;
	[tilespmem:$0x16600] =	vst v63  }
.LBB2_10:
0x273: {  	s22 =	simm.s32 $0x0  }
0x274: {  	s0 =	rddreg [dreg:$0x5];
	s1 =	simm.s32 $0x15200;
	s26 =	simm.s32 $0x5  }
0x275: {  	[hbm4b:s0+s22] =	stream.linear.scatter [tilespmem:s1], [sflag:$0x5], $0x1400, $0x38;
	[tilespmem:$0x16600] =	vst v63  }
0x276: {  	_ =	swait.ge [sflag:s26], $0x1400  }
0x277: {  	[sflag:s26] =	ssyncset.done $0x0  }
0x278: {  	s28 =	rddreg [dreg:$0x6];
	[sflag:s26] =	ssyncadd.s32 $0xFFFFEC00  }
0x279: {  	[tilespmem:s22], [sflag:$0x5] =	stream.linear.gather [hbm4b:s28+s22], $0x2800, $0x38;
	[tilespmem:$0x16600] =	vst v63  }
0x27a: {  	_ =	swait.ge [sflag:s26], $0x2800  }
0x27b: {  	[sflag:s26] =	ssyncset.done $0x0  }
0x27c: {  	s2 =	simm.s32 $0x2800;
	s30 =	rddreg [dreg:$0x7];
	[sflag:s26] =	ssyncadd.s32 $0xFFFFD800  }
0x27d: {  	[tilespmem:s2], [sflag:$0x5] =	stream.linear.gather [hbm4b:s30+s22], $0x2800, $0x38;
	[tilespmem:$0x16600] =	vst v63  }
0x27e: {  	_ =	swait.ge [sflag:s26], $0x2800  }
0x27f: {  	[sflag:s26] =	ssyncset.done $0x0  }
0x280: {  	[sflag:s26] =	ssyncadd.s32 $0xFFFFD800  }
0x281: {  	v4 =	vld [tilespmem:$0x0];
	_ =	sdelay $0x4  }
0x282: {  	v5 =	vshll.u32 v4, $0x1  }
0x283: {  	v4 =	vand.u32 $0x7, v4;
	v5 =	vand.u32 $0xFFFFFFF0, v5  }
0x284: {  	v4 =	vor.u32 v4, v5  }
0x285: {  	v5 =	vperm.xlane v4, v1;
	_ =	sdelay $0x1  }
0x286: {  	v4 =	vperm.xlane v4, v3;
	v5 =	vadd.s32 v2, v5;
	_ =	sdelay $0x1  }
0x287: {  	v4 =	vadd.s32 v2, v4;
	_ =	sdelay $0x1  }
0x288: {  	s31 =	simm.s32 $0x5000  }
0x289: {  	[tilespmem:s31], [sflag:$0x1] =	stream.indirect_vreg.gather [hbm4b:s4+s22], $0x80, v5, vm0, $0xb8;
	[tilespmem:$0x16600] =	vst v63  }
0x28a: {  	s1 =	simm.s32 $0x5800  }
0x28b: {  	[tilespmem:s1], [sflag:$0x1] =	stream.indirect_vreg.gather [hbm4b:s4+s22], $0x80, v4, vm0, $0xb8;
	[tilespmem:$0x16600] =	vst v63  }
0x28c: {  	v4 =	vld [tilespmem:$0x10];
	_ =	sdelay $0x4  }
0x28d: {  	v5 =	vshll.u32 v4, $0x1  }
0x28e: {  	v4 =	vand.u32 $0x7, v4;
	v5 =	vand.u32 $0xFFFFFFF0, v5  }
0x28f: {  	v4 =	vor.u32 v4, v5  }
0x290: {  	v5 =	vperm.xlane v4, v1;
	_ =	sdelay $0x1  }
0x291: {  	v4 =	vperm.xlane v4, v3;
	v5 =	vadd.s32 v2, v5;
	_ =	sdelay $0x1  }
0x292: {  	v4 =	vadd.s32 v2, v4;
	_ =	sdelay $0x1  }
0x293: {  	s2 =	simm.s32 $0x6000  }
0x294: {  	[tilespmem:s2], [sflag:$0x1] =	stream.indirect_vreg.gather [hbm4b:s4+s22], $0x80, v5, vm0, $0xb8;
	[tilespmem:$0x16600] =	vst v63  }
0x295: {  	s23 =	simm.s32 $0x6800  }
0x296: {  	[tilespmem:s23], [sflag:$0x1] =	stream.indirect_vreg.gather [hbm4b:s4+s22], $0x80, v4, vm0, $0xb8;
	[tilespmem:$0x16600] =	vst v63  }
0x297: {  	v4 =	vld [tilespmem:$0x20];
	_ =	sdelay $0x4  }
0x298: {  	v5 =	vshll.u32 v4, $0x1  }
0x299: {  	v4 =	vand.u32 $0x7, v4;
	v5 =	vand.u32 $0xFFFFFFF0, v5  }
0x29a: {  	v4 =	vor.u32 v4, v5  }
0x29b: {  	v5 =	vperm.xlane v4, v1;
	_ =	sdelay $0x1  }
0x29c: {  	v4 =	vperm.xlane v4, v3;
	v5 =	vadd.s32 v2, v5;
	_ =	sdelay $0x1  }
0x29d: {  	v4 =	vadd.s32 v2, v4;
	_ =	sdelay $0x1  }
0x29e: {  	s24 =	simm.s32 $0x7000  }
0x29f: {  	[tilespmem:s24], [sflag:$0x1] =	stream.indirect_vreg.gather [hbm4b:s4+s22], $0x80, v5, vm0, $0xb8;
	[tilespmem:$0x16600] =	vst v63  }
0x2a0: {  	s25 =	simm.s32 $0x7800  }
0x2a1: {  	[tilespmem:s25], [sflag:$0x1] =	stream.indirect_vreg.gather [hbm4b:s4+s22], $0x80, v4, vm0, $0xb8;
	[tilespmem:$0x16600] =	vst v63  }
0x2a2: {  	v4 =	vld [tilespmem:$0x30];
	_ =	sdelay $0x4  }
0x2a3: {  	v5 =	vshll.u32 v4, $0x1  }
0x2a4: {  	v4 =	vand.u32 $0x7, v4;
	v5 =	vand.u32 $0xFFFFFFF0, v5  }
0x2a5: {  	v4 =	vor.u32 v4, v5  }
0x2a6: {  	v5 =	vperm.xlane v4, v1;
	_ =	sdelay $0x1  }
0x2a7: {  	v4 =	vperm.xlane v4, v3;
	v5 =	vadd.s32 v2, v5;
	_ =	sdelay $0x1  }
0x2a8: {  	v4 =	vadd.s32 v2, v4;
	_ =	sdelay $0x1  }
0x2a9: {  	s26 =	simm.s32 $0x8000  }
0x2aa: {  	[tilespmem:s26], [sflag:$0x1] =	stream.indirect_vreg.gather [hbm4b:s4+s22], $0x80, v5, vm0, $0xb8;
	[tilespmem:$0x16600] =	vst v63  }
0x2ab: {  	s28 =	simm.s32 $0x8800  }
0x2ac: {  	[tilespmem:s28], [sflag:$0x1] =	stream.indirect_vreg.gather [hbm4b:s4+s22], $0x80, v4, vm0, $0xb8;
	[tilespmem:$0x16600] =	vst v63  }
0x2ad: {  	v4 =	vld [tilespmem:$0x2800];
	_ =	sdelay $0x4  }
0x2ae: {  	v5 =	vshll.u32 v4, $0x1  }
0x2af: {  	v4 =	vand.u32 $0x7, v4;
	v5 =	vand.u32 $0xFFFFFFF0, v5  }
0x2b0: {  	v4 =	vor.u32 v4, v5  }
0x2b1: {  	v5 =	vperm.xlane v4, v1;
	_ =	sdelay $0x1  }
0x2b2: {  	v4 =	vperm.xlane v4, v3;
	v5 =	vadd.s32 v2, v5;
	_ =	sdelay $0x1  }
0x2b3: {  	v4 =	vadd.s32 v2, v4;
	_ =	sdelay $0x1  }
0x2b4: {  	s30 =	simm.s32 $0x9000  }
0x2b5: {  	[tilespmem:s30], [sflag:$0x2] =	stream.indirect_vreg.gather [hbm4b:s4+s22], $0x80, v5, vm0, $0xb8;
	[tilespmem:$0x16600] =	vst v63  }
0x2b6: {  	s31 =	simm.s32 $0x9800  }
0x2b7: {  	[tilespmem:s31], [sflag:$0x2] =	stream.indirect_vreg.gather [hbm4b:s4+s22], $0x80, v4, vm0, $0xb8;
	[tilespmem:$0x16600] =	vst v63  }
0x2b8: {  	v4 =	vld [tilespmem:$0x2810];
	_ =	sdelay $0x4  }
0x2b9: {  	v5 =	vshll.u32 v4, $0x1  }
0x2ba: {  	v4 =	vand.u32 $0x7, v4;
	v5 =	vand.u32 $0xFFFFFFF0, v5  }
0x2bb: {  	v4 =	vor.u32 v4, v5  }
0x2bc: {  	v5 =	vperm.xlane v4, v1;
	_ =	sdelay $0x1  }
0x2bd: {  	v4 =	vperm.xlane v4, v3;
	v5 =	vadd.s32 v2, v5;
	_ =	sdelay $0x1  }
0x2be: {  	v4 =	vadd.s32 v2, v4;
	_ =	sdelay $0x1  }
0x2bf: {  	s1 =	simm.s32 $0xA000  }
0x2c0: {  	[tilespmem:s1], [sflag:$0x2] =	stream.indirect_vreg.gather [hbm4b:s4+s22], $0x80, v5, vm0, $0xb8;
	[tilespmem:$0x16600] =	vst v63  }
0x2c1: {  	s2 =	simm.s32 $0xA800  }
0x2c2: {  	[tilespmem:s2], [sflag:$0x2] =	stream.indirect_vreg.gather [hbm4b:s4+s22], $0x80, v4, vm0, $0xb8;
	[tilespmem:$0x16600] =	vst v63  }
0x2c3: {  	v4 =	vld [tilespmem:$0x2820];
	_ =	sdelay $0x4  }
0x2c4: {  	v5 =	vshll.u32 v4, $0x1  }
0x2c5: {  	v4 =	vand.u32 $0x7, v4;
	v5 =	vand.u32 $0xFFFFFFF0, v5  }
0x2c6: {  	v4 =	vor.u32 v4, v5  }
0x2c7: {  	v5 =	vperm.xlane v4, v1;
	_ =	sdelay $0x1  }
0x2c8: {  	v4 =	vperm.xlane v4, v3;
	v5 =	vadd.s32 v2, v5;
	_ =	sdelay $0x1  }
0x2c9: {  	v4 =	vadd.s32 v2, v4;
	_ =	sdelay $0x1  }
0x2ca: {  	s23 =	simm.s32 $0xB000  }
0x2cb: {  	[tilespmem:s23], [sflag:$0x2] =	stream.indirect_vreg.gather [hbm4b:s4+s22], $0x80, v5, vm0, $0xb8;
	[tilespmem:$0x16600] =	vst v63  }
0x2cc: {  	s24 =	simm.s32 $0xB800  }
0x2cd: {  	[tilespmem:s24], [sflag:$0x2] =	stream.indirect_vreg.gather [hbm4b:s4+s22], $0x80, v4, vm0, $0xb8;
	[tilespmem:$0x16600] =	vst v63  }
0x2ce: {  	v4 =	vld [tilespmem:$0x2830];
	_ =	sdelay $0x4  }
0x2cf: {  	v5 =	vshll.u32 v4, $0x1  }
0x2d0: {  	v4 =	vand.u32 $0x7, v4;
	v5 =	vand.u32 $0xFFFFFFF0, v5  }
0x2d1: {  	v4 =	vor.u32 v4, v5  }
0x2d2: {  	v5 =	vperm.xlane v4, v1;
	_ =	sdelay $0x1  }
0x2d3: {  	v4 =	vperm.xlane v4, v3;
	v5 =	vadd.s32 v2, v5;
	_ =	sdelay $0x1  }
0x2d4: {  	v4 =	vadd.s32 v2, v4;
	_ =	sdelay $0x1  }
0x2d5: {  	s25 =	simm.s32 $0xC000  }
0x2d6: {  	[tilespmem:s25], [sflag:$0x2] =	stream.indirect_vreg.gather [hbm4b:s4+s22], $0x80, v5, vm0, $0xb8;
	[tilespmem:$0x16600] =	vst v63  }
0x2d7: {  	s26 =	simm.s32 $0xC800  }
0x2d8: {  	[tilespmem:s26], [sflag:$0x2] =	stream.indirect_vreg.gather [hbm4b:s4+s22], $0x80, v4, vm0, $0xb8;
	[tilespmem:$0x16600] =	vst v63  }
0x2d9: {  	v4 =	vld [tilespmem:$0x80];
	_ =	sdelay $0x4  }
0x2da: {  	v5 =	vshll.u32 v4, $0x1  }
0x2db: {  	v4 =	vand.u32 $0x7, v4;
	v5 =	vand.u32 $0xFFFFFFF0, v5  }
0x2dc: {  	v4 =	vor.u32 v4, v5  }
0x2dd: {  	v5 =	vperm.xlane v4, v1;
	_ =	sdelay $0x1  }
0x2de: {  	v4 =	vperm.xlane v4, v3;
	v5 =	vadd.s32 v2, v5;
	_ =	sdelay $0x1  }
0x2df: {  	v4 =	vadd.s32 v2, v4;
	_ =	sdelay $0x1  }
0x2e0: {  	s28 =	simm.s32 $0xD000  }
0x2e1: {  	[tilespmem:s28], [sflag:$0x3] =	stream.indirect_vreg.gather [hbm4b:s4+s22], $0x80, v5, vm0, $0xb8;
	[tilespmem:$0x16600] =	vst v63  }
0x2e2: {  	s30 =	simm.s32 $0xD800  }
0x2e3: {  	[tilespmem:s30], [sflag:$0x3] =	stream.indirect_vreg.gather [hbm4b:s4+s22], $0x80, v4, vm0, $0xb8;
	[tilespmem:$0x16600] =	vst v63  }
0x2e4: {  	v4 =	vld [tilespmem:$0x90];
	_ =	sdelay $0x4  }
0x2e5: {  	v5 =	vshll.u32 v4, $0x1  }
0x2e6: {  	v4 =	vand.u32 $0x7, v4;
	v5 =	vand.u32 $0xFFFFFFF0, v5  }
0x2e7: {  	v4 =	vor.u32 v4, v5  }
0x2e8: {  	v5 =	vperm.xlane v4, v1;
	_ =	sdelay $0x1  }
0x2e9: {  	v4 =	vperm.xlane v4, v3;
	v5 =	vadd.s32 v2, v5;
	_ =	sdelay $0x1  }
0x2ea: {  	v4 =	vadd.s32 v2, v4;
	_ =	sdelay $0x1  }
0x2eb: {  	s31 =	simm.s32 $0xE000  }
0x2ec: {  	[tilespmem:s31], [sflag:$0x3] =	stream.indirect_vreg.gather [hbm4b:s4+s22], $0x80, v5, vm0, $0xb8;
	[tilespmem:$0x16600] =	vst v63  }
0x2ed: {  	_ = 	snop  }
0x2ee: {  	[tilespmem:s12], [sflag:$0x3] =	stream.indirect_vreg.gather [hbm4b:s4+s22], $0x80, v4, vm0, $0xb8;
	[tilespmem:$0x16600] =	vst v63  }
0x2ef: {  	v4 =	vld [tilespmem:$0xA0];
	_ =	sdelay $0x4  }
0x2f0: {  	v5 =	vshll.u32 v4, $0x1  }
0x2f1: {  	v4 =	vand.u32 $0x7, v4;
	v5 =	vand.u32 $0xFFFFFFF0, v5  }
0x2f2: {  	v4 =	vor.u32 v4, v5  }
0x2f3: {  	v5 =	vperm.xlane v4, v1;
	_ =	sdelay $0x1  }
0x2f4: {  	v4 =	vperm.xlane v4, v3;
	v5 =	vadd.s32 v2, v5;
	_ =	sdelay $0x1  }
0x2f5: {  	v4 =	vadd.s32 v2, v4;
	_ =	sdelay $0x2  }
0x2f6: {  	[tilespmem:s14], [sflag:$0x3] =	stream.indirect_vreg.gather [hbm4b:s4+s22], $0x80, v5, vm0, $0xb8;
	[tilespmem:$0x16600] =	vst v63  }
0x2f7: {  	_ = 	snop  }
0x2f8: {  	[tilespmem:s5], [sflag:$0x3] =	stream.indirect_vreg.gather [hbm4b:s4+s22], $0x80, v4, vm0, $0xb8;
	[tilespmem:$0x16600] =	vst v63  }
0x2f9: {  	v4 =	vld [tilespmem:$0xB0];
	_ =	sdelay $0x4  }
0x2fa: {  	v5 =	vshll.u32 v4, $0x1  }
0x2fb: {  	v4 =	vand.u32 $0x7, v4;
	v5 =	vand.u32 $0xFFFFFFF0, v5  }
0x2fc: {  	v4 =	vor.u32 v4, v5  }
0x2fd: {  	v5 =	vperm.xlane v4, v1;
	_ =	sdelay $0x1  }
0x2fe: {  	v4 =	vperm.xlane v4, v3;
	v5 =	vadd.s32 v2, v5;
	_ =	sdelay $0x1  }
0x2ff: {  	v4 =	vadd.s32 v2, v4;
	_ =	sdelay $0x2  }
0x300: {  	[tilespmem:s6], [sflag:$0x3] =	stream.indirect_vreg.gather [hbm4b:s4+s22], $0x80, v5, vm0, $0xb8;
	[tilespmem:$0x16600] =	vst v63  }
0x301: {  	_ = 	snop  }
0x302: {  	[tilespmem:s7], [sflag:$0x3] =	stream.indirect_vreg.gather [hbm4b:s4+s22], $0x80, v4, vm0, $0xb8;
	[tilespmem:$0x16600] =	vst v63  }
0x303: {  	v4 =	vld [tilespmem:$0x2880];
	_ =	sdelay $0x4  }
0x304: {  	v5 =	vshll.u32 v4, $0x1  }
0x305: {  	v4 =	vand.u32 $0x7, v4;
	v5 =	vand.u32 $0xFFFFFFF0, v5  }
0x306: {  	v4 =	vor.u32 v4, v5  }
0x307: {  	v5 =	vperm.xlane v4, v1;
	_ =	sdelay $0x1  }
0x308: {  	v4 =	vperm.xlane v4, v3;
	v5 =	vadd.s32 v2, v5;
	_ =	sdelay $0x1  }
0x309: {  	v4 =	vadd.s32 v2, v4;
	_ =	sdelay $0x2  }
0x30a: {  	[tilespmem:s8], [sflag:$0x4] =	stream.indirect_vreg.gather [hbm4b:s4+s22], $0x80, v5, vm0, $0xb8;
	[tilespmem:$0x16600] =	vst v63  }
0x30b: {  	_ = 	snop  }
0x30c: {  	[tilespmem:s9], [sflag:$0x4] =	stream.indirect_vreg.gather [hbm4b:s4+s22], $0x80, v4, vm0, $0xb8;
	[tilespmem:$0x16600] =	vst v63  }
0x30d: {  	v4 =	vld [tilespmem:$0x2890];
	_ =	sdelay $0x4  }
0x30e: {  	v5 =	vshll.u32 v4, $0x1  }
0x30f: {  	v4 =	vand.u32 $0x7, v4;
	v5 =	vand.u32 $0xFFFFFFF0, v5  }
0x310: {  	v4 =	vor.u32 v4, v5  }
0x311: {  	v5 =	vperm.xlane v4, v1;
	_ =	sdelay $0x1  }
0x312: {  	v4 =	vperm.xlane v4, v3;
	v5 =	vadd.s32 v2, v5;
	_ =	sdelay $0x1  }
0x313: {  	v4 =	vadd.s32 v2, v4;
	_ =	sdelay $0x2  }
0x314: {  	[tilespmem:s10], [sflag:$0x4] =	stream.indirect_vreg.gather [hbm4b:s4+s22], $0x80, v5, vm0, $0xb8;
	[tilespmem:$0x16600] =	vst v63  }
0x315: {  	_ = 	snop  }
0x316: {  	[tilespmem:s11], [sflag:$0x4] =	stream.indirect_vreg.gather [hbm4b:s4+s22], $0x80, v4, vm0, $0xb8;
	[tilespmem:$0x16600] =	vst v63  }
0x317: {  	v4 =	vld [tilespmem:$0x28A0];
	_ =	sdelay $0x4  }
0x318: {  	v5 =	vshll.u32 v4, $0x1  }
0x319: {  	v4 =	vand.u32 $0x7, v4;
	v5 =	vand.u32 $0xFFFFFFF0, v5  }
0x31a: {  	v4 =	vor.u32 v4, v5  }
0x31b: {  	v5 =	vperm.xlane v4, v1;
	_ =	sdelay $0x1  }
0x31c: {  	v4 =	vperm.xlane v4, v3;
	v5 =	vadd.s32 v2, v5;
	_ =	sdelay $0x1  }
0x31d: {  	v4 =	vadd.s32 v2, v4;
	_ =	sdelay $0x1  }
0x31e: {  	s29 =	simm.s32 $0x15231  }
0x31f: {  	[tilespmem:s13], [sflag:$0x4] =	stream.indirect_vreg.gather [hbm4b:s4+s22], $0x80, v5, vm0, $0xb8;
	[tilespmem:$0x16600] =	vst v63  }
0x320: {  	s0 =	simm.s32 $0x28B0;
	s23 =	simm.s32 $0x151F1;
	s26 =	simm.s32 $0x0  }
0x321: {  	[tilespmem:s15], [sflag:$0x4] =	stream.indirect_vreg.gather [hbm4b:s4+s22], $0x80, v4, vm0, $0xb8;
	[tilespmem:$0x16600] =	vst v63  }
.LBB2_11:
0x322: {  	v4 =	vld [tilespmem:s0+$0x0];
	_ =	sdelay $0x4  }
0x323: {  	v5 =	vshll.u32 v4, $0x1  }
0x324: {  	v4 =	vand.u32 $0x7, v4;
	v5 =	vand.u32 $0xFFFFFFF0, v5  }
0x325: {  	v4 =	vor.u32 v4, v5  }
0x326: {  	v5 =	vperm.xlane v4, v1;
	_ =	sdelay $0x1  }
0x327: {  	v4 =	vperm.xlane v4, v3;
	v5 =	vadd.s32 v2, v5;
	_ =	sdelay $0x1  }
0x328: {  	v4 =	vadd.s32 v2, v4;
	_ =	sdelay $0x2  }
0x329: {  	[tilespmem:s16], [sflag:$0x4] =	stream.indirect_vreg.gather [hbm4b:s4+s22], $0x80, v5, vm0, $0xb8;
	[tilespmem:$0x16600] =	vst v63  }
0x32a: {  	_ = 	snop  }
0x32b: {  	[tilespmem:s17], [sflag:$0x4] =	stream.indirect_vreg.gather [hbm4b:s4+s22], $0x80, v4, vm0, $0xb8;
	[tilespmem:$0x16600] =	vst v63  }
0x32c: {  	_ =	swait.ge [sflag:s18], $0x4000  }
0x32d: {  	[sflag:s18] =	ssyncset.done $0x0  }
0x32e: {  	[sflag:s18] =	ssyncadd.s32 $0xFFFFC000  }
0x32f: {  	_ =	swait.ge [sflag:s19], $0x4000  }
0x330: {  	s31 =	sand.u32 $0x3800, s22;
	s2 =	sand.u32 $0x380, s22;
	[sflag:s19] =	ssyncset.done $0x0  }
0x331: {  	s0 =	sor.u32 s2, s31;
	[sflag:s19] =	ssyncadd.s32 $0xFFFFC000  }
0x332: {  	v4 =	vld [tilespmem:s0+$0x5440]  }
0x333: {  	v5 =	vld [tilespmem:s0+$0x9440]  }
0x334: {  	v6 =	vld [tilespmem:s0+$0x5450]  }
0x335: {  	v7 =	vld [tilespmem:s0+$0x9450]  }
0x336: {  	v8 =	vld [tilespmem:s0+$0x5460]  }
0x337: {  	v9 =	vld [tilespmem:s0+$0x9460]  }
0x338: {  	v10 =	vld [tilespmem:s0+$0x5400]  }
0x339: {  	v11 =	vld [tilespmem:s0+$0x9400]  }
0x33a: {  	v12 =	vld [tilespmem:s0+$0x5410]  }
0x33b: {  	v13 =	vld [tilespmem:s0+$0x9410]  }
0x33c: {  	v14 =	vld [tilespmem:s0+$0x5420]  }
0x33d: {  	v15 =	vld [tilespmem:s0+$0x9420]  }
0x33e: {  	v16 =	vld [tilespmem:s0+$0x9000]  }
0x33f: {  	v17 =	vld [tilespmem:s0+$0x5000]  }
0x340: {  	v18 =	vld [tilespmem:s0+$0x5040]  }
0x341: {  	v19 =	vld [tilespmem:s0+$0x9040]  }
0x342: {  	v20 =	vld [tilespmem:s0+$0x5010]  }
0x343: {  	v21 =	vld [tilespmem:s0+$0x9010]  }
0x344: {  	v22 =	vld [tilespmem:s0+$0x5050]  }
0x345: {  	v23 =	vld [tilespmem:s0+$0x9050]  }
0x346: {  	v24 =	vld [tilespmem:s0+$0x5020]  }
0x347: {  	v25 =	vld [tilespmem:s0+$0x9020]  }
0x348: {  	v26 =	vld [tilespmem:s0+$0x5060]  }
0x349: {  	v27 =	vld [tilespmem:s0+$0x9060]  }
0x34a: {  	v28 =	vld [tilespmem:s0+$0x5030]  }
0x34b: {  	v29 =	vld [tilespmem:s0+$0x9030]  }
0x34c: {  	v30 =	vld [tilespmem:s0+$0x5070]  }
0x34d: {  	v31 =	vld [tilespmem:s0+$0x9070];
	v4 =	vmul.f32 v5, v4;
	v5 =	vmul.f32 v7, v6  }
0x34e: {  	v46 =	vld [tilespmem:s0+$0x5430];
	v6 =	vmul.f32 v11, v10;
	v7 =	vmul.f32 v13, v12  }
0x34f: {  	v49 =	vld [tilespmem:s0+$0x9430];
	v47 =	vmul.f32 v16, v17;
	v48 =	vmul.f32 v19, v18  }
0x350: {  	v52 =	vld [tilespmem:s0+$0x5470];
	v50 =	vmul.f32 v21, v20;
	v51 =	vmul.f32 v23, v22  }
0x351: {  	v55 =	vld [tilespmem:s0+$0x9470];
	v53 =	vmul.f32 v25, v24;
	v54 =	vmul.f32 v27, v26  }
0x352: {  	v56 =	vmul.f32 v29, v28;
	v57 =	vmul.f32 v31, v30  }
0x353: {  	v14 =	vmul.f32 v15, v14;
	v11 =	vadd.f32 v48, v47;
	v58 =	vadd.f32 v51, v50  }
0x354: {  	v10 =	vmul.f32 v49, v46;
	v59 =	vadd.f32 v54, v53;
	v60 =	vadd.f32 v57, v56  }
0x355: {  	v8 =	vmul.f32 v9, v8;
	v6 =	vadd.f32 v6, v11;
	v7 =	vadd.f32 v7, v58  }
0x356: {  	v62 =	vmul.f32 v55, v52;
	v61 =	vadd.f32 v14, v59;
	v10 =	vadd.f32 v10, v60  }
0x357: {  	v4 =	vadd.f32 v4, v6;
	v5 =	vadd.f32 v5, v7  }
0x358: {  	v6 =	vadd.f32 v8, v61;
	v7 =	vadd.f32 v62, v10  }
0x359: {  	v63 =	vld [tilespmem:$0x15000]  }
0x35a: {  	v4 =	vadd.f32 v5, v4;
	v5 =	vadd.f32 v7, v6;
	_ =	sdelay $0x1  }
0x35b: {  	v4 =	vadd.f32 v5, v4  }
0x35c: {  	v5 =	vld [tilespmem:$0x15080]  }
0x35d: {  	v6 =	vperm.xlane v4, v63;
	_ =	sdelay $0x1  }
0x35e: {  	v4 =	vadd.f32 v4, v6  }
0x35f: {  	v6 =	vld [tilespmem:$0x15100]  }
0x360: {  	v5 =	vperm.xlane v4, v5;
	_ =	sdelay $0x1  }
0x361: {  	v4 =	vadd.f32 v4, v5  }
0x362: {  	v5 =	vld [tilespmem:$0x15180]  }
0x363: {  	v6 =	vperm.xlane v4, v6;
	_ =	sdelay $0x1  }
0x364: {  	v6 =	vadd.f32 v6, v4;
	_ =	sdelay $0x1  }
0x365: {  	v5 =	vperm.xlane v6, v5  }
0x366: {  	s0 =	sand.u32 $0xF, s22  }
0x367: {  	s25 =	simm.s32 $0x1;
	v7 =	vmov s0;
	v5 =	vadd.f32 v5, v6  }
0x368: {  	s24 =	simm.s32 $0x80;
	s30 =	simm.s32 $0x100;
	s28 =	smov.u32 s23;
	vm1 =	veq.s32 v7, v0;
	v4 =	vimm.f32 $0.0e+00  }
.LBB2_12:
0x369: {  	s2 =	sand.u32 $0x3800, s30;
	s31 =	sand.u32 $0x380, s24;
	v4 =	vsel vm1, v5, v4;
	p0 =	sne.s32 s0, $0xF  }
0x36a: {  	s0 =	sor.u32 s31, s2;
	[tilespmem:s28+$0x0] =	vst @!p0 v4;
	s31 =	smov.u32 s25  }
0x36b: {  	v5 =	vld [tilespmem:s0+$0x5440]  }
0x36c: {  	v6 =	vld [tilespmem:s0+$0x9440]  }
0x36d: {  	v7 =	vld [tilespmem:s0+$0x5450]  }
0x36e: {  	v8 =	vld [tilespmem:s0+$0x9450]  }
0x36f: {  	v9 =	vld [tilespmem:s0+$0x5460]  }
0x370: {  	v10 =	vld [tilespmem:s0+$0x9460]  }
0x371: {  	v11 =	vld [tilespmem:s0+$0x5400]  }
0x372: {  	v12 =	vld [tilespmem:s0+$0x9400]  }
0x373: {  	v13 =	vld [tilespmem:s0+$0x5410]  }
0x374: {  	v14 =	vld [tilespmem:s0+$0x9410]  }
0x375: {  	v15 =	vld [tilespmem:s0+$0x5420]  }
0x376: {  	v16 =	vld [tilespmem:s0+$0x9420]  }
0x377: {  	v17 =	vld [tilespmem:s0+$0x9000]  }
0x378: {  	v18 =	vld [tilespmem:s0+$0x5000]  }
0x379: {  	v19 =	vld [tilespmem:s0+$0x5040]  }
0x37a: {  	v20 =	vld [tilespmem:s0+$0x9040]  }
0x37b: {  	v21 =	vld [tilespmem:s0+$0x5010]  }
0x37c: {  	v22 =	vld [tilespmem:s0+$0x9010]  }
0x37d: {  	v23 =	vld [tilespmem:s0+$0x5050]  }
0x37e: {  	v24 =	vld [tilespmem:s0+$0x9050]  }
0x37f: {  	v25 =	vld [tilespmem:s0+$0x5020]  }
0x380: {  	v26 =	vld [tilespmem:s0+$0x9020]  }
0x381: {  	v27 =	vld [tilespmem:s0+$0x5060]  }
0x382: {  	v28 =	vld [tilespmem:s0+$0x9060]  }
0x383: {  	v29 =	vld [tilespmem:s0+$0x5030]  }
0x384: {  	s25 =	sadd.s32 $0x1, s25;
	v30 =	vld [tilespmem:s0+$0x9030]  }
0x385: {  	p0 =	sne.s32 s25, $0x40;
	v31 =	vld [tilespmem:s0+$0x5070]  }
0x386: {  	v5 =	vmul.f32 v6, v5;
	v6 =	vmul.f32 v8, v7;
	v32 =	vld [tilespmem:s0+$0x9070]  }
0x387: {  	v7 =	vmul.f32 v12, v11;
	v8 =	vmul.f32 v14, v13;
	v11 =	vld [tilespmem:s0+$0x5430]  }
0x388: {  	v12 =	vmul.f32 v17, v18;
	v13 =	vmul.f32 v20, v19;
	v14 =	vld [tilespmem:s0+$0x9430]  }
0x389: {  	v17 =	vmul.f32 v22, v21;
	v18 =	vmul.f32 v24, v23;
	v19 =	vld [tilespmem:s0+$0x5470]  }
0x38a: {  	v20 =	vmul.f32 v26, v25;
	v21 =	vmul.f32 v28, v27;
	v22 =	vld [tilespmem:s0+$0x9470]  }
0x38b: {  	v23 =	vmul.f32 v30, v29;
	v24 =	vmul.f32 v32, v31  }
0x38c: {  	v15 =	vmul.f32 v16, v15;
	v12 =	vadd.f32 v13, v12;
	v13 =	vadd.f32 v18, v17  }
0x38d: {  	v16 =	vadd.f32 v21, v20;
	v17 =	vadd.f32 v24, v23;
	v11 =	vmul.f32 v14, v11  }
0x38e: {  	v9 =	vmul.f32 v10, v9;
	v7 =	vadd.f32 v7, v12;
	v8 =	vadd.f32 v8, v13  }
0x38f: {  	v10 =	vadd.f32 v15, v16;
	v11 =	vadd.f32 v11, v17;
	v12 =	vmul.f32 v22, v19  }
0x390: {  	v5 =	vadd.f32 v5, v7;
	v6 =	vadd.f32 v6, v8  }
0x391: {  	v7 =	vadd.f32 v9, v10;
	v8 =	vadd.f32 v12, v11  }
0x392: {  	v9 =	vld [tilespmem:$0x15000]  }
0x393: {  	v5 =	vadd.f32 v6, v5;
	v6 =	vadd.f32 v8, v7;
	_ =	sdelay $0x1  }
0x394: {  	v5 =	vadd.f32 v6, v5  }
0x395: {  	v6 =	vld [tilespmem:$0x15080]  }
0x396: {  	v7 =	vperm.xlane v5, v9;
	_ =	sdelay $0x1  }
0x397: {  	v5 =	vadd.f32 v5, v7  }
0x398: {  	v7 =	vld [tilespmem:$0x15100]  }
0x399: {  	v6 =	vperm.xlane v5, v6;
	_ =	sdelay $0x1  }
0x39a: {  	v5 =	vadd.f32 v5, v6  }
0x39b: {  	v6 =	vld [tilespmem:$0x15180]  }
0x39c: {  	v7 =	vperm.xlane v5, v7;
	_ =	sdelay $0x1  }
0x39d: {  	v5 =	vadd.f32 v7, v5  }
.Ltmp7:
0x39e: {  	(pc) =	sbr.rel @p0 .LBB2_12-.Ltmp7, $4  }
0x39f: {  	v6 =	vperm.xlane v5, v6  }
0x3a0: {  	s0 =	sand.u32 $0xF, s31  }
0x3a1: {  	v5 =	vadd.f32 v6, v5;
	v6 =	vmov s0  }
0x3a2: {  	s24 =	sadd.s32 $0x80, s24;
	s30 =	sadd.s32 $0x100, s30;
	s28 =	sadd.s32 $0x1, s28;
	vm1 =	veq.s32 v6, v0  }
0x3a3: {  	p0 =	seq.s32 s26, $0x27  }
.Ltmp8:
0x3a4: {  	_ = 	snop;
	(pc) =	sbr.rel @p0 .LBB2_15-.Ltmp8, $3  }
0x3a5: {  	_ =	sdelay $0x1  }
0x3a6: {  	v4 =	vsel vm1, v5, v4;
	p1 =	sne.s32 s0, $0xF  }
0x3a7: {  	[tilespmem:s28+$0x0] =	vst @!p1 v4  }
0x3a8: {  	s0 =	sshll.u32 s26, $0x8  }
0x3a9: {  	v4 =	vld [tilespmem:s0+$0x100];
	_ =	sdelay $0x4  }
0x3aa: {  	v5 =	vshll.u32 v4, $0x1  }
0x3ab: {  	v4 =	vand.u32 $0x7, v4;
	v5 =	vand.u32 $0xFFFFFFF0, v5  }
0x3ac: {  	v4 =	vor.u32 v4, v5  }
0x3ad: {  	v5 =	vperm.xlane v4, v1;
	_ =	sdelay $0x1  }
0x3ae: {  	v4 =	vperm.xlane v4, v3;
	v5 =	vadd.s32 v2, v5;
	_ =	sdelay $0x1  }
0x3af: {  	v4 =	vadd.s32 v2, v4;
	_ =	sdelay $0x1  }
0x3b0: {  	s1 =	simm.s32 $0x5000  }
0x3b1: {  	[tilespmem:s1], [sflag:$0x1] =	stream.indirect_vreg.gather [hbm4b:s4+s3], $0x80, v5, vm0, $0xb8;
	[tilespmem:$0x16600] =	vst v63  }
0x3b2: {  	s28 =	simm.s32 $0x5800  }
0x3b3: {  	[tilespmem:s28], [sflag:$0x1] =	stream.indirect_vreg.gather [hbm4b:s4+s3], $0x80, v4, vm0, $0xb8;
	[tilespmem:$0x16600] =	vst v63  }
0x3b4: {  	v4 =	vld [tilespmem:s0+$0x110];
	_ =	sdelay $0x4  }
0x3b5: {  	v5 =	vshll.u32 v4, $0x1  }
0x3b6: {  	v4 =	vand.u32 $0x7, v4;
	v5 =	vand.u32 $0xFFFFFFF0, v5  }
0x3b7: {  	v4 =	vor.u32 v4, v5  }
0x3b8: {  	v5 =	vperm.xlane v4, v1;
	_ =	sdelay $0x1  }
0x3b9: {  	v4 =	vperm.xlane v4, v3;
	v5 =	vadd.s32 v2, v5;
	_ =	sdelay $0x1  }
0x3ba: {  	v4 =	vadd.s32 v2, v4;
	_ =	sdelay $0x1  }
0x3bb: {  	s30 =	simm.s32 $0x6000  }
0x3bc: {  	[tilespmem:s30], [sflag:$0x1] =	stream.indirect_vreg.gather [hbm4b:s4+s3], $0x80, v5, vm0, $0xb8;
	[tilespmem:$0x16600] =	vst v63  }
0x3bd: {  	s31 =	simm.s32 $0x6800  }
0x3be: {  	[tilespmem:s31], [sflag:$0x1] =	stream.indirect_vreg.gather [hbm4b:s4+s3], $0x80, v4, vm0, $0xb8;
	[tilespmem:$0x16600] =	vst v63  }
0x3bf: {  	v4 =	vld [tilespmem:s0+$0x120];
	_ =	sdelay $0x4  }
0x3c0: {  	v5 =	vshll.u32 v4, $0x1  }
0x3c1: {  	v4 =	vand.u32 $0x7, v4;
	v5 =	vand.u32 $0xFFFFFFF0, v5  }
0x3c2: {  	v4 =	vor.u32 v4, v5  }
0x3c3: {  	v5 =	vperm.xlane v4, v1;
	_ =	sdelay $0x1  }
0x3c4: {  	v4 =	vperm.xlane v4, v3;
	v5 =	vadd.s32 v2, v5;
	_ =	sdelay $0x1  }
0x3c5: {  	v4 =	vadd.s32 v2, v4;
	_ =	sdelay $0x1  }
0x3c6: {  	s2 =	simm.s32 $0x7000  }
0x3c7: {  	[tilespmem:s2], [sflag:$0x1] =	stream.indirect_vreg.gather [hbm4b:s4+s3], $0x80, v5, vm0, $0xb8;
	[tilespmem:$0x16600] =	vst v63  }
0x3c8: {  	s24 =	simm.s32 $0x7800  }
0x3c9: {  	[tilespmem:s24], [sflag:$0x1] =	stream.indirect_vreg.gather [hbm4b:s4+s3], $0x80, v4, vm0, $0xb8;
	[tilespmem:$0x16600] =	vst v63  }
0x3ca: {  	v4 =	vld [tilespmem:s0+$0x130];
	_ =	sdelay $0x4  }
0x3cb: {  	v5 =	vshll.u32 v4, $0x1  }
0x3cc: {  	v4 =	vand.u32 $0x7, v4;
	v5 =	vand.u32 $0xFFFFFFF0, v5  }
0x3cd: {  	v4 =	vor.u32 v4, v5  }
0x3ce: {  	v5 =	vperm.xlane v4, v1;
	_ =	sdelay $0x1  }
0x3cf: {  	v4 =	vperm.xlane v4, v3;
	v5 =	vadd.s32 v2, v5;
	_ =	sdelay $0x1  }
0x3d0: {  	v4 =	vadd.s32 v2, v4;
	_ =	sdelay $0x1  }
0x3d1: {  	s25 =	simm.s32 $0x8000  }
0x3d2: {  	[tilespmem:s25], [sflag:$0x1] =	stream.indirect_vreg.gather [hbm4b:s4+s3], $0x80, v5, vm0, $0xb8;
	[tilespmem:$0x16600] =	vst v63  }
0x3d3: {  	s28 =	simm.s32 $0x8800  }
0x3d4: {  	[tilespmem:s28], [sflag:$0x1] =	stream.indirect_vreg.gather [hbm4b:s4+s3], $0x80, v4, vm0, $0xb8;
	[tilespmem:$0x16600] =	vst v63  }
0x3d5: {  	v4 =	vld [tilespmem:s0+$0x2900];
	_ =	sdelay $0x4  }
0x3d6: {  	v5 =	vshll.u32 v4, $0x1  }
0x3d7: {  	v4 =	vand.u32 $0x7, v4;
	v5 =	vand.u32 $0xFFFFFFF0, v5  }
0x3d8: {  	v4 =	vor.u32 v4, v5  }
0x3d9: {  	v5 =	vperm.xlane v4, v1;
	_ =	sdelay $0x1  }
0x3da: {  	v4 =	vperm.xlane v4, v3;
	v5 =	vadd.s32 v2, v5;
	_ =	sdelay $0x1  }
0x3db: {  	v4 =	vadd.s32 v2, v4;
	_ =	sdelay $0x1  }
0x3dc: {  	s30 =	simm.s32 $0x9000  }
0x3dd: {  	[tilespmem:s30], [sflag:$0x2] =	stream.indirect_vreg.gather [hbm4b:s4+s3], $0x80, v5, vm0, $0xb8;
	[tilespmem:$0x16600] =	vst v63  }
0x3de: {  	s31 =	simm.s32 $0x9800  }
0x3df: {  	[tilespmem:s31], [sflag:$0x2] =	stream.indirect_vreg.gather [hbm4b:s4+s3], $0x80, v4, vm0, $0xb8;
	[tilespmem:$0x16600] =	vst v63  }
0x3e0: {  	v4 =	vld [tilespmem:s0+$0x2910];
	_ =	sdelay $0x4  }
0x3e1: {  	v5 =	vshll.u32 v4, $0x1  }
0x3e2: {  	v4 =	vand.u32 $0x7, v4;
	v5 =	vand.u32 $0xFFFFFFF0, v5  }
0x3e3: {  	v4 =	vor.u32 v4, v5  }
0x3e4: {  	v5 =	vperm.xlane v4, v1;
	_ =	sdelay $0x1  }
0x3e5: {  	v4 =	vperm.xlane v4, v3;
	v5 =	vadd.s32 v2, v5;
	_ =	sdelay $0x1  }
0x3e6: {  	v4 =	vadd.s32 v2, v4;
	_ =	sdelay $0x1  }
0x3e7: {  	s2 =	simm.s32 $0xA000  }
0x3e8: {  	[tilespmem:s2], [sflag:$0x2] =	stream.indirect_vreg.gather [hbm4b:s4+s3], $0x80, v5, vm0, $0xb8;
	[tilespmem:$0x16600] =	vst v63  }
0x3e9: {  	s24 =	simm.s32 $0xA800  }
0x3ea: {  	[tilespmem:s24], [sflag:$0x2] =	stream.indirect_vreg.gather [hbm4b:s4+s3], $0x80, v4, vm0, $0xb8;
	[tilespmem:$0x16600] =	vst v63  }
0x3eb: {  	v4 =	vld [tilespmem:s0+$0x2920];
	_ =	sdelay $0x4  }
0x3ec: {  	v5 =	vshll.u32 v4, $0x1  }
0x3ed: {  	v4 =	vand.u32 $0x7, v4;
	v5 =	vand.u32 $0xFFFFFFF0, v5  }
0x3ee: {  	v4 =	vor.u32 v4, v5  }
0x3ef: {  	v5 =	vperm.xlane v4, v1;
	_ =	sdelay $0x1  }
0x3f0: {  	v4 =	vperm.xlane v4, v3;
	v5 =	vadd.s32 v2, v5;
	_ =	sdelay $0x1  }
0x3f1: {  	v4 =	vadd.s32 v2, v4;
	_ =	sdelay $0x1  }
0x3f2: {  	s25 =	simm.s32 $0xB000  }
0x3f3: {  	[tilespmem:s25], [sflag:$0x2] =	stream.indirect_vreg.gather [hbm4b:s4+s3], $0x80, v5, vm0, $0xb8;
	[tilespmem:$0x16600] =	vst v63  }
0x3f4: {  	s28 =	simm.s32 $0xB800  }
0x3f5: {  	[tilespmem:s28], [sflag:$0x2] =	stream.indirect_vreg.gather [hbm4b:s4+s3], $0x80, v4, vm0, $0xb8;
	[tilespmem:$0x16600] =	vst v63  }
0x3f6: {  	v4 =	vld [tilespmem:s0+$0x2930];
	_ =	sdelay $0x4  }
0x3f7: {  	v5 =	vshll.u32 v4, $0x1  }
0x3f8: {  	v4 =	vand.u32 $0x7, v4;
	v5 =	vand.u32 $0xFFFFFFF0, v5  }
0x3f9: {  	v4 =	vor.u32 v4, v5  }
0x3fa: {  	v5 =	vperm.xlane v4, v1;
	_ =	sdelay $0x1  }
0x3fb: {  	v4 =	vperm.xlane v4, v3;
	v5 =	vadd.s32 v2, v5;
	_ =	sdelay $0x1  }
0x3fc: {  	v4 =	vadd.s32 v2, v4;
	_ =	sdelay $0x1  }
0x3fd: {  	s30 =	simm.s32 $0xC000  }
0x3fe: {  	[tilespmem:s30], [sflag:$0x2] =	stream.indirect_vreg.gather [hbm4b:s4+s3], $0x80, v5, vm0, $0xb8;
	[tilespmem:$0x16600] =	vst v63  }
0x3ff: {  	s31 =	simm.s32 $0xC800  }
0x400: {  	[tilespmem:s31], [sflag:$0x2] =	stream.indirect_vreg.gather [hbm4b:s4+s3], $0x80, v4, vm0, $0xb8;
	[tilespmem:$0x16600] =	vst v63  }
.LBB2_15:
0x401: {  	_ =	swait.ge [sflag:s20], $0x4000  }
0x402: {  	[sflag:s20] =	ssyncset.done $0x0  }
0x403: {  	[sflag:s20] =	ssyncadd.s32 $0xFFFFC000  }
0x404: {  	s0 =	simm.s32 $0x0;
	_ =	swait.ge [sflag:s21], $0x4000  }
0x405: {  	s2 =	sand.u32 $0x3800, s0;
	s24 =	sand.u32 $0x380, s0;
	[sflag:s21] =	ssyncset.done $0x0  }
0x406: {  	s2 =	sor.u32 s24, s2;
	[sflag:s21] =	ssyncadd.s32 $0xFFFFC000  }
0x407: {  	v4 =	vld [tilespmem:s2+$0xD440]  }
0x408: {  	v5 =	vld [tilespmem:s2+$0x11440]  }
0x409: {  	v6 =	vld [tilespmem:s2+$0xD450]  }
0x40a: {  	v7 =	vld [tilespmem:s2+$0x11450]  }
0x40b: {  	v8 =	vld [tilespmem:s2+$0xD460]  }
0x40c: {  	v9 =	vld [tilespmem:s2+$0x11460]  }
0x40d: {  	v10 =	vld [tilespmem:s2+$0xD400]  }
0x40e: {  	v11 =	vld [tilespmem:s2+$0x11400]  }
0x40f: {  	v12 =	vld [tilespmem:s2+$0xD410]  }
0x410: {  	v13 =	vld [tilespmem:s2+$0x11410]  }
0x411: {  	v14 =	vld [tilespmem:s2+$0xD420]  }
0x412: {  	v15 =	vld [tilespmem:s2+$0x11420]  }
0x413: {  	v16 =	vld [tilespmem:s2+$0x11000]  }
0x414: {  	v17 =	vld [tilespmem:s2+$0xD000]  }
0x415: {  	v18 =	vld [tilespmem:s2+$0xD040]  }
0x416: {  	v19 =	vld [tilespmem:s2+$0x11040]  }
0x417: {  	v20 =	vld [tilespmem:s2+$0xD010]  }
0x418: {  	v21 =	vld [tilespmem:s2+$0x11010]  }
0x419: {  	v22 =	vld [tilespmem:s2+$0xD050]  }
0x41a: {  	v23 =	vld [tilespmem:s2+$0x11050]  }
0x41b: {  	v24 =	vld [tilespmem:s2+$0xD020]  }
0x41c: {  	v25 =	vld [tilespmem:s2+$0x11020]  }
0x41d: {  	v26 =	vld [tilespmem:s2+$0xD060]  }
0x41e: {  	v27 =	vld [tilespmem:s2+$0x11060]  }
0x41f: {  	v28 =	vld [tilespmem:s2+$0xD030]  }
0x420: {  	v29 =	vld [tilespmem:s2+$0x11030]  }
0x421: {  	v30 =	vld [tilespmem:s2+$0xD070]  }
0x422: {  	v31 =	vld [tilespmem:s2+$0x11070];
	v4 =	vmul.f32 v5, v4;
	v5 =	vmul.f32 v7, v6  }
0x423: {  	v46 =	vld [tilespmem:s2+$0xD430];
	v6 =	vmul.f32 v11, v10;
	v7 =	vmul.f32 v13, v12  }
0x424: {  	v49 =	vld [tilespmem:s2+$0x11430];
	v47 =	vmul.f32 v16, v17;
	v48 =	vmul.f32 v19, v18  }
0x425: {  	v52 =	vld [tilespmem:s2+$0xD470];
	v50 =	vmul.f32 v21, v20;
	v51 =	vmul.f32 v23, v22  }
0x426: {  	v55 =	vld [tilespmem:s2+$0x11470];
	v53 =	vmul.f32 v25, v24;
	v54 =	vmul.f32 v27, v26  }
0x427: {  	v56 =	vmul.f32 v29, v28;
	v57 =	vmul.f32 v31, v30  }
0x428: {  	v14 =	vmul.f32 v15, v14;
	v11 =	vadd.f32 v48, v47;
	v58 =	vadd.f32 v51, v50  }
0x429: {  	v10 =	vmul.f32 v49, v46;
	v59 =	vadd.f32 v54, v53;
	v60 =	vadd.f32 v57, v56  }
0x42a: {  	v8 =	vmul.f32 v9, v8;
	v6 =	vadd.f32 v6, v11;
	v7 =	vadd.f32 v7, v58  }
0x42b: {  	v62 =	vmul.f32 v55, v52;
	v61 =	vadd.f32 v14, v59;
	v10 =	vadd.f32 v10, v60  }
0x42c: {  	v4 =	vadd.f32 v4, v6;
	v5 =	vadd.f32 v5, v7  }
0x42d: {  	v6 =	vadd.f32 v8, v61;
	v7 =	vadd.f32 v62, v10  }
0x42e: {  	v63 =	vld [tilespmem:$0x15000]  }
0x42f: {  	v4 =	vadd.f32 v5, v4;
	v5 =	vadd.f32 v7, v6;
	_ =	sdelay $0x1  }
0x430: {  	v4 =	vadd.f32 v5, v4  }
0x431: {  	v5 =	vld [tilespmem:$0x15080]  }
0x432: {  	v6 =	vperm.xlane v4, v63;
	_ =	sdelay $0x1  }
0x433: {  	v4 =	vadd.f32 v4, v6  }
0x434: {  	v6 =	vld [tilespmem:$0x15100]  }
0x435: {  	v5 =	vperm.xlane v4, v5;
	_ =	sdelay $0x1  }
0x436: {  	v4 =	vadd.f32 v4, v5  }
0x437: {  	v5 =	vld [tilespmem:$0x15180]  }
0x438: {  	v6 =	vperm.xlane v4, v6;
	_ =	sdelay $0x1  }
0x439: {  	v6 =	vadd.f32 v6, v4;
	_ =	sdelay $0x1  }
0x43a: {  	v5 =	vperm.xlane v6, v5  }
0x43b: {  	s0 =	sand.u32 $0xF, s0  }
0x43c: {  	s25 =	sadd.s32 $0x1, s26;
	s28 =	simm.s32 $0x1;
	v7 =	vmov s0;
	v5 =	vadd.f32 v5, v6  }
0x43d: {  	s30 =	simm.s32 $0x80;
	s31 =	simm.s32 $0x100;
	s24 =	smov.u32 s29;
	vm1 =	veq.s32 v7, v0;
	v4 =	vimm.f32 $0.0e+00  }
.LBB2_16:
0x43e: {  	s2 =	sand.u32 $0x3800, s31;
	s1 =	sand.u32 $0x380, s30;
	v4 =	vsel vm1, v5, v4;
	p1 =	sne.s32 s0, $0xF  }
0x43f: {  	s0 =	smov.u32 s28;
	s2 =	sor.u32 s1, s2;
	[tilespmem:s24+$0x0] =	vst @!p1 v4  }
0x440: {  	v5 =	vld [tilespmem:s2+$0xD440]  }
0x441: {  	v6 =	vld [tilespmem:s2+$0x11440]  }
0x442: {  	v7 =	vld [tilespmem:s2+$0xD450]  }
0x443: {  	v8 =	vld [tilespmem:s2+$0x11450]  }
0x444: {  	v9 =	vld [tilespmem:s2+$0xD460]  }
0x445: {  	v10 =	vld [tilespmem:s2+$0x11460]  }
0x446: {  	v11 =	vld [tilespmem:s2+$0xD400]  }
0x447: {  	v12 =	vld [tilespmem:s2+$0x11400]  }
0x448: {  	v13 =	vld [tilespmem:s2+$0xD410]  }
0x449: {  	v14 =	vld [tilespmem:s2+$0x11410]  }
0x44a: {  	v15 =	vld [tilespmem:s2+$0xD420]  }
0x44b: {  	v16 =	vld [tilespmem:s2+$0x11420]  }
0x44c: {  	v17 =	vld [tilespmem:s2+$0x11000]  }
0x44d: {  	v18 =	vld [tilespmem:s2+$0xD000]  }
0x44e: {  	v19 =	vld [tilespmem:s2+$0xD040]  }
0x44f: {  	v20 =	vld [tilespmem:s2+$0x11040]  }
0x450: {  	v21 =	vld [tilespmem:s2+$0xD010]  }
0x451: {  	v22 =	vld [tilespmem:s2+$0x11010]  }
0x452: {  	v23 =	vld [tilespmem:s2+$0xD050]  }
0x453: {  	v24 =	vld [tilespmem:s2+$0x11050]  }
0x454: {  	v25 =	vld [tilespmem:s2+$0xD020]  }
0x455: {  	v26 =	vld [tilespmem:s2+$0x11020]  }
0x456: {  	v27 =	vld [tilespmem:s2+$0xD060]  }
0x457: {  	v28 =	vld [tilespmem:s2+$0x11060]  }
0x458: {  	v29 =	vld [tilespmem:s2+$0xD030]  }
0x459: {  	s28 =	sadd.s32 $0x1, s28;
	v30 =	vld [tilespmem:s2+$0x11030]  }
0x45a: {  	p1 =	sne.s32 s28, $0x40;
	v31 =	vld [tilespmem:s2+$0xD070]  }
0x45b: {  	v5 =	vmul.f32 v6, v5;
	v6 =	vmul.f32 v8, v7;
	v32 =	vld [tilespmem:s2+$0x11070]  }
0x45c: {  	v7 =	vmul.f32 v12, v11;
	v8 =	vmul.f32 v14, v13;
	v11 =	vld [tilespmem:s2+$0xD430]  }
0x45d: {  	v12 =	vmul.f32 v17, v18;
	v13 =	vmul.f32 v20, v19;
	v14 =	vld [tilespmem:s2+$0x11430]  }
0x45e: {  	v17 =	vmul.f32 v22, v21;
	v18 =	vmul.f32 v24, v23;
	v19 =	vld [tilespmem:s2+$0xD470]  }
0x45f: {  	v20 =	vmul.f32 v26, v25;
	v21 =	vmul.f32 v28, v27;
	v22 =	vld [tilespmem:s2+$0x11470]  }
0x460: {  	v23 =	vmul.f32 v30, v29;
	v24 =	vmul.f32 v32, v31  }
0x461: {  	v15 =	vmul.f32 v16, v15;
	v12 =	vadd.f32 v13, v12;
	v13 =	vadd.f32 v18, v17  }
0x462: {  	v16 =	vadd.f32 v21, v20;
	v17 =	vadd.f32 v24, v23;
	v11 =	vmul.f32 v14, v11  }
0x463: {  	v9 =	vmul.f32 v10, v9;
	v7 =	vadd.f32 v7, v12;
	v8 =	vadd.f32 v8, v13  }
0x464: {  	v10 =	vadd.f32 v15, v16;
	v11 =	vadd.f32 v11, v17;
	v12 =	vmul.f32 v22, v19  }
0x465: {  	v5 =	vadd.f32 v5, v7;
	v6 =	vadd.f32 v6, v8  }
0x466: {  	v7 =	vadd.f32 v9, v10;
	v8 =	vadd.f32 v12, v11  }
0x467: {  	v9 =	vld [tilespmem:$0x15000]  }
0x468: {  	v5 =	vadd.f32 v6, v5;
	v6 =	vadd.f32 v8, v7;
	_ =	sdelay $0x1  }
0x469: {  	v5 =	vadd.f32 v6, v5  }
0x46a: {  	v6 =	vld [tilespmem:$0x15080]  }
0x46b: {  	v7 =	vperm.xlane v5, v9;
	_ =	sdelay $0x1  }
0x46c: {  	v5 =	vadd.f32 v5, v7  }
0x46d: {  	v7 =	vld [tilespmem:$0x15100]  }
0x46e: {  	v6 =	vperm.xlane v5, v6;
	_ =	sdelay $0x1  }
0x46f: {  	v5 =	vadd.f32 v5, v6  }
0x470: {  	v6 =	vld [tilespmem:$0x15180]  }
0x471: {  	v7 =	vperm.xlane v5, v7;
	_ =	sdelay $0x1  }
0x472: {  	v5 =	vadd.f32 v7, v5  }
.Ltmp9:
0x473: {  	(pc) =	sbr.rel @p1 .LBB2_16-.Ltmp9, $4  }
0x474: {  	v6 =	vperm.xlane v5, v6  }
0x475: {  	s0 =	sand.u32 $0xF, s0  }
0x476: {  	v5 =	vadd.f32 v6, v5;
	v6 =	vmov s0  }
0x477: {  	s30 =	sadd.s32 $0x80, s30;
	s31 =	sadd.s32 $0x100, s31;
	s24 =	sadd.s32 $0x1, s24;
	vm1 =	veq.s32 v6, v0  }
.Ltmp10:
0x478: {  	(pc) =	sbr.rel @p0 .LBB2_19-.Ltmp10, $3  }
0x479: {  	_ =	sdelay $0x1  }
0x47a: {  	v4 =	vsel vm1, v5, v4;
	p1 =	sne.s32 s0, $0xF  }
0x47b: {  	[tilespmem:s24+$0x0] =	vst @!p1 v4  }
0x47c: {  	s0 =	sshll.u32 s26, $0x8  }
0x47d: {  	v4 =	vld [tilespmem:s0+$0x180];
	_ =	sdelay $0x4  }
0x47e: {  	v5 =	vshll.u32 v4, $0x1  }
0x47f: {  	v4 =	vand.u32 $0x7, v4;
	v5 =	vand.u32 $0xFFFFFFF0, v5  }
0x480: {  	v4 =	vor.u32 v4, v5  }
0x481: {  	v5 =	vperm.xlane v4, v1;
	_ =	sdelay $0x1  }
0x482: {  	v4 =	vperm.xlane v4, v3;
	v5 =	vadd.s32 v2, v5;
	_ =	sdelay $0x1  }
0x483: {  	v4 =	vadd.s32 v2, v4;
	_ =	sdelay $0x1  }
0x484: {  	s1 =	simm.s32 $0xD000  }
0x485: {  	[tilespmem:s1], [sflag:$0x3] =	stream.indirect_vreg.gather [hbm4b:s4+s3], $0x80, v5, vm0, $0xb8;
	[tilespmem:$0x16600] =	vst v63  }
0x486: {  	s30 =	simm.s32 $0xD800  }
0x487: {  	[tilespmem:s30], [sflag:$0x3] =	stream.indirect_vreg.gather [hbm4b:s4+s3], $0x80, v4, vm0, $0xb8;
	[tilespmem:$0x16600] =	vst v63  }
0x488: {  	v4 =	vld [tilespmem:s0+$0x190];
	_ =	sdelay $0x4  }
0x489: {  	v5 =	vshll.u32 v4, $0x1  }
0x48a: {  	v4 =	vand.u32 $0x7, v4;
	v5 =	vand.u32 $0xFFFFFFF0, v5  }
0x48b: {  	v4 =	vor.u32 v4, v5  }
0x48c: {  	v5 =	vperm.xlane v4, v1;
	_ =	sdelay $0x1  }
0x48d: {  	v4 =	vperm.xlane v4, v3;
	v5 =	vadd.s32 v2, v5;
	_ =	sdelay $0x1  }
0x48e: {  	v4 =	vadd.s32 v2, v4;
	_ =	sdelay $0x1  }
0x48f: {  	s31 =	simm.s32 $0xE000  }
0x490: {  	[tilespmem:s31], [sflag:$0x3] =	stream.indirect_vreg.gather [hbm4b:s4+s3], $0x80, v5, vm0, $0xb8;
	[tilespmem:$0x16600] =	vst v63  }
0x491: {  	_ = 	snop  }
0x492: {  	[tilespmem:s12], [sflag:$0x3] =	stream.indirect_vreg.gather [hbm4b:s4+s3], $0x80, v4, vm0, $0xb8;
	[tilespmem:$0x16600] =	vst v63  }
0x493: {  	v4 =	vld [tilespmem:s0+$0x1A0];
	_ =	sdelay $0x4  }
0x494: {  	v5 =	vshll.u32 v4, $0x1  }
0x495: {  	v4 =	vand.u32 $0x7, v4;
	v5 =	vand.u32 $0xFFFFFFF0, v5  }
0x496: {  	v4 =	vor.u32 v4, v5  }
0x497: {  	v5 =	vperm.xlane v4, v1;
	_ =	sdelay $0x1  }
0x498: {  	v4 =	vperm.xlane v4, v3;
	v5 =	vadd.s32 v2, v5;
	_ =	sdelay $0x1  }
0x499: {  	v4 =	vadd.s32 v2, v4;
	_ =	sdelay $0x2  }
0x49a: {  	[tilespmem:s14], [sflag:$0x3] =	stream.indirect_vreg.gather [hbm4b:s4+s3], $0x80, v5, vm0, $0xb8;
	[tilespmem:$0x16600] =	vst v63  }
0x49b: {  	_ = 	snop  }
0x49c: {  	[tilespmem:s5], [sflag:$0x3] =	stream.indirect_vreg.gather [hbm4b:s4+s3], $0x80, v4, vm0, $0xb8;
	[tilespmem:$0x16600] =	vst v63  }
0x49d: {  	v4 =	vld [tilespmem:s0+$0x1B0];
	_ =	sdelay $0x4  }
0x49e: {  	v5 =	vshll.u32 v4, $0x1  }
0x49f: {  	v4 =	vand.u32 $0x7, v4;
	v5 =	vand.u32 $0xFFFFFFF0, v5  }
0x4a0: {  	v4 =	vor.u32 v4, v5  }
0x4a1: {  	v5 =	vperm.xlane v4, v1;
	_ =	sdelay $0x1  }
0x4a2: {  	v4 =	vperm.xlane v4, v3;
	v5 =	vadd.s32 v2, v5;
	_ =	sdelay $0x1  }
0x4a3: {  	v4 =	vadd.s32 v2, v4;
	_ =	sdelay $0x2  }
0x4a4: {  	[tilespmem:s6], [sflag:$0x3] =	stream.indirect_vreg.gather [hbm4b:s4+s3], $0x80, v5, vm0, $0xb8;
	[tilespmem:$0x16600] =	vst v63  }
0x4a5: {  	_ = 	snop  }
0x4a6: {  	[tilespmem:s7], [sflag:$0x3] =	stream.indirect_vreg.gather [hbm4b:s4+s3], $0x80, v4, vm0, $0xb8;
	[tilespmem:$0x16600] =	vst v63  }
0x4a7: {  	v4 =	vld [tilespmem:s0+$0x2980];
	_ =	sdelay $0x4  }
0x4a8: {  	v5 =	vshll.u32 v4, $0x1  }
0x4a9: {  	v4 =	vand.u32 $0x7, v4;
	v5 =	vand.u32 $0xFFFFFFF0, v5  }
0x4aa: {  	v4 =	vor.u32 v4, v5  }
0x4ab: {  	v5 =	vperm.xlane v4, v1;
	_ =	sdelay $0x1  }
0x4ac: {  	v4 =	vperm.xlane v4, v3;
	v5 =	vadd.s32 v2, v5;
	_ =	sdelay $0x1  }
0x4ad: {  	v4 =	vadd.s32 v2, v4;
	_ =	sdelay $0x2  }
0x4ae: {  	[tilespmem:s8], [sflag:$0x4] =	stream.indirect_vreg.gather [hbm4b:s4+s3], $0x80, v5, vm0, $0xb8;
	[tilespmem:$0x16600] =	vst v63  }
0x4af: {  	_ = 	snop  }
0x4b0: {  	[tilespmem:s9], [sflag:$0x4] =	stream.indirect_vreg.gather [hbm4b:s4+s3], $0x80, v4, vm0, $0xb8;
	[tilespmem:$0x16600] =	vst v63  }
0x4b1: {  	v4 =	vld [tilespmem:s0+$0x2990];
	_ =	sdelay $0x4  }
0x4b2: {  	v5 =	vshll.u32 v4, $0x1  }
0x4b3: {  	v4 =	vand.u32 $0x7, v4;
	v5 =	vand.u32 $0xFFFFFFF0, v5  }
0x4b4: {  	v4 =	vor.u32 v4, v5  }
0x4b5: {  	v5 =	vperm.xlane v4, v1;
	_ =	sdelay $0x1  }
0x4b6: {  	v4 =	vperm.xlane v4, v3;
	v5 =	vadd.s32 v2, v5;
	_ =	sdelay $0x1  }
0x4b7: {  	v4 =	vadd.s32 v2, v4;
	_ =	sdelay $0x2  }
0x4b8: {  	[tilespmem:s10], [sflag:$0x4] =	stream.indirect_vreg.gather [hbm4b:s4+s3], $0x80, v5, vm0, $0xb8;
	[tilespmem:$0x16600] =	vst v63  }
0x4b9: {  	_ = 	snop  }
0x4ba: {  	[tilespmem:s11], [sflag:$0x4] =	stream.indirect_vreg.gather [hbm4b:s4+s3], $0x80, v4, vm0, $0xb8;
	[tilespmem:$0x16600] =	vst v63  }
0x4bb: {  	v4 =	vld [tilespmem:s0+$0x29A0];
	_ =	sdelay $0x4  }
0x4bc: {  	v5 =	vshll.u32 v4, $0x1  }
0x4bd: {  	v4 =	vand.u32 $0x7, v4;
	v5 =	vand.u32 $0xFFFFFFF0, v5  }
0x4be: {  	v4 =	vor.u32 v4, v5  }
0x4bf: {  	v5 =	vperm.xlane v4, v1;
	_ =	sdelay $0x1  }
0x4c0: {  	v4 =	vperm.xlane v4, v3;
	v5 =	vadd.s32 v2, v5;
	_ =	sdelay $0x1  }
0x4c1: {  	v4 =	vadd.s32 v2, v4  }
.Ltmp11:
0x4c2: {  	_ = 	snop;
	(pc) =	sbr.rel .LBB2_11-.Ltmp11, $4  }
0x4c3: {  	s23 =	sadd.s32 $0x80, s23  }
0x4c4: {  	[tilespmem:s13], [sflag:$0x4] =	stream.indirect_vreg.gather [hbm4b:s4+s3], $0x80, v5, vm0, $0xb8;
	[tilespmem:$0x16600] =	vst v63  }
0x4c5: {  	s29 =	sadd.s32 $0x80, s29;
	s26 =	smov.u32 s25;
	s0 =	sadd.s32 $0x29B0, s0  }
0x4c6: {  	[tilespmem:s15], [sflag:$0x4] =	stream.indirect_vreg.gather [hbm4b:s4+s3], $0x80, v4, vm0, $0xb8;
	[tilespmem:$0x16600] =	vst v63  }
.LBB2_20:
0x4c7: {  	_ =	sfence.sel $0x180000  }
0x4c8: {  	[bflag:$0x0] =	sbarrier.arrive $0xFFFF  }
0x4c9: {  	_ =	strace $0x9000005F  }
0x4ca: {  	s0 =	stileid.u32;
	[bflag:$0x2] =	sbarrier.arrive $0xFFFF  }
0x4cb: {  	p0 =	sne.s32 s0, $0x0;
	s0 =	rddreg [dreg:$0x2]  }
0x4cc: {  	s0 =	sadd.s32 @!p0 $0x100000, s0  }
0x4cd: {  	[sflag:s0] =	ssyncadd.tile.s32 @!p0 $0x1;
	_ =	shalt  }
.Lfunc_end2:
_tile_overlayer_lowered:
.L_overlay_start_2:
0x4ce: {  	(tag) =	ssettag $0x2  }
0x4cf: {  	s0 =	rddreg [dreg:$0x0];
	s2 =	stileid.u32  }
0x4d0: {  	s1 =	rddreg [dreg:$0x1];
	p0 =	sne.s32 s2, $0x0  }
0x4d1: {  	s3 =	rddreg [dreg:$0x2];
	[bflag:$0x3] =	sbarrier.arrive $0xFFFF;
	s2 =	simm.s32 @!p0 $0x1C05  }
0x4d2: {  	[timem:s3], [sflag:s2] =	dma.local @!p0 [hbm:s0], s1  }
0x4d3: {  	s0 =	simm.s32 @!p0 $0x5  }
0x4d4: {  	_ =	swait.ge @!p0 [sflag:s0], s1  }
0x4d5: {  	s1 =	ssub.s32 @!p0 $0x0, s1;
	[sflag:s0] =	ssyncset.done @!p0 $0x0  }
0x4d6: {  	[sflag:s0] =	ssyncadd.s32 @!p0 s1  }
0x4d7: {  	[bflag:$0x3] =	sbarrier.arrive $0xFFFF  }
0x4d8: {  	_ =	shalt  }

</sc_bundles>
